<compile_context>
chip_gen: v7x
topology: tpu7x:2x2x1
jax: 0.10.2.dev20260603
libtpu: 0.0.44.dev20260713+nightly
codegen_flags: <defaults>
</compile_context>

<pallas_src>
import functools

import jax
import jax.numpy as jnp
from jax import lax
from jax.experimental import pallas as pl
from jax.experimental.pallas import tpu as pltpu
from jax.experimental.pallas import tpu_sc as plsc

NUM_ROWS = 1000000
DIM = 32
NSAMP = 16384
NSLOT = 50

NUM_CORES = 2
NUM_SUBCORES = 16
NUM_WORKERS = NUM_CORES * NUM_SUBCORES
SBLK_PER_W = (NSAMP // 128) // NUM_WORKERS

_mesh = plsc.VectorSubcoreMesh(core_axis_name="c", subcore_axis_name="s")


@functools.partial(
    pl.kernel,
    mesh=_mesh,
    out_type=jax.ShapeDtypeStruct((NSLOT, 4, NSAMP // 128, 1024),
                                  jnp.float32),
    scratch_types=[
        pltpu.VMEM((128 * NSLOT,), jnp.int32),
        pltpu.VMEM((128,), jnp.int32),
        pltpu.VMEM((128,), jnp.int32),
        pltpu.VMEM((128, DIM), jnp.float32),
        pltpu.VMEM((128, DIM), jnp.float32),
        pltpu.VMEM((4, 1024), jnp.float32),
        pltpu.VMEM((4, 1024), jnp.float32),
        pltpu.SemaphoreType.DMA,
        pltpu.SemaphoreType.DMA,
        pltpu.SemaphoreType.DMA,
        pltpu.SemaphoreType.DMA,
        pltpu.SemaphoreType.DMA,
    ],
    compiler_params=pltpu.CompilerParams(
        use_tc_tiling_on_sc=False, needs_layout_passes=False),
)
def _lookup_kernel(xf_hbm, w_hbm, out_hbm, xchunk, idx0, idx1,
                   g0, g1, o0, o1, xsem, gsem0, gsem1, osem0, osem1):
    w = lax.axis_index("s") * NUM_CORES + lax.axis_index("c")
    idxs = (idx0, idx1)
    gbufs = (g0, g1)
    obufs = (o0, o1)
    gsems = (gsem0, gsem1)
    osems = (osem0, osem1)
    iota = jax.lax.iota(jnp.int32, 16)

    def prep_and_fire(l, p):
        for m in range(8):
            v = plsc.load_gather(xchunk, [(iota + m * 16) * NSLOT + l])
            idxs[p][pl.ds(m * 16, 16)] = v
        pltpu.make_async_copy(w_hbm.at[idxs[p]], gbufs[p], gsems[p]).start()

    def wait_g(p):
        pltpu.make_async_copy(w_hbm.at[idxs[p]], gbufs[p], gsems[p]).wait()

    def transpose_sel(p):
        def body(d0, carry):
            dv = (d0 + iota) & (DIM - 1)
            rv = dv >> 3
            cb = (dv & 7) << 7
            for m in range(8):
                v = plsc.load_gather(gbufs[p], [iota + m * 16, dv])
                plsc.store_scatter(obufs[p], [rv, cb + iota + m * 16], v)
            return carry
        lax.fori_loop(0, DIM, body, 0)

    def start_out(sb, l, p):
        pltpu.make_async_copy(
            obufs[p], out_hbm.at[l, :, sb, :], osems[p]).start()

    def wait_out(p):
        pltpu.make_async_copy(
            obufs[p], out_hbm.at[0, :, 0, :], osems[p]).wait()

    for ss in range(SBLK_PER_W):
        sb = w * SBLK_PER_W + ss
        pltpu.sync_copy(xf_hbm.at[pl.ds(sb * 128 * NSLOT, 128 * NSLOT)],
                        xchunk)
        prep_and_fire(0, 0)
        prep_and_fire(1, 1)

        def half(m, p, l):
            wait_g(p)

            @pl.when(m > 0)
            def _():
                wait_out(p)

            transpose_sel(p)
            start_out(sb, l, p)

            @pl.when(m < NSLOT // 2 - 1)
            def _():
                prep_and_fire(l + 2, p)

        def body(m, carry):
            half(m, 0, 2 * m)
            half(m, 1, 2 * m + 1)
            return carry

        lax.fori_loop(0, NSLOT // 2, body, 0)
        wait_out(0)
        wait_out(1)


def kernel(x, weight):
    xf = x.reshape(-1).astype(jnp.int32)
    outp = _lookup_kernel(xf, weight)
    out5 = outp.reshape(NSLOT, 4, NSAMP // 128, 8, 128)
    return out5.transpose(2, 4, 0, 1, 3).reshape(NSAMP, NSLOT, DIM)

# --- scband reference (transcript-rebuilt; emitter-appended) ---
"""Pipeline reference for scband-embedding-1580547965288 (READ-ONLY COPY).

The authoritative reference and input builder live on the scoring server;
editing this copy changes nothing except your own understanding.
"""

import jax, jax.numpy as jnp
import numpy as np

NUM_EMBEDDINGS = 1000000
EMBEDDING_DIM = 32

def setup_inputs(seed: int = 0) -> dict:
    key = jax.random.key(seed)
    k1, k2 = jax.random.split(key)
    x = jax.random.randint(k1, (16384, 50), 0, NUM_EMBEDDINGS, dtype=jnp.int64 if jax.config.jax_enable_x64 else jnp.int32)
    weight = jax.random.normal(k2, (NUM_EMBEDDINGS, EMBEDDING_DIM), dtype=jnp.float32) / np.sqrt(NUM_EMBEDDINGS)
    return {"x": x, "weight": weight}

def reference(x, weight):
    # Embedding lookup: weight[x] -> [B, L, D]
    return jnp.take(weight, x, axis=0)

if __name__ == "__main__":
    import jax
    _d = setup_inputs()
    print(jax.jit(kernel)(*tuple(_d.values())))

</pallas_src>

<mosaic_0001>
#map = affine_map<(d0, d1) -> (0)>
#map1 = affine_map<(d0, d1) -> (0, 0)>
#map2 = affine_map<(d0, d1) -> (0, 0, 0, 0)>
module attributes {stable_mosaic.version = 14 : i64} {
  func.func @_lookup_kernel(%arg0: i32, %arg1: i32, %arg2: memref<819200xi32, #tpu.memory_space<hbm>>, %arg3: memref<1000000x32xf32, #tpu.memory_space<hbm>>, %arg4: memref<50x4x128x1024xf32, #tpu.memory_space<hbm>>, %arg5: memref<6400xi32, #tpu.memory_space<vmem>>, %arg6: memref<128xi32, #tpu.memory_space<vmem>>, %arg7: memref<128xi32, #tpu.memory_space<vmem>>, %arg8: memref<128x32xf32, #tpu.memory_space<vmem>>, %arg9: memref<128x32xf32, #tpu.memory_space<vmem>>, %arg10: memref<4x1024xf32, #tpu.memory_space<vmem>>, %arg11: memref<4x1024xf32, #tpu.memory_space<vmem>>, %arg12: memref<!tpu.dma_semaphore, #tpu.memory_space<semaphore_mem>>, %arg13: memref<!tpu.dma_semaphore, #tpu.memory_space<semaphore_mem>>, %arg14: memref<!tpu.dma_semaphore, #tpu.memory_space<semaphore_mem>>, %arg15: memref<!tpu.dma_semaphore, #tpu.memory_space<semaphore_mem>>, %arg16: memref<!tpu.dma_semaphore, #tpu.memory_space<semaphore_mem>>) attributes {dimension_semantics = [#tpu.dimension_semantics<core_parallel>, #tpu.dimension_semantics<subcore_parallel>], iteration_bounds = array<i64: 2, 16>, scalar_prefetch = 0 : i64, scratch_operands = 12 : i64, tpu.core_type = #tpu.core_type<sc_vector_subcore>, window_params = [{transform_indices = #map}, {transform_indices = #map1}, {transform_indices = #map2}]} {
    %mul3A = arith.constant 2 : i32
    %mul3A_0 = arith.muli %arg1, %mul3A : i32
    %add3A = arith.addi %mul3A_0, %arg0 : i32
    %iota3A = tpu.iota {dimensions = array<i32: 0>} : vector<16xi32>
    %mul3A_1 = arith.constant 4 : i32
    %mul3A_2 = arith.muli %add3A, %mul3A_1 : i32
    %add3A_3 = arith.constant 0 : i32
    %add3A_4 = arith.addi %mul3A_2, %add3A_3 : i32
    %mul3A_5 = arith.constant 128 : i32
    %mul3A_6 = arith.muli %add3A_4, %mul3A_5 : i32
    %mul3A_7 = arith.constant 50 : i32
    %mul3A_8 = arith.muli %mul3A_6, %mul3A_7 : i32
    "tpu.region"() ({
      %run_scoped3A = tpu.sem_alloc : memref<!tpu.dma_semaphore, #tpu.memory_space<semaphore_mem>>
      %dma_start3A_924 = tpu.memref_slice %arg2[%mul3A_8] : memref<819200xi32, #tpu.memory_space<hbm>> -> memref<6400xi32, #tpu.memory_space<hbm>>
      %dma_start3A_925 = tpu.memref_slice %arg2[%mul3A_8] : memref<819200xi32, #tpu.memory_space<hbm>> -> memref<6400xi32, #tpu.memory_space<hbm>>
      tpu.enqueue_dma source(%dma_start3A_925 : memref<6400xi32, #tpu.memory_space<hbm>>) target(%arg5 : memref<6400xi32, #tpu.memory_space<vmem>>) target_semaphore(%run_scoped3A : memref<!tpu.dma_semaphore, #tpu.memory_space<semaphore_mem>>)
      %dma_wait3A_926 = tpu.memref_slice %arg2[%mul3A_8] : memref<819200xi32, #tpu.memory_space<hbm>> -> memref<6400xi32, #tpu.memory_space<hbm>>
      %dma_wait3A_927 = tpu.memref_slice %arg2[%mul3A_8] : memref<819200xi32, #tpu.memory_space<hbm>> -> memref<6400xi32, #tpu.memory_space<hbm>>
      tpu.wait_dma2 semaphore(%run_scoped3A : memref<!tpu.dma_semaphore, #tpu.memory_space<semaphore_mem>>) src(%dma_wait3A_927 : memref<6400xi32, #tpu.memory_space<hbm>>) dst(%arg5 : memref<6400xi32, #tpu.memory_space<vmem>>)
      tpu.yield
    }) : () -> ()
    %add3A_9 = arith.constant 0 : i32
    %add3A_10 = vector.broadcast %add3A_9 : i32 to vector<16xi32>
    %add3A_11 = arith.addi %iota3A, %add3A_10 : vector<16xi32>
    %mul3A_12 = arith.constant 50 : i32
    %mul3A_13 = vector.broadcast %mul3A_12 : i32 to vector<16xi32>
    %mul3A_14 = arith.muli %add3A_11, %mul3A_13 : vector<16xi32>
    %add3A_15 = arith.constant 0 : i32
    %add3A_16 = vector.broadcast %add3A_15 : i32 to vector<16xi32>
    %add3A_17 = arith.addi %mul3A_14, %add3A_16 : vector<16xi32>
    %gather3A = tpu.vector_load_idx %arg5[%add3A_17] : memref<6400xi32, #tpu.memory_space<vmem>>[vector<16xi32>], vector<16xi32>,
    %swap3A = arith.constant 0 : index
    %swap3A_18 = tpu.vector_load %arg6[%swap3A] {strides = array<i32>} : memref<128xi32, #tpu.memory_space<vmem>>, vector<16xi32>,
    tpu.vector_store %arg6[%swap3A], %gather3A {strides = array<i32>} : memref<128xi32, #tpu.memory_space<vmem>>, vector<16xi32>,
    %add3A_19 = arith.constant 16 : i32
    %add3A_20 = vector.broadcast %add3A_19 : i32 to vector<16xi32>
    %add3A_21 = arith.addi %iota3A, %add3A_20 : vector<16xi32>
    %mul3A_22 = arith.constant 50 : i32
    %mul3A_23 = vector.broadcast %mul3A_22 : i32 to vector<16xi32>
    %mul3A_24 = arith.muli %add3A_21, %mul3A_23 : vector<16xi32>
    %add3A_25 = arith.constant 0 : i32
    %add3A_26 = vector.broadcast %add3A_25 : i32 to vector<16xi32>
    %add3A_27 = arith.addi %mul3A_24, %add3A_26 : vector<16xi32>
    %gather3A_28 = tpu.vector_load_idx %arg5[%add3A_27] : memref<6400xi32, #tpu.memory_space<vmem>>[vector<16xi32>], vector<16xi32>,
    %swap3A_29 = arith.constant 16 : index
    %swap3A_30 = tpu.vector_load %arg6[%swap3A_29] {strides = array<i32>} : memref<128xi32, #tpu.memory_space<vmem>>, vector<16xi32>,
    tpu.vector_store %arg6[%swap3A_29], %gather3A_28 {strides = array<i32>} : memref<128xi32, #tpu.memory_space<vmem>>, vector<16xi32>,
    %add3A_31 = arith.constant 32 : i32
    %add3A_32 = vector.broadcast %add3A_31 : i32 to vector<16xi32>
    %add3A_33 = arith.addi %iota3A, %add3A_32 : vector<16xi32>
    %mul3A_34 = arith.constant 50 : i32
    %mul3A_35 = vector.broadcast %mul3A_34 : i32 to vector<16xi32>
    %mul3A_36 = arith.muli %add3A_33, %mul3A_35 : vector<16xi32>
    %add3A_37 = arith.constant 0 : i32
    %add3A_38 = vector.broadcast %add3A_37 : i32 to vector<16xi32>
    %add3A_39 = arith.addi %mul3A_36, %add3A_38 : vector<16xi32>
    %gather3A_40 = tpu.vector_load_idx %arg5[%add3A_39] : memref<6400xi32, #tpu.memory_space<vmem>>[vector<16xi32>], vector<16xi32>,
    %swap3A_41 = arith.constant 32 : index
    %swap3A_42 = tpu.vector_load %arg6[%swap3A_41] {strides = array<i32>} : memref<128xi32, #tpu.memory_space<vmem>>, vector<16xi32>,
    tpu.vector_store %arg6[%swap3A_41], %gather3A_40 {strides = array<i32>} : memref<128xi32, #tpu.memory_space<vmem>>, vector<16xi32>,
    %add3A_43 = arith.constant 48 : i32
    %add3A_44 = vector.broadcast %add3A_43 : i32 to vector<16xi32>
    %add3A_45 = arith.addi %iota3A, %add3A_44 : vector<16xi32>
    %mul3A_46 = arith.constant 50 : i32
    %mul3A_47 = vector.broadcast %mul3A_46 : i32 to vector<16xi32>
    %mul3A_48 = arith.muli %add3A_45, %mul3A_47 : vector<16xi32>
    %add3A_49 = arith.constant 0 : i32
    %add3A_50 = vector.broadcast %add3A_49 : i32 to vector<16xi32>
    %add3A_51 = arith.addi %mul3A_48, %add3A_50 : vector<16xi32>
    %gather3A_52 = tpu.vector_load_idx %arg5[%add3A_51] : memref<6400xi32, #tpu.memory_space<vmem>>[vector<16xi32>], vector<16xi32>,
    %swap3A_53 = arith.constant 48 : index
    %swap3A_54 = tpu.vector_load %arg6[%swap3A_53] {strides = array<i32>} : memref<128xi32, #tpu.memory_space<vmem>>, vector<16xi32>,
    tpu.vector_store %arg6[%swap3A_53], %gather3A_52 {strides = array<i32>} : memref<128xi32, #tpu.memory_space<vmem>>, vector<16xi32>,
    %add3A_55 = arith.constant 64 : i32
    %add3A_56 = vector.broadcast %add3A_55 : i32 to vector<16xi32>
    %add3A_57 = arith.addi %iota3A, %add3A_56 : vector<16xi32>
    %mul3A_58 = arith.constant 50 : i32
    %mul3A_59 = vector.broadcast %mul3A_58 : i32 to vector<16xi32>
    %mul3A_60 = arith.muli %add3A_57, %mul3A_59 : vector<16xi32>
    %add3A_61 = arith.constant 0 : i32
    %add3A_62 = vector.broadcast %add3A_61 : i32 to vector<16xi32>
    %add3A_63 = arith.addi %mul3A_60, %add3A_62 : vector<16xi32>
    %gather3A_64 = tpu.vector_load_idx %arg5[%add3A_63] : memref<6400xi32, #tpu.memory_space<vmem>>[vector<16xi32>], vector<16xi32>,
    %swap3A_65 = arith.constant 64 : index
    %swap3A_66 = tpu.vector_load %arg6[%swap3A_65] {strides = array<i32>} : memref<128xi32, #tpu.memory_space<vmem>>, vector<16xi32>,
    tpu.vector_store %arg6[%swap3A_65], %gather3A_64 {strides = array<i32>} : memref<128xi32, #tpu.memory_space<vmem>>, vector<16xi32>,
    %add3A_67 = arith.constant 80 : i32
    %add3A_68 = vector.broadcast %add3A_67 : i32 to vector<16xi32>
    %add3A_69 = arith.addi %iota3A, %add3A_68 : vector<16xi32>
    %mul3A_70 = arith.constant 50 : i32
    %mul3A_71 = vector.broadcast %mul3A_70 : i32 to vector<16xi32>
    %mul3A_72 = arith.muli %add3A_69, %mul3A_71 : vector<16xi32>
    %add3A_73 = arith.constant 0 : i32
    %add3A_74 = vector.broadcast %add3A_73 : i32 to vector<16xi32>
    %add3A_75 = arith.addi %mul3A_72, %add3A_74 : vector<16xi32>
    %gather3A_76 = tpu.vector_load_idx %arg5[%add3A_75] : memref<6400xi32, #tpu.memory_space<vmem>>[vector<16xi32>], vector<16xi32>,
    %swap3A_77 = arith.constant 80 : index
    %swap3A_78 = tpu.vector_load %arg6[%swap3A_77] {strides = array<i32>} : memref<128xi32, #tpu.memory_space<vmem>>, vector<16xi32>,
    tpu.vector_store %arg6[%swap3A_77], %gather3A_76 {strides = array<i32>} : memref<128xi32, #tpu.memory_space<vmem>>, vector<16xi32>,
    %add3A_79 = arith.constant 96 : i32
    %add3A_80 = vector.broadcast %add3A_79 : i32 to vector<16xi32>
    %add3A_81 = arith.addi %iota3A, %add3A_80 : vector<16xi32>
    %mul3A_82 = arith.constant 50 : i32
    %mul3A_83 = vector.broadcast %mul3A_82 : i32 to vector<16xi32>
    %mul3A_84 = arith.muli %add3A_81, %mul3A_83 : vector<16xi32>
    %add3A_85 = arith.constant 0 : i32
    %add3A_86 = vector.broadcast %add3A_85 : i32 to vector<16xi32>
    %add3A_87 = arith.addi %mul3A_84, %add3A_86 : vector<16xi32>
    %gather3A_88 = tpu.vector_load_idx %arg5[%add3A_87] : memref<6400xi32, #tpu.memory_space<vmem>>[vector<16xi32>], vector<16xi32>,
    %swap3A_89 = arith.constant 96 : index
    %swap3A_90 = tpu.vector_load %arg6[%swap3A_89] {strides = array<i32>} : memref<128xi32, #tpu.memory_space<vmem>>, vector<16xi32>,
    tpu.vector_store %arg6[%swap3A_89], %gather3A_88 {strides = array<i32>} : memref<128xi32, #tpu.memory_space<vmem>>, vector<16xi32>,
    %add3A_91 = arith.constant 112 : i32
    %add3A_92 = vector.broadcast %add3A_91 : i32 to vector<16xi32>
    %add3A_93 = arith.addi %iota3A, %add3A_92 : vector<16xi32>
    %mul3A_94 = arith.constant 50 : i32
    %mul3A_95 = vector.broadcast %mul3A_94 : i32 to vector<16xi32>
    %mul3A_96 = arith.muli %add3A_93, %mul3A_95 : vector<16xi32>
    %add3A_97 = arith.constant 0 : i32
    %add3A_98 = vector.broadcast %add3A_97 : i32 to vector<16xi32>
    %add3A_99 = arith.addi %mul3A_96, %add3A_98 : vector<16xi32>
    %gather3A_100 = tpu.vector_load_idx %arg5[%add3A_99] : memref<6400xi32, #tpu.memory_space<vmem>>[vector<16xi32>], vector<16xi32>,
    %swap3A_101 = arith.constant 112 : index
    %swap3A_102 = tpu.vector_load %arg6[%swap3A_101] {strides = array<i32>} : memref<128xi32, #tpu.memory_space<vmem>>, vector<16xi32>,
    tpu.vector_store %arg6[%swap3A_101], %gather3A_100 {strides = array<i32>} : memref<128xi32, #tpu.memory_space<vmem>>, vector<16xi32>,
    %dma_start3A = arith.constant 0 : i32
    %dma_start3A_103 = arith.constant 0 : i32
    %dma_start3A_104 = tpu.memref_slice %arg3[%dma_start3A, %dma_start3A_103] : memref<1000000x32xf32, #tpu.memory_space<hbm>> -> memref<1000000x32xf32, #tpu.memory_space<hbm>>
    tpu.enqueue_indirect_dma source(%dma_start3A_104 : memref<1000000x32xf32, #tpu.memory_space<hbm>>) target(%arg8 : memref<128x32xf32, #tpu.memory_space<vmem>>) offsets(%arg6 : memref<128xi32, #tpu.memory_space<vmem>>) semaphore(%arg13 : memref<!tpu.dma_semaphore, #tpu.memory_space<semaphore_mem>>)
    %add3A_105 = arith.constant 0 : i32
    %add3A_106 = vector.broadcast %add3A_105 : i32 to vector<16xi32>
    %add3A_107 = arith.addi %iota3A, %add3A_106 : vector<16xi32>
    %mul3A_108 = arith.constant 50 : i32
    %mul3A_109 = vector.broadcast %mul3A_108 : i32 to vector<16xi32>
    %mul3A_110 = arith.muli %add3A_107, %mul3A_109 : vector<16xi32>
    %add3A_111 = arith.constant 1 : i32
    %add3A_112 = vector.broadcast %add3A_111 : i32 to vector<16xi32>
    %add3A_113 = arith.addi %mul3A_110, %add3A_112 : vector<16xi32>
    %gather3A_114 = tpu.vector_load_idx %arg5[%add3A_113] : memref<6400xi32, #tpu.memory_space<vmem>>[vector<16xi32>], vector<16xi32>,
    %swap3A_115 = arith.constant 0 : index
    %swap3A_116 = tpu.vector_load %arg7[%swap3A_115] {strides = array<i32>} : memref<128xi32, #tpu.memory_space<vmem>>, vector<16xi32>,
    tpu.vector_store %arg7[%swap3A_115], %gather3A_114 {strides = array<i32>} : memref<128xi32, #tpu.memory_space<vmem>>, vector<16xi32>,
    %add3A_117 = arith.constant 16 : i32
    %add3A_118 = vector.broadcast %add3A_117 : i32 to vector<16xi32>
    %add3A_119 = arith.addi %iota3A, %add3A_118 : vector<16xi32>
    %mul3A_120 = arith.constant 50 : i32
    %mul3A_121 = vector.broadcast %mul3A_120 : i32 to vector<16xi32>
    %mul3A_122 = arith.muli %add3A_119, %mul3A_121 : vector<16xi32>
    %add3A_123 = arith.constant 1 : i32
    %add3A_124 = vector.broadcast %add3A_123 : i32 to vector<16xi32>
    %add3A_125 = arith.addi %mul3A_122, %add3A_124 : vector<16xi32>
    %gather3A_126 = tpu.vector_load_idx %arg5[%add3A_125] : memref<6400xi32, #tpu.memory_space<vmem>>[vector<16xi32>], vector<16xi32>,
    %swap3A_127 = arith.constant 16 : index
    %swap3A_128 = tpu.vector_load %arg7[%swap3A_127] {strides = array<i32>} : memref<128xi32, #tpu.memory_space<vmem>>, vector<16xi32>,
    tpu.vector_store %arg7[%swap3A_127], %gather3A_126 {strides = array<i32>} : memref<128xi32, #tpu.memory_space<vmem>>, vector<16xi32>,
    %add3A_129 = arith.constant 32 : i32
    %add3A_130 = vector.broadcast %add3A_129 : i32 to vector<16xi32>
    %add3A_131 = arith.addi %iota3A, %add3A_130 : vector<16xi32>
    %mul3A_132 = arith.constant 50 : i32
    %mul3A_133 = vector.broadcast %mul3A_132 : i32 to vector<16xi32>
    %mul3A_134 = arith.muli %add3A_131, %mul3A_133 : vector<16xi32>
    %add3A_135 = arith.constant 1 : i32
    %add3A_136 = vector.broadcast %add3A_135 : i32 to vector<16xi32>
    %add3A_137 = arith.addi %mul3A_134, %add3A_136 : vector<16xi32>
    %gather3A_138 = tpu.vector_load_idx %arg5[%add3A_137] : memref<6400xi32, #tpu.memory_space<vmem>>[vector<16xi32>], vector<16xi32>,
    %swap3A_139 = arith.constant 32 : index
    %swap3A_140 = tpu.vector_load %arg7[%swap3A_139] {strides = array<i32>} : memref<128xi32, #tpu.memory_space<vmem>>, vector<16xi32>,
    tpu.vector_store %arg7[%swap3A_139], %gather3A_138 {strides = array<i32>} : memref<128xi32, #tpu.memory_space<vmem>>, vector<16xi32>,
    %add3A_141 = arith.constant 48 : i32
    %add3A_142 = vector.broadcast %add3A_141 : i32 to vector<16xi32>
    %add3A_143 = arith.addi %iota3A, %add3A_142 : vector<16xi32>
    %mul3A_144 = arith.constant 50 : i32
    %mul3A_145 = vector.broadcast %mul3A_144 : i32 to vector<16xi32>
    %mul3A_146 = arith.muli %add3A_143, %mul3A_145 : vector<16xi32>
    %add3A_147 = arith.constant 1 : i32
    %add3A_148 = vector.broadcast %add3A_147 : i32 to vector<16xi32>
    %add3A_149 = arith.addi %mul3A_146, %add3A_148 : vector<16xi32>
    %gather3A_150 = tpu.vector_load_idx %arg5[%add3A_149] : memref<6400xi32, #tpu.memory_space<vmem>>[vector<16xi32>], vector<16xi32>,
    %swap3A_151 = arith.constant 48 : index
    %swap3A_152 = tpu.vector_load %arg7[%swap3A_151] {strides = array<i32>} : memref<128xi32, #tpu.memory_space<vmem>>, vector<16xi32>,
    tpu.vector_store %arg7[%swap3A_151], %gather3A_150 {strides = array<i32>} : memref<128xi32, #tpu.memory_space<vmem>>, vector<16xi32>,
    %add3A_153 = arith.constant 64 : i32
    %add3A_154 = vector.broadcast %add3A_153 : i32 to vector<16xi32>
    %add3A_155 = arith.addi %iota3A, %add3A_154 : vector<16xi32>
    %mul3A_156 = arith.constant 50 : i32
    %mul3A_157 = vector.broadcast %mul3A_156 : i32 to vector<16xi32>
    %mul3A_158 = arith.muli %add3A_155, %mul3A_157 : vector<16xi32>
    %add3A_159 = arith.constant 1 : i32
    %add3A_160 = vector.broadcast %add3A_159 : i32 to vector<16xi32>
    %add3A_161 = arith.addi %mul3A_158, %add3A_160 : vector<16xi32>
    %gather3A_162 = tpu.vector_load_idx %arg5[%add3A_161] : memref<6400xi32, #tpu.memory_space<vmem>>[vector<16xi32>], vector<16xi32>,
    %swap3A_163 = arith.constant 64 : index
    %swap3A_164 = tpu.vector_load %arg7[%swap3A_163] {strides = array<i32>} : memref<128xi32, #tpu.memory_space<vmem>>, vector<16xi32>,
    tpu.vector_store %arg7[%swap3A_163], %gather3A_162 {strides = array<i32>} : memref<128xi32, #tpu.memory_space<vmem>>, vector<16xi32>,
    %add3A_165 = arith.constant 80 : i32
    %add3A_166 = vector.broadcast %add3A_165 : i32 to vector<16xi32>
    %add3A_167 = arith.addi %iota3A, %add3A_166 : vector<16xi32>
    %mul3A_168 = arith.constant 50 : i32
    %mul3A_169 = vector.broadcast %mul3A_168 : i32 to vector<16xi32>
    %mul3A_170 = arith.muli %add3A_167, %mul3A_169 : vector<16xi32>
    %add3A_171 = arith.constant 1 : i32
    %add3A_172 = vector.broadcast %add3A_171 : i32 to vector<16xi32>
    %add3A_173 = arith.addi %mul3A_170, %add3A_172 : vector<16xi32>
    %gather3A_174 = tpu.vector_load_idx %arg5[%add3A_173] : memref<6400xi32, #tpu.memory_space<vmem>>[vector<16xi32>], vector<16xi32>,
    %swap3A_175 = arith.constant 80 : index
    %swap3A_176 = tpu.vector_load %arg7[%swap3A_175] {strides = array<i32>} : memref<128xi32, #tpu.memory_space<vmem>>, vector<16xi32>,
    tpu.vector_store %arg7[%swap3A_175], %gather3A_174 {strides = array<i32>} : memref<128xi32, #tpu.memory_space<vmem>>, vector<16xi32>,
    %add3A_177 = arith.constant 96 : i32
    %add3A_178 = vector.broadcast %add3A_177 : i32 to vector<16xi32>
    %add3A_179 = arith.addi %iota3A, %add3A_178 : vector<16xi32>
    %mul3A_180 = arith.constant 50 : i32
    %mul3A_181 = vector.broadcast %mul3A_180 : i32 to vector<16xi32>
    %mul3A_182 = arith.muli %add3A_179, %mul3A_181 : vector<16xi32>
    %add3A_183 = arith.constant 1 : i32
    %add3A_184 = vector.broadcast %add3A_183 : i32 to vector<16xi32>
    %add3A_185 = arith.addi %mul3A_182, %add3A_184 : vector<16xi32>
    %gather3A_186 = tpu.vector_load_idx %arg5[%add3A_185] : memref<6400xi32, #tpu.memory_space<vmem>>[vector<16xi32>], vector<16xi32>,
    %swap3A_187 = arith.constant 96 : index
    %swap3A_188 = tpu.vector_load %arg7[%swap3A_187] {strides = array<i32>} : memref<128xi32, #tpu.memory_space<vmem>>, vector<16xi32>,
    tpu.vector_store %arg7[%swap3A_187], %gather3A_186 {strides = array<i32>} : memref<128xi32, #tpu.memory_space<vmem>>, vector<16xi32>,
    %add3A_189 = arith.constant 112 : i32
    %add3A_190 = vector.broadcast %add3A_189 : i32 to vector<16xi32>
    %add3A_191 = arith.addi %iota3A, %add3A_190 : vector<16xi32>
    %mul3A_192 = arith.constant 50 : i32
    %mul3A_193 = vector.broadcast %mul3A_192 : i32 to vector<16xi32>
    %mul3A_194 = arith.muli %add3A_191, %mul3A_193 : vector<16xi32>
    %add3A_195 = arith.constant 1 : i32
    %add3A_196 = vector.broadcast %add3A_195 : i32 to vector<16xi32>
    %add3A_197 = arith.addi %mul3A_194, %add3A_196 : vector<16xi32>
    %gather3A_198 = tpu.vector_load_idx %arg5[%add3A_197] : memref<6400xi32, #tpu.memory_space<vmem>>[vector<16xi32>], vector<16xi32>,
    %swap3A_199 = arith.constant 112 : index
    %swap3A_200 = tpu.vector_load %arg7[%swap3A_199] {strides = array<i32>} : memref<128xi32, #tpu.memory_space<vmem>>, vector<16xi32>,
    tpu.vector_store %arg7[%swap3A_199], %gather3A_198 {strides = array<i32>} : memref<128xi32, #tpu.memory_space<vmem>>, vector<16xi32>,
    %dma_start3A_201 = arith.constant 0 : i32
    %dma_start3A_202 = arith.constant 0 : i32
    %dma_start3A_203 = tpu.memref_slice %arg3[%dma_start3A_201, %dma_start3A_202] : memref<1000000x32xf32, #tpu.memory_space<hbm>> -> memref<1000000x32xf32, #tpu.memory_space<hbm>>
    tpu.enqueue_indirect_dma source(%dma_start3A_203 : memref<1000000x32xf32, #tpu.memory_space<hbm>>) target(%arg9 : memref<128x32xf32, #tpu.memory_space<vmem>>) offsets(%arg7 : memref<128xi32, #tpu.memory_space<vmem>>) semaphore(%arg14 : memref<!tpu.dma_semaphore, #tpu.memory_space<semaphore_mem>>)
    %scan3A = arith.constant 0 : i32
    %scan3A_204 = arith.constant 0 : i32
    %scan3A_205 = arith.constant 25 : i32
    %scan3A_206 = arith.addi %scan3A_204, %scan3A_205 : i32
    %scan3A_207 = arith.constant 1 : i32
    scf.for %scan3A_924 = %scan3A_204 to %scan3A_206 step %scan3A_207  : i32 {
      %mul3A_925 = arith.constant 2 : i32
      %mul3A_926 = arith.muli %mul3A_925, %scan3A_924 : i32
      %dma_wait3A_927 = arith.constant 0 : i32
      %dma_wait3A_928 = arith.constant 0 : i32
      %dma_wait3A_929 = tpu.memref_slice %arg3[%dma_wait3A_927, %dma_wait3A_928] : memref<1000000x32xf32, #tpu.memory_space<hbm>> -> memref<1000000x32xf32, #tpu.memory_space<hbm>>
      tpu.wait_indirect_dma semaphore(%arg13 : memref<!tpu.dma_semaphore, #tpu.memory_space<semaphore_mem>>) src(%dma_wait3A_929 : memref<1000000x32xf32, #tpu.memory_space<hbm>>) dst(%arg8 : memref<128x32xf32, #tpu.memory_space<vmem>>)
      %gt3A = arith.constant 0 : i32
      %gt3A_930 = arith.cmpi sgt, %scan3A_924, %gt3A : i32
      %convert_element_type3A = arith.extui %gt3A_930 : i1 to i32
      %cond3A = arith.constant 0 : i32
      %cond3A_931 = arith.cmpi ne, %convert_element_type3A, %cond3A : i32
      scf.if %cond3A_931 {
        %dma_wait3A_981 = arith.constant 0 : i32
        %dma_wait3A_982 = arith.constant 0 : i32
        %dma_wait3A_983 = arith.constant 0 : i32
        %dma_wait3A_984 = arith.constant 0 : i32
        %dma_wait3A_985 = tpu.memref_slice %arg4[%dma_wait3A_981, %dma_wait3A_983, %dma_wait3A_982, %dma_wait3A_984] : memref<50x4x128x1024xf32, #tpu.memory_space<hbm>> -> memref<1x4x1x1024xf32, #tpu.memory_space<hbm>>
        %dma_wait3A_986 = tpu.memref_squeeze %dma_wait3A_985 : memref<1x4x1x1024xf32, #tpu.memory_space<hbm>> -> memref<4x1024xf32, #tpu.memory_space<hbm>>
        %dma_wait3A_987 = arith.constant 0 : i32
        %dma_wait3A_988 = arith.constant 0 : i32
        %dma_wait3A_989 = tpu.memref_slice %arg4[%dma_wait3A_981, %dma_wait3A_987, %dma_wait3A_982, %dma_wait3A_988] : memref<50x4x128x1024xf32, #tpu.memory_space<hbm>> -> memref<1x4x1x1024xf32, #tpu.memory_space<hbm>>
        %dma_wait3A_990 = tpu.memref_squeeze %dma_wait3A_989 : memref<1x4x1x1024xf32, #tpu.memory_space<hbm>> -> memref<4x1024xf32, #tpu.memory_space<hbm>>
        tpu.wait_dma2 semaphore(%arg15 : memref<!tpu.dma_semaphore, #tpu.memory_space<semaphore_mem>>) src(%arg10 : memref<4x1024xf32, #tpu.memory_space<vmem>>) dst(%dma_wait3A_990 : memref<4x1024xf32, #tpu.memory_space<hbm>>)
      } else {
      }
      %scan3A_932 = arith.constant 0 : i32
      %scan3A_933 = arith.constant 0 : i32
      %scan3A_934 = arith.constant 32 : i32
      %scan3A_935 = arith.addi %scan3A_933, %scan3A_934 : i32
      %scan3A_936 = arith.constant 1 : i32
      scf.for %scan3A_981 = %scan3A_933 to %scan3A_935 step %scan3A_936  : i32 {
        %add3A_982 = vector.broadcast %scan3A_981 : i32 to vector<16xi32>
        %add3A_983 = arith.addi %add3A_982, %iota3A : vector<16xi32>
        %and3A = arith.constant 31 : i32
        %and3A_984 = vector.broadcast %and3A : i32 to vector<16xi32>
        %and3A_985 = arith.andi %add3A_983, %and3A_984 : vector<16xi32>
        %shift_right_arithmetic3A = arith.constant 3 : i32
        %shift_right_arithmetic3A_986 = vector.broadcast %shift_right_arithmetic3A : i32 to vector<16xi32>
        %shift_right_arithmetic3A_987 = arith.shrsi %and3A_985, %shift_right_arithmetic3A_986 : vector<16xi32>
        %and3A_988 = arith.constant 7 : i32
        %and3A_989 = vector.broadcast %and3A_988 : i32 to vector<16xi32>
        %and3A_990 = arith.andi %and3A_985, %and3A_989 : vector<16xi32>
        %shift_left3A = arith.constant 7 : i32
        %shift_left3A_991 = vector.broadcast %shift_left3A : i32 to vector<16xi32>
        %shift_left3A_992 = arith.shli %and3A_990, %shift_left3A_991 : vector<16xi32>
        %add3A_993 = arith.constant 0 : i32
        %add3A_994 = vector.broadcast %add3A_993 : i32 to vector<16xi32>
        %add3A_995 = arith.addi %iota3A, %add3A_994 : vector<16xi32>
        %gather3A_996 = tpu.vector_load_idx %arg8[%add3A_995, %and3A_985] : memref<128x32xf32, #tpu.memory_space<vmem>>[vector<16xi32>, vector<16xi32>], vector<16xf32>,
        %add3A_997 = arith.addi %shift_left3A_992, %iota3A : vector<16xi32>
        %add3A_998 = arith.constant 0 : i32
        %add3A_999 = vector.broadcast %add3A_998 : i32 to vector<16xi32>
        %add3A_1000 = arith.addi %add3A_997, %add3A_999 : vector<16xi32>
        tpu.vector_store_idx %arg10[%shift_right_arithmetic3A_987, %add3A_1000], %gather3A_996 : memref<4x1024xf32, #tpu.memory_space<vmem>>[vector<16xi32>, vector<16xi32>], vector<16xf32>,
        %add3A_1001 = arith.constant 16 : i32
        %add3A_1002 = vector.broadcast %add3A_1001 : i32 to vector<16xi32>
        %add3A_1003 = arith.addi %iota3A, %add3A_1002 : vector<16xi32>
        %gather3A_1004 = tpu.vector_load_idx %arg8[%add3A_1003, %and3A_985] : memref<128x32xf32, #tpu.memory_space<vmem>>[vector<16xi32>, vector<16xi32>], vector<16xf32>,
        %add3A_1005 = arith.addi %shift_left3A_992, %iota3A : vector<16xi32>
        %add3A_1006 = arith.constant 16 : i32
        %add3A_1007 = vector.broadcast %add3A_1006 : i32 to vector<16xi32>
        %add3A_1008 = arith.addi %add3A_1005, %add3A_1007 : vector<16xi32>
        tpu.vector_store_idx %arg10[%shift_right_arithmetic3A_987, %add3A_1008], %gather3A_1004 : memref<4x1024xf32, #tpu.memory_space<vmem>>[vector<16xi32>, vector<16xi32>], vector<16xf32>,
        %add3A_1009 = arith.constant 32 : i32
        %add3A_1010 = vector.broadcast %add3A_1009 : i32 to vector<16xi32>
        %add3A_1011 = arith.addi %iota3A, %add3A_1010 : vector<16xi32>
        %gather3A_1012 = tpu.vector_load_idx %arg8[%add3A_1011, %and3A_985] : memref<128x32xf32, #tpu.memory_space<vmem>>[vector<16xi32>, vector<16xi32>], vector<16xf32>,
        %add3A_1013 = arith.addi %shift_left3A_992, %iota3A : vector<16xi32>
        %add3A_1014 = arith.constant 32 : i32
        %add3A_1015 = vector.broadcast %add3A_1014 : i32 to vector<16xi32>
        %add3A_1016 = arith.addi %add3A_1013, %add3A_1015 : vector<16xi32>
        tpu.vector_store_idx %arg10[%shift_right_arithmetic3A_987, %add3A_1016], %gather3A_1012 : memref<4x1024xf32, #tpu.memory_space<vmem>>[vector<16xi32>, vector<16xi32>], vector<16xf32>,
        %add3A_1017 = arith.constant 48 : i32
        %add3A_1018 = vector.broadcast %add3A_1017 : i32 to vector<16xi32>
        %add3A_1019 = arith.addi %iota3A, %add3A_1018 : vector<16xi32>
        %gather3A_1020 = tpu.vector_load_idx %arg8[%add3A_1019, %and3A_985] : memref<128x32xf32, #tpu.memory_space<vmem>>[vector<16xi32>, vector<16xi32>], vector<16xf32>,
        %add3A_1021 = arith.addi %shift_left3A_992, %iota3A : vector<16xi32>
        %add3A_1022 = arith.constant 48 : i32
        %add3A_1023 = vector.broadcast %add3A_1022 : i32 to vector<16xi32>
        %add3A_1024 = arith.addi %add3A_1021, %add3A_1023 : vector<16xi32>
        tpu.vector_store_idx %arg10[%shift_right_arithmetic3A_987, %add3A_1024], %gather3A_1020 : memref<4x1024xf32, #tpu.memory_space<vmem>>[vector<16xi32>, vector<16xi32>], vector<16xf32>,
        %add3A_1025 = arith.constant 64 : i32
        %add3A_1026 = vector.broadcast %add3A_1025 : i32 to vector<16xi32>
        %add3A_1027 = arith.addi %iota3A, %add3A_1026 : vector<16xi32>
        %gather3A_1028 = tpu.vector_load_idx %arg8[%add3A_1027, %and3A_985] : memref<128x32xf32, #tpu.memory_space<vmem>>[vector<16xi32>, vector<16xi32>], vector<16xf32>,
        %add3A_1029 = arith.addi %shift_left3A_992, %iota3A : vector<16xi32>
        %add3A_1030 = arith.constant 64 : i32
        %add3A_1031 = vector.broadcast %add3A_1030 : i32 to vector<16xi32>
        %add3A_1032 = arith.addi %add3A_1029, %add3A_1031 : vector<16xi32>
        tpu.vector_store_idx %arg10[%shift_right_arithmetic3A_987, %add3A_1032], %gather3A_1028 : memref<4x1024xf32, #tpu.memory_space<vmem>>[vector<16xi32>, vector<16xi32>], vector<16xf32>,
        %add3A_1033 = arith.constant 80 : i32
        %add3A_1034 = vector.broadcast %add3A_1033 : i32 to vector<16xi32>
        %add3A_1035 = arith.addi %iota3A, %add3A_1034 : vector<16xi32>
        %gather3A_1036 = tpu.vector_load_idx %arg8[%add3A_1035, %and3A_985] : memref<128x32xf32, #tpu.memory_space<vmem>>[vector<16xi32>, vector<16xi32>], vector<16xf32>,
        %add3A_1037 = arith.addi %shift_left3A_992, %iota3A : vector<16xi32>
        %add3A_1038 = arith.constant 80 : i32
        %add3A_1039 = vector.broadcast %add3A_1038 : i32 to vector<16xi32>
        %add3A_1040 = arith.addi %add3A_1037, %add3A_1039 : vector<16xi32>
        tpu.vector_store_idx %arg10[%shift_right_arithmetic3A_987, %add3A_1040], %gather3A_1036 : memref<4x1024xf32, #tpu.memory_space<vmem>>[vector<16xi32>, vector<16xi32>], vector<16xf32>,
        %add3A_1041 = arith.constant 96 : i32
        %add3A_1042 = vector.broadcast %add3A_1041 : i32 to vector<16xi32>
        %add3A_1043 = arith.addi %iota3A, %add3A_1042 : vector<16xi32>
        %gather3A_1044 = tpu.vector_load_idx %arg8[%add3A_1043, %and3A_985] : memref<128x32xf32, #tpu.memory_space<vmem>>[vector<16xi32>, vector<16xi32>], vector<16xf32>,
        %add3A_1045 = arith.addi %shift_left3A_992, %iota3A : vector<16xi32>
        %add3A_1046 = arith.constant 96 : i32
        %add3A_1047 = vector.broadcast %add3A_1046 : i32 to vector<16xi32>
        %add3A_1048 = arith.addi %add3A_1045, %add3A_1047 : vector<16xi32>
        tpu.vector_store_idx %arg10[%shift_right_arithmetic3A_987, %add3A_1048], %gather3A_1044 : memref<4x1024xf32, #tpu.memory_space<vmem>>[vector<16xi32>, vector<16xi32>], vector<16xf32>,
        %add3A_1049 = arith.constant 112 : i32
        %add3A_1050 = vector.broadcast %add3A_1049 : i32 to vector<16xi32>
        %add3A_1051 = arith.addi %iota3A, %add3A_1050 : vector<16xi32>
        %gather3A_1052 = tpu.vector_load_idx %arg8[%add3A_1051, %and3A_985] : memref<128x32xf32, #tpu.memory_space<vmem>>[vector<16xi32>, vector<16xi32>], vector<16xf32>,
        %add3A_1053 = arith.addi %shift_left3A_992, %iota3A : vector<16xi32>
        %add3A_1054 = arith.constant 112 : i32
        %add3A_1055 = vector.broadcast %add3A_1054 : i32 to vector<16xi32>
        %add3A_1056 = arith.addi %add3A_1053, %add3A_1055 : vector<16xi32>
        tpu.vector_store_idx %arg10[%shift_right_arithmetic3A_987, %add3A_1056], %gather3A_1052 : memref<4x1024xf32, #tpu.memory_space<vmem>>[vector<16xi32>, vector<16xi32>], vector<16xf32>,
      }
      %scan3A_937 = arith.constant 32 : i32
      %dma_start3A_938 = arith.constant 0 : i32
      %dma_start3A_939 = arith.constant 0 : i32
      %dma_start3A_940 = tpu.memref_slice %arg4[%mul3A_926, %dma_start3A_938, %add3A_4, %dma_start3A_939] : memref<50x4x128x1024xf32, #tpu.memory_space<hbm>> -> memref<1x4x1x1024xf32, #tpu.memory_space<hbm>>
      %dma_start3A_941 = tpu.memref_squeeze %dma_start3A_940 : memref<1x4x1x1024xf32, #tpu.memory_space<hbm>> -> memref<4x1024xf32, #tpu.memory_space<hbm>>
      %dma_start3A_942 = arith.constant 0 : i32
      %dma_start3A_943 = arith.constant 0 : i32
      %dma_start3A_944 = tpu.memref_slice %arg4[%mul3A_926, %dma_start3A_942, %add3A_4, %dma_start3A_943] : memref<50x4x128x1024xf32, #tpu.memory_space<hbm>> -> memref<1x4x1x1024xf32, #tpu.memory_space<hbm>>
      %dma_start3A_945 = tpu.memref_squeeze %dma_start3A_944 : memref<1x4x1x1024xf32, #tpu.memory_space<hbm>> -> memref<4x1024xf32, #tpu.memory_space<hbm>>
      tpu.enqueue_dma source(%arg10 : memref<4x1024xf32, #tpu.memory_space<vmem>>) target(%dma_start3A_945 : memref<4x1024xf32, #tpu.memory_space<hbm>>) target_semaphore(%arg15 : memref<!tpu.dma_semaphore, #tpu.memory_space<semaphore_mem>>)
      %lt3A = arith.constant 24 : i32
      %lt3A_946 = arith.cmpi slt, %scan3A_924, %lt3A : i32
      %convert_element_type3A_947 = arith.extui %lt3A_946 : i1 to i32
      %cond3A_948 = arith.constant 0 : i32
      %cond3A_949 = arith.cmpi ne, %convert_element_type3A_947, %cond3A_948 : i32
      scf.if %cond3A_949 {
        %add3A_981 = arith.constant 2 : i32
        %add3A_982 = arith.addi %mul3A_926, %add3A_981 : i32
        %add3A_983 = arith.constant 0 : i32
        %add3A_984 = vector.broadcast %add3A_983 : i32 to vector<16xi32>
        %add3A_985 = arith.addi %iota3A, %add3A_984 : vector<16xi32>
        %mul3A_986 = arith.constant 50 : i32
        %mul3A_987 = vector.broadcast %mul3A_986 : i32 to vector<16xi32>
        %mul3A_988 = arith.muli %add3A_985, %mul3A_987 : vector<16xi32>
        %add3A_989 = vector.broadcast %add3A_982 : i32 to vector<16xi32>
        %add3A_990 = arith.addi %mul3A_988, %add3A_989 : vector<16xi32>
        %gather3A_991 = tpu.vector_load_idx %arg5[%add3A_990] : memref<6400xi32, #tpu.memory_space<vmem>>[vector<16xi32>], vector<16xi32>,
        %swap3A_992 = arith.constant 0 : index
        %swap3A_993 = tpu.vector_load %arg6[%swap3A_992] {strides = array<i32>} : memref<128xi32, #tpu.memory_space<vmem>>, vector<16xi32>,
        tpu.vector_store %arg6[%swap3A_992], %gather3A_991 {strides = array<i32>} : memref<128xi32, #tpu.memory_space<vmem>>, vector<16xi32>,
        %add3A_994 = arith.constant 16 : i32
        %add3A_995 = vector.broadcast %add3A_994 : i32 to vector<16xi32>
        %add3A_996 = arith.addi %iota3A, %add3A_995 : vector<16xi32>
        %mul3A_997 = arith.constant 50 : i32
        %mul3A_998 = vector.broadcast %mul3A_997 : i32 to vector<16xi32>
        %mul3A_999 = arith.muli %add3A_996, %mul3A_998 : vector<16xi32>
        %add3A_1000 = vector.broadcast %add3A_982 : i32 to vector<16xi32>
        %add3A_1001 = arith.addi %mul3A_999, %add3A_1000 : vector<16xi32>
        %gather3A_1002 = tpu.vector_load_idx %arg5[%add3A_1001] : memref<6400xi32, #tpu.memory_space<vmem>>[vector<16xi32>], vector<16xi32>,
        %swap3A_1003 = arith.constant 16 : index
        %swap3A_1004 = tpu.vector_load %arg6[%swap3A_1003] {strides = array<i32>} : memref<128xi32, #tpu.memory_space<vmem>>, vector<16xi32>,
        tpu.vector_store %arg6[%swap3A_1003], %gather3A_1002 {strides = array<i32>} : memref<128xi32, #tpu.memory_space<vmem>>, vector<16xi32>,
        %add3A_1005 = arith.constant 32 : i32
        %add3A_1006 = vector.broadcast %add3A_1005 : i32 to vector<16xi32>
        %add3A_1007 = arith.addi %iota3A, %add3A_1006 : vector<16xi32>
        %mul3A_1008 = arith.constant 50 : i32
        %mul3A_1009 = vector.broadcast %mul3A_1008 : i32 to vector<16xi32>
        %mul3A_1010 = arith.muli %add3A_1007, %mul3A_1009 : vector<16xi32>
        %add3A_1011 = vector.broadcast %add3A_982 : i32 to vector<16xi32>
        %add3A_1012 = arith.addi %mul3A_1010, %add3A_1011 : vector<16xi32>
        %gather3A_1013 = tpu.vector_load_idx %arg5[%add3A_1012] : memref<6400xi32, #tpu.memory_space<vmem>>[vector<16xi32>], vector<16xi32>,
        %swap3A_1014 = arith.constant 32 : index
        %swap3A_1015 = tpu.vector_load %arg6[%swap3A_1014] {strides = array<i32>} : memref<128xi32, #tpu.memory_space<vmem>>, vector<16xi32>,
        tpu.vector_store %arg6[%swap3A_1014], %gather3A_1013 {strides = array<i32>} : memref<128xi32, #tpu.memory_space<vmem>>, vector<16xi32>,
        %add3A_1016 = arith.constant 48 : i32
        %add3A_1017 = vector.broadcast %add3A_1016 : i32 to vector<16xi32>
        %add3A_1018 = arith.addi %iota3A, %add3A_1017 : vector<16xi32>
        %mul3A_1019 = arith.constant 50 : i32
        %mul3A_1020 = vector.broadcast %mul3A_1019 : i32 to vector<16xi32>
        %mul3A_1021 = arith.muli %add3A_1018, %mul3A_1020 : vector<16xi32>
        %add3A_1022 = vector.broadcast %add3A_982 : i32 to vector<16xi32>
        %add3A_1023 = arith.addi %mul3A_1021, %add3A_1022 : vector<16xi32>
        %gather3A_1024 = tpu.vector_load_idx %arg5[%add3A_1023] : memref<6400xi32, #tpu.memory_space<vmem>>[vector<16xi32>], vector<16xi32>,
        %swap3A_1025 = arith.constant 48 : index
        %swap3A_1026 = tpu.vector_load %arg6[%swap3A_1025] {strides = array<i32>} : memref<128xi32, #tpu.memory_space<vmem>>, vector<16xi32>,
        tpu.vector_store %arg6[%swap3A_1025], %gather3A_1024 {strides = array<i32>} : memref<128xi32, #tpu.memory_space<vmem>>, vector<16xi32>,
        %add3A_1027 = arith.constant 64 : i32
        %add3A_1028 = vector.broadcast %add3A_1027 : i32 to vector<16xi32>
        %add3A_1029 = arith.addi %iota3A, %add3A_1028 : vector<16xi32>
        %mul3A_1030 = arith.constant 50 : i32
        %mul3A_1031 = vector.broadcast %mul3A_1030 : i32 to vector<16xi32>
        %mul3A_1032 = arith.muli %add3A_1029, %mul3A_1031 : vector<16xi32>
        %add3A_1033 = vector.broadcast %add3A_982 : i32 to vector<16xi32>
        %add3A_1034 = arith.addi %mul3A_1032, %add3A_1033 : vector<16xi32>
        %gather3A_1035 = tpu.vector_load_idx %arg5[%add3A_1034] : memref<6400xi32, #tpu.memory_space<vmem>>[vector<16xi32>], vector<16xi32>,
        %swap3A_1036 = arith.constant 64 : index
        %swap3A_1037 = tpu.vector_load %arg6[%swap3A_1036] {strides = array<i32>} : memref<128xi32, #tpu.memory_space<vmem>>, vector<16xi32>,
        tpu.vector_store %arg6[%swap3A_1036], %gather3A_1035 {strides = array<i32>} : memref<128xi32, #tpu.memory_space<vmem>>, vector<16xi32>,
        %add3A_1038 = arith.constant 80 : i32
        %add3A_1039 = vector.broadcast %add3A_1038 : i32 to vector<16xi32>
        %add3A_1040 = arith.addi %iota3A, %add3A_1039 : vector<16xi32>
        %mul3A_1041 = arith.constant 50 : i32
        %mul3A_1042 = vector.broadcast %mul3A_1041 : i32 to vector<16xi32>
        %mul3A_1043 = arith.muli %add3A_1040, %mul3A_1042 : vector<16xi32>
        %add3A_1044 = vector.broadcast %add3A_982 : i32 to vector<16xi32>
        %add3A_1045 = arith.addi %mul3A_1043, %add3A_1044 : vector<16xi32>
        %gather3A_1046 = tpu.vector_load_idx %arg5[%add3A_1045] : memref<6400xi32, #tpu.memory_space<vmem>>[vector<16xi32>], vector<16xi32>,
        %swap3A_1047 = arith.constant 80 : index
        %swap3A_1048 = tpu.vector_load %arg6[%swap3A_1047] {strides = array<i32>} : memref<128xi32, #tpu.memory_space<vmem>>, vector<16xi32>,
        tpu.vector_store %arg6[%swap3A_1047], %gather3A_1046 {strides = array<i32>} : memref<128xi32, #tpu.memory_space<vmem>>, vector<16xi32>,
        %add3A_1049 = arith.constant 96 : i32
        %add3A_1050 = vector.broadcast %add3A_1049 : i32 to vector<16xi32>
        %add3A_1051 = arith.addi %iota3A, %add3A_1050 : vector<16xi32>
        %mul3A_1052 = arith.constant 50 : i32
        %mul3A_1053 = vector.broadcast %mul3A_1052 : i32 to vector<16xi32>
        %mul3A_1054 = arith.muli %add3A_1051, %mul3A_1053 : vector<16xi32>
        %add3A_1055 = vector.broadcast %add3A_982 : i32 to vector<16xi32>
        %add3A_1056 = arith.addi %mul3A_1054, %add3A_1055 : vector<16xi32>
        %gather3A_1057 = tpu.vector_load_idx %arg5[%add3A_1056] : memref<6400xi32, #tpu.memory_space<vmem>>[vector<16xi32>], vector<16xi32>,
        %swap3A_1058 = arith.constant 96 : index
        %swap3A_1059 = tpu.vector_load %arg6[%swap3A_1058] {strides = array<i32>} : memref<128xi32, #tpu.memory_space<vmem>>, vector<16xi32>,
        tpu.vector_store %arg6[%swap3A_1058], %gather3A_1057 {strides = array<i32>} : memref<128xi32, #tpu.memory_space<vmem>>, vector<16xi32>,
        %add3A_1060 = arith.constant 112 : i32
        %add3A_1061 = vector.broadcast %add3A_1060 : i32 to vector<16xi32>
        %add3A_1062 = arith.addi %iota3A, %add3A_1061 : vector<16xi32>
        %mul3A_1063 = arith.constant 50 : i32
        %mul3A_1064 = vector.broadcast %mul3A_1063 : i32 to vector<16xi32>
        %mul3A_1065 = arith.muli %add3A_1062, %mul3A_1064 : vector<16xi32>
        %add3A_1066 = vector.broadcast %add3A_982 : i32 to vector<16xi32>
        %add3A_1067 = arith.addi %mul3A_1065, %add3A_1066 : vector<16xi32>
        %gather3A_1068 = tpu.vector_load_idx %arg5[%add3A_1067] : memref<6400xi32, #tpu.memory_space<vmem>>[vector<16xi32>], vector<16xi32>,
        %swap3A_1069 = arith.constant 112 : index
        %swap3A_1070 = tpu.vector_load %arg6[%swap3A_1069] {strides = array<i32>} : memref<128xi32, #tpu.memory_space<vmem>>, vector<16xi32>,
        tpu.vector_store %arg6[%swap3A_1069], %gather3A_1068 {strides = array<i32>} : memref<128xi32, #tpu.memory_space<vmem>>, vector<16xi32>,
        %dma_start3A_1071 = arith.constant 0 : i32
        %dma_start3A_1072 = arith.constant 0 : i32
        %dma_start3A_1073 = tpu.memref_slice %arg3[%dma_start3A_1071, %dma_start3A_1072] : memref<1000000x32xf32, #tpu.memory_space<hbm>> -> memref<1000000x32xf32, #tpu.memory_space<hbm>>
        tpu.enqueue_indirect_dma source(%dma_start3A_1073 : memref<1000000x32xf32, #tpu.memory_space<hbm>>) target(%arg8 : memref<128x32xf32, #tpu.memory_space<vmem>>) offsets(%arg6 : memref<128xi32, #tpu.memory_space<vmem>>) semaphore(%arg13 : memref<!tpu.dma_semaphore, #tpu.memory_space<semaphore_mem>>)
      } else {
      }
      %mul3A_950 = arith.constant 2 : i32
      %mul3A_951 = arith.muli %mul3A_950, %scan3A_924 : i32
      %add3A_952 = arith.constant 1 : i32
      %add3A_953 = arith.addi %mul3A_951, %add3A_952 : i32
      %dma_wait3A_954 = arith.constant 0 : i32
      %dma_wait3A_955 = arith.constant 0 : i32
      %dma_wait3A_956 = tpu.memref_slice %arg3[%dma_wait3A_954, %dma_wait3A_955] : memref<1000000x32xf32, #tpu.memory_space<hbm>> -> memref<1000000x32xf32, #tpu.memory_space<hbm>>
      tpu.wait_indirect_dma semaphore(%arg14 : memref<!tpu.dma_semaphore, #tpu.memory_space<semaphore_mem>>) src(%dma_wait3A_956 : memref<1000000x32xf32, #tpu.memory_space<hbm>>) dst(%arg9 : memref<128x32xf32, #tpu.memory_space<vmem>>)
      %gt3A_957 = arith.constant 0 : i32
      %gt3A_958 = arith.cmpi sgt, %scan3A_924, %gt3A_957 : i32
      %convert_element_type3A_959 = arith.extui %gt3A_958 : i1 to i32
      %cond3A_960 = arith.constant 0 : i32
      %cond3A_961 = arith.cmpi ne, %convert_element_type3A_959, %cond3A_960 : i32
      scf.if %cond3A_961 {
        %dma_wait3A_981 = arith.constant 0 : i32
        %dma_wait3A_982 = arith.constant 0 : i32
        %dma_wait3A_983 = arith.constant 0 : i32
        %dma_wait3A_984 = arith.constant 0 : i32
        %dma_wait3A_985 = tpu.memref_slice %arg4[%dma_wait3A_981, %dma_wait3A_983, %dma_wait3A_982, %dma_wait3A_984] : memref<50x4x128x1024xf32, #tpu.memory_space<hbm>> -> memref<1x4x1x1024xf32, #tpu.memory_space<hbm>>
        %dma_wait3A_986 = tpu.memref_squeeze %dma_wait3A_985 : memref<1x4x1x1024xf32, #tpu.memory_space<hbm>> -> memref<4x1024xf32, #tpu.memory_space<hbm>>
        %dma_wait3A_987 = arith.constant 0 : i32
        %dma_wait3A_988 = arith.constant 0 : i32
        %dma_wait3A_989 = tpu.memref_slice %arg4[%dma_wait3A_981, %dma_wait3A_987, %dma_wait3A_982, %dma_wait3A_988] : memref<50x4x128x1024xf32, #tpu.memory_space<hbm>> -> memref<1x4x1x1024xf32, #tpu.memory_space<hbm>>
        %dma_wait3A_990 = tpu.memref_squeeze %dma_wait3A_989 : memref<1x4x1x1024xf32, #tpu.memory_space<hbm>> -> memref<4x1024xf32, #tpu.memory_space<hbm>>
        tpu.wait_dma2 semaphore(%arg16 : memref<!tpu.dma_semaphore, #tpu.memory_space<semaphore_mem>>) src(%arg11 : memref<4x1024xf32, #tpu.memory_space<vmem>>) dst(%dma_wait3A_990 : memref<4x1024xf32, #tpu.memory_space<hbm>>)
      } else {
      }
      %scan3A_962 = arith.constant 0 : i32
      %scan3A_963 = arith.constant 0 : i32
      %scan3A_964 = arith.constant 32 : i32
      %scan3A_965 = arith.addi %scan3A_963, %scan3A_964 : i32
      %scan3A_966 = arith.constant 1 : i32
      scf.for %scan3A_981 = %scan3A_963 to %scan3A_965 step %scan3A_966  : i32 {
        %add3A_982 = vector.broadcast %scan3A_981 : i32 to vector<16xi32>
        %add3A_983 = arith.addi %add3A_982, %iota3A : vector<16xi32>
        %and3A = arith.constant 31 : i32
        %and3A_984 = vector.broadcast %and3A : i32 to vector<16xi32>
        %and3A_985 = arith.andi %add3A_983, %and3A_984 : vector<16xi32>
        %shift_right_arithmetic3A = arith.constant 3 : i32
        %shift_right_arithmetic3A_986 = vector.broadcast %shift_right_arithmetic3A : i32 to vector<16xi32>
        %shift_right_arithmetic3A_987 = arith.shrsi %and3A_985, %shift_right_arithmetic3A_986 : vector<16xi32>
        %and3A_988 = arith.constant 7 : i32
        %and3A_989 = vector.broadcast %and3A_988 : i32 to vector<16xi32>
        %and3A_990 = arith.andi %and3A_985, %and3A_989 : vector<16xi32>
        %shift_left3A = arith.constant 7 : i32
        %shift_left3A_991 = vector.broadcast %shift_left3A : i32 to vector<16xi32>
        %shift_left3A_992 = arith.shli %and3A_990, %shift_left3A_991 : vector<16xi32>
        %add3A_993 = arith.constant 0 : i32
        %add3A_994 = vector.broadcast %add3A_993 : i32 to vector<16xi32>
        %add3A_995 = arith.addi %iota3A, %add3A_994 : vector<16xi32>
        %gather3A_996 = tpu.vector_load_idx %arg9[%add3A_995, %and3A_985] : memref<128x32xf32, #tpu.memory_space<vmem>>[vector<16xi32>, vector<16xi32>], vector<16xf32>,
        %add3A_997 = arith.addi %shift_left3A_992, %iota3A : vector<16xi32>
        %add3A_998 = arith.constant 0 : i32
        %add3A_999 = vector.broadcast %add3A_998 : i32 to vector<16xi32>
        %add3A_1000 = arith.addi %add3A_997, %add3A_999 : vector<16xi32>
        tpu.vector_store_idx %arg11[%shift_right_arithmetic3A_987, %add3A_1000], %gather3A_996 : memref<4x1024xf32, #tpu.memory_space<vmem>>[vector<16xi32>, vector<16xi32>], vector<16xf32>,
        %add3A_1001 = arith.constant 16 : i32
        %add3A_1002 = vector.broadcast %add3A_1001 : i32 to vector<16xi32>
        %add3A_1003 = arith.addi %iota3A, %add3A_1002 : vector<16xi32>
        %gather3A_1004 = tpu.vector_load_idx %arg9[%add3A_1003, %and3A_985] : memref<128x32xf32, #tpu.memory_space<vmem>>[vector<16xi32>, vector<16xi32>], vector<16xf32>,
        %add3A_1005 = arith.addi %shift_left3A_992, %iota3A : vector<16xi32>
        %add3A_1006 = arith.constant 16 : i32
        %add3A_1007 = vector.broadcast %add3A_1006 : i32 to vector<16xi32>
        %add3A_1008 = arith.addi %add3A_1005, %add3A_1007 : vector<16xi32>
        tpu.vector_store_idx %arg11[%shift_right_arithmetic3A_987, %add3A_1008], %gather3A_1004 : memref<4x1024xf32, #tpu.memory_space<vmem>>[vector<16xi32>, vector<16xi32>], vector<16xf32>,
        %add3A_1009 = arith.constant 32 : i32
        %add3A_1010 = vector.broadcast %add3A_1009 : i32 to vector<16xi32>
        %add3A_1011 = arith.addi %iota3A, %add3A_1010 : vector<16xi32>
        %gather3A_1012 = tpu.vector_load_idx %arg9[%add3A_1011, %and3A_985] : memref<128x32xf32, #tpu.memory_space<vmem>>[vector<16xi32>, vector<16xi32>], vector<16xf32>,
        %add3A_1013 = arith.addi %shift_left3A_992, %iota3A : vector<16xi32>
        %add3A_1014 = arith.constant 32 : i32
        %add3A_1015 = vector.broadcast %add3A_1014 : i32 to vector<16xi32>
        %add3A_1016 = arith.addi %add3A_1013, %add3A_1015 : vector<16xi32>
        tpu.vector_store_idx %arg11[%shift_right_arithmetic3A_987, %add3A_1016], %gather3A_1012 : memref<4x1024xf32, #tpu.memory_space<vmem>>[vector<16xi32>, vector<16xi32>], vector<16xf32>,
        %add3A_1017 = arith.constant 48 : i32
        %add3A_1018 = vector.broadcast %add3A_1017 : i32 to vector<16xi32>
        %add3A_1019 = arith.addi %iota3A, %add3A_1018 : vector<16xi32>
        %gather3A_1020 = tpu.vector_load_idx %arg9[%add3A_1019, %and3A_985] : memref<128x32xf32, #tpu.memory_space<vmem>>[vector<16xi32>, vector<16xi32>], vector<16xf32>,
        %add3A_1021 = arith.addi %shift_left3A_992, %iota3A : vector<16xi32>
        %add3A_1022 = arith.constant 48 : i32
        %add3A_1023 = vector.broadcast %add3A_1022 : i32 to vector<16xi32>
        %add3A_1024 = arith.addi %add3A_1021, %add3A_1023 : vector<16xi32>
        tpu.vector_store_idx %arg11[%shift_right_arithmetic3A_987, %add3A_1024], %gather3A_1020 : memref<4x1024xf32, #tpu.memory_space<vmem>>[vector<16xi32>, vector<16xi32>], vector<16xf32>,
        %add3A_1025 = arith.constant 64 : i32
        %add3A_1026 = vector.broadcast %add3A_1025 : i32 to vector<16xi32>
        %add3A_1027 = arith.addi %iota3A, %add3A_1026 : vector<16xi32>
        %gather3A_1028 = tpu.vector_load_idx %arg9[%add3A_1027, %and3A_985] : memref<128x32xf32, #tpu.memory_space<vmem>>[vector<16xi32>, vector<16xi32>], vector<16xf32>,
        %add3A_1029 = arith.addi %shift_left3A_992, %iota3A : vector<16xi32>
        %add3A_1030 = arith.constant 64 : i32
        %add3A_1031 = vector.broadcast %add3A_1030 : i32 to vector<16xi32>
        %add3A_1032 = arith.addi %add3A_1029, %add3A_1031 : vector<16xi32>
        tpu.vector_store_idx %arg11[%shift_right_arithmetic3A_987, %add3A_1032], %gather3A_1028 : memref<4x1024xf32, #tpu.memory_space<vmem>>[vector<16xi32>, vector<16xi32>], vector<16xf32>,
        %add3A_1033 = arith.constant 80 : i32
        %add3A_1034 = vector.broadcast %add3A_1033 : i32 to vector<16xi32>
        %add3A_1035 = arith.addi %iota3A, %add3A_1034 : vector<16xi32>
        %gather3A_1036 = tpu.vector_load_idx %arg9[%add3A_1035, %and3A_985] : memref<128x32xf32, #tpu.memory_space<vmem>>[vector<16xi32>, vector<16xi32>], vector<16xf32>,
        %add3A_1037 = arith.addi %shift_left3A_992, %iota3A : vector<16xi32>
        %add3A_1038 = arith.constant 80 : i32
        %add3A_1039 = vector.broadcast %add3A_1038 : i32 to vector<16xi32>
        %add3A_1040 = arith.addi %add3A_1037, %add3A_1039 : vector<16xi32>
        tpu.vector_store_idx %arg11[%shift_right_arithmetic3A_987, %add3A_1040], %gather3A_1036 : memref<4x1024xf32, #tpu.memory_space<vmem>>[vector<16xi32>, vector<16xi32>], vector<16xf32>,
        %add3A_1041 = arith.constant 96 : i32
        %add3A_1042 = vector.broadcast %add3A_1041 : i32 to vector<16xi32>
        %add3A_1043 = arith.addi %iota3A, %add3A_1042 : vector<16xi32>
        %gather3A_1044 = tpu.vector_load_idx %arg9[%add3A_1043, %and3A_985] : memref<128x32xf32, #tpu.memory_space<vmem>>[vector<16xi32>, vector<16xi32>], vector<16xf32>,
        %add3A_1045 = arith.addi %shift_left3A_992, %iota3A : vector<16xi32>
        %add3A_1046 = arith.constant 96 : i32
        %add3A_1047 = vector.broadcast %add3A_1046 : i32 to vector<16xi32>
        %add3A_1048 = arith.addi %add3A_1045, %add3A_1047 : vector<16xi32>
        tpu.vector_store_idx %arg11[%shift_right_arithmetic3A_987, %add3A_1048], %gather3A_1044 : memref<4x1024xf32, #tpu.memory_space<vmem>>[vector<16xi32>, vector<16xi32>], vector<16xf32>,
        %add3A_1049 = arith.constant 112 : i32
        %add3A_1050 = vector.broadcast %add3A_1049 : i32 to vector<16xi32>
        %add3A_1051 = arith.addi %iota3A, %add3A_1050 : vector<16xi32>
        %gather3A_1052 = tpu.vector_load_idx %arg9[%add3A_1051, %and3A_985] : memref<128x32xf32, #tpu.memory_space<vmem>>[vector<16xi32>, vector<16xi32>], vector<16xf32>,
        %add3A_1053 = arith.addi %shift_left3A_992, %iota3A : vector<16xi32>
        %add3A_1054 = arith.constant 112 : i32
        %add3A_1055 = vector.broadcast %add3A_1054 : i32 to vector<16xi32>
        %add3A_1056 = arith.addi %add3A_1053, %add3A_1055 : vector<16xi32>
        tpu.vector_store_idx %arg11[%shift_right_arithmetic3A_987, %add3A_1056], %gather3A_1052 : memref<4x1024xf32, #tpu.memory_space<vmem>>[vector<16xi32>, vector<16xi32>], vector<16xf32>,
      }
      %scan3A_967 = arith.constant 32 : i32
      %dma_start3A_968 = arith.constant 0 : i32
      %dma_start3A_969 = arith.constant 0 : i32
      %dma_start3A_970 = tpu.memref_slice %arg4[%add3A_953, %dma_start3A_968, %add3A_4, %dma_start3A_969] : memref<50x4x128x1024xf32, #tpu.memory_space<hbm>> -> memref<1x4x1x1024xf32, #tpu.memory_space<hbm>>
      %dma_start3A_971 = tpu.memref_squeeze %dma_start3A_970 : memref<1x4x1x1024xf32, #tpu.memory_space<hbm>> -> memref<4x1024xf32, #tpu.memory_space<hbm>>
      %dma_start3A_972 = arith.constant 0 : i32
      %dma_start3A_973 = arith.constant 0 : i32
      %dma_start3A_974 = tpu.memref_slice %arg4[%add3A_953, %dma_start3A_972, %add3A_4, %dma_start3A_973] : memref<50x4x128x1024xf32, #tpu.memory_space<hbm>> -> memref<1x4x1x1024xf32, #tpu.memory_space<hbm>>
      %dma_start3A_975 = tpu.memref_squeeze %dma_start3A_974 : memref<1x4x1x1024xf32, #tpu.memory_space<hbm>> -> memref<4x1024xf32, #tpu.memory_space<hbm>>
      tpu.enqueue_dma source(%arg11 : memref<4x1024xf32, #tpu.memory_space<vmem>>) target(%dma_start3A_975 : memref<4x1024xf32, #tpu.memory_space<hbm>>) target_semaphore(%arg16 : memref<!tpu.dma_semaphore, #tpu.memory_space<semaphore_mem>>)
      %lt3A_976 = arith.constant 24 : i32
      %lt3A_977 = arith.cmpi slt, %scan3A_924, %lt3A_976 : i32
      %convert_element_type3A_978 = arith.extui %lt3A_977 : i1 to i32
      %cond3A_979 = arith.constant 0 : i32
      %cond3A_980 = arith.cmpi ne, %convert_element_type3A_978, %cond3A_979 : i32
      scf.if %cond3A_980 {
        %add3A_981 = arith.constant 2 : i32
        %add3A_982 = arith.addi %add3A_953, %add3A_981 : i32
        %add3A_983 = arith.constant 0 : i32
        %add3A_984 = vector.broadcast %add3A_983 : i32 to vector<16xi32>
        %add3A_985 = arith.addi %iota3A, %add3A_984 : vector<16xi32>
        %mul3A_986 = arith.constant 50 : i32
        %mul3A_987 = vector.broadcast %mul3A_986 : i32 to vector<16xi32>
        %mul3A_988 = arith.muli %add3A_985, %mul3A_987 : vector<16xi32>
        %add3A_989 = vector.broadcast %add3A_982 : i32 to vector<16xi32>
        %add3A_990 = arith.addi %mul3A_988, %add3A_989 : vector<16xi32>
        %gather3A_991 = tpu.vector_load_idx %arg5[%add3A_990] : memref<6400xi32, #tpu.memory_space<vmem>>[vector<16xi32>], vector<16xi32>,
        %swap3A_992 = arith.constant 0 : index
        %swap3A_993 = tpu.vector_load %arg7[%swap3A_992] {strides = array<i32>} : memref<128xi32, #tpu.memory_space<vmem>>, vector<16xi32>,
        tpu.vector_store %arg7[%swap3A_992], %gather3A_991 {strides = array<i32>} : memref<128xi32, #tpu.memory_space<vmem>>, vector<16xi32>,
        %add3A_994 = arith.constant 16 : i32
        %add3A_995 = vector.broadcast %add3A_994 : i32 to vector<16xi32>
        %add3A_996 = arith.addi %iota3A, %add3A_995 : vector<16xi32>
        %mul3A_997 = arith.constant 50 : i32
        %mul3A_998 = vector.broadcast %mul3A_997 : i32 to vector<16xi32>
        %mul3A_999 = arith.muli %add3A_996, %mul3A_998 : vector<16xi32>
        %add3A_1000 = vector.broadcast %add3A_982 : i32 to vector<16xi32>
        %add3A_1001 = arith.addi %mul3A_999, %add3A_1000 : vector<16xi32>
        %gather3A_1002 = tpu.vector_load_idx %arg5[%add3A_1001] : memref<6400xi32, #tpu.memory_space<vmem>>[vector<16xi32>], vector<16xi32>,
        %swap3A_1003 = arith.constant 16 : index
        %swap3A_1004 = tpu.vector_load %arg7[%swap3A_1003] {strides = array<i32>} : memref<128xi32, #tpu.memory_space<vmem>>, vector<16xi32>,
        tpu.vector_store %arg7[%swap3A_1003], %gather3A_1002 {strides = array<i32>} : memref<128xi32, #tpu.memory_space<vmem>>, vector<16xi32>,
        %add3A_1005 = arith.constant 32 : i32
        %add3A_1006 = vector.broadcast %add3A_1005 : i32 to vector<16xi32>
        %add3A_1007 = arith.addi %iota3A, %add3A_1006 : vector<16xi32>
        %mul3A_1008 = arith.constant 50 : i32
        %mul3A_1009 = vector.broadcast %mul3A_1008 : i32 to vector<16xi32>
        %mul3A_1010 = arith.muli %add3A_1007, %mul3A_1009 : vector<16xi32>
        %add3A_1011 = vector.broadcast %add3A_982 : i32 to vector<16xi32>
        %add3A_1012 = arith.addi %mul3A_1010, %add3A_1011 : vector<16xi32>
        %gather3A_1013 = tpu.vector_load_idx %arg5[%add3A_1012] : memref<6400xi32, #tpu.memory_space<vmem>>[vector<16xi32>], vector<16xi32>,
        %swap3A_1014 = arith.constant 32 : index
        %swap3A_1015 = tpu.vector_load %arg7[%swap3A_1014] {strides = array<i32>} : memref<128xi32, #tpu.memory_space<vmem>>, vector<16xi32>,
        tpu.vector_store %arg7[%swap3A_1014], %gather3A_1013 {strides = array<i32>} : memref<128xi32, #tpu.memory_space<vmem>>, vector<16xi32>,
        %add3A_1016 = arith.constant 48 : i32
        %add3A_1017 = vector.broadcast %add3A_1016 : i32 to vector<16xi32>
        %add3A_1018 = arith.addi %iota3A, %add3A_1017 : vector<16xi32>
        %mul3A_1019 = arith.constant 50 : i32
        %mul3A_1020 = vector.broadcast %mul3A_1019 : i32 to vector<16xi32>
        %mul3A_1021 = arith.muli %add3A_1018, %mul3A_1020 : vector<16xi32>
        %add3A_1022 = vector.broadcast %add3A_982 : i32 to vector<16xi32>
        %add3A_1023 = arith.addi %mul3A_1021, %add3A_1022 : vector<16xi32>
        %gather3A_1024 = tpu.vector_load_idx %arg5[%add3A_1023] : memref<6400xi32, #tpu.memory_space<vmem>>[vector<16xi32>], vector<16xi32>,
        %swap3A_1025 = arith.constant 48 : index
        %swap3A_1026 = tpu.vector_load %arg7[%swap3A_1025] {strides = array<i32>} : memref<128xi32, #tpu.memory_space<vmem>>, vector<16xi32>,
        tpu.vector_store %arg7[%swap3A_1025], %gather3A_1024 {strides = array<i32>} : memref<128xi32, #tpu.memory_space<vmem>>, vector<16xi32>,
        %add3A_1027 = arith.constant 64 : i32
        %add3A_1028 = vector.broadcast %add3A_1027 : i32 to vector<16xi32>
        %add3A_1029 = arith.addi %iota3A, %add3A_1028 : vector<16xi32>
        %mul3A_1030 = arith.constant 50 : i32
        %mul3A_1031 = vector.broadcast %mul3A_1030 : i32 to vector<16xi32>
        %mul3A_1032 = arith.muli %add3A_1029, %mul3A_1031 : vector<16xi32>
        %add3A_1033 = vector.broadcast %add3A_982 : i32 to vector<16xi32>
        %add3A_1034 = arith.addi %mul3A_1032, %add3A_1033 : vector<16xi32>
        %gather3A_1035 = tpu.vector_load_idx %arg5[%add3A_1034] : memref<6400xi32, #tpu.memory_space<vmem>>[vector<16xi32>], vector<16xi32>,
        %swap3A_1036 = arith.constant 64 : index
        %swap3A_1037 = tpu.vector_load %arg7[%swap3A_1036] {strides = array<i32>} : memref<128xi32, #tpu.memory_space<vmem>>, vector<16xi32>,
        tpu.vector_store %arg7[%swap3A_1036], %gather3A_1035 {strides = array<i32>} : memref<128xi32, #tpu.memory_space<vmem>>, vector<16xi32>,
        %add3A_1038 = arith.constant 80 : i32
        %add3A_1039 = vector.broadcast %add3A_1038 : i32 to vector<16xi32>
        %add3A_1040 = arith.addi %iota3A, %add3A_1039 : vector<16xi32>
        %mul3A_1041 = arith.constant 50 : i32
        %mul3A_1042 = vector.broadcast %mul3A_1041 : i32 to vector<16xi32>
        %mul3A_1043 = arith.muli %add3A_1040, %mul3A_1042 : vector<16xi32>
        %add3A_1044 = vector.broadcast %add3A_982 : i32 to vector<16xi32>
        %add3A_1045 = arith.addi %mul3A_1043, %add3A_1044 : vector<16xi32>
        %gather3A_1046 = tpu.vector_load_idx %arg5[%add3A_1045] : memref<6400xi32, #tpu.memory_space<vmem>>[vector<16xi32>], vector<16xi32>,
        %swap3A_1047 = arith.constant 80 : index
        %swap3A_1048 = tpu.vector_load %arg7[%swap3A_1047] {strides = array<i32>} : memref<128xi32, #tpu.memory_space<vmem>>, vector<16xi32>,
        tpu.vector_store %arg7[%swap3A_1047], %gather3A_1046 {strides = array<i32>} : memref<128xi32, #tpu.memory_space<vmem>>, vector<16xi32>,
        %add3A_1049 = arith.constant 96 : i32
        %add3A_1050 = vector.broadcast %add3A_1049 : i32 to vector<16xi32>
        %add3A_1051 = arith.addi %iota3A, %add3A_1050 : vector<16xi32>
        %mul3A_1052 = arith.constant 50 : i32
        %mul3A_1053 = vector.broadcast %mul3A_1052 : i32 to vector<16xi32>
        %mul3A_1054 = arith.muli %add3A_1051, %mul3A_1053 : vector<16xi32>
        %add3A_1055 = vector.broadcast %add3A_982 : i32 to vector<16xi32>
        %add3A_1056 = arith.addi %mul3A_1054, %add3A_1055 : vector<16xi32>
        %gather3A_1057 = tpu.vector_load_idx %arg5[%add3A_1056] : memref<6400xi32, #tpu.memory_space<vmem>>[vector<16xi32>], vector<16xi32>,
        %swap3A_1058 = arith.constant 96 : index
        %swap3A_1059 = tpu.vector_load %arg7[%swap3A_1058] {strides = array<i32>} : memref<128xi32, #tpu.memory_space<vmem>>, vector<16xi32>,
        tpu.vector_store %arg7[%swap3A_1058], %gather3A_1057 {strides = array<i32>} : memref<128xi32, #tpu.memory_space<vmem>>, vector<16xi32>,
        %add3A_1060 = arith.constant 112 : i32
        %add3A_1061 = vector.broadcast %add3A_1060 : i32 to vector<16xi32>
        %add3A_1062 = arith.addi %iota3A, %add3A_1061 : vector<16xi32>
        %mul3A_1063 = arith.constant 50 : i32
        %mul3A_1064 = vector.broadcast %mul3A_1063 : i32 to vector<16xi32>
        %mul3A_1065 = arith.muli %add3A_1062, %mul3A_1064 : vector<16xi32>
        %add3A_1066 = vector.broadcast %add3A_982 : i32 to vector<16xi32>
        %add3A_1067 = arith.addi %mul3A_1065, %add3A_1066 : vector<16xi32>
        %gather3A_1068 = tpu.vector_load_idx %arg5[%add3A_1067] : memref<6400xi32, #tpu.memory_space<vmem>>[vector<16xi32>], vector<16xi32>,
        %swap3A_1069 = arith.constant 112 : index
        %swap3A_1070 = tpu.vector_load %arg7[%swap3A_1069] {strides = array<i32>} : memref<128xi32, #tpu.memory_space<vmem>>, vector<16xi32>,
        tpu.vector_store %arg7[%swap3A_1069], %gather3A_1068 {strides = array<i32>} : memref<128xi32, #tpu.memory_space<vmem>>, vector<16xi32>,
        %dma_start3A_1071 = arith.constant 0 : i32
        %dma_start3A_1072 = arith.constant 0 : i32
        %dma_start3A_1073 = tpu.memref_slice %arg3[%dma_start3A_1071, %dma_start3A_1072] : memref<1000000x32xf32, #tpu.memory_space<hbm>> -> memref<1000000x32xf32, #tpu.memory_space<hbm>>
        tpu.enqueue_indirect_dma source(%dma_start3A_1073 : memref<1000000x32xf32, #tpu.memory_space<hbm>>) target(%arg9 : memref<128x32xf32, #tpu.memory_space<vmem>>) offsets(%arg7 : memref<128xi32, #tpu.memory_space<vmem>>) semaphore(%arg14 : memref<!tpu.dma_semaphore, #tpu.memory_space<semaphore_mem>>)
      } else {
      }
    }
    %scan3A_208 = arith.constant 25 : i32
    %dma_wait3A = arith.constant 0 : i32
    %dma_wait3A_209 = arith.constant 0 : i32
    %dma_wait3A_210 = arith.constant 0 : i32
    %dma_wait3A_211 = arith.constant 0 : i32
    %dma_wait3A_212 = tpu.memref_slice %arg4[%dma_wait3A, %dma_wait3A_210, %dma_wait3A_209, %dma_wait3A_211] : memref<50x4x128x1024xf32, #tpu.memory_space<hbm>> -> memref<1x4x1x1024xf32, #tpu.memory_space<hbm>>
    %dma_wait3A_213 = tpu.memref_squeeze %dma_wait3A_212 : memref<1x4x1x1024xf32, #tpu.memory_space<hbm>> -> memref<4x1024xf32, #tpu.memory_space<hbm>>
    %dma_wait3A_214 = arith.constant 0 : i32
    %dma_wait3A_215 = arith.constant 0 : i32
    %dma_wait3A_216 = tpu.memref_slice %arg4[%dma_wait3A, %dma_wait3A_214, %dma_wait3A_209, %dma_wait3A_215] : memref<50x4x128x1024xf32, #tpu.memory_space<hbm>> -> memref<1x4x1x1024xf32, #tpu.memory_space<hbm>>
    %dma_wait3A_217 = tpu.memref_squeeze %dma_wait3A_216 : memref<1x4x1x1024xf32, #tpu.memory_space<hbm>> -> memref<4x1024xf32, #tpu.memory_space<hbm>>
    tpu.wait_dma2 semaphore(%arg15 : memref<!tpu.dma_semaphore, #tpu.memory_space<semaphore_mem>>) src(%arg10 : memref<4x1024xf32, #tpu.memory_space<vmem>>) dst(%dma_wait3A_217 : memref<4x1024xf32, #tpu.memory_space<hbm>>)
    %dma_wait3A_218 = arith.constant 0 : i32
    %dma_wait3A_219 = arith.constant 0 : i32
    %dma_wait3A_220 = arith.constant 0 : i32
    %dma_wait3A_221 = arith.constant 0 : i32
    %dma_wait3A_222 = tpu.memref_slice %arg4[%dma_wait3A_218, %dma_wait3A_220, %dma_wait3A_219, %dma_wait3A_221] : memref<50x4x128x1024xf32, #tpu.memory_space<hbm>> -> memref<1x4x1x1024xf32, #tpu.memory_space<hbm>>
    %dma_wait3A_223 = tpu.memref_squeeze %dma_wait3A_222 : memref<1x4x1x1024xf32, #tpu.memory_space<hbm>> -> memref<4x1024xf32, #tpu.memory_space<hbm>>
    %dma_wait3A_224 = arith.constant 0 : i32
    %dma_wait3A_225 = arith.constant 0 : i32
    %dma_wait3A_226 = tpu.memref_slice %arg4[%dma_wait3A_218, %dma_wait3A_224, %dma_wait3A_219, %dma_wait3A_225] : memref<50x4x128x1024xf32, #tpu.memory_space<hbm>> -> memref<1x4x1x1024xf32, #tpu.memory_space<hbm>>
    %dma_wait3A_227 = tpu.memref_squeeze %dma_wait3A_226 : memref<1x4x1x1024xf32, #tpu.memory_space<hbm>> -> memref<4x1024xf32, #tpu.memory_space<hbm>>
    tpu.wait_dma2 semaphore(%arg16 : memref<!tpu.dma_semaphore, #tpu.memory_space<semaphore_mem>>) src(%arg11 : memref<4x1024xf32, #tpu.memory_space<vmem>>) dst(%dma_wait3A_227 : memref<4x1024xf32, #tpu.memory_space<hbm>>)
    %mul3A_228 = arith.constant 4 : i32
    %mul3A_229 = arith.muli %add3A, %mul3A_228 : i32
    %add3A_230 = arith.constant 1 : i32
    %add3A_231 = arith.addi %mul3A_229, %add3A_230 : i32
    %mul3A_232 = arith.constant 128 : i32
    %mul3A_233 = arith.muli %add3A_231, %mul3A_232 : i32
    %mul3A_234 = arith.constant 50 : i32
    %mul3A_235 = arith.muli %mul3A_233, %mul3A_234 : i32
    "tpu.region"() ({
      %run_scoped3A = tpu.sem_alloc : memref<!tpu.dma_semaphore, #tpu.memory_space<semaphore_mem>>
      %dma_start3A_924 = tpu.memref_slice %arg2[%mul3A_235] : memref<819200xi32, #tpu.memory_space<hbm>> -> memref<6400xi32, #tpu.memory_space<hbm>>
      %dma_start3A_925 = tpu.memref_slice %arg2[%mul3A_235] : memref<819200xi32, #tpu.memory_space<hbm>> -> memref<6400xi32, #tpu.memory_space<hbm>>
      tpu.enqueue_dma source(%dma_start3A_925 : memref<6400xi32, #tpu.memory_space<hbm>>) target(%arg5 : memref<6400xi32, #tpu.memory_space<vmem>>) target_semaphore(%run_scoped3A : memref<!tpu.dma_semaphore, #tpu.memory_space<semaphore_mem>>)
      %dma_wait3A_926 = tpu.memref_slice %arg2[%mul3A_235] : memref<819200xi32, #tpu.memory_space<hbm>> -> memref<6400xi32, #tpu.memory_space<hbm>>
      %dma_wait3A_927 = tpu.memref_slice %arg2[%mul3A_235] : memref<819200xi32, #tpu.memory_space<hbm>> -> memref<6400xi32, #tpu.memory_space<hbm>>
      tpu.wait_dma2 semaphore(%run_scoped3A : memref<!tpu.dma_semaphore, #tpu.memory_space<semaphore_mem>>) src(%dma_wait3A_927 : memref<6400xi32, #tpu.memory_space<hbm>>) dst(%arg5 : memref<6400xi32, #tpu.memory_space<vmem>>)
      tpu.yield
    }) : () -> ()
    %add3A_236 = arith.constant 0 : i32
    %add3A_237 = vector.broadcast %add3A_236 : i32 to vector<16xi32>
    %add3A_238 = arith.addi %iota3A, %add3A_237 : vector<16xi32>
    %mul3A_239 = arith.constant 50 : i32
    %mul3A_240 = vector.broadcast %mul3A_239 : i32 to vector<16xi32>
    %mul3A_241 = arith.muli %add3A_238, %mul3A_240 : vector<16xi32>
    %add3A_242 = arith.constant 0 : i32
    %add3A_243 = vector.broadcast %add3A_242 : i32 to vector<16xi32>
    %add3A_244 = arith.addi %mul3A_241, %add3A_243 : vector<16xi32>
    %gather3A_245 = tpu.vector_load_idx %arg5[%add3A_244] : memref<6400xi32, #tpu.memory_space<vmem>>[vector<16xi32>], vector<16xi32>,
    %swap3A_246 = arith.constant 0 : index
    %swap3A_247 = tpu.vector_load %arg6[%swap3A_246] {strides = array<i32>} : memref<128xi32, #tpu.memory_space<vmem>>, vector<16xi32>,
    tpu.vector_store %arg6[%swap3A_246], %gather3A_245 {strides = array<i32>} : memref<128xi32, #tpu.memory_space<vmem>>, vector<16xi32>,
    %add3A_248 = arith.constant 16 : i32
    %add3A_249 = vector.broadcast %add3A_248 : i32 to vector<16xi32>
    %add3A_250 = arith.addi %iota3A, %add3A_249 : vector<16xi32>
    %mul3A_251 = arith.constant 50 : i32
    %mul3A_252 = vector.broadcast %mul3A_251 : i32 to vector<16xi32>
    %mul3A_253 = arith.muli %add3A_250, %mul3A_252 : vector<16xi32>
    %add3A_254 = arith.constant 0 : i32
    %add3A_255 = vector.broadcast %add3A_254 : i32 to vector<16xi32>
    %add3A_256 = arith.addi %mul3A_253, %add3A_255 : vector<16xi32>
    %gather3A_257 = tpu.vector_load_idx %arg5[%add3A_256] : memref<6400xi32, #tpu.memory_space<vmem>>[vector<16xi32>], vector<16xi32>,
    %swap3A_258 = arith.constant 16 : index
    %swap3A_259 = tpu.vector_load %arg6[%swap3A_258] {strides = array<i32>} : memref<128xi32, #tpu.memory_space<vmem>>, vector<16xi32>,
    tpu.vector_store %arg6[%swap3A_258], %gather3A_257 {strides = array<i32>} : memref<128xi32, #tpu.memory_space<vmem>>, vector<16xi32>,
    %add3A_260 = arith.constant 32 : i32
    %add3A_261 = vector.broadcast %add3A_260 : i32 to vector<16xi32>
    %add3A_262 = arith.addi %iota3A, %add3A_261 : vector<16xi32>
    %mul3A_263 = arith.constant 50 : i32
    %mul3A_264 = vector.broadcast %mul3A_263 : i32 to vector<16xi32>
    %mul3A_265 = arith.muli %add3A_262, %mul3A_264 : vector<16xi32>
    %add3A_266 = arith.constant 0 : i32
    %add3A_267 = vector.broadcast %add3A_266 : i32 to vector<16xi32>
    %add3A_268 = arith.addi %mul3A_265, %add3A_267 : vector<16xi32>
    %gather3A_269 = tpu.vector_load_idx %arg5[%add3A_268] : memref<6400xi32, #tpu.memory_space<vmem>>[vector<16xi32>], vector<16xi32>,
    %swap3A_270 = arith.constant 32 : index
    %swap3A_271 = tpu.vector_load %arg6[%swap3A_270] {strides = array<i32>} : memref<128xi32, #tpu.memory_space<vmem>>, vector<16xi32>,
    tpu.vector_store %arg6[%swap3A_270], %gather3A_269 {strides = array<i32>} : memref<128xi32, #tpu.memory_space<vmem>>, vector<16xi32>,
    %add3A_272 = arith.constant 48 : i32
    %add3A_273 = vector.broadcast %add3A_272 : i32 to vector<16xi32>
    %add3A_274 = arith.addi %iota3A, %add3A_273 : vector<16xi32>
    %mul3A_275 = arith.constant 50 : i32
    %mul3A_276 = vector.broadcast %mul3A_275 : i32 to vector<16xi32>
    %mul3A_277 = arith.muli %add3A_274, %mul3A_276 : vector<16xi32>
    %add3A_278 = arith.constant 0 : i32
    %add3A_279 = vector.broadcast %add3A_278 : i32 to vector<16xi32>
    %add3A_280 = arith.addi %mul3A_277, %add3A_279 : vector<16xi32>
    %gather3A_281 = tpu.vector_load_idx %arg5[%add3A_280] : memref<6400xi32, #tpu.memory_space<vmem>>[vector<16xi32>], vector<16xi32>,
    %swap3A_282 = arith.constant 48 : index
    %swap3A_283 = tpu.vector_load %arg6[%swap3A_282] {strides = array<i32>} : memref<128xi32, #tpu.memory_space<vmem>>, vector<16xi32>,
    tpu.vector_store %arg6[%swap3A_282], %gather3A_281 {strides = array<i32>} : memref<128xi32, #tpu.memory_space<vmem>>, vector<16xi32>,
    %add3A_284 = arith.constant 64 : i32
    %add3A_285 = vector.broadcast %add3A_284 : i32 to vector<16xi32>
    %add3A_286 = arith.addi %iota3A, %add3A_285 : vector<16xi32>
    %mul3A_287 = arith.constant 50 : i32
    %mul3A_288 = vector.broadcast %mul3A_287 : i32 to vector<16xi32>
    %mul3A_289 = arith.muli %add3A_286, %mul3A_288 : vector<16xi32>
    %add3A_290 = arith.constant 0 : i32
    %add3A_291 = vector.broadcast %add3A_290 : i32 to vector<16xi32>
    %add3A_292 = arith.addi %mul3A_289, %add3A_291 : vector<16xi32>
    %gather3A_293 = tpu.vector_load_idx %arg5[%add3A_292] : memref<6400xi32, #tpu.memory_space<vmem>>[vector<16xi32>], vector<16xi32>,
    %swap3A_294 = arith.constant 64 : index
    %swap3A_295 = tpu.vector_load %arg6[%swap3A_294] {strides = array<i32>} : memref<128xi32, #tpu.memory_space<vmem>>, vector<16xi32>,
    tpu.vector_store %arg6[%swap3A_294], %gather3A_293 {strides = array<i32>} : memref<128xi32, #tpu.memory_space<vmem>>, vector<16xi32>,
    %add3A_296 = arith.constant 80 : i32
    %add3A_297 = vector.broadcast %add3A_296 : i32 to vector<16xi32>
    %add3A_298 = arith.addi %iota3A, %add3A_297 : vector<16xi32>
    %mul3A_299 = arith.constant 50 : i32
    %mul3A_300 = vector.broadcast %mul3A_299 : i32 to vector<16xi32>
    %mul3A_301 = arith.muli %add3A_298, %mul3A_300 : vector<16xi32>
    %add3A_302 = arith.constant 0 : i32
    %add3A_303 = vector.broadcast %add3A_302 : i32 to vector<16xi32>
    %add3A_304 = arith.addi %mul3A_301, %add3A_303 : vector<16xi32>
    %gather3A_305 = tpu.vector_load_idx %arg5[%add3A_304] : memref<6400xi32, #tpu.memory_space<vmem>>[vector<16xi32>], vector<16xi32>,
    %swap3A_306 = arith.constant 80 : index
    %swap3A_307 = tpu.vector_load %arg6[%swap3A_306] {strides = array<i32>} : memref<128xi32, #tpu.memory_space<vmem>>, vector<16xi32>,
    tpu.vector_store %arg6[%swap3A_306], %gather3A_305 {strides = array<i32>} : memref<128xi32, #tpu.memory_space<vmem>>, vector<16xi32>,
    %add3A_308 = arith.constant 96 : i32
    %add3A_309 = vector.broadcast %add3A_308 : i32 to vector<16xi32>
    %add3A_310 = arith.addi %iota3A, %add3A_309 : vector<16xi32>
    %mul3A_311 = arith.constant 50 : i32
    %mul3A_312 = vector.broadcast %mul3A_311 : i32 to vector<16xi32>
    %mul3A_313 = arith.muli %add3A_310, %mul3A_312 : vector<16xi32>
    %add3A_314 = arith.constant 0 : i32
    %add3A_315 = vector.broadcast %add3A_314 : i32 to vector<16xi32>
    %add3A_316 = arith.addi %mul3A_313, %add3A_315 : vector<16xi32>
    %gather3A_317 = tpu.vector_load_idx %arg5[%add3A_316] : memref<6400xi32, #tpu.memory_space<vmem>>[vector<16xi32>], vector<16xi32>,
    %swap3A_318 = arith.constant 96 : index
    %swap3A_319 = tpu.vector_load %arg6[%swap3A_318] {strides = array<i32>} : memref<128xi32, #tpu.memory_space<vmem>>, vector<16xi32>,
    tpu.vector_store %arg6[%swap3A_318], %gather3A_317 {strides = array<i32>} : memref<128xi32, #tpu.memory_space<vmem>>, vector<16xi32>,
    %add3A_320 = arith.constant 112 : i32
    %add3A_321 = vector.broadcast %add3A_320 : i32 to vector<16xi32>
    %add3A_322 = arith.addi %iota3A, %add3A_321 : vector<16xi32>
    %mul3A_323 = arith.constant 50 : i32
    %mul3A_324 = vector.broadcast %mul3A_323 : i32 to vector<16xi32>
    %mul3A_325 = arith.muli %add3A_322, %mul3A_324 : vector<16xi32>
    %add3A_326 = arith.constant 0 : i32
    %add3A_327 = vector.broadcast %add3A_326 : i32 to vector<16xi32>
    %add3A_328 = arith.addi %mul3A_325, %add3A_327 : vector<16xi32>
    %gather3A_329 = tpu.vector_load_idx %arg5[%add3A_328] : memref<6400xi32, #tpu.memory_space<vmem>>[vector<16xi32>], vector<16xi32>,
    %swap3A_330 = arith.constant 112 : index
    %swap3A_331 = tpu.vector_load %arg6[%swap3A_330] {strides = array<i32>} : memref<128xi32, #tpu.memory_space<vmem>>, vector<16xi32>,
    tpu.vector_store %arg6[%swap3A_330], %gather3A_329 {strides = array<i32>} : memref<128xi32, #tpu.memory_space<vmem>>, vector<16xi32>,
    %dma_start3A_332 = arith.constant 0 : i32
    %dma_start3A_333 = arith.constant 0 : i32
    %dma_start3A_334 = tpu.memref_slice %arg3[%dma_start3A_332, %dma_start3A_333] : memref<1000000x32xf32, #tpu.memory_space<hbm>> -> memref<1000000x32xf32, #tpu.memory_space<hbm>>
    tpu.enqueue_indirect_dma source(%dma_start3A_334 : memref<1000000x32xf32, #tpu.memory_space<hbm>>) target(%arg8 : memref<128x32xf32, #tpu.memory_space<vmem>>) offsets(%arg6 : memref<128xi32, #tpu.memory_space<vmem>>) semaphore(%arg13 : memref<!tpu.dma_semaphore, #tpu.memory_space<semaphore_mem>>)
    %add3A_335 = arith.constant 0 : i32
    %add3A_336 = vector.broadcast %add3A_335 : i32 to vector<16xi32>
    %add3A_337 = arith.addi %iota3A, %add3A_336 : vector<16xi32>
    %mul3A_338 = arith.constant 50 : i32
    %mul3A_339 = vector.broadcast %mul3A_338 : i32 to vector<16xi32>
    %mul3A_340 = arith.muli %add3A_337, %mul3A_339 : vector<16xi32>
    %add3A_341 = arith.constant 1 : i32
    %add3A_342 = vector.broadcast %add3A_341 : i32 to vector<16xi32>
    %add3A_343 = arith.addi %mul3A_340, %add3A_342 : vector<16xi32>
    %gather3A_344 = tpu.vector_load_idx %arg5[%add3A_343] : memref<6400xi32, #tpu.memory_space<vmem>>[vector<16xi32>], vector<16xi32>,
    %swap3A_345 = arith.constant 0 : index
    %swap3A_346 = tpu.vector_load %arg7[%swap3A_345] {strides = array<i32>} : memref<128xi32, #tpu.memory_space<vmem>>, vector<16xi32>,
    tpu.vector_store %arg7[%swap3A_345], %gather3A_344 {strides = array<i32>} : memref<128xi32, #tpu.memory_space<vmem>>, vector<16xi32>,
    %add3A_347 = arith.constant 16 : i32
    %add3A_348 = vector.broadcast %add3A_347 : i32 to vector<16xi32>
    %add3A_349 = arith.addi %iota3A, %add3A_348 : vector<16xi32>
    %mul3A_350 = arith.constant 50 : i32
    %mul3A_351 = vector.broadcast %mul3A_350 : i32 to vector<16xi32>
    %mul3A_352 = arith.muli %add3A_349, %mul3A_351 : vector<16xi32>
    %add3A_353 = arith.constant 1 : i32
    %add3A_354 = vector.broadcast %add3A_353 : i32 to vector<16xi32>
    %add3A_355 = arith.addi %mul3A_352, %add3A_354 : vector<16xi32>
    %gather3A_356 = tpu.vector_load_idx %arg5[%add3A_355] : memref<6400xi32, #tpu.memory_space<vmem>>[vector<16xi32>], vector<16xi32>,
    %swap3A_357 = arith.constant 16 : index
    %swap3A_358 = tpu.vector_load %arg7[%swap3A_357] {strides = array<i32>} : memref<128xi32, #tpu.memory_space<vmem>>, vector<16xi32>,
    tpu.vector_store %arg7[%swap3A_357], %gather3A_356 {strides = array<i32>} : memref<128xi32, #tpu.memory_space<vmem>>, vector<16xi32>,
    %add3A_359 = arith.constant 32 : i32
    %add3A_360 = vector.broadcast %add3A_359 : i32 to vector<16xi32>
    %add3A_361 = arith.addi %iota3A, %add3A_360 : vector<16xi32>
    %mul3A_362 = arith.constant 50 : i32
    %mul3A_363 = vector.broadcast %mul3A_362 : i32 to vector<16xi32>
    %mul3A_364 = arith.muli %add3A_361, %mul3A_363 : vector<16xi32>
    %add3A_365 = arith.constant 1 : i32
    %add3A_366 = vector.broadcast %add3A_365 : i32 to vector<16xi32>
    %add3A_367 = arith.addi %mul3A_364, %add3A_366 : vector<16xi32>
    %gather3A_368 = tpu.vector_load_idx %arg5[%add3A_367] : memref<6400xi32, #tpu.memory_space<vmem>>[vector<16xi32>], vector<16xi32>,
    %swap3A_369 = arith.constant 32 : index
    %swap3A_370 = tpu.vector_load %arg7[%swap3A_369] {strides = array<i32>} : memref<128xi32, #tpu.memory_space<vmem>>, vector<16xi32>,
    tpu.vector_store %arg7[%swap3A_369], %gather3A_368 {strides = array<i32>} : memref<128xi32, #tpu.memory_space<vmem>>, vector<16xi32>,
    %add3A_371 = arith.constant 48 : i32
    %add3A_372 = vector.broadcast %add3A_371 : i32 to vector<16xi32>
    %add3A_373 = arith.addi %iota3A, %add3A_372 : vector<16xi32>
    %mul3A_374 = arith.constant 50 : i32
    %mul3A_375 = vector.broadcast %mul3A_374 : i32 to vector<16xi32>
    %mul3A_376 = arith.muli %add3A_373, %mul3A_375 : vector<16xi32>
    %add3A_377 = arith.constant 1 : i32
    %add3A_378 = vector.broadcast %add3A_377 : i32 to vector<16xi32>
    %add3A_379 = arith.addi %mul3A_376, %add3A_378 : vector<16xi32>
    %gather3A_380 = tpu.vector_load_idx %arg5[%add3A_379] : memref<6400xi32, #tpu.memory_space<vmem>>[vector<16xi32>], vector<16xi32>,
    %swap3A_381 = arith.constant 48 : index
    %swap3A_382 = tpu.vector_load %arg7[%swap3A_381] {strides = array<i32>} : memref<128xi32, #tpu.memory_space<vmem>>, vector<16xi32>,
    tpu.vector_store %arg7[%swap3A_381], %gather3A_380 {strides = array<i32>} : memref<128xi32, #tpu.memory_space<vmem>>, vector<16xi32>,
    %add3A_383 = arith.constant 64 : i32
    %add3A_384 = vector.broadcast %add3A_383 : i32 to vector<16xi32>
    %add3A_385 = arith.addi %iota3A, %add3A_384 : vector<16xi32>
    %mul3A_386 = arith.constant 50 : i32
    %mul3A_387 = vector.broadcast %mul3A_386 : i32 to vector<16xi32>
    %mul3A_388 = arith.muli %add3A_385, %mul3A_387 : vector<16xi32>
    %add3A_389 = arith.constant 1 : i32
    %add3A_390 = vector.broadcast %add3A_389 : i32 to vector<16xi32>
    %add3A_391 = arith.addi %mul3A_388, %add3A_390 : vector<16xi32>
    %gather3A_392 = tpu.vector_load_idx %arg5[%add3A_391] : memref<6400xi32, #tpu.memory_space<vmem>>[vector<16xi32>], vector<16xi32>,
    %swap3A_393 = arith.constant 64 : index
    %swap3A_394 = tpu.vector_load %arg7[%swap3A_393] {strides = array<i32>} : memref<128xi32, #tpu.memory_space<vmem>>, vector<16xi32>,
    tpu.vector_store %arg7[%swap3A_393], %gather3A_392 {strides = array<i32>} : memref<128xi32, #tpu.memory_space<vmem>>, vector<16xi32>,
    %add3A_395 = arith.constant 80 : i32
    %add3A_396 = vector.broadcast %add3A_395 : i32 to vector<16xi32>
    %add3A_397 = arith.addi %iota3A, %add3A_396 : vector<16xi32>
    %mul3A_398 = arith.constant 50 : i32
    %mul3A_399 = vector.broadcast %mul3A_398 : i32 to vector<16xi32>
    %mul3A_400 = arith.muli %add3A_397, %mul3A_399 : vector<16xi32>
    %add3A_401 = arith.constant 1 : i32
    %add3A_402 = vector.broadcast %add3A_401 : i32 to vector<16xi32>
    %add3A_403 = arith.addi %mul3A_400, %add3A_402 : vector<16xi32>
    %gather3A_404 = tpu.vector_load_idx %arg5[%add3A_403] : memref<6400xi32, #tpu.memory_space<vmem>>[vector<16xi32>], vector<16xi32>,
    %swap3A_405 = arith.constant 80 : index
    %swap3A_406 = tpu.vector_load %arg7[%swap3A_405] {strides = array<i32>} : memref<128xi32, #tpu.memory_space<vmem>>, vector<16xi32>,
    tpu.vector_store %arg7[%swap3A_405], %gather3A_404 {strides = array<i32>} : memref<128xi32, #tpu.memory_space<vmem>>, vector<16xi32>,
    %add3A_407 = arith.constant 96 : i32
    %add3A_408 = vector.broadcast %add3A_407 : i32 to vector<16xi32>
    %add3A_409 = arith.addi %iota3A, %add3A_408 : vector<16xi32>
    %mul3A_410 = arith.constant 50 : i32
    %mul3A_411 = vector.broadcast %mul3A_410 : i32 to vector<16xi32>
    %mul3A_412 = arith.muli %add3A_409, %mul3A_411 : vector<16xi32>
    %add3A_413 = arith.constant 1 : i32
    %add3A_414 = vector.broadcast %add3A_413 : i32 to vector<16xi32>
    %add3A_415 = arith.addi %mul3A_412, %add3A_414 : vector<16xi32>
    %gather3A_416 = tpu.vector_load_idx %arg5[%add3A_415] : memref<6400xi32, #tpu.memory_space<vmem>>[vector<16xi32>], vector<16xi32>,
    %swap3A_417 = arith.constant 96 : index
    %swap3A_418 = tpu.vector_load %arg7[%swap3A_417] {strides = array<i32>} : memref<128xi32, #tpu.memory_space<vmem>>, vector<16xi32>,
    tpu.vector_store %arg7[%swap3A_417], %gather3A_416 {strides = array<i32>} : memref<128xi32, #tpu.memory_space<vmem>>, vector<16xi32>,
    %add3A_419 = arith.constant 112 : i32
    %add3A_420 = vector.broadcast %add3A_419 : i32 to vector<16xi32>
    %add3A_421 = arith.addi %iota3A, %add3A_420 : vector<16xi32>
    %mul3A_422 = arith.constant 50 : i32
    %mul3A_423 = vector.broadcast %mul3A_422 : i32 to vector<16xi32>
    %mul3A_424 = arith.muli %add3A_421, %mul3A_423 : vector<16xi32>
    %add3A_425 = arith.constant 1 : i32
    %add3A_426 = vector.broadcast %add3A_425 : i32 to vector<16xi32>
    %add3A_427 = arith.addi %mul3A_424, %add3A_426 : vector<16xi32>
    %gather3A_428 = tpu.vector_load_idx %arg5[%add3A_427] : memref<6400xi32, #tpu.memory_space<vmem>>[vector<16xi32>], vector<16xi32>,
    %swap3A_429 = arith.constant 112 : index
    %swap3A_430 = tpu.vector_load %arg7[%swap3A_429] {strides = array<i32>} : memref<128xi32, #tpu.memory_space<vmem>>, vector<16xi32>,
    tpu.vector_store %arg7[%swap3A_429], %gather3A_428 {strides = array<i32>} : memref<128xi32, #tpu.memory_space<vmem>>, vector<16xi32>,
    %dma_start3A_431 = arith.constant 0 : i32
    %dma_start3A_432 = arith.constant 0 : i32
    %dma_start3A_433 = tpu.memref_slice %arg3[%dma_start3A_431, %dma_start3A_432] : memref<1000000x32xf32, #tpu.memory_space<hbm>> -> memref<1000000x32xf32, #tpu.memory_space<hbm>>
    tpu.enqueue_indirect_dma source(%dma_start3A_433 : memref<1000000x32xf32, #tpu.memory_space<hbm>>) target(%arg9 : memref<128x32xf32, #tpu.memory_space<vmem>>) offsets(%arg7 : memref<128xi32, #tpu.memory_space<vmem>>) semaphore(%arg14 : memref<!tpu.dma_semaphore, #tpu.memory_space<semaphore_mem>>)
    %scan3A_434 = arith.constant 0 : i32
    %scan3A_435 = arith.constant 0 : i32
    %scan3A_436 = arith.constant 25 : i32
    %scan3A_437 = arith.addi %scan3A_435, %scan3A_436 : i32
    %scan3A_438 = arith.constant 1 : i32
    scf.for %scan3A_924 = %scan3A_435 to %scan3A_437 step %scan3A_438  : i32 {
      %mul3A_925 = arith.constant 2 : i32
      %mul3A_926 = arith.muli %mul3A_925, %scan3A_924 : i32
      %dma_wait3A_927 = arith.constant 0 : i32
      %dma_wait3A_928 = arith.constant 0 : i32
      %dma_wait3A_929 = tpu.memref_slice %arg3[%dma_wait3A_927, %dma_wait3A_928] : memref<1000000x32xf32, #tpu.memory_space<hbm>> -> memref<1000000x32xf32, #tpu.memory_space<hbm>>
      tpu.wait_indirect_dma semaphore(%arg13 : memref<!tpu.dma_semaphore, #tpu.memory_space<semaphore_mem>>) src(%dma_wait3A_929 : memref<1000000x32xf32, #tpu.memory_space<hbm>>) dst(%arg8 : memref<128x32xf32, #tpu.memory_space<vmem>>)
      %gt3A = arith.constant 0 : i32
      %gt3A_930 = arith.cmpi sgt, %scan3A_924, %gt3A : i32
      %convert_element_type3A = arith.extui %gt3A_930 : i1 to i32
      %cond3A = arith.constant 0 : i32
      %cond3A_931 = arith.cmpi ne, %convert_element_type3A, %cond3A : i32
      scf.if %cond3A_931 {
        %dma_wait3A_981 = arith.constant 0 : i32
        %dma_wait3A_982 = arith.constant 0 : i32
        %dma_wait3A_983 = arith.constant 0 : i32
        %dma_wait3A_984 = arith.constant 0 : i32
        %dma_wait3A_985 = tpu.memref_slice %arg4[%dma_wait3A_981, %dma_wait3A_983, %dma_wait3A_982, %dma_wait3A_984] : memref<50x4x128x1024xf32, #tpu.memory_space<hbm>> -> memref<1x4x1x1024xf32, #tpu.memory_space<hbm>>
        %dma_wait3A_986 = tpu.memref_squeeze %dma_wait3A_985 : memref<1x4x1x1024xf32, #tpu.memory_space<hbm>> -> memref<4x1024xf32, #tpu.memory_space<hbm>>
        %dma_wait3A_987 = arith.constant 0 : i32
        %dma_wait3A_988 = arith.constant 0 : i32
        %dma_wait3A_989 = tpu.memref_slice %arg4[%dma_wait3A_981, %dma_wait3A_987, %dma_wait3A_982, %dma_wait3A_988] : memref<50x4x128x1024xf32, #tpu.memory_space<hbm>> -> memref<1x4x1x1024xf32, #tpu.memory_space<hbm>>
        %dma_wait3A_990 = tpu.memref_squeeze %dma_wait3A_989 : memref<1x4x1x1024xf32, #tpu.memory_space<hbm>> -> memref<4x1024xf32, #tpu.memory_space<hbm>>
        tpu.wait_dma2 semaphore(%arg15 : memref<!tpu.dma_semaphore, #tpu.memory_space<semaphore_mem>>) src(%arg10 : memref<4x1024xf32, #tpu.memory_space<vmem>>) dst(%dma_wait3A_990 : memref<4x1024xf32, #tpu.memory_space<hbm>>)
      } else {
      }
      %scan3A_932 = arith.constant 0 : i32
      %scan3A_933 = arith.constant 0 : i32
      %scan3A_934 = arith.constant 32 : i32
      %scan3A_935 = arith.addi %scan3A_933, %scan3A_934 : i32
      %scan3A_936 = arith.constant 1 : i32
      scf.for %scan3A_981 = %scan3A_933 to %scan3A_935 step %scan3A_936  : i32 {
        %add3A_982 = vector.broadcast %scan3A_981 : i32 to vector<16xi32>
        %add3A_983 = arith.addi %add3A_982, %iota3A : vector<16xi32>
        %and3A = arith.constant 31 : i32
        %and3A_984 = vector.broadcast %and3A : i32 to vector<16xi32>
        %and3A_985 = arith.andi %add3A_983, %and3A_984 : vector<16xi32>
        %shift_right_arithmetic3A = arith.constant 3 : i32
        %shift_right_arithmetic3A_986 = vector.broadcast %shift_right_arithmetic3A : i32 to vector<16xi32>
        %shift_right_arithmetic3A_987 = arith.shrsi %and3A_985, %shift_right_arithmetic3A_986 : vector<16xi32>
        %and3A_988 = arith.constant 7 : i32
        %and3A_989 = vector.broadcast %and3A_988 : i32 to vector<16xi32>
        %and3A_990 = arith.andi %and3A_985, %and3A_989 : vector<16xi32>
        %shift_left3A = arith.constant 7 : i32
        %shift_left3A_991 = vector.broadcast %shift_left3A : i32 to vector<16xi32>
        %shift_left3A_992 = arith.shli %and3A_990, %shift_left3A_991 : vector<16xi32>
        %add3A_993 = arith.constant 0 : i32
        %add3A_994 = vector.broadcast %add3A_993 : i32 to vector<16xi32>
        %add3A_995 = arith.addi %iota3A, %add3A_994 : vector<16xi32>
        %gather3A_996 = tpu.vector_load_idx %arg8[%add3A_995, %and3A_985] : memref<128x32xf32, #tpu.memory_space<vmem>>[vector<16xi32>, vector<16xi32>], vector<16xf32>,
        %add3A_997 = arith.addi %shift_left3A_992, %iota3A : vector<16xi32>
        %add3A_998 = arith.constant 0 : i32
        %add3A_999 = vector.broadcast %add3A_998 : i32 to vector<16xi32>
        %add3A_1000 = arith.addi %add3A_997, %add3A_999 : vector<16xi32>
        tpu.vector_store_idx %arg10[%shift_right_arithmetic3A_987, %add3A_1000], %gather3A_996 : memref<4x1024xf32, #tpu.memory_space<vmem>>[vector<16xi32>, vector<16xi32>], vector<16xf32>,
        %add3A_1001 = arith.constant 16 : i32
        %add3A_1002 = vector.broadcast %add3A_1001 : i32 to vector<16xi32>
        %add3A_1003 = arith.addi %iota3A, %add3A_1002 : vector<16xi32>
        %gather3A_1004 = tpu.vector_load_idx %arg8[%add3A_1003, %and3A_985] : memref<128x32xf32, #tpu.memory_space<vmem>>[vector<16xi32>, vector<16xi32>], vector<16xf32>,
        %add3A_1005 = arith.addi %shift_left3A_992, %iota3A : vector<16xi32>
        %add3A_1006 = arith.constant 16 : i32
        %add3A_1007 = vector.broadcast %add3A_1006 : i32 to vector<16xi32>
        %add3A_1008 = arith.addi %add3A_1005, %add3A_1007 : vector<16xi32>
        tpu.vector_store_idx %arg10[%shift_right_arithmetic3A_987, %add3A_1008], %gather3A_1004 : memref<4x1024xf32, #tpu.memory_space<vmem>>[vector<16xi32>, vector<16xi32>], vector<16xf32>,
        %add3A_1009 = arith.constant 32 : i32
        %add3A_1010 = vector.broadcast %add3A_1009 : i32 to vector<16xi32>
        %add3A_1011 = arith.addi %iota3A, %add3A_1010 : vector<16xi32>
        %gather3A_1012 = tpu.vector_load_idx %arg8[%add3A_1011, %and3A_985] : memref<128x32xf32, #tpu.memory_space<vmem>>[vector<16xi32>, vector<16xi32>], vector<16xf32>,
        %add3A_1013 = arith.addi %shift_left3A_992, %iota3A : vector<16xi32>
        %add3A_1014 = arith.constant 32 : i32
        %add3A_1015 = vector.broadcast %add3A_1014 : i32 to vector<16xi32>
        %add3A_1016 = arith.addi %add3A_1013, %add3A_1015 : vector<16xi32>
        tpu.vector_store_idx %arg10[%shift_right_arithmetic3A_987, %add3A_1016], %gather3A_1012 : memref<4x1024xf32, #tpu.memory_space<vmem>>[vector<16xi32>, vector<16xi32>], vector<16xf32>,
        %add3A_1017 = arith.constant 48 : i32
        %add3A_1018 = vector.broadcast %add3A_1017 : i32 to vector<16xi32>
        %add3A_1019 = arith.addi %iota3A, %add3A_1018 : vector<16xi32>
        %gather3A_1020 = tpu.vector_load_idx %arg8[%add3A_1019, %and3A_985] : memref<128x32xf32, #tpu.memory_space<vmem>>[vector<16xi32>, vector<16xi32>], vector<16xf32>,
        %add3A_1021 = arith.addi %shift_left3A_992, %iota3A : vector<16xi32>
        %add3A_1022 = arith.constant 48 : i32
        %add3A_1023 = vector.broadcast %add3A_1022 : i32 to vector<16xi32>
        %add3A_1024 = arith.addi %add3A_1021, %add3A_1023 : vector<16xi32>
        tpu.vector_store_idx %arg10[%shift_right_arithmetic3A_987, %add3A_1024], %gather3A_1020 : memref<4x1024xf32, #tpu.memory_space<vmem>>[vector<16xi32>, vector<16xi32>], vector<16xf32>,
        %add3A_1025 = arith.constant 64 : i32
        %add3A_1026 = vector.broadcast %add3A_1025 : i32 to vector<16xi32>
        %add3A_1027 = arith.addi %iota3A, %add3A_1026 : vector<16xi32>
        %gather3A_1028 = tpu.vector_load_idx %arg8[%add3A_1027, %and3A_985] : memref<128x32xf32, #tpu.memory_space<vmem>>[vector<16xi32>, vector<16xi32>], vector<16xf32>,
        %add3A_1029 = arith.addi %shift_left3A_992, %iota3A : vector<16xi32>
        %add3A_1030 = arith.constant 64 : i32
        %add3A_1031 = vector.broadcast %add3A_1030 : i32 to vector<16xi32>
        %add3A_1032 = arith.addi %add3A_1029, %add3A_1031 : vector<16xi32>
        tpu.vector_store_idx %arg10[%shift_right_arithmetic3A_987, %add3A_1032], %gather3A_1028 : memref<4x1024xf32, #tpu.memory_space<vmem>>[vector<16xi32>, vector<16xi32>], vector<16xf32>,
        %add3A_1033 = arith.constant 80 : i32
        %add3A_1034 = vector.broadcast %add3A_1033 : i32 to vector<16xi32>
        %add3A_1035 = arith.addi %iota3A, %add3A_1034 : vector<16xi32>
        %gather3A_1036 = tpu.vector_load_idx %arg8[%add3A_1035, %and3A_985] : memref<128x32xf32, #tpu.memory_space<vmem>>[vector<16xi32>, vector<16xi32>], vector<16xf32>,
        %add3A_1037 = arith.addi %shift_left3A_992, %iota3A : vector<16xi32>
        %add3A_1038 = arith.constant 80 : i32
        %add3A_1039 = vector.broadcast %add3A_1038 : i32 to vector<16xi32>
        %add3A_1040 = arith.addi %add3A_1037, %add3A_1039 : vector<16xi32>
        tpu.vector_store_idx %arg10[%shift_right_arithmetic3A_987, %add3A_1040], %gather3A_1036 : memref<4x1024xf32, #tpu.memory_space<vmem>>[vector<16xi32>, vector<16xi32>], vector<16xf32>,
        %add3A_1041 = arith.constant 96 : i32
        %add3A_1042 = vector.broadcast %add3A_1041 : i32 to vector<16xi32>
        %add3A_1043 = arith.addi %iota3A, %add3A_1042 : vector<16xi32>
        %gather3A_1044 = tpu.vector_load_idx %arg8[%add3A_1043, %and3A_985] : memref<128x32xf32, #tpu.memory_space<vmem>>[vector<16xi32>, vector<16xi32>], vector<16xf32>,
        %add3A_1045 = arith.addi %shift_left3A_992, %iota3A : vector<16xi32>
        %add3A_1046 = arith.constant 96 : i32
        %add3A_1047 = vector.broadcast %add3A_1046 : i32 to vector<16xi32>
        %add3A_1048 = arith.addi %add3A_1045, %add3A_1047 : vector<16xi32>
        tpu.vector_store_idx %arg10[%shift_right_arithmetic3A_987, %add3A_1048], %gather3A_1044 : memref<4x1024xf32, #tpu.memory_space<vmem>>[vector<16xi32>, vector<16xi32>], vector<16xf32>,
        %add3A_1049 = arith.constant 112 : i32
        %add3A_1050 = vector.broadcast %add3A_1049 : i32 to vector<16xi32>
        %add3A_1051 = arith.addi %iota3A, %add3A_1050 : vector<16xi32>
        %gather3A_1052 = tpu.vector_load_idx %arg8[%add3A_1051, %and3A_985] : memref<128x32xf32, #tpu.memory_space<vmem>>[vector<16xi32>, vector<16xi32>], vector<16xf32>,
        %add3A_1053 = arith.addi %shift_left3A_992, %iota3A : vector<16xi32>
        %add3A_1054 = arith.constant 112 : i32
        %add3A_1055 = vector.broadcast %add3A_1054 : i32 to vector<16xi32>
        %add3A_1056 = arith.addi %add3A_1053, %add3A_1055 : vector<16xi32>
        tpu.vector_store_idx %arg10[%shift_right_arithmetic3A_987, %add3A_1056], %gather3A_1052 : memref<4x1024xf32, #tpu.memory_space<vmem>>[vector<16xi32>, vector<16xi32>], vector<16xf32>,
      }
      %scan3A_937 = arith.constant 32 : i32
      %dma_start3A_938 = arith.constant 0 : i32
      %dma_start3A_939 = arith.constant 0 : i32
      %dma_start3A_940 = tpu.memref_slice %arg4[%mul3A_926, %dma_start3A_938, %add3A_231, %dma_start3A_939] : memref<50x4x128x1024xf32, #tpu.memory_space<hbm>> -> memref<1x4x1x1024xf32, #tpu.memory_space<hbm>>
      %dma_start3A_941 = tpu.memref_squeeze %dma_start3A_940 : memref<1x4x1x1024xf32, #tpu.memory_space<hbm>> -> memref<4x1024xf32, #tpu.memory_space<hbm>>
      %dma_start3A_942 = arith.constant 0 : i32
      %dma_start3A_943 = arith.constant 0 : i32
      %dma_start3A_944 = tpu.memref_slice %arg4[%mul3A_926, %dma_start3A_942, %add3A_231, %dma_start3A_943] : memref<50x4x128x1024xf32, #tpu.memory_space<hbm>> -> memref<1x4x1x1024xf32, #tpu.memory_space<hbm>>
      %dma_start3A_945 = tpu.memref_squeeze %dma_start3A_944 : memref<1x4x1x1024xf32, #tpu.memory_space<hbm>> -> memref<4x1024xf32, #tpu.memory_space<hbm>>
      tpu.enqueue_dma source(%arg10 : memref<4x1024xf32, #tpu.memory_space<vmem>>) target(%dma_start3A_945 : memref<4x1024xf32, #tpu.memory_space<hbm>>) target_semaphore(%arg15 : memref<!tpu.dma_semaphore, #tpu.memory_space<semaphore_mem>>)
      %lt3A = arith.constant 24 : i32
      %lt3A_946 = arith.cmpi slt, %scan3A_924, %lt3A : i32
      %convert_element_type3A_947 = arith.extui %lt3A_946 : i1 to i32
      %cond3A_948 = arith.constant 0 : i32
      %cond3A_949 = arith.cmpi ne, %convert_element_type3A_947, %cond3A_948 : i32
      scf.if %cond3A_949 {
        %add3A_981 = arith.constant 2 : i32
        %add3A_982 = arith.addi %mul3A_926, %add3A_981 : i32
        %add3A_983 = arith.constant 0 : i32
        %add3A_984 = vector.broadcast %add3A_983 : i32 to vector<16xi32>
        %add3A_985 = arith.addi %iota3A, %add3A_984 : vector<16xi32>
        %mul3A_986 = arith.constant 50 : i32
        %mul3A_987 = vector.broadcast %mul3A_986 : i32 to vector<16xi32>
        %mul3A_988 = arith.muli %add3A_985, %mul3A_987 : vector<16xi32>
        %add3A_989 = vector.broadcast %add3A_982 : i32 to vector<16xi32>
        %add3A_990 = arith.addi %mul3A_988, %add3A_989 : vector<16xi32>
        %gather3A_991 = tpu.vector_load_idx %arg5[%add3A_990] : memref<6400xi32, #tpu.memory_space<vmem>>[vector<16xi32>], vector<16xi32>,
        %swap3A_992 = arith.constant 0 : index
        %swap3A_993 = tpu.vector_load %arg6[%swap3A_992] {strides = array<i32>} : memref<128xi32, #tpu.memory_space<vmem>>, vector<16xi32>,
        tpu.vector_store %arg6[%swap3A_992], %gather3A_991 {strides = array<i32>} : memref<128xi32, #tpu.memory_space<vmem>>, vector<16xi32>,
        %add3A_994 = arith.constant 16 : i32
        %add3A_995 = vector.broadcast %add3A_994 : i32 to vector<16xi32>
        %add3A_996 = arith.addi %iota3A, %add3A_995 : vector<16xi32>
        %mul3A_997 = arith.constant 50 : i32
        %mul3A_998 = vector.broadcast %mul3A_997 : i32 to vector<16xi32>
        %mul3A_999 = arith.muli %add3A_996, %mul3A_998 : vector<16xi32>
        %add3A_1000 = vector.broadcast %add3A_982 : i32 to vector<16xi32>
        %add3A_1001 = arith.addi %mul3A_999, %add3A_1000 : vector<16xi32>
        %gather3A_1002 = tpu.vector_load_idx %arg5[%add3A_1001] : memref<6400xi32, #tpu.memory_space<vmem>>[vector<16xi32>], vector<16xi32>,
        %swap3A_1003 = arith.constant 16 : index
        %swap3A_1004 = tpu.vector_load %arg6[%swap3A_1003] {strides = array<i32>} : memref<128xi32, #tpu.memory_space<vmem>>, vector<16xi32>,
        tpu.vector_store %arg6[%swap3A_1003], %gather3A_1002 {strides = array<i32>} : memref<128xi32, #tpu.memory_space<vmem>>, vector<16xi32>,
        %add3A_1005 = arith.constant 32 : i32
        %add3A_1006 = vector.broadcast %add3A_1005 : i32 to vector<16xi32>
        %add3A_1007 = arith.addi %iota3A, %add3A_1006 : vector<16xi32>
        %mul3A_1008 = arith.constant 50 : i32
        %mul3A_1009 = vector.broadcast %mul3A_1008 : i32 to vector<16xi32>
        %mul3A_1010 = arith.muli %add3A_1007, %mul3A_1009 : vector<16xi32>
        %add3A_1011 = vector.broadcast %add3A_982 : i32 to vector<16xi32>
        %add3A_1012 = arith.addi %mul3A_1010, %add3A_1011 : vector<16xi32>
        %gather3A_1013 = tpu.vector_load_idx %arg5[%add3A_1012] : memref<6400xi32, #tpu.memory_space<vmem>>[vector<16xi32>], vector<16xi32>,
        %swap3A_1014 = arith.constant 32 : index
        %swap3A_1015 = tpu.vector_load %arg6[%swap3A_1014] {strides = array<i32>} : memref<128xi32, #tpu.memory_space<vmem>>, vector<16xi32>,
        tpu.vector_store %arg6[%swap3A_1014], %gather3A_1013 {strides = array<i32>} : memref<128xi32, #tpu.memory_space<vmem>>, vector<16xi32>,
        %add3A_1016 = arith.constant 48 : i32
        %add3A_1017 = vector.broadcast %add3A_1016 : i32 to vector<16xi32>
        %add3A_1018 = arith.addi %iota3A, %add3A_1017 : vector<16xi32>
        %mul3A_1019 = arith.constant 50 : i32
        %mul3A_1020 = vector.broadcast %mul3A_1019 : i32 to vector<16xi32>
        %mul3A_1021 = arith.muli %add3A_1018, %mul3A_1020 : vector<16xi32>
        %add3A_1022 = vector.broadcast %add3A_982 : i32 to vector<16xi32>
        %add3A_1023 = arith.addi %mul3A_1021, %add3A_1022 : vector<16xi32>
        %gather3A_1024 = tpu.vector_load_idx %arg5[%add3A_1023] : memref<6400xi32, #tpu.memory_space<vmem>>[vector<16xi32>], vector<16xi32>,
        %swap3A_1025 = arith.constant 48 : index
        %swap3A_1026 = tpu.vector_load %arg6[%swap3A_1025] {strides = array<i32>} : memref<128xi32, #tpu.memory_space<vmem>>, vector<16xi32>,
        tpu.vector_store %arg6[%swap3A_1025], %gather3A_1024 {strides = array<i32>} : memref<128xi32, #tpu.memory_space<vmem>>, vector<16xi32>,
        %add3A_1027 = arith.constant 64 : i32
        %add3A_1028 = vector.broadcast %add3A_1027 : i32 to vector<16xi32>
        %add3A_1029 = arith.addi %iota3A, %add3A_1028 : vector<16xi32>
        %mul3A_1030 = arith.constant 50 : i32
        %mul3A_1031 = vector.broadcast %mul3A_1030 : i32 to vector<16xi32>
        %mul3A_1032 = arith.muli %add3A_1029, %mul3A_1031 : vector<16xi32>
        %add3A_1033 = vector.broadcast %add3A_982 : i32 to vector<16xi32>
        %add3A_1034 = arith.addi %mul3A_1032, %add3A_1033 : vector<16xi32>
        %gather3A_1035 = tpu.vector_load_idx %arg5[%add3A_1034] : memref<6400xi32, #tpu.memory_space<vmem>>[vector<16xi32>], vector<16xi32>,
        %swap3A_1036 = arith.constant 64 : index
        %swap3A_1037 = tpu.vector_load %arg6[%swap3A_1036] {strides = array<i32>} : memref<128xi32, #tpu.memory_space<vmem>>, vector<16xi32>,
        tpu.vector_store %arg6[%swap3A_1036], %gather3A_1035 {strides = array<i32>} : memref<128xi32, #tpu.memory_space<vmem>>, vector<16xi32>,
        %add3A_1038 = arith.constant 80 : i32
        %add3A_1039 = vector.broadcast %add3A_1038 : i32 to vector<16xi32>
        %add3A_1040 = arith.addi %iota3A, %add3A_1039 : vector<16xi32>
        %mul3A_1041 = arith.constant 50 : i32
        %mul3A_1042 = vector.broadcast %mul3A_1041 : i32 to vector<16xi32>
        %mul3A_1043 = arith.muli %add3A_1040, %mul3A_1042 : vector<16xi32>
        %add3A_1044 = vector.broadcast %add3A_982 : i32 to vector<16xi32>
        %add3A_1045 = arith.addi %mul3A_1043, %add3A_1044 : vector<16xi32>
        %gather3A_1046 = tpu.vector_load_idx %arg5[%add3A_1045] : memref<6400xi32, #tpu.memory_space<vmem>>[vector<16xi32>], vector<16xi32>,
        %swap3A_1047 = arith.constant 80 : index
        %swap3A_1048 = tpu.vector_load %arg6[%swap3A_1047] {strides = array<i32>} : memref<128xi32, #tpu.memory_space<vmem>>, vector<16xi32>,
        tpu.vector_store %arg6[%swap3A_1047], %gather3A_1046 {strides = array<i32>} : memref<128xi32, #tpu.memory_space<vmem>>, vector<16xi32>,
        %add3A_1049 = arith.constant 96 : i32
        %add3A_1050 = vector.broadcast %add3A_1049 : i32 to vector<16xi32>
        %add3A_1051 = arith.addi %iota3A, %add3A_1050 : vector<16xi32>
        %mul3A_1052 = arith.constant 50 : i32
        %mul3A_1053 = vector.broadcast %mul3A_1052 : i32 to vector<16xi32>
        %mul3A_1054 = arith.muli %add3A_1051, %mul3A_1053 : vector<16xi32>
        %add3A_1055 = vector.broadcast %add3A_982 : i32 to vector<16xi32>
        %add3A_1056 = arith.addi %mul3A_1054, %add3A_1055 : vector<16xi32>
        %gather3A_1057 = tpu.vector_load_idx %arg5[%add3A_1056] : memref<6400xi32, #tpu.memory_space<vmem>>[vector<16xi32>], vector<16xi32>,
        %swap3A_1058 = arith.constant 96 : index
        %swap3A_1059 = tpu.vector_load %arg6[%swap3A_1058] {strides = array<i32>} : memref<128xi32, #tpu.memory_space<vmem>>, vector<16xi32>,
        tpu.vector_store %arg6[%swap3A_1058], %gather3A_1057 {strides = array<i32>} : memref<128xi32, #tpu.memory_space<vmem>>, vector<16xi32>,
        %add3A_1060 = arith.constant 112 : i32
        %add3A_1061 = vector.broadcast %add3A_1060 : i32 to vector<16xi32>
        %add3A_1062 = arith.addi %iota3A, %add3A_1061 : vector<16xi32>
        %mul3A_1063 = arith.constant 50 : i32
        %mul3A_1064 = vector.broadcast %mul3A_1063 : i32 to vector<16xi32>
        %mul3A_1065 = arith.muli %add3A_1062, %mul3A_1064 : vector<16xi32>
        %add3A_1066 = vector.broadcast %add3A_982 : i32 to vector<16xi32>
        %add3A_1067 = arith.addi %mul3A_1065, %add3A_1066 : vector<16xi32>
        %gather3A_1068 = tpu.vector_load_idx %arg5[%add3A_1067] : memref<6400xi32, #tpu.memory_space<vmem>>[vector<16xi32>], vector<16xi32>,
        %swap3A_1069 = arith.constant 112 : index
        %swap3A_1070 = tpu.vector_load %arg6[%swap3A_1069] {strides = array<i32>} : memref<128xi32, #tpu.memory_space<vmem>>, vector<16xi32>,
        tpu.vector_store %arg6[%swap3A_1069], %gather3A_1068 {strides = array<i32>} : memref<128xi32, #tpu.memory_space<vmem>>, vector<16xi32>,
        %dma_start3A_1071 = arith.constant 0 : i32
        %dma_start3A_1072 = arith.constant 0 : i32
        %dma_start3A_1073 = tpu.memref_slice %arg3[%dma_start3A_1071, %dma_start3A_1072] : memref<1000000x32xf32, #tpu.memory_space<hbm>> -> memref<1000000x32xf32, #tpu.memory_space<hbm>>
        tpu.enqueue_indirect_dma source(%dma_start3A_1073 : memref<1000000x32xf32, #tpu.memory_space<hbm>>) target(%arg8 : memref<128x32xf32, #tpu.memory_space<vmem>>) offsets(%arg6 : memref<128xi32, #tpu.memory_space<vmem>>) semaphore(%arg13 : memref<!tpu.dma_semaphore, #tpu.memory_space<semaphore_mem>>)
      } else {
      }
      %mul3A_950 = arith.constant 2 : i32
      %mul3A_951 = arith.muli %mul3A_950, %scan3A_924 : i32
      %add3A_952 = arith.constant 1 : i32
      %add3A_953 = arith.addi %mul3A_951, %add3A_952 : i32
      %dma_wait3A_954 = arith.constant 0 : i32
      %dma_wait3A_955 = arith.constant 0 : i32
      %dma_wait3A_956 = tpu.memref_slice %arg3[%dma_wait3A_954, %dma_wait3A_955] : memref<1000000x32xf32, #tpu.memory_space<hbm>> -> memref<1000000x32xf32, #tpu.memory_space<hbm>>
      tpu.wait_indirect_dma semaphore(%arg14 : memref<!tpu.dma_semaphore, #tpu.memory_space<semaphore_mem>>) src(%dma_wait3A_956 : memref<1000000x32xf32, #tpu.memory_space<hbm>>) dst(%arg9 : memref<128x32xf32, #tpu.memory_space<vmem>>)
      %gt3A_957 = arith.constant 0 : i32
      %gt3A_958 = arith.cmpi sgt, %scan3A_924, %gt3A_957 : i32
      %convert_element_type3A_959 = arith.extui %gt3A_958 : i1 to i32
      %cond3A_960 = arith.constant 0 : i32
      %cond3A_961 = arith.cmpi ne, %convert_element_type3A_959, %cond3A_960 : i32
      scf.if %cond3A_961 {
        %dma_wait3A_981 = arith.constant 0 : i32
        %dma_wait3A_982 = arith.constant 0 : i32
        %dma_wait3A_983 = arith.constant 0 : i32
        %dma_wait3A_984 = arith.constant 0 : i32
        %dma_wait3A_985 = tpu.memref_slice %arg4[%dma_wait3A_981, %dma_wait3A_983, %dma_wait3A_982, %dma_wait3A_984] : memref<50x4x128x1024xf32, #tpu.memory_space<hbm>> -> memref<1x4x1x1024xf32, #tpu.memory_space<hbm>>
        %dma_wait3A_986 = tpu.memref_squeeze %dma_wait3A_985 : memref<1x4x1x1024xf32, #tpu.memory_space<hbm>> -> memref<4x1024xf32, #tpu.memory_space<hbm>>
        %dma_wait3A_987 = arith.constant 0 : i32
        %dma_wait3A_988 = arith.constant 0 : i32
        %dma_wait3A_989 = tpu.memref_slice %arg4[%dma_wait3A_981, %dma_wait3A_987, %dma_wait3A_982, %dma_wait3A_988] : memref<50x4x128x1024xf32, #tpu.memory_space<hbm>> -> memref<1x4x1x1024xf32, #tpu.memory_space<hbm>>
        %dma_wait3A_990 = tpu.memref_squeeze %dma_wait3A_989 : memref<1x4x1x1024xf32, #tpu.memory_space<hbm>> -> memref<4x1024xf32, #tpu.memory_space<hbm>>
        tpu.wait_dma2 semaphore(%arg16 : memref<!tpu.dma_semaphore, #tpu.memory_space<semaphore_mem>>) src(%arg11 : memref<4x1024xf32, #tpu.memory_space<vmem>>) dst(%dma_wait3A_990 : memref<4x1024xf32, #tpu.memory_space<hbm>>)
      } else {
      }
      %scan3A_962 = arith.constant 0 : i32
      %scan3A_963 = arith.constant 0 : i32
      %scan3A_964 = arith.constant 32 : i32
      %scan3A_965 = arith.addi %scan3A_963, %scan3A_964 : i32
      %scan3A_966 = arith.constant 1 : i32
      scf.for %scan3A_981 = %scan3A_963 to %scan3A_965 step %scan3A_966  : i32 {
        %add3A_982 = vector.broadcast %scan3A_981 : i32 to vector<16xi32>
        %add3A_983 = arith.addi %add3A_982, %iota3A : vector<16xi32>
        %and3A = arith.constant 31 : i32
        %and3A_984 = vector.broadcast %and3A : i32 to vector<16xi32>
        %and3A_985 = arith.andi %add3A_983, %and3A_984 : vector<16xi32>
        %shift_right_arithmetic3A = arith.constant 3 : i32
        %shift_right_arithmetic3A_986 = vector.broadcast %shift_right_arithmetic3A : i32 to vector<16xi32>
        %shift_right_arithmetic3A_987 = arith.shrsi %and3A_985, %shift_right_arithmetic3A_986 : vector<16xi32>
        %and3A_988 = arith.constant 7 : i32
        %and3A_989 = vector.broadcast %and3A_988 : i32 to vector<16xi32>
        %and3A_990 = arith.andi %and3A_985, %and3A_989 : vector<16xi32>
        %shift_left3A = arith.constant 7 : i32
        %shift_left3A_991 = vector.broadcast %shift_left3A : i32 to vector<16xi32>
        %shift_left3A_992 = arith.shli %and3A_990, %shift_left3A_991 : vector<16xi32>
        %add3A_993 = arith.constant 0 : i32
        %add3A_994 = vector.broadcast %add3A_993 : i32 to vector<16xi32>
        %add3A_995 = arith.addi %iota3A, %add3A_994 : vector<16xi32>
        %gather3A_996 = tpu.vector_load_idx %arg9[%add3A_995, %and3A_985] : memref<128x32xf32, #tpu.memory_space<vmem>>[vector<16xi32>, vector<16xi32>], vector<16xf32>,
        %add3A_997 = arith.addi %shift_left3A_992, %iota3A : vector<16xi32>
        %add3A_998 = arith.constant 0 : i32
        %add3A_999 = vector.broadcast %add3A_998 : i32 to vector<16xi32>
        %add3A_1000 = arith.addi %add3A_997, %add3A_999 : vector<16xi32>
        tpu.vector_store_idx %arg11[%shift_right_arithmetic3A_987, %add3A_1000], %gather3A_996 : memref<4x1024xf32, #tpu.memory_space<vmem>>[vector<16xi32>, vector<16xi32>], vector<16xf32>,
        %add3A_1001 = arith.constant 16 : i32
        %add3A_1002 = vector.broadcast %add3A_1001 : i32 to vector<16xi32>
        %add3A_1003 = arith.addi %iota3A, %add3A_1002 : vector<16xi32>
        %gather3A_1004 = tpu.vector_load_idx %arg9[%add3A_1003, %and3A_985] : memref<128x32xf32, #tpu.memory_space<vmem>>[vector<16xi32>, vector<16xi32>], vector<16xf32>,
        %add3A_1005 = arith.addi %shift_left3A_992, %iota3A : vector<16xi32>
        %add3A_1006 = arith.constant 16 : i32
        %add3A_1007 = vector.broadcast %add3A_1006 : i32 to vector<16xi32>
        %add3A_1008 = arith.addi %add3A_1005, %add3A_1007 : vector<16xi32>
        tpu.vector_store_idx %arg11[%shift_right_arithmetic3A_987, %add3A_1008], %gather3A_1004 : memref<4x1024xf32, #tpu.memory_space<vmem>>[vector<16xi32>, vector<16xi32>], vector<16xf32>,
        %add3A_1009 = arith.constant 32 : i32
        %add3A_1010 = vector.broadcast %add3A_1009 : i32 to vector<16xi32>
        %add3A_1011 = arith.addi %iota3A, %add3A_1010 : vector<16xi32>
        %gather3A_1012 = tpu.vector_load_idx %arg9[%add3A_1011, %and3A_985] : memref<128x32xf32, #tpu.memory_space<vmem>>[vector<16xi32>, vector<16xi32>], vector<16xf32>,
        %add3A_1013 = arith.addi %shift_left3A_992, %iota3A : vector<16xi32>
        %add3A_1014 = arith.constant 32 : i32
        %add3A_1015 = vector.broadcast %add3A_1014 : i32 to vector<16xi32>
        %add3A_1016 = arith.addi %add3A_1013, %add3A_1015 : vector<16xi32>
        tpu.vector_store_idx %arg11[%shift_right_arithmetic3A_987, %add3A_1016], %gather3A_1012 : memref<4x1024xf32, #tpu.memory_space<vmem>>[vector<16xi32>, vector<16xi32>], vector<16xf32>,
        %add3A_1017 = arith.constant 48 : i32
        %add3A_1018 = vector.broadcast %add3A_1017 : i32 to vector<16xi32>
        %add3A_1019 = arith.addi %iota3A, %add3A_1018 : vector<16xi32>
        %gather3A_1020 = tpu.vector_load_idx %arg9[%add3A_1019, %and3A_985] : memref<128x32xf32, #tpu.memory_space<vmem>>[vector<16xi32>, vector<16xi32>], vector<16xf32>,
        %add3A_1021 = arith.addi %shift_left3A_992, %iota3A : vector<16xi32>
        %add3A_1022 = arith.constant 48 : i32
        %add3A_1023 = vector.broadcast %add3A_1022 : i32 to vector<16xi32>
        %add3A_1024 = arith.addi %add3A_1021, %add3A_1023 : vector<16xi32>
        tpu.vector_store_idx %arg11[%shift_right_arithmetic3A_987, %add3A_1024], %gather3A_1020 : memref<4x1024xf32, #tpu.memory_space<vmem>>[vector<16xi32>, vector<16xi32>], vector<16xf32>,
        %add3A_1025 = arith.constant 64 : i32
        %add3A_1026 = vector.broadcast %add3A_1025 : i32 to vector<16xi32>
        %add3A_1027 = arith.addi %iota3A, %add3A_1026 : vector<16xi32>
        %gather3A_1028 = tpu.vector_load_idx %arg9[%add3A_1027, %and3A_985] : memref<128x32xf32, #tpu.memory_space<vmem>>[vector<16xi32>, vector<16xi32>], vector<16xf32>,
        %add3A_1029 = arith.addi %shift_left3A_992, %iota3A : vector<16xi32>
        %add3A_1030 = arith.constant 64 : i32
        %add3A_1031 = vector.broadcast %add3A_1030 : i32 to vector<16xi32>
        %add3A_1032 = arith.addi %add3A_1029, %add3A_1031 : vector<16xi32>
        tpu.vector_store_idx %arg11[%shift_right_arithmetic3A_987, %add3A_1032], %gather3A_1028 : memref<4x1024xf32, #tpu.memory_space<vmem>>[vector<16xi32>, vector<16xi32>], vector<16xf32>,
        %add3A_1033 = arith.constant 80 : i32
        %add3A_1034 = vector.broadcast %add3A_1033 : i32 to vector<16xi32>
        %add3A_1035 = arith.addi %iota3A, %add3A_1034 : vector<16xi32>
        %gather3A_1036 = tpu.vector_load_idx %arg9[%add3A_1035, %and3A_985] : memref<128x32xf32, #tpu.memory_space<vmem>>[vector<16xi32>, vector<16xi32>], vector<16xf32>,
        %add3A_1037 = arith.addi %shift_left3A_992, %iota3A : vector<16xi32>
        %add3A_1038 = arith.constant 80 : i32
        %add3A_1039 = vector.broadcast %add3A_1038 : i32 to vector<16xi32>
        %add3A_1040 = arith.addi %add3A_1037, %add3A_1039 : vector<16xi32>
        tpu.vector_store_idx %arg11[%shift_right_arithmetic3A_987, %add3A_1040], %gather3A_1036 : memref<4x1024xf32, #tpu.memory_space<vmem>>[vector<16xi32>, vector<16xi32>], vector<16xf32>,
        %add3A_1041 = arith.constant 96 : i32
        %add3A_1042 = vector.broadcast %add3A_1041 : i32 to vector<16xi32>
        %add3A_1043 = arith.addi %iota3A, %add3A_1042 : vector<16xi32>
        %gather3A_1044 = tpu.vector_load_idx %arg9[%add3A_1043, %and3A_985] : memref<128x32xf32, #tpu.memory_space<vmem>>[vector<16xi32>, vector<16xi32>], vector<16xf32>,
        %add3A_1045 = arith.addi %shift_left3A_992, %iota3A : vector<16xi32>
        %add3A_1046 = arith.constant 96 : i32
        %add3A_1047 = vector.broadcast %add3A_1046 : i32 to vector<16xi32>
        %add3A_1048 = arith.addi %add3A_1045, %add3A_1047 : vector<16xi32>
        tpu.vector_store_idx %arg11[%shift_right_arithmetic3A_987, %add3A_1048], %gather3A_1044 : memref<4x1024xf32, #tpu.memory_space<vmem>>[vector<16xi32>, vector<16xi32>], vector<16xf32>,
        %add3A_1049 = arith.constant 112 : i32
        %add3A_1050 = vector.broadcast %add3A_1049 : i32 to vector<16xi32>
        %add3A_1051 = arith.addi %iota3A, %add3A_1050 : vector<16xi32>
        %gather3A_1052 = tpu.vector_load_idx %arg9[%add3A_1051, %and3A_985] : memref<128x32xf32, #tpu.memory_space<vmem>>[vector<16xi32>, vector<16xi32>], vector<16xf32>,
        %add3A_1053 = arith.addi %shift_left3A_992, %iota3A : vector<16xi32>
        %add3A_1054 = arith.constant 112 : i32
        %add3A_1055 = vector.broadcast %add3A_1054 : i32 to vector<16xi32>
        %add3A_1056 = arith.addi %add3A_1053, %add3A_1055 : vector<16xi32>
        tpu.vector_store_idx %arg11[%shift_right_arithmetic3A_987, %add3A_1056], %gather3A_1052 : memref<4x1024xf32, #tpu.memory_space<vmem>>[vector<16xi32>, vector<16xi32>], vector<16xf32>,
      }
      %scan3A_967 = arith.constant 32 : i32
      %dma_start3A_968 = arith.constant 0 : i32
      %dma_start3A_969 = arith.constant 0 : i32
      %dma_start3A_970 = tpu.memref_slice %arg4[%add3A_953, %dma_start3A_968, %add3A_231, %dma_start3A_969] : memref<50x4x128x1024xf32, #tpu.memory_space<hbm>> -> memref<1x4x1x1024xf32, #tpu.memory_space<hbm>>
      %dma_start3A_971 = tpu.memref_squeeze %dma_start3A_970 : memref<1x4x1x1024xf32, #tpu.memory_space<hbm>> -> memref<4x1024xf32, #tpu.memory_space<hbm>>
      %dma_start3A_972 = arith.constant 0 : i32
      %dma_start3A_973 = arith.constant 0 : i32
      %dma_start3A_974 = tpu.memref_slice %arg4[%add3A_953, %dma_start3A_972, %add3A_231, %dma_start3A_973] : memref<50x4x128x1024xf32, #tpu.memory_space<hbm>> -> memref<1x4x1x1024xf32, #tpu.memory_space<hbm>>
      %dma_start3A_975 = tpu.memref_squeeze %dma_start3A_974 : memref<1x4x1x1024xf32, #tpu.memory_space<hbm>> -> memref<4x1024xf32, #tpu.memory_space<hbm>>
      tpu.enqueue_dma source(%arg11 : memref<4x1024xf32, #tpu.memory_space<vmem>>) target(%dma_start3A_975 : memref<4x1024xf32, #tpu.memory_space<hbm>>) target_semaphore(%arg16 : memref<!tpu.dma_semaphore, #tpu.memory_space<semaphore_mem>>)
      %lt3A_976 = arith.constant 24 : i32
      %lt3A_977 = arith.cmpi slt, %scan3A_924, %lt3A_976 : i32
      %convert_element_type3A_978 = arith.extui %lt3A_977 : i1 to i32
      %cond3A_979 = arith.constant 0 : i32
      %cond3A_980 = arith.cmpi ne, %convert_element_type3A_978, %cond3A_979 : i32
      scf.if %cond3A_980 {
        %add3A_981 = arith.constant 2 : i32
        %add3A_982 = arith.addi %add3A_953, %add3A_981 : i32
        %add3A_983 = arith.constant 0 : i32
        %add3A_984 = vector.broadcast %add3A_983 : i32 to vector<16xi32>
        %add3A_985 = arith.addi %iota3A, %add3A_984 : vector<16xi32>
        %mul3A_986 = arith.constant 50 : i32
        %mul3A_987 = vector.broadcast %mul3A_986 : i32 to vector<16xi32>
        %mul3A_988 = arith.muli %add3A_985, %mul3A_987 : vector<16xi32>
        %add3A_989 = vector.broadcast %add3A_982 : i32 to vector<16xi32>
        %add3A_990 = arith.addi %mul3A_988, %add3A_989 : vector<16xi32>
        %gather3A_991 = tpu.vector_load_idx %arg5[%add3A_990] : memref<6400xi32, #tpu.memory_space<vmem>>[vector<16xi32>], vector<16xi32>,
        %swap3A_992 = arith.constant 0 : index
        %swap3A_993 = tpu.vector_load %arg7[%swap3A_992] {strides = array<i32>} : memref<128xi32, #tpu.memory_space<vmem>>, vector<16xi32>,
        tpu.vector_store %arg7[%swap3A_992], %gather3A_991 {strides = array<i32>} : memref<128xi32, #tpu.memory_space<vmem>>, vector<16xi32>,
        %add3A_994 = arith.constant 16 : i32
        %add3A_995 = vector.broadcast %add3A_994 : i32 to vector<16xi32>
        %add3A_996 = arith.addi %iota3A, %add3A_995 : vector<16xi32>
        %mul3A_997 = arith.constant 50 : i32
        %mul3A_998 = vector.broadcast %mul3A_997 : i32 to vector<16xi32>
        %mul3A_999 = arith.muli %add3A_996, %mul3A_998 : vector<16xi32>
        %add3A_1000 = vector.broadcast %add3A_982 : i32 to vector<16xi32>
        %add3A_1001 = arith.addi %mul3A_999, %add3A_1000 : vector<16xi32>
        %gather3A_1002 = tpu.vector_load_idx %arg5[%add3A_1001] : memref<6400xi32, #tpu.memory_space<vmem>>[vector<16xi32>], vector<16xi32>,
        %swap3A_1003 = arith.constant 16 : index
        %swap3A_1004 = tpu.vector_load %arg7[%swap3A_1003] {strides = array<i32>} : memref<128xi32, #tpu.memory_space<vmem>>, vector<16xi32>,
        tpu.vector_store %arg7[%swap3A_1003], %gather3A_1002 {strides = array<i32>} : memref<128xi32, #tpu.memory_space<vmem>>, vector<16xi32>,
        %add3A_1005 = arith.constant 32 : i32
        %add3A_1006 = vector.broadcast %add3A_1005 : i32 to vector<16xi32>
        %add3A_1007 = arith.addi %iota3A, %add3A_1006 : vector<16xi32>
        %mul3A_1008 = arith.constant 50 : i32
        %mul3A_1009 = vector.broadcast %mul3A_1008 : i32 to vector<16xi32>
        %mul3A_1010 = arith.muli %add3A_1007, %mul3A_1009 : vector<16xi32>
        %add3A_1011 = vector.broadcast %add3A_982 : i32 to vector<16xi32>
        %add3A_1012 = arith.addi %mul3A_1010, %add3A_1011 : vector<16xi32>
        %gather3A_1013 = tpu.vector_load_idx %arg5[%add3A_1012] : memref<6400xi32, #tpu.memory_space<vmem>>[vector<16xi32>], vector<16xi32>,
        %swap3A_1014 = arith.constant 32 : index
        %swap3A_1015 = tpu.vector_load %arg7[%swap3A_1014] {strides = array<i32>} : memref<128xi32, #tpu.memory_space<vmem>>, vector<16xi32>,
        tpu.vector_store %arg7[%swap3A_1014], %gather3A_1013 {strides = array<i32>} : memref<128xi32, #tpu.memory_space<vmem>>, vector<16xi32>,
        %add3A_1016 = arith.constant 48 : i32
        %add3A_1017 = vector.broadcast %add3A_1016 : i32 to vector<16xi32>
        %add3A_1018 = arith.addi %iota3A, %add3A_1017 : vector<16xi32>
        %mul3A_1019 = arith.constant 50 : i32
        %mul3A_1020 = vector.broadcast %mul3A_1019 : i32 to vector<16xi32>
        %mul3A_1021 = arith.muli %add3A_1018, %mul3A_1020 : vector<16xi32>
        %add3A_1022 = vector.broadcast %add3A_982 : i32 to vector<16xi32>
        %add3A_1023 = arith.addi %mul3A_1021, %add3A_1022 : vector<16xi32>
        %gather3A_1024 = tpu.vector_load_idx %arg5[%add3A_1023] : memref<6400xi32, #tpu.memory_space<vmem>>[vector<16xi32>], vector<16xi32>,
        %swap3A_1025 = arith.constant 48 : index
        %swap3A_1026 = tpu.vector_load %arg7[%swap3A_1025] {strides = array<i32>} : memref<128xi32, #tpu.memory_space<vmem>>, vector<16xi32>,
        tpu.vector_store %arg7[%swap3A_1025], %gather3A_1024 {strides = array<i32>} : memref<128xi32, #tpu.memory_space<vmem>>, vector<16xi32>,
        %add3A_1027 = arith.constant 64 : i32
        %add3A_1028 = vector.broadcast %add3A_1027 : i32 to vector<16xi32>
        %add3A_1029 = arith.addi %iota3A, %add3A_1028 : vector<16xi32>
        %mul3A_1030 = arith.constant 50 : i32
        %mul3A_1031 = vector.broadcast %mul3A_1030 : i32 to vector<16xi32>
        %mul3A_1032 = arith.muli %add3A_1029, %mul3A_1031 : vector<16xi32>
        %add3A_1033 = vector.broadcast %add3A_982 : i32 to vector<16xi32>
        %add3A_1034 = arith.addi %mul3A_1032, %add3A_1033 : vector<16xi32>
        %gather3A_1035 = tpu.vector_load_idx %arg5[%add3A_1034] : memref<6400xi32, #tpu.memory_space<vmem>>[vector<16xi32>], vector<16xi32>,
        %swap3A_1036 = arith.constant 64 : index
        %swap3A_1037 = tpu.vector_load %arg7[%swap3A_1036] {strides = array<i32>} : memref<128xi32, #tpu.memory_space<vmem>>, vector<16xi32>,
        tpu.vector_store %arg7[%swap3A_1036], %gather3A_1035 {strides = array<i32>} : memref<128xi32, #tpu.memory_space<vmem>>, vector<16xi32>,
        %add3A_1038 = arith.constant 80 : i32
        %add3A_1039 = vector.broadcast %add3A_1038 : i32 to vector<16xi32>
        %add3A_1040 = arith.addi %iota3A, %add3A_1039 : vector<16xi32>
        %mul3A_1041 = arith.constant 50 : i32
        %mul3A_1042 = vector.broadcast %mul3A_1041 : i32 to vector<16xi32>
        %mul3A_1043 = arith.muli %add3A_1040, %mul3A_1042 : vector<16xi32>
        %add3A_1044 = vector.broadcast %add3A_982 : i32 to vector<16xi32>
        %add3A_1045 = arith.addi %mul3A_1043, %add3A_1044 : vector<16xi32>
        %gather3A_1046 = tpu.vector_load_idx %arg5[%add3A_1045] : memref<6400xi32, #tpu.memory_space<vmem>>[vector<16xi32>], vector<16xi32>,
        %swap3A_1047 = arith.constant 80 : index
        %swap3A_1048 = tpu.vector_load %arg7[%swap3A_1047] {strides = array<i32>} : memref<128xi32, #tpu.memory_space<vmem>>, vector<16xi32>,
        tpu.vector_store %arg7[%swap3A_1047], %gather3A_1046 {strides = array<i32>} : memref<128xi32, #tpu.memory_space<vmem>>, vector<16xi32>,
        %add3A_1049 = arith.constant 96 : i32
        %add3A_1050 = vector.broadcast %add3A_1049 : i32 to vector<16xi32>
        %add3A_1051 = arith.addi %iota3A, %add3A_1050 : vector<16xi32>
        %mul3A_1052 = arith.constant 50 : i32
        %mul3A_1053 = vector.broadcast %mul3A_1052 : i32 to vector<16xi32>
        %mul3A_1054 = arith.muli %add3A_1051, %mul3A_1053 : vector<16xi32>
        %add3A_1055 = vector.broadcast %add3A_982 : i32 to vector<16xi32>
        %add3A_1056 = arith.addi %mul3A_1054, %add3A_1055 : vector<16xi32>
        %gather3A_1057 = tpu.vector_load_idx %arg5[%add3A_1056] : memref<6400xi32, #tpu.memory_space<vmem>>[vector<16xi32>], vector<16xi32>,
        %swap3A_1058 = arith.constant 96 : index
        %swap3A_1059 = tpu.vector_load %arg7[%swap3A_1058] {strides = array<i32>} : memref<128xi32, #tpu.memory_space<vmem>>, vector<16xi32>,
        tpu.vector_store %arg7[%swap3A_1058], %gather3A_1057 {strides = array<i32>} : memref<128xi32, #tpu.memory_space<vmem>>, vector<16xi32>,
        %add3A_1060 = arith.constant 112 : i32
        %add3A_1061 = vector.broadcast %add3A_1060 : i32 to vector<16xi32>
        %add3A_1062 = arith.addi %iota3A, %add3A_1061 : vector<16xi32>
        %mul3A_1063 = arith.constant 50 : i32
        %mul3A_1064 = vector.broadcast %mul3A_1063 : i32 to vector<16xi32>
        %mul3A_1065 = arith.muli %add3A_1062, %mul3A_1064 : vector<16xi32>
        %add3A_1066 = vector.broadcast %add3A_982 : i32 to vector<16xi32>
        %add3A_1067 = arith.addi %mul3A_1065, %add3A_1066 : vector<16xi32>
        %gather3A_1068 = tpu.vector_load_idx %arg5[%add3A_1067] : memref<6400xi32, #tpu.memory_space<vmem>>[vector<16xi32>], vector<16xi32>,
        %swap3A_1069 = arith.constant 112 : index
        %swap3A_1070 = tpu.vector_load %arg7[%swap3A_1069] {strides = array<i32>} : memref<128xi32, #tpu.memory_space<vmem>>, vector<16xi32>,
        tpu.vector_store %arg7[%swap3A_1069], %gather3A_1068 {strides = array<i32>} : memref<128xi32, #tpu.memory_space<vmem>>, vector<16xi32>,
        %dma_start3A_1071 = arith.constant 0 : i32
        %dma_start3A_1072 = arith.constant 0 : i32
        %dma_start3A_1073 = tpu.memref_slice %arg3[%dma_start3A_1071, %dma_start3A_1072] : memref<1000000x32xf32, #tpu.memory_space<hbm>> -> memref<1000000x32xf32, #tpu.memory_space<hbm>>
        tpu.enqueue_indirect_dma source(%dma_start3A_1073 : memref<1000000x32xf32, #tpu.memory_space<hbm>>) target(%arg9 : memref<128x32xf32, #tpu.memory_space<vmem>>) offsets(%arg7 : memref<128xi32, #tpu.memory_space<vmem>>) semaphore(%arg14 : memref<!tpu.dma_semaphore, #tpu.memory_space<semaphore_mem>>)
      } else {
      }
    }
    %scan3A_439 = arith.constant 25 : i32
    %dma_wait3A_440 = arith.constant 0 : i32
    %dma_wait3A_441 = arith.constant 0 : i32
    %dma_wait3A_442 = arith.constant 0 : i32
    %dma_wait3A_443 = arith.constant 0 : i32
    %dma_wait3A_444 = tpu.memref_slice %arg4[%dma_wait3A_440, %dma_wait3A_442, %dma_wait3A_441, %dma_wait3A_443] : memref<50x4x128x1024xf32, #tpu.memory_space<hbm>> -> memref<1x4x1x1024xf32, #tpu.memory_space<hbm>>
    %dma_wait3A_445 = tpu.memref_squeeze %dma_wait3A_444 : memref<1x4x1x1024xf32, #tpu.memory_space<hbm>> -> memref<4x1024xf32, #tpu.memory_space<hbm>>
    %dma_wait3A_446 = arith.constant 0 : i32
    %dma_wait3A_447 = arith.constant 0 : i32
    %dma_wait3A_448 = tpu.memref_slice %arg4[%dma_wait3A_440, %dma_wait3A_446, %dma_wait3A_441, %dma_wait3A_447] : memref<50x4x128x1024xf32, #tpu.memory_space<hbm>> -> memref<1x4x1x1024xf32, #tpu.memory_space<hbm>>
    %dma_wait3A_449 = tpu.memref_squeeze %dma_wait3A_448 : memref<1x4x1x1024xf32, #tpu.memory_space<hbm>> -> memref<4x1024xf32, #tpu.memory_space<hbm>>
    tpu.wait_dma2 semaphore(%arg15 : memref<!tpu.dma_semaphore, #tpu.memory_space<semaphore_mem>>) src(%arg10 : memref<4x1024xf32, #tpu.memory_space<vmem>>) dst(%dma_wait3A_449 : memref<4x1024xf32, #tpu.memory_space<hbm>>)
    %dma_wait3A_450 = arith.constant 0 : i32
    %dma_wait3A_451 = arith.constant 0 : i32
    %dma_wait3A_452 = arith.constant 0 : i32
    %dma_wait3A_453 = arith.constant 0 : i32
    %dma_wait3A_454 = tpu.memref_slice %arg4[%dma_wait3A_450, %dma_wait3A_452, %dma_wait3A_451, %dma_wait3A_453] : memref<50x4x128x1024xf32, #tpu.memory_space<hbm>> -> memref<1x4x1x1024xf32, #tpu.memory_space<hbm>>
    %dma_wait3A_455 = tpu.memref_squeeze %dma_wait3A_454 : memref<1x4x1x1024xf32, #tpu.memory_space<hbm>> -> memref<4x1024xf32, #tpu.memory_space<hbm>>
    %dma_wait3A_456 = arith.constant 0 : i32
    %dma_wait3A_457 = arith.constant 0 : i32
    %dma_wait3A_458 = tpu.memref_slice %arg4[%dma_wait3A_450, %dma_wait3A_456, %dma_wait3A_451, %dma_wait3A_457] : memref<50x4x128x1024xf32, #tpu.memory_space<hbm>> -> memref<1x4x1x1024xf32, #tpu.memory_space<hbm>>
    %dma_wait3A_459 = tpu.memref_squeeze %dma_wait3A_458 : memref<1x4x1x1024xf32, #tpu.memory_space<hbm>> -> memref<4x1024xf32, #tpu.memory_space<hbm>>
    tpu.wait_dma2 semaphore(%arg16 : memref<!tpu.dma_semaphore, #tpu.memory_space<semaphore_mem>>) src(%arg11 : memref<4x1024xf32, #tpu.memory_space<vmem>>) dst(%dma_wait3A_459 : memref<4x1024xf32, #tpu.memory_space<hbm>>)
    %mul3A_460 = arith.constant 4 : i32
    %mul3A_461 = arith.muli %add3A, %mul3A_460 : i32
    %add3A_462 = arith.constant 2 : i32
    %add3A_463 = arith.addi %mul3A_461, %add3A_462 : i32
    %mul3A_464 = arith.constant 128 : i32
    %mul3A_465 = arith.muli %add3A_463, %mul3A_464 : i32
    %mul3A_466 = arith.constant 50 : i32
    %mul3A_467 = arith.muli %mul3A_465, %mul3A_466 : i32
    "tpu.region"() ({
      %run_scoped3A = tpu.sem_alloc : memref<!tpu.dma_semaphore, #tpu.memory_space<semaphore_mem>>
      %dma_start3A_924 = tpu.memref_slice %arg2[%mul3A_467] : memref<819200xi32, #tpu.memory_space<hbm>> -> memref<6400xi32, #tpu.memory_space<hbm>>
      %dma_start3A_925 = tpu.memref_slice %arg2[%mul3A_467] : memref<819200xi32, #tpu.memory_space<hbm>> -> memref<6400xi32, #tpu.memory_space<hbm>>
      tpu.enqueue_dma source(%dma_start3A_925 : memref<6400xi32, #tpu.memory_space<hbm>>) target(%arg5 : memref<6400xi32, #tpu.memory_space<vmem>>) target_semaphore(%run_scoped3A : memref<!tpu.dma_semaphore, #tpu.memory_space<semaphore_mem>>)
      %dma_wait3A_926 = tpu.memref_slice %arg2[%mul3A_467] : memref<819200xi32, #tpu.memory_space<hbm>> -> memref<6400xi32, #tpu.memory_space<hbm>>
      %dma_wait3A_927 = tpu.memref_slice %arg2[%mul3A_467] : memref<819200xi32, #tpu.memory_space<hbm>> -> memref<6400xi32, #tpu.memory_space<hbm>>
      tpu.wait_dma2 semaphore(%run_scoped3A : memref<!tpu.dma_semaphore, #tpu.memory_space<semaphore_mem>>) src(%dma_wait3A_927 : memref<6400xi32, #tpu.memory_space<hbm>>) dst(%arg5 : memref<6400xi32, #tpu.memory_space<vmem>>)
      tpu.yield
    }) : () -> ()
    %add3A_468 = arith.constant 0 : i32
    %add3A_469 = vector.broadcast %add3A_468 : i32 to vector<16xi32>
    %add3A_470 = arith.addi %iota3A, %add3A_469 : vector<16xi32>
    %mul3A_471 = arith.constant 50 : i32
    %mul3A_472 = vector.broadcast %mul3A_471 : i32 to vector<16xi32>
    %mul3A_473 = arith.muli %add3A_470, %mul3A_472 : vector<16xi32>
    %add3A_474 = arith.constant 0 : i32
    %add3A_475 = vector.broadcast %add3A_474 : i32 to vector<16xi32>
    %add3A_476 = arith.addi %mul3A_473, %add3A_475 : vector<16xi32>
    %gather3A_477 = tpu.vector_load_idx %arg5[%add3A_476] : memref<6400xi32, #tpu.memory_space<vmem>>[vector<16xi32>], vector<16xi32>,
    %swap3A_478 = arith.constant 0 : index
    %swap3A_479 = tpu.vector_load %arg6[%swap3A_478] {strides = array<i32>} : memref<128xi32, #tpu.memory_space<vmem>>, vector<16xi32>,
    tpu.vector_store %arg6[%swap3A_478], %gather3A_477 {strides = array<i32>} : memref<128xi32, #tpu.memory_space<vmem>>, vector<16xi32>,
    %add3A_480 = arith.constant 16 : i32
    %add3A_481 = vector.broadcast %add3A_480 : i32 to vector<16xi32>
    %add3A_482 = arith.addi %iota3A, %add3A_481 : vector<16xi32>
    %mul3A_483 = arith.constant 50 : i32
    %mul3A_484 = vector.broadcast %mul3A_483 : i32 to vector<16xi32>
    %mul3A_485 = arith.muli %add3A_482, %mul3A_484 : vector<16xi32>
    %add3A_486 = arith.constant 0 : i32
    %add3A_487 = vector.broadcast %add3A_486 : i32 to vector<16xi32>
    %add3A_488 = arith.addi %mul3A_485, %add3A_487 : vector<16xi32>
    %gather3A_489 = tpu.vector_load_idx %arg5[%add3A_488] : memref<6400xi32, #tpu.memory_space<vmem>>[vector<16xi32>], vector<16xi32>,
    %swap3A_490 = arith.constant 16 : index
    %swap3A_491 = tpu.vector_load %arg6[%swap3A_490] {strides = array<i32>} : memref<128xi32, #tpu.memory_space<vmem>>, vector<16xi32>,
    tpu.vector_store %arg6[%swap3A_490], %gather3A_489 {strides = array<i32>} : memref<128xi32, #tpu.memory_space<vmem>>, vector<16xi32>,
    %add3A_492 = arith.constant 32 : i32
    %add3A_493 = vector.broadcast %add3A_492 : i32 to vector<16xi32>
    %add3A_494 = arith.addi %iota3A, %add3A_493 : vector<16xi32>
    %mul3A_495 = arith.constant 50 : i32
    %mul3A_496 = vector.broadcast %mul3A_495 : i32 to vector<16xi32>
    %mul3A_497 = arith.muli %add3A_494, %mul3A_496 : vector<16xi32>
    %add3A_498 = arith.constant 0 : i32
    %add3A_499 = vector.broadcast %add3A_498 : i32 to vector<16xi32>
    %add3A_500 = arith.addi %mul3A_497, %add3A_499 : vector<16xi32>
    %gather3A_501 = tpu.vector_load_idx %arg5[%add3A_500] : memref<6400xi32, #tpu.memory_space<vmem>>[vector<16xi32>], vector<16xi32>,
    %swap3A_502 = arith.constant 32 : index
    %swap3A_503 = tpu.vector_load %arg6[%swap3A_502] {strides = array<i32>} : memref<128xi32, #tpu.memory_space<vmem>>, vector<16xi32>,
    tpu.vector_store %arg6[%swap3A_502], %gather3A_501 {strides = array<i32>} : memref<128xi32, #tpu.memory_space<vmem>>, vector<16xi32>,
    %add3A_504 = arith.constant 48 : i32
    %add3A_505 = vector.broadcast %add3A_504 : i32 to vector<16xi32>
    %add3A_506 = arith.addi %iota3A, %add3A_505 : vector<16xi32>
    %mul3A_507 = arith.constant 50 : i32
    %mul3A_508 = vector.broadcast %mul3A_507 : i32 to vector<16xi32>
    %mul3A_509 = arith.muli %add3A_506, %mul3A_508 : vector<16xi32>
    %add3A_510 = arith.constant 0 : i32
    %add3A_511 = vector.broadcast %add3A_510 : i32 to vector<16xi32>
    %add3A_512 = arith.addi %mul3A_509, %add3A_511 : vector<16xi32>
    %gather3A_513 = tpu.vector_load_idx %arg5[%add3A_512] : memref<6400xi32, #tpu.memory_space<vmem>>[vector<16xi32>], vector<16xi32>,
    %swap3A_514 = arith.constant 48 : index
    %swap3A_515 = tpu.vector_load %arg6[%swap3A_514] {strides = array<i32>} : memref<128xi32, #tpu.memory_space<vmem>>, vector<16xi32>,
    tpu.vector_store %arg6[%swap3A_514], %gather3A_513 {strides = array<i32>} : memref<128xi32, #tpu.memory_space<vmem>>, vector<16xi32>,
    %add3A_516 = arith.constant 64 : i32
    %add3A_517 = vector.broadcast %add3A_516 : i32 to vector<16xi32>
    %add3A_518 = arith.addi %iota3A, %add3A_517 : vector<16xi32>
    %mul3A_519 = arith.constant 50 : i32
    %mul3A_520 = vector.broadcast %mul3A_519 : i32 to vector<16xi32>
    %mul3A_521 = arith.muli %add3A_518, %mul3A_520 : vector<16xi32>
    %add3A_522 = arith.constant 0 : i32
    %add3A_523 = vector.broadcast %add3A_522 : i32 to vector<16xi32>
    %add3A_524 = arith.addi %mul3A_521, %add3A_523 : vector<16xi32>
    %gather3A_525 = tpu.vector_load_idx %arg5[%add3A_524] : memref<6400xi32, #tpu.memory_space<vmem>>[vector<16xi32>], vector<16xi32>,
    %swap3A_526 = arith.constant 64 : index
    %swap3A_527 = tpu.vector_load %arg6[%swap3A_526] {strides = array<i32>} : memref<128xi32, #tpu.memory_space<vmem>>, vector<16xi32>,
    tpu.vector_store %arg6[%swap3A_526], %gather3A_525 {strides = array<i32>} : memref<128xi32, #tpu.memory_space<vmem>>, vector<16xi32>,
    %add3A_528 = arith.constant 80 : i32
    %add3A_529 = vector.broadcast %add3A_528 : i32 to vector<16xi32>
    %add3A_530 = arith.addi %iota3A, %add3A_529 : vector<16xi32>
    %mul3A_531 = arith.constant 50 : i32
    %mul3A_532 = vector.broadcast %mul3A_531 : i32 to vector<16xi32>
    %mul3A_533 = arith.muli %add3A_530, %mul3A_532 : vector<16xi32>
    %add3A_534 = arith.constant 0 : i32
    %add3A_535 = vector.broadcast %add3A_534 : i32 to vector<16xi32>
    %add3A_536 = arith.addi %mul3A_533, %add3A_535 : vector<16xi32>
    %gather3A_537 = tpu.vector_load_idx %arg5[%add3A_536] : memref<6400xi32, #tpu.memory_space<vmem>>[vector<16xi32>], vector<16xi32>,
    %swap3A_538 = arith.constant 80 : index
    %swap3A_539 = tpu.vector_load %arg6[%swap3A_538] {strides = array<i32>} : memref<128xi32, #tpu.memory_space<vmem>>, vector<16xi32>,
    tpu.vector_store %arg6[%swap3A_538], %gather3A_537 {strides = array<i32>} : memref<128xi32, #tpu.memory_space<vmem>>, vector<16xi32>,
    %add3A_540 = arith.constant 96 : i32
    %add3A_541 = vector.broadcast %add3A_540 : i32 to vector<16xi32>
    %add3A_542 = arith.addi %iota3A, %add3A_541 : vector<16xi32>
    %mul3A_543 = arith.constant 50 : i32
    %mul3A_544 = vector.broadcast %mul3A_543 : i32 to vector<16xi32>
    %mul3A_545 = arith.muli %add3A_542, %mul3A_544 : vector<16xi32>
    %add3A_546 = arith.constant 0 : i32
    %add3A_547 = vector.broadcast %add3A_546 : i32 to vector<16xi32>
    %add3A_548 = arith.addi %mul3A_545, %add3A_547 : vector<16xi32>
    %gather3A_549 = tpu.vector_load_idx %arg5[%add3A_548] : memref<6400xi32, #tpu.memory_space<vmem>>[vector<16xi32>], vector<16xi32>,
    %swap3A_550 = arith.constant 96 : index
    %swap3A_551 = tpu.vector_load %arg6[%swap3A_550] {strides = array<i32>} : memref<128xi32, #tpu.memory_space<vmem>>, vector<16xi32>,
    tpu.vector_store %arg6[%swap3A_550], %gather3A_549 {strides = array<i32>} : memref<128xi32, #tpu.memory_space<vmem>>, vector<16xi32>,
    %add3A_552 = arith.constant 112 : i32
    %add3A_553 = vector.broadcast %add3A_552 : i32 to vector<16xi32>
    %add3A_554 = arith.addi %iota3A, %add3A_553 : vector<16xi32>
    %mul3A_555 = arith.constant 50 : i32
    %mul3A_556 = vector.broadcast %mul3A_555 : i32 to vector<16xi32>
    %mul3A_557 = arith.muli %add3A_554, %mul3A_556 : vector<16xi32>
    %add3A_558 = arith.constant 0 : i32
    %add3A_559 = vector.broadcast %add3A_558 : i32 to vector<16xi32>
    %add3A_560 = arith.addi %mul3A_557, %add3A_559 : vector<16xi32>
    %gather3A_561 = tpu.vector_load_idx %arg5[%add3A_560] : memref<6400xi32, #tpu.memory_space<vmem>>[vector<16xi32>], vector<16xi32>,
    %swap3A_562 = arith.constant 112 : index
    %swap3A_563 = tpu.vector_load %arg6[%swap3A_562] {strides = array<i32>} : memref<128xi32, #tpu.memory_space<vmem>>, vector<16xi32>,
    tpu.vector_store %arg6[%swap3A_562], %gather3A_561 {strides = array<i32>} : memref<128xi32, #tpu.memory_space<vmem>>, vector<16xi32>,
    %dma_start3A_564 = arith.constant 0 : i32
    %dma_start3A_565 = arith.constant 0 : i32
    %dma_start3A_566 = tpu.memref_slice %arg3[%dma_start3A_564, %dma_start3A_565] : memref<1000000x32xf32, #tpu.memory_space<hbm>> -> memref<1000000x32xf32, #tpu.memory_space<hbm>>
    tpu.enqueue_indirect_dma source(%dma_start3A_566 : memref<1000000x32xf32, #tpu.memory_space<hbm>>) target(%arg8 : memref<128x32xf32, #tpu.memory_space<vmem>>) offsets(%arg6 : memref<128xi32, #tpu.memory_space<vmem>>) semaphore(%arg13 : memref<!tpu.dma_semaphore, #tpu.memory_space<semaphore_mem>>)
    %add3A_567 = arith.constant 0 : i32
    %add3A_568 = vector.broadcast %add3A_567 : i32 to vector<16xi32>
    %add3A_569 = arith.addi %iota3A, %add3A_568 : vector<16xi32>
    %mul3A_570 = arith.constant 50 : i32
    %mul3A_571 = vector.broadcast %mul3A_570 : i32 to vector<16xi32>
    %mul3A_572 = arith.muli %add3A_569, %mul3A_571 : vector<16xi32>
    %add3A_573 = arith.constant 1 : i32
    %add3A_574 = vector.broadcast %add3A_573 : i32 to vector<16xi32>
    %add3A_575 = arith.addi %mul3A_572, %add3A_574 : vector<16xi32>
    %gather3A_576 = tpu.vector_load_idx %arg5[%add3A_575] : memref<6400xi32, #tpu.memory_space<vmem>>[vector<16xi32>], vector<16xi32>,
    %swap3A_577 = arith.constant 0 : index
    %swap3A_578 = tpu.vector_load %arg7[%swap3A_577] {strides = array<i32>} : memref<128xi32, #tpu.memory_space<vmem>>, vector<16xi32>,
    tpu.vector_store %arg7[%swap3A_577], %gather3A_576 {strides = array<i32>} : memref<128xi32, #tpu.memory_space<vmem>>, vector<16xi32>,
    %add3A_579 = arith.constant 16 : i32
    %add3A_580 = vector.broadcast %add3A_579 : i32 to vector<16xi32>
    %add3A_581 = arith.addi %iota3A, %add3A_580 : vector<16xi32>
    %mul3A_582 = arith.constant 50 : i32
    %mul3A_583 = vector.broadcast %mul3A_582 : i32 to vector<16xi32>
    %mul3A_584 = arith.muli %add3A_581, %mul3A_583 : vector<16xi32>
    %add3A_585 = arith.constant 1 : i32
    %add3A_586 = vector.broadcast %add3A_585 : i32 to vector<16xi32>
    %add3A_587 = arith.addi %mul3A_584, %add3A_586 : vector<16xi32>
    %gather3A_588 = tpu.vector_load_idx %arg5[%add3A_587] : memref<6400xi32, #tpu.memory_space<vmem>>[vector<16xi32>], vector<16xi32>,
    %swap3A_589 = arith.constant 16 : index
    %swap3A_590 = tpu.vector_load %arg7[%swap3A_589] {strides = array<i32>} : memref<128xi32, #tpu.memory_space<vmem>>, vector<16xi32>,
    tpu.vector_store %arg7[%swap3A_589], %gather3A_588 {strides = array<i32>} : memref<128xi32, #tpu.memory_space<vmem>>, vector<16xi32>,
    %add3A_591 = arith.constant 32 : i32
    %add3A_592 = vector.broadcast %add3A_591 : i32 to vector<16xi32>
    %add3A_593 = arith.addi %iota3A, %add3A_592 : vector<16xi32>
    %mul3A_594 = arith.constant 50 : i32
    %mul3A_595 = vector.broadcast %mul3A_594 : i32 to vector<16xi32>
    %mul3A_596 = arith.muli %add3A_593, %mul3A_595 : vector<16xi32>
    %add3A_597 = arith.constant 1 : i32
    %add3A_598 = vector.broadcast %add3A_597 : i32 to vector<16xi32>
    %add3A_599 = arith.addi %mul3A_596, %add3A_598 : vector<16xi32>
    %gather3A_600 = tpu.vector_load_idx %arg5[%add3A_599] : memref<6400xi32, #tpu.memory_space<vmem>>[vector<16xi32>], vector<16xi32>,
    %swap3A_601 = arith.constant 32 : index
    %swap3A_602 = tpu.vector_load %arg7[%swap3A_601] {strides = array<i32>} : memref<128xi32, #tpu.memory_space<vmem>>, vector<16xi32>,
    tpu.vector_store %arg7[%swap3A_601], %gather3A_600 {strides = array<i32>} : memref<128xi32, #tpu.memory_space<vmem>>, vector<16xi32>,
    %add3A_603 = arith.constant 48 : i32
    %add3A_604 = vector.broadcast %add3A_603 : i32 to vector<16xi32>
    %add3A_605 = arith.addi %iota3A, %add3A_604 : vector<16xi32>
    %mul3A_606 = arith.constant 50 : i32
    %mul3A_607 = vector.broadcast %mul3A_606 : i32 to vector<16xi32>
    %mul3A_608 = arith.muli %add3A_605, %mul3A_607 : vector<16xi32>
    %add3A_609 = arith.constant 1 : i32
    %add3A_610 = vector.broadcast %add3A_609 : i32 to vector<16xi32>
    %add3A_611 = arith.addi %mul3A_608, %add3A_610 : vector<16xi32>
    %gather3A_612 = tpu.vector_load_idx %arg5[%add3A_611] : memref<6400xi32, #tpu.memory_space<vmem>>[vector<16xi32>], vector<16xi32>,
    %swap3A_613 = arith.constant 48 : index
    %swap3A_614 = tpu.vector_load %arg7[%swap3A_613] {strides = array<i32>} : memref<128xi32, #tpu.memory_space<vmem>>, vector<16xi32>,
    tpu.vector_store %arg7[%swap3A_613], %gather3A_612 {strides = array<i32>} : memref<128xi32, #tpu.memory_space<vmem>>, vector<16xi32>,
    %add3A_615 = arith.constant 64 : i32
    %add3A_616 = vector.broadcast %add3A_615 : i32 to vector<16xi32>
    %add3A_617 = arith.addi %iota3A, %add3A_616 : vector<16xi32>
    %mul3A_618 = arith.constant 50 : i32
    %mul3A_619 = vector.broadcast %mul3A_618 : i32 to vector<16xi32>
    %mul3A_620 = arith.muli %add3A_617, %mul3A_619 : vector<16xi32>
    %add3A_621 = arith.constant 1 : i32
    %add3A_622 = vector.broadcast %add3A_621 : i32 to vector<16xi32>
    %add3A_623 = arith.addi %mul3A_620, %add3A_622 : vector<16xi32>
    %gather3A_624 = tpu.vector_load_idx %arg5[%add3A_623] : memref<6400xi32, #tpu.memory_space<vmem>>[vector<16xi32>], vector<16xi32>,
    %swap3A_625 = arith.constant 64 : index
    %swap3A_626 = tpu.vector_load %arg7[%swap3A_625] {strides = array<i32>} : memref<128xi32, #tpu.memory_space<vmem>>, vector<16xi32>,
    tpu.vector_store %arg7[%swap3A_625], %gather3A_624 {strides = array<i32>} : memref<128xi32, #tpu.memory_space<vmem>>, vector<16xi32>,
    %add3A_627 = arith.constant 80 : i32
    %add3A_628 = vector.broadcast %add3A_627 : i32 to vector<16xi32>
    %add3A_629 = arith.addi %iota3A, %add3A_628 : vector<16xi32>
    %mul3A_630 = arith.constant 50 : i32
    %mul3A_631 = vector.broadcast %mul3A_630 : i32 to vector<16xi32>
    %mul3A_632 = arith.muli %add3A_629, %mul3A_631 : vector<16xi32>
    %add3A_633 = arith.constant 1 : i32
    %add3A_634 = vector.broadcast %add3A_633 : i32 to vector<16xi32>
    %add3A_635 = arith.addi %mul3A_632, %add3A_634 : vector<16xi32>
    %gather3A_636 = tpu.vector_load_idx %arg5[%add3A_635] : memref<6400xi32, #tpu.memory_space<vmem>>[vector<16xi32>], vector<16xi32>,
    %swap3A_637 = arith.constant 80 : index
    %swap3A_638 = tpu.vector_load %arg7[%swap3A_637] {strides = array<i32>} : memref<128xi32, #tpu.memory_space<vmem>>, vector<16xi32>,
    tpu.vector_store %arg7[%swap3A_637], %gather3A_636 {strides = array<i32>} : memref<128xi32, #tpu.memory_space<vmem>>, vector<16xi32>,
    %add3A_639 = arith.constant 96 : i32
    %add3A_640 = vector.broadcast %add3A_639 : i32 to vector<16xi32>
    %add3A_641 = arith.addi %iota3A, %add3A_640 : vector<16xi32>
    %mul3A_642 = arith.constant 50 : i32
    %mul3A_643 = vector.broadcast %mul3A_642 : i32 to vector<16xi32>
    %mul3A_644 = arith.muli %add3A_641, %mul3A_643 : vector<16xi32>
    %add3A_645 = arith.constant 1 : i32
    %add3A_646 = vector.broadcast %add3A_645 : i32 to vector<16xi32>
    %add3A_647 = arith.addi %mul3A_644, %add3A_646 : vector<16xi32>
    %gather3A_648 = tpu.vector_load_idx %arg5[%add3A_647] : memref<6400xi32, #tpu.memory_space<vmem>>[vector<16xi32>], vector<16xi32>,
    %swap3A_649 = arith.constant 96 : index
    %swap3A_650 = tpu.vector_load %arg7[%swap3A_649] {strides = array<i32>} : memref<128xi32, #tpu.memory_space<vmem>>, vector<16xi32>,
    tpu.vector_store %arg7[%swap3A_649], %gather3A_648 {strides = array<i32>} : memref<128xi32, #tpu.memory_space<vmem>>, vector<16xi32>,
    %add3A_651 = arith.constant 112 : i32
    %add3A_652 = vector.broadcast %add3A_651 : i32 to vector<16xi32>
    %add3A_653 = arith.addi %iota3A, %add3A_652 : vector<16xi32>
    %mul3A_654 = arith.constant 50 : i32
    %mul3A_655 = vector.broadcast %mul3A_654 : i32 to vector<16xi32>
    %mul3A_656 = arith.muli %add3A_653, %mul3A_655 : vector<16xi32>
    %add3A_657 = arith.constant 1 : i32
    %add3A_658 = vector.broadcast %add3A_657 : i32 to vector<16xi32>
    %add3A_659 = arith.addi %mul3A_656, %add3A_658 : vector<16xi32>
    %gather3A_660 = tpu.vector_load_idx %arg5[%add3A_659] : memref<6400xi32, #tpu.memory_space<vmem>>[vector<16xi32>], vector<16xi32>,
    %swap3A_661 = arith.constant 112 : index
    %swap3A_662 = tpu.vector_load %arg7[%swap3A_661] {strides = array<i32>} : memref<128xi32, #tpu.memory_space<vmem>>, vector<16xi32>,
    tpu.vector_store %arg7[%swap3A_661], %gather3A_660 {strides = array<i32>} : memref<128xi32, #tpu.memory_space<vmem>>, vector<16xi32>,
    %dma_start3A_663 = arith.constant 0 : i32
    %dma_start3A_664 = arith.constant 0 : i32
    %dma_start3A_665 = tpu.memref_slice %arg3[%dma_start3A_663, %dma_start3A_664] : memref<1000000x32xf32, #tpu.memory_space<hbm>> -> memref<1000000x32xf32, #tpu.memory_space<hbm>>
    tpu.enqueue_indirect_dma source(%dma_start3A_665 : memref<1000000x32xf32, #tpu.memory_space<hbm>>) target(%arg9 : memref<128x32xf32, #tpu.memory_space<vmem>>) offsets(%arg7 : memref<128xi32, #tpu.memory_space<vmem>>) semaphore(%arg14 : memref<!tpu.dma_semaphore, #tpu.memory_space<semaphore_mem>>)
    %scan3A_666 = arith.constant 0 : i32
    %scan3A_667 = arith.constant 0 : i32
    %scan3A_668 = arith.constant 25 : i32
    %scan3A_669 = arith.addi %scan3A_667, %scan3A_668 : i32
    %scan3A_670 = arith.constant 1 : i32
    scf.for %scan3A_924 = %scan3A_667 to %scan3A_669 step %scan3A_670  : i32 {
      %mul3A_925 = arith.constant 2 : i32
      %mul3A_926 = arith.muli %mul3A_925, %scan3A_924 : i32
      %dma_wait3A_927 = arith.constant 0 : i32
      %dma_wait3A_928 = arith.constant 0 : i32
      %dma_wait3A_929 = tpu.memref_slice %arg3[%dma_wait3A_927, %dma_wait3A_928] : memref<1000000x32xf32, #tpu.memory_space<hbm>> -> memref<1000000x32xf32, #tpu.memory_space<hbm>>
      tpu.wait_indirect_dma semaphore(%arg13 : memref<!tpu.dma_semaphore, #tpu.memory_space<semaphore_mem>>) src(%dma_wait3A_929 : memref<1000000x32xf32, #tpu.memory_space<hbm>>) dst(%arg8 : memref<128x32xf32, #tpu.memory_space<vmem>>)
      %gt3A = arith.constant 0 : i32
      %gt3A_930 = arith.cmpi sgt, %scan3A_924, %gt3A : i32
      %convert_element_type3A = arith.extui %gt3A_930 : i1 to i32
      %cond3A = arith.constant 0 : i32
      %cond3A_931 = arith.cmpi ne, %convert_element_type3A, %cond3A : i32
      scf.if %cond3A_931 {
        %dma_wait3A_981 = arith.constant 0 : i32
        %dma_wait3A_982 = arith.constant 0 : i32
        %dma_wait3A_983 = arith.constant 0 : i32
        %dma_wait3A_984 = arith.constant 0 : i32
        %dma_wait3A_985 = tpu.memref_slice %arg4[%dma_wait3A_981, %dma_wait3A_983, %dma_wait3A_982, %dma_wait3A_984] : memref<50x4x128x1024xf32, #tpu.memory_space<hbm>> -> memref<1x4x1x1024xf32, #tpu.memory_space<hbm>>
        %dma_wait3A_986 = tpu.memref_squeeze %dma_wait3A_985 : memref<1x4x1x1024xf32, #tpu.memory_space<hbm>> -> memref<4x1024xf32, #tpu.memory_space<hbm>>
        %dma_wait3A_987 = arith.constant 0 : i32
        %dma_wait3A_988 = arith.constant 0 : i32
        %dma_wait3A_989 = tpu.memref_slice %arg4[%dma_wait3A_981, %dma_wait3A_987, %dma_wait3A_982, %dma_wait3A_988] : memref<50x4x128x1024xf32, #tpu.memory_space<hbm>> -> memref<1x4x1x1024xf32, #tpu.memory_space<hbm>>
        %dma_wait3A_990 = tpu.memref_squeeze %dma_wait3A_989 : memref<1x4x1x1024xf32, #tpu.memory_space<hbm>> -> memref<4x1024xf32, #tpu.memory_space<hbm>>
        tpu.wait_dma2 semaphore(%arg15 : memref<!tpu.dma_semaphore, #tpu.memory_space<semaphore_mem>>) src(%arg10 : memref<4x1024xf32, #tpu.memory_space<vmem>>) dst(%dma_wait3A_990 : memref<4x1024xf32, #tpu.memory_space<hbm>>)
      } else {
      }
      %scan3A_932 = arith.constant 0 : i32
      %scan3A_933 = arith.constant 0 : i32
      %scan3A_934 = arith.constant 32 : i32
      %scan3A_935 = arith.addi %scan3A_933, %scan3A_934 : i32
      %scan3A_936 = arith.constant 1 : i32
      scf.for %scan3A_981 = %scan3A_933 to %scan3A_935 step %scan3A_936  : i32 {
        %add3A_982 = vector.broadcast %scan3A_981 : i32 to vector<16xi32>
        %add3A_983 = arith.addi %add3A_982, %iota3A : vector<16xi32>
        %and3A = arith.constant 31 : i32
        %and3A_984 = vector.broadcast %and3A : i32 to vector<16xi32>
        %and3A_985 = arith.andi %add3A_983, %and3A_984 : vector<16xi32>
        %shift_right_arithmetic3A = arith.constant 3 : i32
        %shift_right_arithmetic3A_986 = vector.broadcast %shift_right_arithmetic3A : i32 to vector<16xi32>
        %shift_right_arithmetic3A_987 = arith.shrsi %and3A_985, %shift_right_arithmetic3A_986 : vector<16xi32>
        %and3A_988 = arith.constant 7 : i32
        %and3A_989 = vector.broadcast %and3A_988 : i32 to vector<16xi32>
        %and3A_990 = arith.andi %and3A_985, %and3A_989 : vector<16xi32>
        %shift_left3A = arith.constant 7 : i32
        %shift_left3A_991 = vector.broadcast %shift_left3A : i32 to vector<16xi32>
        %shift_left3A_992 = arith.shli %and3A_990, %shift_left3A_991 : vector<16xi32>
        %add3A_993 = arith.constant 0 : i32
        %add3A_994 = vector.broadcast %add3A_993 : i32 to vector<16xi32>
        %add3A_995 = arith.addi %iota3A, %add3A_994 : vector<16xi32>
        %gather3A_996 = tpu.vector_load_idx %arg8[%add3A_995, %and3A_985] : memref<128x32xf32, #tpu.memory_space<vmem>>[vector<16xi32>, vector<16xi32>], vector<16xf32>,
        %add3A_997 = arith.addi %shift_left3A_992, %iota3A : vector<16xi32>
        %add3A_998 = arith.constant 0 : i32
        %add3A_999 = vector.broadcast %add3A_998 : i32 to vector<16xi32>
        %add3A_1000 = arith.addi %add3A_997, %add3A_999 : vector<16xi32>
        tpu.vector_store_idx %arg10[%shift_right_arithmetic3A_987, %add3A_1000], %gather3A_996 : memref<4x1024xf32, #tpu.memory_space<vmem>>[vector<16xi32>, vector<16xi32>], vector<16xf32>,
        %add3A_1001 = arith.constant 16 : i32
        %add3A_1002 = vector.broadcast %add3A_1001 : i32 to vector<16xi32>
        %add3A_1003 = arith.addi %iota3A, %add3A_1002 : vector<16xi32>
        %gather3A_1004 = tpu.vector_load_idx %arg8[%add3A_1003, %and3A_985] : memref<128x32xf32, #tpu.memory_space<vmem>>[vector<16xi32>, vector<16xi32>], vector<16xf32>,
        %add3A_1005 = arith.addi %shift_left3A_992, %iota3A : vector<16xi32>
        %add3A_1006 = arith.constant 16 : i32
        %add3A_1007 = vector.broadcast %add3A_1006 : i32 to vector<16xi32>
        %add3A_1008 = arith.addi %add3A_1005, %add3A_1007 : vector<16xi32>
        tpu.vector_store_idx %arg10[%shift_right_arithmetic3A_987, %add3A_1008], %gather3A_1004 : memref<4x1024xf32, #tpu.memory_space<vmem>>[vector<16xi32>, vector<16xi32>], vector<16xf32>,
        %add3A_1009 = arith.constant 32 : i32
        %add3A_1010 = vector.broadcast %add3A_1009 : i32 to vector<16xi32>
        %add3A_1011 = arith.addi %iota3A, %add3A_1010 : vector<16xi32>
        %gather3A_1012 = tpu.vector_load_idx %arg8[%add3A_1011, %and3A_985] : memref<128x32xf32, #tpu.memory_space<vmem>>[vector<16xi32>, vector<16xi32>], vector<16xf32>,
        %add3A_1013 = arith.addi %shift_left3A_992, %iota3A : vector<16xi32>
        %add3A_1014 = arith.constant 32 : i32
        %add3A_1015 = vector.broadcast %add3A_1014 : i32 to vector<16xi32>
        %add3A_1016 = arith.addi %add3A_1013, %add3A_1015 : vector<16xi32>
        tpu.vector_store_idx %arg10[%shift_right_arithmetic3A_987, %add3A_1016], %gather3A_1012 : memref<4x1024xf32, #tpu.memory_space<vmem>>[vector<16xi32>, vector<16xi32>], vector<16xf32>,
        %add3A_1017 = arith.constant 48 : i32
        %add3A_1018 = vector.broadcast %add3A_1017 : i32 to vector<16xi32>
        %add3A_1019 = arith.addi %iota3A, %add3A_1018 : vector<16xi32>
        %gather3A_1020 = tpu.vector_load_idx %arg8[%add3A_1019, %and3A_985] : memref<128x32xf32, #tpu.memory_space<vmem>>[vector<16xi32>, vector<16xi32>], vector<16xf32>,
        %add3A_1021 = arith.addi %shift_left3A_992, %iota3A : vector<16xi32>
        %add3A_1022 = arith.constant 48 : i32
        %add3A_1023 = vector.broadcast %add3A_1022 : i32 to vector<16xi32>
        %add3A_1024 = arith.addi %add3A_1021, %add3A_1023 : vector<16xi32>
        tpu.vector_store_idx %arg10[%shift_right_arithmetic3A_987, %add3A_1024], %gather3A_1020 : memref<4x1024xf32, #tpu.memory_space<vmem>>[vector<16xi32>, vector<16xi32>], vector<16xf32>,
        %add3A_1025 = arith.constant 64 : i32
        %add3A_1026 = vector.broadcast %add3A_1025 : i32 to vector<16xi32>
        %add3A_1027 = arith.addi %iota3A, %add3A_1026 : vector<16xi32>
        %gather3A_1028 = tpu.vector_load_idx %arg8[%add3A_1027, %and3A_985] : memref<128x32xf32, #tpu.memory_space<vmem>>[vector<16xi32>, vector<16xi32>], vector<16xf32>,
        %add3A_1029 = arith.addi %shift_left3A_992, %iota3A : vector<16xi32>
        %add3A_1030 = arith.constant 64 : i32
        %add3A_1031 = vector.broadcast %add3A_1030 : i32 to vector<16xi32>
        %add3A_1032 = arith.addi %add3A_1029, %add3A_1031 : vector<16xi32>
        tpu.vector_store_idx %arg10[%shift_right_arithmetic3A_987, %add3A_1032], %gather3A_1028 : memref<4x1024xf32, #tpu.memory_space<vmem>>[vector<16xi32>, vector<16xi32>], vector<16xf32>,
        %add3A_1033 = arith.constant 80 : i32
        %add3A_1034 = vector.broadcast %add3A_1033 : i32 to vector<16xi32>
        %add3A_1035 = arith.addi %iota3A, %add3A_1034 : vector<16xi32>
        %gather3A_1036 = tpu.vector_load_idx %arg8[%add3A_1035, %and3A_985] : memref<128x32xf32, #tpu.memory_space<vmem>>[vector<16xi32>, vector<16xi32>], vector<16xf32>,
        %add3A_1037 = arith.addi %shift_left3A_992, %iota3A : vector<16xi32>
        %add3A_1038 = arith.constant 80 : i32
        %add3A_1039 = vector.broadcast %add3A_1038 : i32 to vector<16xi32>
        %add3A_1040 = arith.addi %add3A_1037, %add3A_1039 : vector<16xi32>
        tpu.vector_store_idx %arg10[%shift_right_arithmetic3A_987, %add3A_1040], %gather3A_1036 : memref<4x1024xf32, #tpu.memory_space<vmem>>[vector<16xi32>, vector<16xi32>], vector<16xf32>,
        %add3A_1041 = arith.constant 96 : i32
        %add3A_1042 = vector.broadcast %add3A_1041 : i32 to vector<16xi32>
        %add3A_1043 = arith.addi %iota3A, %add3A_1042 : vector<16xi32>
        %gather3A_1044 = tpu.vector_load_idx %arg8[%add3A_1043, %and3A_985] : memref<128x32xf32, #tpu.memory_space<vmem>>[vector<16xi32>, vector<16xi32>], vector<16xf32>,
        %add3A_1045 = arith.addi %shift_left3A_992, %iota3A : vector<16xi32>
        %add3A_1046 = arith.constant 96 : i32
        %add3A_1047 = vector.broadcast %add3A_1046 : i32 to vector<16xi32>
        %add3A_1048 = arith.addi %add3A_1045, %add3A_1047 : vector<16xi32>
        tpu.vector_store_idx %arg10[%shift_right_arithmetic3A_987, %add3A_1048], %gather3A_1044 : memref<4x1024xf32, #tpu.memory_space<vmem>>[vector<16xi32>, vector<16xi32>], vector<16xf32>,
        %add3A_1049 = arith.constant 112 : i32
        %add3A_1050 = vector.broadcast %add3A_1049 : i32 to vector<16xi32>
        %add3A_1051 = arith.addi %iota3A, %add3A_1050 : vector<16xi32>
        %gather3A_1052 = tpu.vector_load_idx %arg8[%add3A_1051, %and3A_985] : memref<128x32xf32, #tpu.memory_space<vmem>>[vector<16xi32>, vector<16xi32>], vector<16xf32>,
        %add3A_1053 = arith.addi %shift_left3A_992, %iota3A : vector<16xi32>
        %add3A_1054 = arith.constant 112 : i32
        %add3A_1055 = vector.broadcast %add3A_1054 : i32 to vector<16xi32>
        %add3A_1056 = arith.addi %add3A_1053, %add3A_1055 : vector<16xi32>
        tpu.vector_store_idx %arg10[%shift_right_arithmetic3A_987, %add3A_1056], %gather3A_1052 : memref<4x1024xf32, #tpu.memory_space<vmem>>[vector<16xi32>, vector<16xi32>], vector<16xf32>,
      }
      %scan3A_937 = arith.constant 32 : i32
      %dma_start3A_938 = arith.constant 0 : i32
      %dma_start3A_939 = arith.constant 0 : i32
      %dma_start3A_940 = tpu.memref_slice %arg4[%mul3A_926, %dma_start3A_938, %add3A_463, %dma_start3A_939] : memref<50x4x128x1024xf32, #tpu.memory_space<hbm>> -> memref<1x4x1x1024xf32, #tpu.memory_space<hbm>>
      %dma_start3A_941 = tpu.memref_squeeze %dma_start3A_940 : memref<1x4x1x1024xf32, #tpu.memory_space<hbm>> -> memref<4x1024xf32, #tpu.memory_space<hbm>>
      %dma_start3A_942 = arith.constant 0 : i32
      %dma_start3A_943 = arith.constant 0 : i32
      %dma_start3A_944 = tpu.memref_slice %arg4[%mul3A_926, %dma_start3A_942, %add3A_463, %dma_start3A_943] : memref<50x4x128x1024xf32, #tpu.memory_space<hbm>> -> memref<1x4x1x1024xf32, #tpu.memory_space<hbm>>
      %dma_start3A_945 = tpu.memref_squeeze %dma_start3A_944 : memref<1x4x1x1024xf32, #tpu.memory_space<hbm>> -> memref<4x1024xf32, #tpu.memory_space<hbm>>
      tpu.enqueue_dma source(%arg10 : memref<4x1024xf32, #tpu.memory_space<vmem>>) target(%dma_start3A_945 : memref<4x1024xf32, #tpu.memory_space<hbm>>) target_semaphore(%arg15 : memref<!tpu.dma_semaphore, #tpu.memory_space<semaphore_mem>>)
      %lt3A = arith.constant 24 : i32
      %lt3A_946 = arith.cmpi slt, %scan3A_924, %lt3A : i32
      %convert_element_type3A_947 = arith.extui %lt3A_946 : i1 to i32
      %cond3A_948 = arith.constant 0 : i32
      %cond3A_949 = arith.cmpi ne, %convert_element_type3A_947, %cond3A_948 : i32
      scf.if %cond3A_949 {
        %add3A_981 = arith.constant 2 : i32
        %add3A_982 = arith.addi %mul3A_926, %add3A_981 : i32
        %add3A_983 = arith.constant 0 : i32
        %add3A_984 = vector.broadcast %add3A_983 : i32 to vector<16xi32>
        %add3A_985 = arith.addi %iota3A, %add3A_984 : vector<16xi32>
        %mul3A_986 = arith.constant 50 : i32
        %mul3A_987 = vector.broadcast %mul3A_986 : i32 to vector<16xi32>
        %mul3A_988 = arith.muli %add3A_985, %mul3A_987 : vector<16xi32>
        %add3A_989 = vector.broadcast %add3A_982 : i32 to vector<16xi32>
        %add3A_990 = arith.addi %mul3A_988, %add3A_989 : vector<16xi32>
        %gather3A_991 = tpu.vector_load_idx %arg5[%add3A_990] : memref<6400xi32, #tpu.memory_space<vmem>>[vector<16xi32>], vector<16xi32>,
        %swap3A_992 = arith.constant 0 : index
        %swap3A_993 = tpu.vector_load %arg6[%swap3A_992] {strides = array<i32>} : memref<128xi32, #tpu.memory_space<vmem>>, vector<16xi32>,
        tpu.vector_store %arg6[%swap3A_992], %gather3A_991 {strides = array<i32>} : memref<128xi32, #tpu.memory_space<vmem>>, vector<16xi32>,
        %add3A_994 = arith.constant 16 : i32
        %add3A_995 = vector.broadcast %add3A_994 : i32 to vector<16xi32>
        %add3A_996 = arith.addi %iota3A, %add3A_995 : vector<16xi32>
        %mul3A_997 = arith.constant 50 : i32
        %mul3A_998 = vector.broadcast %mul3A_997 : i32 to vector<16xi32>
        %mul3A_999 = arith.muli %add3A_996, %mul3A_998 : vector<16xi32>
        %add3A_1000 = vector.broadcast %add3A_982 : i32 to vector<16xi32>
        %add3A_1001 = arith.addi %mul3A_999, %add3A_1000 : vector<16xi32>
        %gather3A_1002 = tpu.vector_load_idx %arg5[%add3A_1001] : memref<6400xi32, #tpu.memory_space<vmem>>[vector<16xi32>], vector<16xi32>,
        %swap3A_1003 = arith.constant 16 : index
        %swap3A_1004 = tpu.vector_load %arg6[%swap3A_1003] {strides = array<i32>} : memref<128xi32, #tpu.memory_space<vmem>>, vector<16xi32>,
        tpu.vector_store %arg6[%swap3A_1003], %gather3A_1002 {strides = array<i32>} : memref<128xi32, #tpu.memory_space<vmem>>, vector<16xi32>,
        %add3A_1005 = arith.constant 32 : i32
        %add3A_1006 = vector.broadcast %add3A_1005 : i32 to vector<16xi32>
        %add3A_1007 = arith.addi %iota3A, %add3A_1006 : vector<16xi32>
        %mul3A_1008 = arith.constant 50 : i32
        %mul3A_1009 = vector.broadcast %mul3A_1008 : i32 to vector<16xi32>
        %mul3A_1010 = arith.muli %add3A_1007, %mul3A_1009 : vector<16xi32>
        %add3A_1011 = vector.broadcast %add3A_982 : i32 to vector<16xi32>
        %add3A_1012 = arith.addi %mul3A_1010, %add3A_1011 : vector<16xi32>
        %gather3A_1013 = tpu.vector_load_idx %arg5[%add3A_1012] : memref<6400xi32, #tpu.memory_space<vmem>>[vector<16xi32>], vector<16xi32>,
        %swap3A_1014 = arith.constant 32 : index
        %swap3A_1015 = tpu.vector_load %arg6[%swap3A_1014] {strides = array<i32>} : memref<128xi32, #tpu.memory_space<vmem>>, vector<16xi32>,
        tpu.vector_store %arg6[%swap3A_1014], %gather3A_1013 {strides = array<i32>} : memref<128xi32, #tpu.memory_space<vmem>>, vector<16xi32>,
        %add3A_1016 = arith.constant 48 : i32
        %add3A_1017 = vector.broadcast %add3A_1016 : i32 to vector<16xi32>
        %add3A_1018 = arith.addi %iota3A, %add3A_1017 : vector<16xi32>
        %mul3A_1019 = arith.constant 50 : i32
        %mul3A_1020 = vector.broadcast %mul3A_1019 : i32 to vector<16xi32>
        %mul3A_1021 = arith.muli %add3A_1018, %mul3A_1020 : vector<16xi32>
        %add3A_1022 = vector.broadcast %add3A_982 : i32 to vector<16xi32>
        %add3A_1023 = arith.addi %mul3A_1021, %add3A_1022 : vector<16xi32>
        %gather3A_1024 = tpu.vector_load_idx %arg5[%add3A_1023] : memref<6400xi32, #tpu.memory_space<vmem>>[vector<16xi32>], vector<16xi32>,
        %swap3A_1025 = arith.constant 48 : index
        %swap3A_1026 = tpu.vector_load %arg6[%swap3A_1025] {strides = array<i32>} : memref<128xi32, #tpu.memory_space<vmem>>, vector<16xi32>,
        tpu.vector_store %arg6[%swap3A_1025], %gather3A_1024 {strides = array<i32>} : memref<128xi32, #tpu.memory_space<vmem>>, vector<16xi32>,
        %add3A_1027 = arith.constant 64 : i32
        %add3A_1028 = vector.broadcast %add3A_1027 : i32 to vector<16xi32>
        %add3A_1029 = arith.addi %iota3A, %add3A_1028 : vector<16xi32>
        %mul3A_1030 = arith.constant 50 : i32
        %mul3A_1031 = vector.broadcast %mul3A_1030 : i32 to vector<16xi32>
        %mul3A_1032 = arith.muli %add3A_1029, %mul3A_1031 : vector<16xi32>
        %add3A_1033 = vector.broadcast %add3A_982 : i32 to vector<16xi32>
        %add3A_1034 = arith.addi %mul3A_1032, %add3A_1033 : vector<16xi32>
        %gather3A_1035 = tpu.vector_load_idx %arg5[%add3A_1034] : memref<6400xi32, #tpu.memory_space<vmem>>[vector<16xi32>], vector<16xi32>,
        %swap3A_1036 = arith.constant 64 : index
        %swap3A_1037 = tpu.vector_load %arg6[%swap3A_1036] {strides = array<i32>} : memref<128xi32, #tpu.memory_space<vmem>>, vector<16xi32>,
        tpu.vector_store %arg6[%swap3A_1036], %gather3A_1035 {strides = array<i32>} : memref<128xi32, #tpu.memory_space<vmem>>, vector<16xi32>,
        %add3A_1038 = arith.constant 80 : i32
        %add3A_1039 = vector.broadcast %add3A_1038 : i32 to vector<16xi32>
        %add3A_1040 = arith.addi %iota3A, %add3A_1039 : vector<16xi32>
        %mul3A_1041 = arith.constant 50 : i32
        %mul3A_1042 = vector.broadcast %mul3A_1041 : i32 to vector<16xi32>
        %mul3A_1043 = arith.muli %add3A_1040, %mul3A_1042 : vector<16xi32>
        %add3A_1044 = vector.broadcast %add3A_982 : i32 to vector<16xi32>
        %add3A_1045 = arith.addi %mul3A_1043, %add3A_1044 : vector<16xi32>
        %gather3A_1046 = tpu.vector_load_idx %arg5[%add3A_1045] : memref<6400xi32, #tpu.memory_space<vmem>>[vector<16xi32>], vector<16xi32>,
        %swap3A_1047 = arith.constant 80 : index
        %swap3A_1048 = tpu.vector_load %arg6[%swap3A_1047] {strides = array<i32>} : memref<128xi32, #tpu.memory_space<vmem>>, vector<16xi32>,
        tpu.vector_store %arg6[%swap3A_1047], %gather3A_1046 {strides = array<i32>} : memref<128xi32, #tpu.memory_space<vmem>>, vector<16xi32>,
        %add3A_1049 = arith.constant 96 : i32
        %add3A_1050 = vector.broadcast %add3A_1049 : i32 to vector<16xi32>
        %add3A_1051 = arith.addi %iota3A, %add3A_1050 : vector<16xi32>
        %mul3A_1052 = arith.constant 50 : i32
        %mul3A_1053 = vector.broadcast %mul3A_1052 : i32 to vector<16xi32>
        %mul3A_1054 = arith.muli %add3A_1051, %mul3A_1053 : vector<16xi32>
        %add3A_1055 = vector.broadcast %add3A_982 : i32 to vector<16xi32>
        %add3A_1056 = arith.addi %mul3A_1054, %add3A_1055 : vector<16xi32>
        %gather3A_1057 = tpu.vector_load_idx %arg5[%add3A_1056] : memref<6400xi32, #tpu.memory_space<vmem>>[vector<16xi32>], vector<16xi32>,
        %swap3A_1058 = arith.constant 96 : index
        %swap3A_1059 = tpu.vector_load %arg6[%swap3A_1058] {strides = array<i32>} : memref<128xi32, #tpu.memory_space<vmem>>, vector<16xi32>,
        tpu.vector_store %arg6[%swap3A_1058], %gather3A_1057 {strides = array<i32>} : memref<128xi32, #tpu.memory_space<vmem>>, vector<16xi32>,
        %add3A_1060 = arith.constant 112 : i32
        %add3A_1061 = vector.broadcast %add3A_1060 : i32 to vector<16xi32>
        %add3A_1062 = arith.addi %iota3A, %add3A_1061 : vector<16xi32>
        %mul3A_1063 = arith.constant 50 : i32
        %mul3A_1064 = vector.broadcast %mul3A_1063 : i32 to vector<16xi32>
        %mul3A_1065 = arith.muli %add3A_1062, %mul3A_1064 : vector<16xi32>
        %add3A_1066 = vector.broadcast %add3A_982 : i32 to vector<16xi32>
        %add3A_1067 = arith.addi %mul3A_1065, %add3A_1066 : vector<16xi32>
        %gather3A_1068 = tpu.vector_load_idx %arg5[%add3A_1067] : memref<6400xi32, #tpu.memory_space<vmem>>[vector<16xi32>], vector<16xi32>,
        %swap3A_1069 = arith.constant 112 : index
        %swap3A_1070 = tpu.vector_load %arg6[%swap3A_1069] {strides = array<i32>} : memref<128xi32, #tpu.memory_space<vmem>>, vector<16xi32>,
        tpu.vector_store %arg6[%swap3A_1069], %gather3A_1068 {strides = array<i32>} : memref<128xi32, #tpu.memory_space<vmem>>, vector<16xi32>,
        %dma_start3A_1071 = arith.constant 0 : i32
        %dma_start3A_1072 = arith.constant 0 : i32
        %dma_start3A_1073 = tpu.memref_slice %arg3[%dma_start3A_1071, %dma_start3A_1072] : memref<1000000x32xf32, #tpu.memory_space<hbm>> -> memref<1000000x32xf32, #tpu.memory_space<hbm>>
        tpu.enqueue_indirect_dma source(%dma_start3A_1073 : memref<1000000x32xf32, #tpu.memory_space<hbm>>) target(%arg8 : memref<128x32xf32, #tpu.memory_space<vmem>>) offsets(%arg6 : memref<128xi32, #tpu.memory_space<vmem>>) semaphore(%arg13 : memref<!tpu.dma_semaphore, #tpu.memory_space<semaphore_mem>>)
      } else {
      }
      %mul3A_950 = arith.constant 2 : i32
      %mul3A_951 = arith.muli %mul3A_950, %scan3A_924 : i32
      %add3A_952 = arith.constant 1 : i32
      %add3A_953 = arith.addi %mul3A_951, %add3A_952 : i32
      %dma_wait3A_954 = arith.constant 0 : i32
      %dma_wait3A_955 = arith.constant 0 : i32
      %dma_wait3A_956 = tpu.memref_slice %arg3[%dma_wait3A_954, %dma_wait3A_955] : memref<1000000x32xf32, #tpu.memory_space<hbm>> -> memref<1000000x32xf32, #tpu.memory_space<hbm>>
      tpu.wait_indirect_dma semaphore(%arg14 : memref<!tpu.dma_semaphore, #tpu.memory_space<semaphore_mem>>) src(%dma_wait3A_956 : memref<1000000x32xf32, #tpu.memory_space<hbm>>) dst(%arg9 : memref<128x32xf32, #tpu.memory_space<vmem>>)
      %gt3A_957 = arith.constant 0 : i32
      %gt3A_958 = arith.cmpi sgt, %scan3A_924, %gt3A_957 : i32
      %convert_element_type3A_959 = arith.extui %gt3A_958 : i1 to i32
      %cond3A_960 = arith.constant 0 : i32
      %cond3A_961 = arith.cmpi ne, %convert_element_type3A_959, %cond3A_960 : i32
      scf.if %cond3A_961 {
        %dma_wait3A_981 = arith.constant 0 : i32
        %dma_wait3A_982 = arith.constant 0 : i32
        %dma_wait3A_983 = arith.constant 0 : i32
        %dma_wait3A_984 = arith.constant 0 : i32
        %dma_wait3A_985 = tpu.memref_slice %arg4[%dma_wait3A_981, %dma_wait3A_983, %dma_wait3A_982, %dma_wait3A_984] : memref<50x4x128x1024xf32, #tpu.memory_space<hbm>> -> memref<1x4x1x1024xf32, #tpu.memory_space<hbm>>
        %dma_wait3A_986 = tpu.memref_squeeze %dma_wait3A_985 : memref<1x4x1x1024xf32, #tpu.memory_space<hbm>> -> memref<4x1024xf32, #tpu.memory_space<hbm>>
        %dma_wait3A_987 = arith.constant 0 : i32
        %dma_wait3A_988 = arith.constant 0 : i32
        %dma_wait3A_989 = tpu.memref_slice %arg4[%dma_wait3A_981, %dma_wait3A_987, %dma_wait3A_982, %dma_wait3A_988] : memref<50x4x128x1024xf32, #tpu.memory_space<hbm>> -> memref<1x4x1x1024xf32, #tpu.memory_space<hbm>>
        %dma_wait3A_990 = tpu.memref_squeeze %dma_wait3A_989 : memref<1x4x1x1024xf32, #tpu.memory_space<hbm>> -> memref<4x1024xf32, #tpu.memory_space<hbm>>
        tpu.wait_dma2 semaphore(%arg16 : memref<!tpu.dma_semaphore, #tpu.memory_space<semaphore_mem>>) src(%arg11 : memref<4x1024xf32, #tpu.memory_space<vmem>>) dst(%dma_wait3A_990 : memref<4x1024xf32, #tpu.memory_space<hbm>>)
      } else {
      }
      %scan3A_962 = arith.constant 0 : i32
      %scan3A_963 = arith.constant 0 : i32
      %scan3A_964 = arith.constant 32 : i32
      %scan3A_965 = arith.addi %scan3A_963, %scan3A_964 : i32
      %scan3A_966 = arith.constant 1 : i32
      scf.for %scan3A_981 = %scan3A_963 to %scan3A_965 step %scan3A_966  : i32 {
        %add3A_982 = vector.broadcast %scan3A_981 : i32 to vector<16xi32>
        %add3A_983 = arith.addi %add3A_982, %iota3A : vector<16xi32>
        %and3A = arith.constant 31 : i32
        %and3A_984 = vector.broadcast %and3A : i32 to vector<16xi32>
        %and3A_985 = arith.andi %add3A_983, %and3A_984 : vector<16xi32>
        %shift_right_arithmetic3A = arith.constant 3 : i32
        %shift_right_arithmetic3A_986 = vector.broadcast %shift_right_arithmetic3A : i32 to vector<16xi32>
        %shift_right_arithmetic3A_987 = arith.shrsi %and3A_985, %shift_right_arithmetic3A_986 : vector<16xi32>
        %and3A_988 = arith.constant 7 : i32
        %and3A_989 = vector.broadcast %and3A_988 : i32 to vector<16xi32>
        %and3A_990 = arith.andi %and3A_985, %and3A_989 : vector<16xi32>
        %shift_left3A = arith.constant 7 : i32
        %shift_left3A_991 = vector.broadcast %shift_left3A : i32 to vector<16xi32>
        %shift_left3A_992 = arith.shli %and3A_990, %shift_left3A_991 : vector<16xi32>
        %add3A_993 = arith.constant 0 : i32
        %add3A_994 = vector.broadcast %add3A_993 : i32 to vector<16xi32>
        %add3A_995 = arith.addi %iota3A, %add3A_994 : vector<16xi32>
        %gather3A_996 = tpu.vector_load_idx %arg9[%add3A_995, %and3A_985] : memref<128x32xf32, #tpu.memory_space<vmem>>[vector<16xi32>, vector<16xi32>], vector<16xf32>,
        %add3A_997 = arith.addi %shift_left3A_992, %iota3A : vector<16xi32>
        %add3A_998 = arith.constant 0 : i32
        %add3A_999 = vector.broadcast %add3A_998 : i32 to vector<16xi32>
        %add3A_1000 = arith.addi %add3A_997, %add3A_999 : vector<16xi32>
        tpu.vector_store_idx %arg11[%shift_right_arithmetic3A_987, %add3A_1000], %gather3A_996 : memref<4x1024xf32, #tpu.memory_space<vmem>>[vector<16xi32>, vector<16xi32>], vector<16xf32>,
        %add3A_1001 = arith.constant 16 : i32
        %add3A_1002 = vector.broadcast %add3A_1001 : i32 to vector<16xi32>
        %add3A_1003 = arith.addi %iota3A, %add3A_1002 : vector<16xi32>
        %gather3A_1004 = tpu.vector_load_idx %arg9[%add3A_1003, %and3A_985] : memref<128x32xf32, #tpu.memory_space<vmem>>[vector<16xi32>, vector<16xi32>], vector<16xf32>,
        %add3A_1005 = arith.addi %shift_left3A_992, %iota3A : vector<16xi32>
        %add3A_1006 = arith.constant 16 : i32
        %add3A_1007 = vector.broadcast %add3A_1006 : i32 to vector<16xi32>
        %add3A_1008 = arith.addi %add3A_1005, %add3A_1007 : vector<16xi32>
        tpu.vector_store_idx %arg11[%shift_right_arithmetic3A_987, %add3A_1008], %gather3A_1004 : memref<4x1024xf32, #tpu.memory_space<vmem>>[vector<16xi32>, vector<16xi32>], vector<16xf32>,
        %add3A_1009 = arith.constant 32 : i32
        %add3A_1010 = vector.broadcast %add3A_1009 : i32 to vector<16xi32>
        %add3A_1011 = arith.addi %iota3A, %add3A_1010 : vector<16xi32>
        %gather3A_1012 = tpu.vector_load_idx %arg9[%add3A_1011, %and3A_985] : memref<128x32xf32, #tpu.memory_space<vmem>>[vector<16xi32>, vector<16xi32>], vector<16xf32>,
        %add3A_1013 = arith.addi %shift_left3A_992, %iota3A : vector<16xi32>
        %add3A_1014 = arith.constant 32 : i32
        %add3A_1015 = vector.broadcast %add3A_1014 : i32 to vector<16xi32>
        %add3A_1016 = arith.addi %add3A_1013, %add3A_1015 : vector<16xi32>
        tpu.vector_store_idx %arg11[%shift_right_arithmetic3A_987, %add3A_1016], %gather3A_1012 : memref<4x1024xf32, #tpu.memory_space<vmem>>[vector<16xi32>, vector<16xi32>], vector<16xf32>,
        %add3A_1017 = arith.constant 48 : i32
        %add3A_1018 = vector.broadcast %add3A_1017 : i32 to vector<16xi32>
        %add3A_1019 = arith.addi %iota3A, %add3A_1018 : vector<16xi32>
        %gather3A_1020 = tpu.vector_load_idx %arg9[%add3A_1019, %and3A_985] : memref<128x32xf32, #tpu.memory_space<vmem>>[vector<16xi32>, vector<16xi32>], vector<16xf32>,
        %add3A_1021 = arith.addi %shift_left3A_992, %iota3A : vector<16xi32>
        %add3A_1022 = arith.constant 48 : i32
        %add3A_1023 = vector.broadcast %add3A_1022 : i32 to vector<16xi32>
        %add3A_1024 = arith.addi %add3A_1021, %add3A_1023 : vector<16xi32>
        tpu.vector_store_idx %arg11[%shift_right_arithmetic3A_987, %add3A_1024], %gather3A_1020 : memref<4x1024xf32, #tpu.memory_space<vmem>>[vector<16xi32>, vector<16xi32>], vector<16xf32>,
        %add3A_1025 = arith.constant 64 : i32
        %add3A_1026 = vector.broadcast %add3A_1025 : i32 to vector<16xi32>
        %add3A_1027 = arith.addi %iota3A, %add3A_1026 : vector<16xi32>
        %gather3A_1028 = tpu.vector_load_idx %arg9[%add3A_1027, %and3A_985] : memref<128x32xf32, #tpu.memory_space<vmem>>[vector<16xi32>, vector<16xi32>], vector<16xf32>,
        %add3A_1029 = arith.addi %shift_left3A_992, %iota3A : vector<16xi32>
        %add3A_1030 = arith.constant 64 : i32
        %add3A_1031 = vector.broadcast %add3A_1030 : i32 to vector<16xi32>
        %add3A_1032 = arith.addi %add3A_1029, %add3A_1031 : vector<16xi32>
        tpu.vector_store_idx %arg11[%shift_right_arithmetic3A_987, %add3A_1032], %gather3A_1028 : memref<4x1024xf32, #tpu.memory_space<vmem>>[vector<16xi32>, vector<16xi32>], vector<16xf32>,
        %add3A_1033 = arith.constant 80 : i32
        %add3A_1034 = vector.broadcast %add3A_1033 : i32 to vector<16xi32>
        %add3A_1035 = arith.addi %iota3A, %add3A_1034 : vector<16xi32>
        %gather3A_1036 = tpu.vector_load_idx %arg9[%add3A_1035, %and3A_985] : memref<128x32xf32, #tpu.memory_space<vmem>>[vector<16xi32>, vector<16xi32>], vector<16xf32>,
        %add3A_1037 = arith.addi %shift_left3A_992, %iota3A : vector<16xi32>
        %add3A_1038 = arith.constant 80 : i32
        %add3A_1039 = vector.broadcast %add3A_1038 : i32 to vector<16xi32>
        %add3A_1040 = arith.addi %add3A_1037, %add3A_1039 : vector<16xi32>
        tpu.vector_store_idx %arg11[%shift_right_arithmetic3A_987, %add3A_1040], %gather3A_1036 : memref<4x1024xf32, #tpu.memory_space<vmem>>[vector<16xi32>, vector<16xi32>], vector<16xf32>,
        %add3A_1041 = arith.constant 96 : i32
        %add3A_1042 = vector.broadcast %add3A_1041 : i32 to vector<16xi32>
        %add3A_1043 = arith.addi %iota3A, %add3A_1042 : vector<16xi32>
        %gather3A_1044 = tpu.vector_load_idx %arg9[%add3A_1043, %and3A_985] : memref<128x32xf32, #tpu.memory_space<vmem>>[vector<16xi32>, vector<16xi32>], vector<16xf32>,
        %add3A_1045 = arith.addi %shift_left3A_992, %iota3A : vector<16xi32>
        %add3A_1046 = arith.constant 96 : i32
        %add3A_1047 = vector.broadcast %add3A_1046 : i32 to vector<16xi32>
        %add3A_1048 = arith.addi %add3A_1045, %add3A_1047 : vector<16xi32>
        tpu.vector_store_idx %arg11[%shift_right_arithmetic3A_987, %add3A_1048], %gather3A_1044 : memref<4x1024xf32, #tpu.memory_space<vmem>>[vector<16xi32>, vector<16xi32>], vector<16xf32>,
        %add3A_1049 = arith.constant 112 : i32
        %add3A_1050 = vector.broadcast %add3A_1049 : i32 to vector<16xi32>
        %add3A_1051 = arith.addi %iota3A, %add3A_1050 : vector<16xi32>
        %gather3A_1052 = tpu.vector_load_idx %arg9[%add3A_1051, %and3A_985] : memref<128x32xf32, #tpu.memory_space<vmem>>[vector<16xi32>, vector<16xi32>], vector<16xf32>,
        %add3A_1053 = arith.addi %shift_left3A_992, %iota3A : vector<16xi32>
        %add3A_1054 = arith.constant 112 : i32
        %add3A_1055 = vector.broadcast %add3A_1054 : i32 to vector<16xi32>
        %add3A_1056 = arith.addi %add3A_1053, %add3A_1055 : vector<16xi32>
        tpu.vector_store_idx %arg11[%shift_right_arithmetic3A_987, %add3A_1056], %gather3A_1052 : memref<4x1024xf32, #tpu.memory_space<vmem>>[vector<16xi32>, vector<16xi32>], vector<16xf32>,
      }
      %scan3A_967 = arith.constant 32 : i32
      %dma_start3A_968 = arith.constant 0 : i32
      %dma_start3A_969 = arith.constant 0 : i32
      %dma_start3A_970 = tpu.memref_slice %arg4[%add3A_953, %dma_start3A_968, %add3A_463, %dma_start3A_969] : memref<50x4x128x1024xf32, #tpu.memory_space<hbm>> -> memref<1x4x1x1024xf32, #tpu.memory_space<hbm>>
      %dma_start3A_971 = tpu.memref_squeeze %dma_start3A_970 : memref<1x4x1x1024xf32, #tpu.memory_space<hbm>> -> memref<4x1024xf32, #tpu.memory_space<hbm>>
      %dma_start3A_972 = arith.constant 0 : i32
      %dma_start3A_973 = arith.constant 0 : i32
      %dma_start3A_974 = tpu.memref_slice %arg4[%add3A_953, %dma_start3A_972, %add3A_463, %dma_start3A_973] : memref<50x4x128x1024xf32, #tpu.memory_space<hbm>> -> memref<1x4x1x1024xf32, #tpu.memory_space<hbm>>
      %dma_start3A_975 = tpu.memref_squeeze %dma_start3A_974 : memref<1x4x1x1024xf32, #tpu.memory_space<hbm>> -> memref<4x1024xf32, #tpu.memory_space<hbm>>
      tpu.enqueue_dma source(%arg11 : memref<4x1024xf32, #tpu.memory_space<vmem>>) target(%dma_start3A_975 : memref<4x1024xf32, #tpu.memory_space<hbm>>) target_semaphore(%arg16 : memref<!tpu.dma_semaphore, #tpu.memory_space<semaphore_mem>>)
      %lt3A_976 = arith.constant 24 : i32
      %lt3A_977 = arith.cmpi slt, %scan3A_924, %lt3A_976 : i32
      %convert_element_type3A_978 = arith.extui %lt3A_977 : i1 to i32
      %cond3A_979 = arith.constant 0 : i32
      %cond3A_980 = arith.cmpi ne, %convert_element_type3A_978, %cond3A_979 : i32
      scf.if %cond3A_980 {
        %add3A_981 = arith.constant 2 : i32
        %add3A_982 = arith.addi %add3A_953, %add3A_981 : i32
        %add3A_983 = arith.constant 0 : i32
        %add3A_984 = vector.broadcast %add3A_983 : i32 to vector<16xi32>
        %add3A_985 = arith.addi %iota3A, %add3A_984 : vector<16xi32>
        %mul3A_986 = arith.constant 50 : i32
        %mul3A_987 = vector.broadcast %mul3A_986 : i32 to vector<16xi32>
        %mul3A_988 = arith.muli %add3A_985, %mul3A_987 : vector<16xi32>
        %add3A_989 = vector.broadcast %add3A_982 : i32 to vector<16xi32>
        %add3A_990 = arith.addi %mul3A_988, %add3A_989 : vector<16xi32>
        %gather3A_991 = tpu.vector_load_idx %arg5[%add3A_990] : memref<6400xi32, #tpu.memory_space<vmem>>[vector<16xi32>], vector<16xi32>,
        %swap3A_992 = arith.constant 0 : index
        %swap3A_993 = tpu.vector_load %arg7[%swap3A_992] {strides = array<i32>} : memref<128xi32, #tpu.memory_space<vmem>>, vector<16xi32>,
        tpu.vector_store %arg7[%swap3A_992], %gather3A_991 {strides = array<i32>} : memref<128xi32, #tpu.memory_space<vmem>>, vector<16xi32>,
        %add3A_994 = arith.constant 16 : i32
        %add3A_995 = vector.broadcast %add3A_994 : i32 to vector<16xi32>
        %add3A_996 = arith.addi %iota3A, %add3A_995 : vector<16xi32>
        %mul3A_997 = arith.constant 50 : i32
        %mul3A_998 = vector.broadcast %mul3A_997 : i32 to vector<16xi32>
        %mul3A_999 = arith.muli %add3A_996, %mul3A_998 : vector<16xi32>
        %add3A_1000 = vector.broadcast %add3A_982 : i32 to vector<16xi32>
        %add3A_1001 = arith.addi %mul3A_999, %add3A_1000 : vector<16xi32>
        %gather3A_1002 = tpu.vector_load_idx %arg5[%add3A_1001] : memref<6400xi32, #tpu.memory_space<vmem>>[vector<16xi32>], vector<16xi32>,
        %swap3A_1003 = arith.constant 16 : index
        %swap3A_1004 = tpu.vector_load %arg7[%swap3A_1003] {strides = array<i32>} : memref<128xi32, #tpu.memory_space<vmem>>, vector<16xi32>,
        tpu.vector_store %arg7[%swap3A_1003], %gather3A_1002 {strides = array<i32>} : memref<128xi32, #tpu.memory_space<vmem>>, vector<16xi32>,
        %add3A_1005 = arith.constant 32 : i32
        %add3A_1006 = vector.broadcast %add3A_1005 : i32 to vector<16xi32>
        %add3A_1007 = arith.addi %iota3A, %add3A_1006 : vector<16xi32>
        %mul3A_1008 = arith.constant 50 : i32
        %mul3A_1009 = vector.broadcast %mul3A_1008 : i32 to vector<16xi32>
        %mul3A_1010 = arith.muli %add3A_1007, %mul3A_1009 : vector<16xi32>
        %add3A_1011 = vector.broadcast %add3A_982 : i32 to vector<16xi32>
        %add3A_1012 = arith.addi %mul3A_1010, %add3A_1011 : vector<16xi32>
        %gather3A_1013 = tpu.vector_load_idx %arg5[%add3A_1012] : memref<6400xi32, #tpu.memory_space<vmem>>[vector<16xi32>], vector<16xi32>,
        %swap3A_1014 = arith.constant 32 : index
        %swap3A_1015 = tpu.vector_load %arg7[%swap3A_1014] {strides = array<i32>} : memref<128xi32, #tpu.memory_space<vmem>>, vector<16xi32>,
        tpu.vector_store %arg7[%swap3A_1014], %gather3A_1013 {strides = array<i32>} : memref<128xi32, #tpu.memory_space<vmem>>, vector<16xi32>,
        %add3A_1016 = arith.constant 48 : i32
        %add3A_1017 = vector.broadcast %add3A_1016 : i32 to vector<16xi32>
        %add3A_1018 = arith.addi %iota3A, %add3A_1017 : vector<16xi32>
        %mul3A_1019 = arith.constant 50 : i32
        %mul3A_1020 = vector.broadcast %mul3A_1019 : i32 to vector<16xi32>
        %mul3A_1021 = arith.muli %add3A_1018, %mul3A_1020 : vector<16xi32>
        %add3A_1022 = vector.broadcast %add3A_982 : i32 to vector<16xi32>
        %add3A_1023 = arith.addi %mul3A_1021, %add3A_1022 : vector<16xi32>
        %gather3A_1024 = tpu.vector_load_idx %arg5[%add3A_1023] : memref<6400xi32, #tpu.memory_space<vmem>>[vector<16xi32>], vector<16xi32>,
        %swap3A_1025 = arith.constant 48 : index
        %swap3A_1026 = tpu.vector_load %arg7[%swap3A_1025] {strides = array<i32>} : memref<128xi32, #tpu.memory_space<vmem>>, vector<16xi32>,
        tpu.vector_store %arg7[%swap3A_1025], %gather3A_1024 {strides = array<i32>} : memref<128xi32, #tpu.memory_space<vmem>>, vector<16xi32>,
        %add3A_1027 = arith.constant 64 : i32
        %add3A_1028 = vector.broadcast %add3A_1027 : i32 to vector<16xi32>
        %add3A_1029 = arith.addi %iota3A, %add3A_1028 : vector<16xi32>
        %mul3A_1030 = arith.constant 50 : i32
        %mul3A_1031 = vector.broadcast %mul3A_1030 : i32 to vector<16xi32>
        %mul3A_1032 = arith.muli %add3A_1029, %mul3A_1031 : vector<16xi32>
        %add3A_1033 = vector.broadcast %add3A_982 : i32 to vector<16xi32>
        %add3A_1034 = arith.addi %mul3A_1032, %add3A_1033 : vector<16xi32>
        %gather3A_1035 = tpu.vector_load_idx %arg5[%add3A_1034] : memref<6400xi32, #tpu.memory_space<vmem>>[vector<16xi32>], vector<16xi32>,
        %swap3A_1036 = arith.constant 64 : index
        %swap3A_1037 = tpu.vector_load %arg7[%swap3A_1036] {strides = array<i32>} : memref<128xi32, #tpu.memory_space<vmem>>, vector<16xi32>,
        tpu.vector_store %arg7[%swap3A_1036], %gather3A_1035 {strides = array<i32>} : memref<128xi32, #tpu.memory_space<vmem>>, vector<16xi32>,
        %add3A_1038 = arith.constant 80 : i32
        %add3A_1039 = vector.broadcast %add3A_1038 : i32 to vector<16xi32>
        %add3A_1040 = arith.addi %iota3A, %add3A_1039 : vector<16xi32>
        %mul3A_1041 = arith.constant 50 : i32
        %mul3A_1042 = vector.broadcast %mul3A_1041 : i32 to vector<16xi32>
        %mul3A_1043 = arith.muli %add3A_1040, %mul3A_1042 : vector<16xi32>
        %add3A_1044 = vector.broadcast %add3A_982 : i32 to vector<16xi32>
        %add3A_1045 = arith.addi %mul3A_1043, %add3A_1044 : vector<16xi32>
        %gather3A_1046 = tpu.vector_load_idx %arg5[%add3A_1045] : memref<6400xi32, #tpu.memory_space<vmem>>[vector<16xi32>], vector<16xi32>,
        %swap3A_1047 = arith.constant 80 : index
        %swap3A_1048 = tpu.vector_load %arg7[%swap3A_1047] {strides = array<i32>} : memref<128xi32, #tpu.memory_space<vmem>>, vector<16xi32>,
        tpu.vector_store %arg7[%swap3A_1047], %gather3A_1046 {strides = array<i32>} : memref<128xi32, #tpu.memory_space<vmem>>, vector<16xi32>,
        %add3A_1049 = arith.constant 96 : i32
        %add3A_1050 = vector.broadcast %add3A_1049 : i32 to vector<16xi32>
        %add3A_1051 = arith.addi %iota3A, %add3A_1050 : vector<16xi32>
        %mul3A_1052 = arith.constant 50 : i32
        %mul3A_1053 = vector.broadcast %mul3A_1052 : i32 to vector<16xi32>
        %mul3A_1054 = arith.muli %add3A_1051, %mul3A_1053 : vector<16xi32>
        %add3A_1055 = vector.broadcast %add3A_982 : i32 to vector<16xi32>
        %add3A_1056 = arith.addi %mul3A_1054, %add3A_1055 : vector<16xi32>
        %gather3A_1057 = tpu.vector_load_idx %arg5[%add3A_1056] : memref<6400xi32, #tpu.memory_space<vmem>>[vector<16xi32>], vector<16xi32>,
        %swap3A_1058 = arith.constant 96 : index
        %swap3A_1059 = tpu.vector_load %arg7[%swap3A_1058] {strides = array<i32>} : memref<128xi32, #tpu.memory_space<vmem>>, vector<16xi32>,
        tpu.vector_store %arg7[%swap3A_1058], %gather3A_1057 {strides = array<i32>} : memref<128xi32, #tpu.memory_space<vmem>>, vector<16xi32>,
        %add3A_1060 = arith.constant 112 : i32
        %add3A_1061 = vector.broadcast %add3A_1060 : i32 to vector<16xi32>
        %add3A_1062 = arith.addi %iota3A, %add3A_1061 : vector<16xi32>
        %mul3A_1063 = arith.constant 50 : i32
        %mul3A_1064 = vector.broadcast %mul3A_1063 : i32 to vector<16xi32>
        %mul3A_1065 = arith.muli %add3A_1062, %mul3A_1064 : vector<16xi32>
        %add3A_1066 = vector.broadcast %add3A_982 : i32 to vector<16xi32>
        %add3A_1067 = arith.addi %mul3A_1065, %add3A_1066 : vector<16xi32>
        %gather3A_1068 = tpu.vector_load_idx %arg5[%add3A_1067] : memref<6400xi32, #tpu.memory_space<vmem>>[vector<16xi32>], vector<16xi32>,
        %swap3A_1069 = arith.constant 112 : index
        %swap3A_1070 = tpu.vector_load %arg7[%swap3A_1069] {strides = array<i32>} : memref<128xi32, #tpu.memory_space<vmem>>, vector<16xi32>,
        tpu.vector_store %arg7[%swap3A_1069], %gather3A_1068 {strides = array<i32>} : memref<128xi32, #tpu.memory_space<vmem>>, vector<16xi32>,
        %dma_start3A_1071 = arith.constant 0 : i32
        %dma_start3A_1072 = arith.constant 0 : i32
        %dma_start3A_1073 = tpu.memref_slice %arg3[%dma_start3A_1071, %dma_start3A_1072] : memref<1000000x32xf32, #tpu.memory_space<hbm>> -> memref<1000000x32xf32, #tpu.memory_space<hbm>>
        tpu.enqueue_indirect_dma source(%dma_start3A_1073 : memref<1000000x32xf32, #tpu.memory_space<hbm>>) target(%arg9 : memref<128x32xf32, #tpu.memory_space<vmem>>) offsets(%arg7 : memref<128xi32, #tpu.memory_space<vmem>>) semaphore(%arg14 : memref<!tpu.dma_semaphore, #tpu.memory_space<semaphore_mem>>)
      } else {
      }
    }
    %scan3A_671 = arith.constant 25 : i32
    %dma_wait3A_672 = arith.constant 0 : i32
    %dma_wait3A_673 = arith.constant 0 : i32
    %dma_wait3A_674 = arith.constant 0 : i32
    %dma_wait3A_675 = arith.constant 0 : i32
    %dma_wait3A_676 = tpu.memref_slice %arg4[%dma_wait3A_672, %dma_wait3A_674, %dma_wait3A_673, %dma_wait3A_675] : memref<50x4x128x1024xf32, #tpu.memory_space<hbm>> -> memref<1x4x1x1024xf32, #tpu.memory_space<hbm>>
    %dma_wait3A_677 = tpu.memref_squeeze %dma_wait3A_676 : memref<1x4x1x1024xf32, #tpu.memory_space<hbm>> -> memref<4x1024xf32, #tpu.memory_space<hbm>>
    %dma_wait3A_678 = arith.constant 0 : i32
    %dma_wait3A_679 = arith.constant 0 : i32
    %dma_wait3A_680 = tpu.memref_slice %arg4[%dma_wait3A_672, %dma_wait3A_678, %dma_wait3A_673, %dma_wait3A_679] : memref<50x4x128x1024xf32, #tpu.memory_space<hbm>> -> memref<1x4x1x1024xf32, #tpu.memory_space<hbm>>
    %dma_wait3A_681 = tpu.memref_squeeze %dma_wait3A_680 : memref<1x4x1x1024xf32, #tpu.memory_space<hbm>> -> memref<4x1024xf32, #tpu.memory_space<hbm>>
    tpu.wait_dma2 semaphore(%arg15 : memref<!tpu.dma_semaphore, #tpu.memory_space<semaphore_mem>>) src(%arg10 : memref<4x1024xf32, #tpu.memory_space<vmem>>) dst(%dma_wait3A_681 : memref<4x1024xf32, #tpu.memory_space<hbm>>)
    %dma_wait3A_682 = arith.constant 0 : i32
    %dma_wait3A_683 = arith.constant 0 : i32
    %dma_wait3A_684 = arith.constant 0 : i32
    %dma_wait3A_685 = arith.constant 0 : i32
    %dma_wait3A_686 = tpu.memref_slice %arg4[%dma_wait3A_682, %dma_wait3A_684, %dma_wait3A_683, %dma_wait3A_685] : memref<50x4x128x1024xf32, #tpu.memory_space<hbm>> -> memref<1x4x1x1024xf32, #tpu.memory_space<hbm>>
    %dma_wait3A_687 = tpu.memref_squeeze %dma_wait3A_686 : memref<1x4x1x1024xf32, #tpu.memory_space<hbm>> -> memref<4x1024xf32, #tpu.memory_space<hbm>>
    %dma_wait3A_688 = arith.constant 0 : i32
    %dma_wait3A_689 = arith.constant 0 : i32
    %dma_wait3A_690 = tpu.memref_slice %arg4[%dma_wait3A_682, %dma_wait3A_688, %dma_wait3A_683, %dma_wait3A_689] : memref<50x4x128x1024xf32, #tpu.memory_space<hbm>> -> memref<1x4x1x1024xf32, #tpu.memory_space<hbm>>
    %dma_wait3A_691 = tpu.memref_squeeze %dma_wait3A_690 : memref<1x4x1x1024xf32, #tpu.memory_space<hbm>> -> memref<4x1024xf32, #tpu.memory_space<hbm>>
    tpu.wait_dma2 semaphore(%arg16 : memref<!tpu.dma_semaphore, #tpu.memory_space<semaphore_mem>>) src(%arg11 : memref<4x1024xf32, #tpu.memory_space<vmem>>) dst(%dma_wait3A_691 : memref<4x1024xf32, #tpu.memory_space<hbm>>)
    %mul3A_692 = arith.constant 4 : i32
    %mul3A_693 = arith.muli %add3A, %mul3A_692 : i32
    %add3A_694 = arith.constant 3 : i32
    %add3A_695 = arith.addi %mul3A_693, %add3A_694 : i32
    %mul3A_696 = arith.constant 128 : i32
    %mul3A_697 = arith.muli %add3A_695, %mul3A_696 : i32
    %mul3A_698 = arith.constant 50 : i32
    %mul3A_699 = arith.muli %mul3A_697, %mul3A_698 : i32
    "tpu.region"() ({
      %run_scoped3A = tpu.sem_alloc : memref<!tpu.dma_semaphore, #tpu.memory_space<semaphore_mem>>
      %dma_start3A_924 = tpu.memref_slice %arg2[%mul3A_699] : memref<819200xi32, #tpu.memory_space<hbm>> -> memref<6400xi32, #tpu.memory_space<hbm>>
      %dma_start3A_925 = tpu.memref_slice %arg2[%mul3A_699] : memref<819200xi32, #tpu.memory_space<hbm>> -> memref<6400xi32, #tpu.memory_space<hbm>>
      tpu.enqueue_dma source(%dma_start3A_925 : memref<6400xi32, #tpu.memory_space<hbm>>) target(%arg5 : memref<6400xi32, #tpu.memory_space<vmem>>) target_semaphore(%run_scoped3A : memref<!tpu.dma_semaphore, #tpu.memory_space<semaphore_mem>>)
      %dma_wait3A_926 = tpu.memref_slice %arg2[%mul3A_699] : memref<819200xi32, #tpu.memory_space<hbm>> -> memref<6400xi32, #tpu.memory_space<hbm>>
      %dma_wait3A_927 = tpu.memref_slice %arg2[%mul3A_699] : memref<819200xi32, #tpu.memory_space<hbm>> -> memref<6400xi32, #tpu.memory_space<hbm>>
      tpu.wait_dma2 semaphore(%run_scoped3A : memref<!tpu.dma_semaphore, #tpu.memory_space<semaphore_mem>>) src(%dma_wait3A_927 : memref<6400xi32, #tpu.memory_space<hbm>>) dst(%arg5 : memref<6400xi32, #tpu.memory_space<vmem>>)
      tpu.yield
    }) : () -> ()
    %add3A_700 = arith.constant 0 : i32
    %add3A_701 = vector.broadcast %add3A_700 : i32 to vector<16xi32>
    %add3A_702 = arith.addi %iota3A, %add3A_701 : vector<16xi32>
    %mul3A_703 = arith.constant 50 : i32
    %mul3A_704 = vector.broadcast %mul3A_703 : i32 to vector<16xi32>
    %mul3A_705 = arith.muli %add3A_702, %mul3A_704 : vector<16xi32>
    %add3A_706 = arith.constant 0 : i32
    %add3A_707 = vector.broadcast %add3A_706 : i32 to vector<16xi32>
    %add3A_708 = arith.addi %mul3A_705, %add3A_707 : vector<16xi32>
    %gather3A_709 = tpu.vector_load_idx %arg5[%add3A_708] : memref<6400xi32, #tpu.memory_space<vmem>>[vector<16xi32>], vector<16xi32>,
    %swap3A_710 = arith.constant 0 : index
    %swap3A_711 = tpu.vector_load %arg6[%swap3A_710] {strides = array<i32>} : memref<128xi32, #tpu.memory_space<vmem>>, vector<16xi32>,
    tpu.vector_store %arg6[%swap3A_710], %gather3A_709 {strides = array<i32>} : memref<128xi32, #tpu.memory_space<vmem>>, vector<16xi32>,
    %add3A_712 = arith.constant 16 : i32
    %add3A_713 = vector.broadcast %add3A_712 : i32 to vector<16xi32>
    %add3A_714 = arith.addi %iota3A, %add3A_713 : vector<16xi32>
    %mul3A_715 = arith.constant 50 : i32
    %mul3A_716 = vector.broadcast %mul3A_715 : i32 to vector<16xi32>
    %mul3A_717 = arith.muli %add3A_714, %mul3A_716 : vector<16xi32>
    %add3A_718 = arith.constant 0 : i32
    %add3A_719 = vector.broadcast %add3A_718 : i32 to vector<16xi32>
    %add3A_720 = arith.addi %mul3A_717, %add3A_719 : vector<16xi32>
    %gather3A_721 = tpu.vector_load_idx %arg5[%add3A_720] : memref<6400xi32, #tpu.memory_space<vmem>>[vector<16xi32>], vector<16xi32>,
    %swap3A_722 = arith.constant 16 : index
    %swap3A_723 = tpu.vector_load %arg6[%swap3A_722] {strides = array<i32>} : memref<128xi32, #tpu.memory_space<vmem>>, vector<16xi32>,
    tpu.vector_store %arg6[%swap3A_722], %gather3A_721 {strides = array<i32>} : memref<128xi32, #tpu.memory_space<vmem>>, vector<16xi32>,
    %add3A_724 = arith.constant 32 : i32
    %add3A_725 = vector.broadcast %add3A_724 : i32 to vector<16xi32>
    %add3A_726 = arith.addi %iota3A, %add3A_725 : vector<16xi32>
    %mul3A_727 = arith.constant 50 : i32
    %mul3A_728 = vector.broadcast %mul3A_727 : i32 to vector<16xi32>
    %mul3A_729 = arith.muli %add3A_726, %mul3A_728 : vector<16xi32>
    %add3A_730 = arith.constant 0 : i32
    %add3A_731 = vector.broadcast %add3A_730 : i32 to vector<16xi32>
    %add3A_732 = arith.addi %mul3A_729, %add3A_731 : vector<16xi32>
    %gather3A_733 = tpu.vector_load_idx %arg5[%add3A_732] : memref<6400xi32, #tpu.memory_space<vmem>>[vector<16xi32>], vector<16xi32>,
    %swap3A_734 = arith.constant 32 : index
    %swap3A_735 = tpu.vector_load %arg6[%swap3A_734] {strides = array<i32>} : memref<128xi32, #tpu.memory_space<vmem>>, vector<16xi32>,
    tpu.vector_store %arg6[%swap3A_734], %gather3A_733 {strides = array<i32>} : memref<128xi32, #tpu.memory_space<vmem>>, vector<16xi32>,
    %add3A_736 = arith.constant 48 : i32
    %add3A_737 = vector.broadcast %add3A_736 : i32 to vector<16xi32>
    %add3A_738 = arith.addi %iota3A, %add3A_737 : vector<16xi32>
    %mul3A_739 = arith.constant 50 : i32
    %mul3A_740 = vector.broadcast %mul3A_739 : i32 to vector<16xi32>
    %mul3A_741 = arith.muli %add3A_738, %mul3A_740 : vector<16xi32>
    %add3A_742 = arith.constant 0 : i32
    %add3A_743 = vector.broadcast %add3A_742 : i32 to vector<16xi32>
    %add3A_744 = arith.addi %mul3A_741, %add3A_743 : vector<16xi32>
    %gather3A_745 = tpu.vector_load_idx %arg5[%add3A_744] : memref<6400xi32, #tpu.memory_space<vmem>>[vector<16xi32>], vector<16xi32>,
    %swap3A_746 = arith.constant 48 : index
    %swap3A_747 = tpu.vector_load %arg6[%swap3A_746] {strides = array<i32>} : memref<128xi32, #tpu.memory_space<vmem>>, vector<16xi32>,
    tpu.vector_store %arg6[%swap3A_746], %gather3A_745 {strides = array<i32>} : memref<128xi32, #tpu.memory_space<vmem>>, vector<16xi32>,
    %add3A_748 = arith.constant 64 : i32
    %add3A_749 = vector.broadcast %add3A_748 : i32 to vector<16xi32>
    %add3A_750 = arith.addi %iota3A, %add3A_749 : vector<16xi32>
    %mul3A_751 = arith.constant 50 : i32
    %mul3A_752 = vector.broadcast %mul3A_751 : i32 to vector<16xi32>
    %mul3A_753 = arith.muli %add3A_750, %mul3A_752 : vector<16xi32>
    %add3A_754 = arith.constant 0 : i32
    %add3A_755 = vector.broadcast %add3A_754 : i32 to vector<16xi32>
    %add3A_756 = arith.addi %mul3A_753, %add3A_755 : vector<16xi32>
    %gather3A_757 = tpu.vector_load_idx %arg5[%add3A_756] : memref<6400xi32, #tpu.memory_space<vmem>>[vector<16xi32>], vector<16xi32>,
    %swap3A_758 = arith.constant 64 : index
    %swap3A_759 = tpu.vector_load %arg6[%swap3A_758] {strides = array<i32>} : memref<128xi32, #tpu.memory_space<vmem>>, vector<16xi32>,
    tpu.vector_store %arg6[%swap3A_758], %gather3A_757 {strides = array<i32>} : memref<128xi32, #tpu.memory_space<vmem>>, vector<16xi32>,
    %add3A_760 = arith.constant 80 : i32
    %add3A_761 = vector.broadcast %add3A_760 : i32 to vector<16xi32>
    %add3A_762 = arith.addi %iota3A, %add3A_761 : vector<16xi32>
    %mul3A_763 = arith.constant 50 : i32
    %mul3A_764 = vector.broadcast %mul3A_763 : i32 to vector<16xi32>
    %mul3A_765 = arith.muli %add3A_762, %mul3A_764 : vector<16xi32>
    %add3A_766 = arith.constant 0 : i32
    %add3A_767 = vector.broadcast %add3A_766 : i32 to vector<16xi32>
    %add3A_768 = arith.addi %mul3A_765, %add3A_767 : vector<16xi32>
    %gather3A_769 = tpu.vector_load_idx %arg5[%add3A_768] : memref<6400xi32, #tpu.memory_space<vmem>>[vector<16xi32>], vector<16xi32>,
    %swap3A_770 = arith.constant 80 : index
    %swap3A_771 = tpu.vector_load %arg6[%swap3A_770] {strides = array<i32>} : memref<128xi32, #tpu.memory_space<vmem>>, vector<16xi32>,
    tpu.vector_store %arg6[%swap3A_770], %gather3A_769 {strides = array<i32>} : memref<128xi32, #tpu.memory_space<vmem>>, vector<16xi32>,
    %add3A_772 = arith.constant 96 : i32
    %add3A_773 = vector.broadcast %add3A_772 : i32 to vector<16xi32>
    %add3A_774 = arith.addi %iota3A, %add3A_773 : vector<16xi32>
    %mul3A_775 = arith.constant 50 : i32
    %mul3A_776 = vector.broadcast %mul3A_775 : i32 to vector<16xi32>
    %mul3A_777 = arith.muli %add3A_774, %mul3A_776 : vector<16xi32>
    %add3A_778 = arith.constant 0 : i32
    %add3A_779 = vector.broadcast %add3A_778 : i32 to vector<16xi32>
    %add3A_780 = arith.addi %mul3A_777, %add3A_779 : vector<16xi32>
    %gather3A_781 = tpu.vector_load_idx %arg5[%add3A_780] : memref<6400xi32, #tpu.memory_space<vmem>>[vector<16xi32>], vector<16xi32>,
    %swap3A_782 = arith.constant 96 : index
    %swap3A_783 = tpu.vector_load %arg6[%swap3A_782] {strides = array<i32>} : memref<128xi32, #tpu.memory_space<vmem>>, vector<16xi32>,
    tpu.vector_store %arg6[%swap3A_782], %gather3A_781 {strides = array<i32>} : memref<128xi32, #tpu.memory_space<vmem>>, vector<16xi32>,
    %add3A_784 = arith.constant 112 : i32
    %add3A_785 = vector.broadcast %add3A_784 : i32 to vector<16xi32>
    %add3A_786 = arith.addi %iota3A, %add3A_785 : vector<16xi32>
    %mul3A_787 = arith.constant 50 : i32
    %mul3A_788 = vector.broadcast %mul3A_787 : i32 to vector<16xi32>
    %mul3A_789 = arith.muli %add3A_786, %mul3A_788 : vector<16xi32>
    %add3A_790 = arith.constant 0 : i32
    %add3A_791 = vector.broadcast %add3A_790 : i32 to vector<16xi32>
    %add3A_792 = arith.addi %mul3A_789, %add3A_791 : vector<16xi32>
    %gather3A_793 = tpu.vector_load_idx %arg5[%add3A_792] : memref<6400xi32, #tpu.memory_space<vmem>>[vector<16xi32>], vector<16xi32>,
    %swap3A_794 = arith.constant 112 : index
    %swap3A_795 = tpu.vector_load %arg6[%swap3A_794] {strides = array<i32>} : memref<128xi32, #tpu.memory_space<vmem>>, vector<16xi32>,
    tpu.vector_store %arg6[%swap3A_794], %gather3A_793 {strides = array<i32>} : memref<128xi32, #tpu.memory_space<vmem>>, vector<16xi32>,
    %dma_start3A_796 = arith.constant 0 : i32
    %dma_start3A_797 = arith.constant 0 : i32
    %dma_start3A_798 = tpu.memref_slice %arg3[%dma_start3A_796, %dma_start3A_797] : memref<1000000x32xf32, #tpu.memory_space<hbm>> -> memref<1000000x32xf32, #tpu.memory_space<hbm>>
    tpu.enqueue_indirect_dma source(%dma_start3A_798 : memref<1000000x32xf32, #tpu.memory_space<hbm>>) target(%arg8 : memref<128x32xf32, #tpu.memory_space<vmem>>) offsets(%arg6 : memref<128xi32, #tpu.memory_space<vmem>>) semaphore(%arg13 : memref<!tpu.dma_semaphore, #tpu.memory_space<semaphore_mem>>)
    %add3A_799 = arith.constant 0 : i32
    %add3A_800 = vector.broadcast %add3A_799 : i32 to vector<16xi32>
    %add3A_801 = arith.addi %iota3A, %add3A_800 : vector<16xi32>
    %mul3A_802 = arith.constant 50 : i32
    %mul3A_803 = vector.broadcast %mul3A_802 : i32 to vector<16xi32>
    %mul3A_804 = arith.muli %add3A_801, %mul3A_803 : vector<16xi32>
    %add3A_805 = arith.constant 1 : i32
    %add3A_806 = vector.broadcast %add3A_805 : i32 to vector<16xi32>
    %add3A_807 = arith.addi %mul3A_804, %add3A_806 : vector<16xi32>
    %gather3A_808 = tpu.vector_load_idx %arg5[%add3A_807] : memref<6400xi32, #tpu.memory_space<vmem>>[vector<16xi32>], vector<16xi32>,
    %swap3A_809 = arith.constant 0 : index
    %swap3A_810 = tpu.vector_load %arg7[%swap3A_809] {strides = array<i32>} : memref<128xi32, #tpu.memory_space<vmem>>, vector<16xi32>,
    tpu.vector_store %arg7[%swap3A_809], %gather3A_808 {strides = array<i32>} : memref<128xi32, #tpu.memory_space<vmem>>, vector<16xi32>,
    %add3A_811 = arith.constant 16 : i32
    %add3A_812 = vector.broadcast %add3A_811 : i32 to vector<16xi32>
    %add3A_813 = arith.addi %iota3A, %add3A_812 : vector<16xi32>
    %mul3A_814 = arith.constant 50 : i32
    %mul3A_815 = vector.broadcast %mul3A_814 : i32 to vector<16xi32>
    %mul3A_816 = arith.muli %add3A_813, %mul3A_815 : vector<16xi32>
    %add3A_817 = arith.constant 1 : i32
    %add3A_818 = vector.broadcast %add3A_817 : i32 to vector<16xi32>
    %add3A_819 = arith.addi %mul3A_816, %add3A_818 : vector<16xi32>
    %gather3A_820 = tpu.vector_load_idx %arg5[%add3A_819] : memref<6400xi32, #tpu.memory_space<vmem>>[vector<16xi32>], vector<16xi32>,
    %swap3A_821 = arith.constant 16 : index
    %swap3A_822 = tpu.vector_load %arg7[%swap3A_821] {strides = array<i32>} : memref<128xi32, #tpu.memory_space<vmem>>, vector<16xi32>,
    tpu.vector_store %arg7[%swap3A_821], %gather3A_820 {strides = array<i32>} : memref<128xi32, #tpu.memory_space<vmem>>, vector<16xi32>,
    %add3A_823 = arith.constant 32 : i32
    %add3A_824 = vector.broadcast %add3A_823 : i32 to vector<16xi32>
    %add3A_825 = arith.addi %iota3A, %add3A_824 : vector<16xi32>
    %mul3A_826 = arith.constant 50 : i32
    %mul3A_827 = vector.broadcast %mul3A_826 : i32 to vector<16xi32>
    %mul3A_828 = arith.muli %add3A_825, %mul3A_827 : vector<16xi32>
    %add3A_829 = arith.constant 1 : i32
    %add3A_830 = vector.broadcast %add3A_829 : i32 to vector<16xi32>
    %add3A_831 = arith.addi %mul3A_828, %add3A_830 : vector<16xi32>
    %gather3A_832 = tpu.vector_load_idx %arg5[%add3A_831] : memref<6400xi32, #tpu.memory_space<vmem>>[vector<16xi32>], vector<16xi32>,
    %swap3A_833 = arith.constant 32 : index
    %swap3A_834 = tpu.vector_load %arg7[%swap3A_833] {strides = array<i32>} : memref<128xi32, #tpu.memory_space<vmem>>, vector<16xi32>,
    tpu.vector_store %arg7[%swap3A_833], %gather3A_832 {strides = array<i32>} : memref<128xi32, #tpu.memory_space<vmem>>, vector<16xi32>,
    %add3A_835 = arith.constant 48 : i32
    %add3A_836 = vector.broadcast %add3A_835 : i32 to vector<16xi32>
    %add3A_837 = arith.addi %iota3A, %add3A_836 : vector<16xi32>
    %mul3A_838 = arith.constant 50 : i32
    %mul3A_839 = vector.broadcast %mul3A_838 : i32 to vector<16xi32>
    %mul3A_840 = arith.muli %add3A_837, %mul3A_839 : vector<16xi32>
    %add3A_841 = arith.constant 1 : i32
    %add3A_842 = vector.broadcast %add3A_841 : i32 to vector<16xi32>
    %add3A_843 = arith.addi %mul3A_840, %add3A_842 : vector<16xi32>
    %gather3A_844 = tpu.vector_load_idx %arg5[%add3A_843] : memref<6400xi32, #tpu.memory_space<vmem>>[vector<16xi32>], vector<16xi32>,
    %swap3A_845 = arith.constant 48 : index
    %swap3A_846 = tpu.vector_load %arg7[%swap3A_845] {strides = array<i32>} : memref<128xi32, #tpu.memory_space<vmem>>, vector<16xi32>,
    tpu.vector_store %arg7[%swap3A_845], %gather3A_844 {strides = array<i32>} : memref<128xi32, #tpu.memory_space<vmem>>, vector<16xi32>,
    %add3A_847 = arith.constant 64 : i32
    %add3A_848 = vector.broadcast %add3A_847 : i32 to vector<16xi32>
    %add3A_849 = arith.addi %iota3A, %add3A_848 : vector<16xi32>
    %mul3A_850 = arith.constant 50 : i32
    %mul3A_851 = vector.broadcast %mul3A_850 : i32 to vector<16xi32>
    %mul3A_852 = arith.muli %add3A_849, %mul3A_851 : vector<16xi32>
    %add3A_853 = arith.constant 1 : i32
    %add3A_854 = vector.broadcast %add3A_853 : i32 to vector<16xi32>
    %add3A_855 = arith.addi %mul3A_852, %add3A_854 : vector<16xi32>
    %gather3A_856 = tpu.vector_load_idx %arg5[%add3A_855] : memref<6400xi32, #tpu.memory_space<vmem>>[vector<16xi32>], vector<16xi32>,
    %swap3A_857 = arith.constant 64 : index
    %swap3A_858 = tpu.vector_load %arg7[%swap3A_857] {strides = array<i32>} : memref<128xi32, #tpu.memory_space<vmem>>, vector<16xi32>,
    tpu.vector_store %arg7[%swap3A_857], %gather3A_856 {strides = array<i32>} : memref<128xi32, #tpu.memory_space<vmem>>, vector<16xi32>,
    %add3A_859 = arith.constant 80 : i32
    %add3A_860 = vector.broadcast %add3A_859 : i32 to vector<16xi32>
    %add3A_861 = arith.addi %iota3A, %add3A_860 : vector<16xi32>
    %mul3A_862 = arith.constant 50 : i32
    %mul3A_863 = vector.broadcast %mul3A_862 : i32 to vector<16xi32>
    %mul3A_864 = arith.muli %add3A_861, %mul3A_863 : vector<16xi32>
    %add3A_865 = arith.constant 1 : i32
    %add3A_866 = vector.broadcast %add3A_865 : i32 to vector<16xi32>
    %add3A_867 = arith.addi %mul3A_864, %add3A_866 : vector<16xi32>
    %gather3A_868 = tpu.vector_load_idx %arg5[%add3A_867] : memref<6400xi32, #tpu.memory_space<vmem>>[vector<16xi32>], vector<16xi32>,
    %swap3A_869 = arith.constant 80 : index
    %swap3A_870 = tpu.vector_load %arg7[%swap3A_869] {strides = array<i32>} : memref<128xi32, #tpu.memory_space<vmem>>, vector<16xi32>,
    tpu.vector_store %arg7[%swap3A_869], %gather3A_868 {strides = array<i32>} : memref<128xi32, #tpu.memory_space<vmem>>, vector<16xi32>,
    %add3A_871 = arith.constant 96 : i32
    %add3A_872 = vector.broadcast %add3A_871 : i32 to vector<16xi32>
    %add3A_873 = arith.addi %iota3A, %add3A_872 : vector<16xi32>
    %mul3A_874 = arith.constant 50 : i32
    %mul3A_875 = vector.broadcast %mul3A_874 : i32 to vector<16xi32>
    %mul3A_876 = arith.muli %add3A_873, %mul3A_875 : vector<16xi32>
    %add3A_877 = arith.constant 1 : i32
    %add3A_878 = vector.broadcast %add3A_877 : i32 to vector<16xi32>
    %add3A_879 = arith.addi %mul3A_876, %add3A_878 : vector<16xi32>
    %gather3A_880 = tpu.vector_load_idx %arg5[%add3A_879] : memref<6400xi32, #tpu.memory_space<vmem>>[vector<16xi32>], vector<16xi32>,
    %swap3A_881 = arith.constant 96 : index
    %swap3A_882 = tpu.vector_load %arg7[%swap3A_881] {strides = array<i32>} : memref<128xi32, #tpu.memory_space<vmem>>, vector<16xi32>,
    tpu.vector_store %arg7[%swap3A_881], %gather3A_880 {strides = array<i32>} : memref<128xi32, #tpu.memory_space<vmem>>, vector<16xi32>,
    %add3A_883 = arith.constant 112 : i32
    %add3A_884 = vector.broadcast %add3A_883 : i32 to vector<16xi32>
    %add3A_885 = arith.addi %iota3A, %add3A_884 : vector<16xi32>
    %mul3A_886 = arith.constant 50 : i32
    %mul3A_887 = vector.broadcast %mul3A_886 : i32 to vector<16xi32>
    %mul3A_888 = arith.muli %add3A_885, %mul3A_887 : vector<16xi32>
    %add3A_889 = arith.constant 1 : i32
    %add3A_890 = vector.broadcast %add3A_889 : i32 to vector<16xi32>
    %add3A_891 = arith.addi %mul3A_888, %add3A_890 : vector<16xi32>
    %gather3A_892 = tpu.vector_load_idx %arg5[%add3A_891] : memref<6400xi32, #tpu.memory_space<vmem>>[vector<16xi32>], vector<16xi32>,
    %swap3A_893 = arith.constant 112 : index
    %swap3A_894 = tpu.vector_load %arg7[%swap3A_893] {strides = array<i32>} : memref<128xi32, #tpu.memory_space<vmem>>, vector<16xi32>,
    tpu.vector_store %arg7[%swap3A_893], %gather3A_892 {strides = array<i32>} : memref<128xi32, #tpu.memory_space<vmem>>, vector<16xi32>,
    %dma_start3A_895 = arith.constant 0 : i32
    %dma_start3A_896 = arith.constant 0 : i32
    %dma_start3A_897 = tpu.memref_slice %arg3[%dma_start3A_895, %dma_start3A_896] : memref<1000000x32xf32, #tpu.memory_space<hbm>> -> memref<1000000x32xf32, #tpu.memory_space<hbm>>
    tpu.enqueue_indirect_dma source(%dma_start3A_897 : memref<1000000x32xf32, #tpu.memory_space<hbm>>) target(%arg9 : memref<128x32xf32, #tpu.memory_space<vmem>>) offsets(%arg7 : memref<128xi32, #tpu.memory_space<vmem>>) semaphore(%arg14 : memref<!tpu.dma_semaphore, #tpu.memory_space<semaphore_mem>>)
    %scan3A_898 = arith.constant 0 : i32
    %scan3A_899 = arith.constant 0 : i32
    %scan3A_900 = arith.constant 25 : i32
    %scan3A_901 = arith.addi %scan3A_899, %scan3A_900 : i32
    %scan3A_902 = arith.constant 1 : i32
    scf.for %scan3A_924 = %scan3A_899 to %scan3A_901 step %scan3A_902  : i32 {
      %mul3A_925 = arith.constant 2 : i32
      %mul3A_926 = arith.muli %mul3A_925, %scan3A_924 : i32
      %dma_wait3A_927 = arith.constant 0 : i32
      %dma_wait3A_928 = arith.constant 0 : i32
      %dma_wait3A_929 = tpu.memref_slice %arg3[%dma_wait3A_927, %dma_wait3A_928] : memref<1000000x32xf32, #tpu.memory_space<hbm>> -> memref<1000000x32xf32, #tpu.memory_space<hbm>>
      tpu.wait_indirect_dma semaphore(%arg13 : memref<!tpu.dma_semaphore, #tpu.memory_space<semaphore_mem>>) src(%dma_wait3A_929 : memref<1000000x32xf32, #tpu.memory_space<hbm>>) dst(%arg8 : memref<128x32xf32, #tpu.memory_space<vmem>>)
      %gt3A = arith.constant 0 : i32
      %gt3A_930 = arith.cmpi sgt, %scan3A_924, %gt3A : i32
      %convert_element_type3A = arith.extui %gt3A_930 : i1 to i32
      %cond3A = arith.constant 0 : i32
      %cond3A_931 = arith.cmpi ne, %convert_element_type3A, %cond3A : i32
      scf.if %cond3A_931 {
        %dma_wait3A_981 = arith.constant 0 : i32
        %dma_wait3A_982 = arith.constant 0 : i32
        %dma_wait3A_983 = arith.constant 0 : i32
        %dma_wait3A_984 = arith.constant 0 : i32
        %dma_wait3A_985 = tpu.memref_slice %arg4[%dma_wait3A_981, %dma_wait3A_983, %dma_wait3A_982, %dma_wait3A_984] : memref<50x4x128x1024xf32, #tpu.memory_space<hbm>> -> memref<1x4x1x1024xf32, #tpu.memory_space<hbm>>
        %dma_wait3A_986 = tpu.memref_squeeze %dma_wait3A_985 : memref<1x4x1x1024xf32, #tpu.memory_space<hbm>> -> memref<4x1024xf32, #tpu.memory_space<hbm>>
        %dma_wait3A_987 = arith.constant 0 : i32
        %dma_wait3A_988 = arith.constant 0 : i32
        %dma_wait3A_989 = tpu.memref_slice %arg4[%dma_wait3A_981, %dma_wait3A_987, %dma_wait3A_982, %dma_wait3A_988] : memref<50x4x128x1024xf32, #tpu.memory_space<hbm>> -> memref<1x4x1x1024xf32, #tpu.memory_space<hbm>>
        %dma_wait3A_990 = tpu.memref_squeeze %dma_wait3A_989 : memref<1x4x1x1024xf32, #tpu.memory_space<hbm>> -> memref<4x1024xf32, #tpu.memory_space<hbm>>
        tpu.wait_dma2 semaphore(%arg15 : memref<!tpu.dma_semaphore, #tpu.memory_space<semaphore_mem>>) src(%arg10 : memref<4x1024xf32, #tpu.memory_space<vmem>>) dst(%dma_wait3A_990 : memref<4x1024xf32, #tpu.memory_space<hbm>>)
      } else {
      }
      %scan3A_932 = arith.constant 0 : i32
      %scan3A_933 = arith.constant 0 : i32
      %scan3A_934 = arith.constant 32 : i32
      %scan3A_935 = arith.addi %scan3A_933, %scan3A_934 : i32
      %scan3A_936 = arith.constant 1 : i32
      scf.for %scan3A_981 = %scan3A_933 to %scan3A_935 step %scan3A_936  : i32 {
        %add3A_982 = vector.broadcast %scan3A_981 : i32 to vector<16xi32>
        %add3A_983 = arith.addi %add3A_982, %iota3A : vector<16xi32>
        %and3A = arith.constant 31 : i32
        %and3A_984 = vector.broadcast %and3A : i32 to vector<16xi32>
        %and3A_985 = arith.andi %add3A_983, %and3A_984 : vector<16xi32>
        %shift_right_arithmetic3A = arith.constant 3 : i32
        %shift_right_arithmetic3A_986 = vector.broadcast %shift_right_arithmetic3A : i32 to vector<16xi32>
        %shift_right_arithmetic3A_987 = arith.shrsi %and3A_985, %shift_right_arithmetic3A_986 : vector<16xi32>
        %and3A_988 = arith.constant 7 : i32
        %and3A_989 = vector.broadcast %and3A_988 : i32 to vector<16xi32>
        %and3A_990 = arith.andi %and3A_985, %and3A_989 : vector<16xi32>
        %shift_left3A = arith.constant 7 : i32
        %shift_left3A_991 = vector.broadcast %shift_left3A : i32 to vector<16xi32>
        %shift_left3A_992 = arith.shli %and3A_990, %shift_left3A_991 : vector<16xi32>
        %add3A_993 = arith.constant 0 : i32
        %add3A_994 = vector.broadcast %add3A_993 : i32 to vector<16xi32>
        %add3A_995 = arith.addi %iota3A, %add3A_994 : vector<16xi32>
        %gather3A_996 = tpu.vector_load_idx %arg8[%add3A_995, %and3A_985] : memref<128x32xf32, #tpu.memory_space<vmem>>[vector<16xi32>, vector<16xi32>], vector<16xf32>,
        %add3A_997 = arith.addi %shift_left3A_992, %iota3A : vector<16xi32>
        %add3A_998 = arith.constant 0 : i32
        %add3A_999 = vector.broadcast %add3A_998 : i32 to vector<16xi32>
        %add3A_1000 = arith.addi %add3A_997, %add3A_999 : vector<16xi32>
        tpu.vector_store_idx %arg10[%shift_right_arithmetic3A_987, %add3A_1000], %gather3A_996 : memref<4x1024xf32, #tpu.memory_space<vmem>>[vector<16xi32>, vector<16xi32>], vector<16xf32>,
        %add3A_1001 = arith.constant 16 : i32
        %add3A_1002 = vector.broadcast %add3A_1001 : i32 to vector<16xi32>
        %add3A_1003 = arith.addi %iota3A, %add3A_1002 : vector<16xi32>
        %gather3A_1004 = tpu.vector_load_idx %arg8[%add3A_1003, %and3A_985] : memref<128x32xf32, #tpu.memory_space<vmem>>[vector<16xi32>, vector<16xi32>], vector<16xf32>,
        %add3A_1005 = arith.addi %shift_left3A_992, %iota3A : vector<16xi32>
        %add3A_1006 = arith.constant 16 : i32
        %add3A_1007 = vector.broadcast %add3A_1006 : i32 to vector<16xi32>
        %add3A_1008 = arith.addi %add3A_1005, %add3A_1007 : vector<16xi32>
        tpu.vector_store_idx %arg10[%shift_right_arithmetic3A_987, %add3A_1008], %gather3A_1004 : memref<4x1024xf32, #tpu.memory_space<vmem>>[vector<16xi32>, vector<16xi32>], vector<16xf32>,
        %add3A_1009 = arith.constant 32 : i32
        %add3A_1010 = vector.broadcast %add3A_1009 : i32 to vector<16xi32>
        %add3A_1011 = arith.addi %iota3A, %add3A_1010 : vector<16xi32>
        %gather3A_1012 = tpu.vector_load_idx %arg8[%add3A_1011, %and3A_985] : memref<128x32xf32, #tpu.memory_space<vmem>>[vector<16xi32>, vector<16xi32>], vector<16xf32>,
        %add3A_1013 = arith.addi %shift_left3A_992, %iota3A : vector<16xi32>
        %add3A_1014 = arith.constant 32 : i32
        %add3A_1015 = vector.broadcast %add3A_1014 : i32 to vector<16xi32>
        %add3A_1016 = arith.addi %add3A_1013, %add3A_1015 : vector<16xi32>
        tpu.vector_store_idx %arg10[%shift_right_arithmetic3A_987, %add3A_1016], %gather3A_1012 : memref<4x1024xf32, #tpu.memory_space<vmem>>[vector<16xi32>, vector<16xi32>], vector<16xf32>,
        %add3A_1017 = arith.constant 48 : i32
        %add3A_1018 = vector.broadcast %add3A_1017 : i32 to vector<16xi32>
        %add3A_1019 = arith.addi %iota3A, %add3A_1018 : vector<16xi32>
        %gather3A_1020 = tpu.vector_load_idx %arg8[%add3A_1019, %and3A_985] : memref<128x32xf32, #tpu.memory_space<vmem>>[vector<16xi32>, vector<16xi32>], vector<16xf32>,
        %add3A_1021 = arith.addi %shift_left3A_992, %iota3A : vector<16xi32>
        %add3A_1022 = arith.constant 48 : i32
        %add3A_1023 = vector.broadcast %add3A_1022 : i32 to vector<16xi32>
        %add3A_1024 = arith.addi %add3A_1021, %add3A_1023 : vector<16xi32>
        tpu.vector_store_idx %arg10[%shift_right_arithmetic3A_987, %add3A_1024], %gather3A_1020 : memref<4x1024xf32, #tpu.memory_space<vmem>>[vector<16xi32>, vector<16xi32>], vector<16xf32>,
        %add3A_1025 = arith.constant 64 : i32
        %add3A_1026 = vector.broadcast %add3A_1025 : i32 to vector<16xi32>
        %add3A_1027 = arith.addi %iota3A, %add3A_1026 : vector<16xi32>
        %gather3A_1028 = tpu.vector_load_idx %arg8[%add3A_1027, %and3A_985] : memref<128x32xf32, #tpu.memory_space<vmem>>[vector<16xi32>, vector<16xi32>], vector<16xf32>,
        %add3A_1029 = arith.addi %shift_left3A_992, %iota3A : vector<16xi32>
        %add3A_1030 = arith.constant 64 : i32
        %add3A_1031 = vector.broadcast %add3A_1030 : i32 to vector<16xi32>
        %add3A_1032 = arith.addi %add3A_1029, %add3A_1031 : vector<16xi32>
        tpu.vector_store_idx %arg10[%shift_right_arithmetic3A_987, %add3A_1032], %gather3A_1028 : memref<4x1024xf32, #tpu.memory_space<vmem>>[vector<16xi32>, vector<16xi32>], vector<16xf32>,
        %add3A_1033 = arith.constant 80 : i32
        %add3A_1034 = vector.broadcast %add3A_1033 : i32 to vector<16xi32>
        %add3A_1035 = arith.addi %iota3A, %add3A_1034 : vector<16xi32>
        %gather3A_1036 = tpu.vector_load_idx %arg8[%add3A_1035, %and3A_985] : memref<128x32xf32, #tpu.memory_space<vmem>>[vector<16xi32>, vector<16xi32>], vector<16xf32>,
        %add3A_1037 = arith.addi %shift_left3A_992, %iota3A : vector<16xi32>
        %add3A_1038 = arith.constant 80 : i32
        %add3A_1039 = vector.broadcast %add3A_1038 : i32 to vector<16xi32>
        %add3A_1040 = arith.addi %add3A_1037, %add3A_1039 : vector<16xi32>
        tpu.vector_store_idx %arg10[%shift_right_arithmetic3A_987, %add3A_1040], %gather3A_1036 : memref<4x1024xf32, #tpu.memory_space<vmem>>[vector<16xi32>, vector<16xi32>], vector<16xf32>,
        %add3A_1041 = arith.constant 96 : i32
        %add3A_1042 = vector.broadcast %add3A_1041 : i32 to vector<16xi32>
        %add3A_1043 = arith.addi %iota3A, %add3A_1042 : vector<16xi32>
        %gather3A_1044 = tpu.vector_load_idx %arg8[%add3A_1043, %and3A_985] : memref<128x32xf32, #tpu.memory_space<vmem>>[vector<16xi32>, vector<16xi32>], vector<16xf32>,
        %add3A_1045 = arith.addi %shift_left3A_992, %iota3A : vector<16xi32>
        %add3A_1046 = arith.constant 96 : i32
        %add3A_1047 = vector.broadcast %add3A_1046 : i32 to vector<16xi32>
        %add3A_1048 = arith.addi %add3A_1045, %add3A_1047 : vector<16xi32>
        tpu.vector_store_idx %arg10[%shift_right_arithmetic3A_987, %add3A_1048], %gather3A_1044 : memref<4x1024xf32, #tpu.memory_space<vmem>>[vector<16xi32>, vector<16xi32>], vector<16xf32>,
        %add3A_1049 = arith.constant 112 : i32
        %add3A_1050 = vector.broadcast %add3A_1049 : i32 to vector<16xi32>
        %add3A_1051 = arith.addi %iota3A, %add3A_1050 : vector<16xi32>
        %gather3A_1052 = tpu.vector_load_idx %arg8[%add3A_1051, %and3A_985] : memref<128x32xf32, #tpu.memory_space<vmem>>[vector<16xi32>, vector<16xi32>], vector<16xf32>,
        %add3A_1053 = arith.addi %shift_left3A_992, %iota3A : vector<16xi32>
        %add3A_1054 = arith.constant 112 : i32
        %add3A_1055 = vector.broadcast %add3A_1054 : i32 to vector<16xi32>
        %add3A_1056 = arith.addi %add3A_1053, %add3A_1055 : vector<16xi32>
        tpu.vector_store_idx %arg10[%shift_right_arithmetic3A_987, %add3A_1056], %gather3A_1052 : memref<4x1024xf32, #tpu.memory_space<vmem>>[vector<16xi32>, vector<16xi32>], vector<16xf32>,
      }
      %scan3A_937 = arith.constant 32 : i32
      %dma_start3A_938 = arith.constant 0 : i32
      %dma_start3A_939 = arith.constant 0 : i32
      %dma_start3A_940 = tpu.memref_slice %arg4[%mul3A_926, %dma_start3A_938, %add3A_695, %dma_start3A_939] : memref<50x4x128x1024xf32, #tpu.memory_space<hbm>> -> memref<1x4x1x1024xf32, #tpu.memory_space<hbm>>
      %dma_start3A_941 = tpu.memref_squeeze %dma_start3A_940 : memref<1x4x1x1024xf32, #tpu.memory_space<hbm>> -> memref<4x1024xf32, #tpu.memory_space<hbm>>
      %dma_start3A_942 = arith.constant 0 : i32
      %dma_start3A_943 = arith.constant 0 : i32
      %dma_start3A_944 = tpu.memref_slice %arg4[%mul3A_926, %dma_start3A_942, %add3A_695, %dma_start3A_943] : memref<50x4x128x1024xf32, #tpu.memory_space<hbm>> -> memref<1x4x1x1024xf32, #tpu.memory_space<hbm>>
      %dma_start3A_945 = tpu.memref_squeeze %dma_start3A_944 : memref<1x4x1x1024xf32, #tpu.memory_space<hbm>> -> memref<4x1024xf32, #tpu.memory_space<hbm>>
      tpu.enqueue_dma source(%arg10 : memref<4x1024xf32, #tpu.memory_space<vmem>>) target(%dma_start3A_945 : memref<4x1024xf32, #tpu.memory_space<hbm>>) target_semaphore(%arg15 : memref<!tpu.dma_semaphore, #tpu.memory_space<semaphore_mem>>)
      %lt3A = arith.constant 24 : i32
      %lt3A_946 = arith.cmpi slt, %scan3A_924, %lt3A : i32
      %convert_element_type3A_947 = arith.extui %lt3A_946 : i1 to i32
      %cond3A_948 = arith.constant 0 : i32
      %cond3A_949 = arith.cmpi ne, %convert_element_type3A_947, %cond3A_948 : i32
      scf.if %cond3A_949 {
        %add3A_981 = arith.constant 2 : i32
        %add3A_982 = arith.addi %mul3A_926, %add3A_981 : i32
        %add3A_983 = arith.constant 0 : i32
        %add3A_984 = vector.broadcast %add3A_983 : i32 to vector<16xi32>
        %add3A_985 = arith.addi %iota3A, %add3A_984 : vector<16xi32>
        %mul3A_986 = arith.constant 50 : i32
        %mul3A_987 = vector.broadcast %mul3A_986 : i32 to vector<16xi32>
        %mul3A_988 = arith.muli %add3A_985, %mul3A_987 : vector<16xi32>
        %add3A_989 = vector.broadcast %add3A_982 : i32 to vector<16xi32>
        %add3A_990 = arith.addi %mul3A_988, %add3A_989 : vector<16xi32>
        %gather3A_991 = tpu.vector_load_idx %arg5[%add3A_990] : memref<6400xi32, #tpu.memory_space<vmem>>[vector<16xi32>], vector<16xi32>,
        %swap3A_992 = arith.constant 0 : index
        %swap3A_993 = tpu.vector_load %arg6[%swap3A_992] {strides = array<i32>} : memref<128xi32, #tpu.memory_space<vmem>>, vector<16xi32>,
        tpu.vector_store %arg6[%swap3A_992], %gather3A_991 {strides = array<i32>} : memref<128xi32, #tpu.memory_space<vmem>>, vector<16xi32>,
        %add3A_994 = arith.constant 16 : i32
        %add3A_995 = vector.broadcast %add3A_994 : i32 to vector<16xi32>
        %add3A_996 = arith.addi %iota3A, %add3A_995 : vector<16xi32>
        %mul3A_997 = arith.constant 50 : i32
        %mul3A_998 = vector.broadcast %mul3A_997 : i32 to vector<16xi32>
        %mul3A_999 = arith.muli %add3A_996, %mul3A_998 : vector<16xi32>
        %add3A_1000 = vector.broadcast %add3A_982 : i32 to vector<16xi32>
        %add3A_1001 = arith.addi %mul3A_999, %add3A_1000 : vector<16xi32>
        %gather3A_1002 = tpu.vector_load_idx %arg5[%add3A_1001] : memref<6400xi32, #tpu.memory_space<vmem>>[vector<16xi32>], vector<16xi32>,
        %swap3A_1003 = arith.constant 16 : index
        %swap3A_1004 = tpu.vector_load %arg6[%swap3A_1003] {strides = array<i32>} : memref<128xi32, #tpu.memory_space<vmem>>, vector<16xi32>,
        tpu.vector_store %arg6[%swap3A_1003], %gather3A_1002 {strides = array<i32>} : memref<128xi32, #tpu.memory_space<vmem>>, vector<16xi32>,
        %add3A_1005 = arith.constant 32 : i32
        %add3A_1006 = vector.broadcast %add3A_1005 : i32 to vector<16xi32>
        %add3A_1007 = arith.addi %iota3A, %add3A_1006 : vector<16xi32>
        %mul3A_1008 = arith.constant 50 : i32
        %mul3A_1009 = vector.broadcast %mul3A_1008 : i32 to vector<16xi32>
        %mul3A_1010 = arith.muli %add3A_1007, %mul3A_1009 : vector<16xi32>
        %add3A_1011 = vector.broadcast %add3A_982 : i32 to vector<16xi32>
        %add3A_1012 = arith.addi %mul3A_1010, %add3A_1011 : vector<16xi32>
        %gather3A_1013 = tpu.vector_load_idx %arg5[%add3A_1012] : memref<6400xi32, #tpu.memory_space<vmem>>[vector<16xi32>], vector<16xi32>,
        %swap3A_1014 = arith.constant 32 : index
        %swap3A_1015 = tpu.vector_load %arg6[%swap3A_1014] {strides = array<i32>} : memref<128xi32, #tpu.memory_space<vmem>>, vector<16xi32>,
        tpu.vector_store %arg6[%swap3A_1014], %gather3A_1013 {strides = array<i32>} : memref<128xi32, #tpu.memory_space<vmem>>, vector<16xi32>,
        %add3A_1016 = arith.constant 48 : i32
        %add3A_1017 = vector.broadcast %add3A_1016 : i32 to vector<16xi32>
        %add3A_1018 = arith.addi %iota3A, %add3A_1017 : vector<16xi32>
        %mul3A_1019 = arith.constant 50 : i32
        %mul3A_1020 = vector.broadcast %mul3A_1019 : i32 to vector<16xi32>
        %mul3A_1021 = arith.muli %add3A_1018, %mul3A_1020 : vector<16xi32>
        %add3A_1022 = vector.broadcast %add3A_982 : i32 to vector<16xi32>
        %add3A_1023 = arith.addi %mul3A_1021, %add3A_1022 : vector<16xi32>
        %gather3A_1024 = tpu.vector_load_idx %arg5[%add3A_1023] : memref<6400xi32, #tpu.memory_space<vmem>>[vector<16xi32>], vector<16xi32>,
        %swap3A_1025 = arith.constant 48 : index
        %swap3A_1026 = tpu.vector_load %arg6[%swap3A_1025] {strides = array<i32>} : memref<128xi32, #tpu.memory_space<vmem>>, vector<16xi32>,
        tpu.vector_store %arg6[%swap3A_1025], %gather3A_1024 {strides = array<i32>} : memref<128xi32, #tpu.memory_space<vmem>>, vector<16xi32>,
        %add3A_1027 = arith.constant 64 : i32
        %add3A_1028 = vector.broadcast %add3A_1027 : i32 to vector<16xi32>
        %add3A_1029 = arith.addi %iota3A, %add3A_1028 : vector<16xi32>
        %mul3A_1030 = arith.constant 50 : i32
        %mul3A_1031 = vector.broadcast %mul3A_1030 : i32 to vector<16xi32>
        %mul3A_1032 = arith.muli %add3A_1029, %mul3A_1031 : vector<16xi32>
        %add3A_1033 = vector.broadcast %add3A_982 : i32 to vector<16xi32>
        %add3A_1034 = arith.addi %mul3A_1032, %add3A_1033 : vector<16xi32>
        %gather3A_1035 = tpu.vector_load_idx %arg5[%add3A_1034] : memref<6400xi32, #tpu.memory_space<vmem>>[vector<16xi32>], vector<16xi32>,
        %swap3A_1036 = arith.constant 64 : index
        %swap3A_1037 = tpu.vector_load %arg6[%swap3A_1036] {strides = array<i32>} : memref<128xi32, #tpu.memory_space<vmem>>, vector<16xi32>,
        tpu.vector_store %arg6[%swap3A_1036], %gather3A_1035 {strides = array<i32>} : memref<128xi32, #tpu.memory_space<vmem>>, vector<16xi32>,
        %add3A_1038 = arith.constant 80 : i32
        %add3A_1039 = vector.broadcast %add3A_1038 : i32 to vector<16xi32>
        %add3A_1040 = arith.addi %iota3A, %add3A_1039 : vector<16xi32>
        %mul3A_1041 = arith.constant 50 : i32
        %mul3A_1042 = vector.broadcast %mul3A_1041 : i32 to vector<16xi32>
        %mul3A_1043 = arith.muli %add3A_1040, %mul3A_1042 : vector<16xi32>
        %add3A_1044 = vector.broadcast %add3A_982 : i32 to vector<16xi32>
        %add3A_1045 = arith.addi %mul3A_1043, %add3A_1044 : vector<16xi32>
        %gather3A_1046 = tpu.vector_load_idx %arg5[%add3A_1045] : memref<6400xi32, #tpu.memory_space<vmem>>[vector<16xi32>], vector<16xi32>,
        %swap3A_1047 = arith.constant 80 : index
        %swap3A_1048 = tpu.vector_load %arg6[%swap3A_1047] {strides = array<i32>} : memref<128xi32, #tpu.memory_space<vmem>>, vector<16xi32>,
        tpu.vector_store %arg6[%swap3A_1047], %gather3A_1046 {strides = array<i32>} : memref<128xi32, #tpu.memory_space<vmem>>, vector<16xi32>,
        %add3A_1049 = arith.constant 96 : i32
        %add3A_1050 = vector.broadcast %add3A_1049 : i32 to vector<16xi32>
        %add3A_1051 = arith.addi %iota3A, %add3A_1050 : vector<16xi32>
        %mul3A_1052 = arith.constant 50 : i32
        %mul3A_1053 = vector.broadcast %mul3A_1052 : i32 to vector<16xi32>
        %mul3A_1054 = arith.muli %add3A_1051, %mul3A_1053 : vector<16xi32>
        %add3A_1055 = vector.broadcast %add3A_982 : i32 to vector<16xi32>
        %add3A_1056 = arith.addi %mul3A_1054, %add3A_1055 : vector<16xi32>
        %gather3A_1057 = tpu.vector_load_idx %arg5[%add3A_1056] : memref<6400xi32, #tpu.memory_space<vmem>>[vector<16xi32>], vector<16xi32>,
        %swap3A_1058 = arith.constant 96 : index
        %swap3A_1059 = tpu.vector_load %arg6[%swap3A_1058] {strides = array<i32>} : memref<128xi32, #tpu.memory_space<vmem>>, vector<16xi32>,
        tpu.vector_store %arg6[%swap3A_1058], %gather3A_1057 {strides = array<i32>} : memref<128xi32, #tpu.memory_space<vmem>>, vector<16xi32>,
        %add3A_1060 = arith.constant 112 : i32
        %add3A_1061 = vector.broadcast %add3A_1060 : i32 to vector<16xi32>
        %add3A_1062 = arith.addi %iota3A, %add3A_1061 : vector<16xi32>
        %mul3A_1063 = arith.constant 50 : i32
        %mul3A_1064 = vector.broadcast %mul3A_1063 : i32 to vector<16xi32>
        %mul3A_1065 = arith.muli %add3A_1062, %mul3A_1064 : vector<16xi32>
        %add3A_1066 = vector.broadcast %add3A_982 : i32 to vector<16xi32>
        %add3A_1067 = arith.addi %mul3A_1065, %add3A_1066 : vector<16xi32>
        %gather3A_1068 = tpu.vector_load_idx %arg5[%add3A_1067] : memref<6400xi32, #tpu.memory_space<vmem>>[vector<16xi32>], vector<16xi32>,
        %swap3A_1069 = arith.constant 112 : index
        %swap3A_1070 = tpu.vector_load %arg6[%swap3A_1069] {strides = array<i32>} : memref<128xi32, #tpu.memory_space<vmem>>, vector<16xi32>,
        tpu.vector_store %arg6[%swap3A_1069], %gather3A_1068 {strides = array<i32>} : memref<128xi32, #tpu.memory_space<vmem>>, vector<16xi32>,
        %dma_start3A_1071 = arith.constant 0 : i32
        %dma_start3A_1072 = arith.constant 0 : i32
        %dma_start3A_1073 = tpu.memref_slice %arg3[%dma_start3A_1071, %dma_start3A_1072] : memref<1000000x32xf32, #tpu.memory_space<hbm>> -> memref<1000000x32xf32, #tpu.memory_space<hbm>>
        tpu.enqueue_indirect_dma source(%dma_start3A_1073 : memref<1000000x32xf32, #tpu.memory_space<hbm>>) target(%arg8 : memref<128x32xf32, #tpu.memory_space<vmem>>) offsets(%arg6 : memref<128xi32, #tpu.memory_space<vmem>>) semaphore(%arg13 : memref<!tpu.dma_semaphore, #tpu.memory_space<semaphore_mem>>)
      } else {
      }
      %mul3A_950 = arith.constant 2 : i32
      %mul3A_951 = arith.muli %mul3A_950, %scan3A_924 : i32
      %add3A_952 = arith.constant 1 : i32
      %add3A_953 = arith.addi %mul3A_951, %add3A_952 : i32
      %dma_wait3A_954 = arith.constant 0 : i32
      %dma_wait3A_955 = arith.constant 0 : i32
      %dma_wait3A_956 = tpu.memref_slice %arg3[%dma_wait3A_954, %dma_wait3A_955] : memref<1000000x32xf32, #tpu.memory_space<hbm>> -> memref<1000000x32xf32, #tpu.memory_space<hbm>>
      tpu.wait_indirect_dma semaphore(%arg14 : memref<!tpu.dma_semaphore, #tpu.memory_space<semaphore_mem>>) src(%dma_wait3A_956 : memref<1000000x32xf32, #tpu.memory_space<hbm>>) dst(%arg9 : memref<128x32xf32, #tpu.memory_space<vmem>>)
      %gt3A_957 = arith.constant 0 : i32
      %gt3A_958 = arith.cmpi sgt, %scan3A_924, %gt3A_957 : i32
      %convert_element_type3A_959 = arith.extui %gt3A_958 : i1 to i32
      %cond3A_960 = arith.constant 0 : i32
      %cond3A_961 = arith.cmpi ne, %convert_element_type3A_959, %cond3A_960 : i32
      scf.if %cond3A_961 {
        %dma_wait3A_981 = arith.constant 0 : i32
        %dma_wait3A_982 = arith.constant 0 : i32
        %dma_wait3A_983 = arith.constant 0 : i32
        %dma_wait3A_984 = arith.constant 0 : i32
        %dma_wait3A_985 = tpu.memref_slice %arg4[%dma_wait3A_981, %dma_wait3A_983, %dma_wait3A_982, %dma_wait3A_984] : memref<50x4x128x1024xf32, #tpu.memory_space<hbm>> -> memref<1x4x1x1024xf32, #tpu.memory_space<hbm>>
        %dma_wait3A_986 = tpu.memref_squeeze %dma_wait3A_985 : memref<1x4x1x1024xf32, #tpu.memory_space<hbm>> -> memref<4x1024xf32, #tpu.memory_space<hbm>>
        %dma_wait3A_987 = arith.constant 0 : i32
        %dma_wait3A_988 = arith.constant 0 : i32
        %dma_wait3A_989 = tpu.memref_slice %arg4[%dma_wait3A_981, %dma_wait3A_987, %dma_wait3A_982, %dma_wait3A_988] : memref<50x4x128x1024xf32, #tpu.memory_space<hbm>> -> memref<1x4x1x1024xf32, #tpu.memory_space<hbm>>
        %dma_wait3A_990 = tpu.memref_squeeze %dma_wait3A_989 : memref<1x4x1x1024xf32, #tpu.memory_space<hbm>> -> memref<4x1024xf32, #tpu.memory_space<hbm>>
        tpu.wait_dma2 semaphore(%arg16 : memref<!tpu.dma_semaphore, #tpu.memory_space<semaphore_mem>>) src(%arg11 : memref<4x1024xf32, #tpu.memory_space<vmem>>) dst(%dma_wait3A_990 : memref<4x1024xf32, #tpu.memory_space<hbm>>)
      } else {
      }
      %scan3A_962 = arith.constant 0 : i32
      %scan3A_963 = arith.constant 0 : i32
      %scan3A_964 = arith.constant 32 : i32
      %scan3A_965 = arith.addi %scan3A_963, %scan3A_964 : i32
      %scan3A_966 = arith.constant 1 : i32
      scf.for %scan3A_981 = %scan3A_963 to %scan3A_965 step %scan3A_966  : i32 {
        %add3A_982 = vector.broadcast %scan3A_981 : i32 to vector<16xi32>
        %add3A_983 = arith.addi %add3A_982, %iota3A : vector<16xi32>
        %and3A = arith.constant 31 : i32
        %and3A_984 = vector.broadcast %and3A : i32 to vector<16xi32>
        %and3A_985 = arith.andi %add3A_983, %and3A_984 : vector<16xi32>
        %shift_right_arithmetic3A = arith.constant 3 : i32
        %shift_right_arithmetic3A_986 = vector.broadcast %shift_right_arithmetic3A : i32 to vector<16xi32>
        %shift_right_arithmetic3A_987 = arith.shrsi %and3A_985, %shift_right_arithmetic3A_986 : vector<16xi32>
        %and3A_988 = arith.constant 7 : i32
        %and3A_989 = vector.broadcast %and3A_988 : i32 to vector<16xi32>
        %and3A_990 = arith.andi %and3A_985, %and3A_989 : vector<16xi32>
        %shift_left3A = arith.constant 7 : i32
        %shift_left3A_991 = vector.broadcast %shift_left3A : i32 to vector<16xi32>
        %shift_left3A_992 = arith.shli %and3A_990, %shift_left3A_991 : vector<16xi32>
        %add3A_993 = arith.constant 0 : i32
        %add3A_994 = vector.broadcast %add3A_993 : i32 to vector<16xi32>
        %add3A_995 = arith.addi %iota3A, %add3A_994 : vector<16xi32>
        %gather3A_996 = tpu.vector_load_idx %arg9[%add3A_995, %and3A_985] : memref<128x32xf32, #tpu.memory_space<vmem>>[vector<16xi32>, vector<16xi32>], vector<16xf32>,
        %add3A_997 = arith.addi %shift_left3A_992, %iota3A : vector<16xi32>
        %add3A_998 = arith.constant 0 : i32
        %add3A_999 = vector.broadcast %add3A_998 : i32 to vector<16xi32>
        %add3A_1000 = arith.addi %add3A_997, %add3A_999 : vector<16xi32>
        tpu.vector_store_idx %arg11[%shift_right_arithmetic3A_987, %add3A_1000], %gather3A_996 : memref<4x1024xf32, #tpu.memory_space<vmem>>[vector<16xi32>, vector<16xi32>], vector<16xf32>,
        %add3A_1001 = arith.constant 16 : i32
        %add3A_1002 = vector.broadcast %add3A_1001 : i32 to vector<16xi32>
        %add3A_1003 = arith.addi %iota3A, %add3A_1002 : vector<16xi32>
        %gather3A_1004 = tpu.vector_load_idx %arg9[%add3A_1003, %and3A_985] : memref<128x32xf32, #tpu.memory_space<vmem>>[vector<16xi32>, vector<16xi32>], vector<16xf32>,
        %add3A_1005 = arith.addi %shift_left3A_992, %iota3A : vector<16xi32>
        %add3A_1006 = arith.constant 16 : i32
        %add3A_1007 = vector.broadcast %add3A_1006 : i32 to vector<16xi32>
        %add3A_1008 = arith.addi %add3A_1005, %add3A_1007 : vector<16xi32>
        tpu.vector_store_idx %arg11[%shift_right_arithmetic3A_987, %add3A_1008], %gather3A_1004 : memref<4x1024xf32, #tpu.memory_space<vmem>>[vector<16xi32>, vector<16xi32>], vector<16xf32>,
        %add3A_1009 = arith.constant 32 : i32
        %add3A_1010 = vector.broadcast %add3A_1009 : i32 to vector<16xi32>
        %add3A_1011 = arith.addi %iota3A, %add3A_1010 : vector<16xi32>
        %gather3A_1012 = tpu.vector_load_idx %arg9[%add3A_1011, %and3A_985] : memref<128x32xf32, #tpu.memory_space<vmem>>[vector<16xi32>, vector<16xi32>], vector<16xf32>,
        %add3A_1013 = arith.addi %shift_left3A_992, %iota3A : vector<16xi32>
        %add3A_1014 = arith.constant 32 : i32
        %add3A_1015 = vector.broadcast %add3A_1014 : i32 to vector<16xi32>
        %add3A_1016 = arith.addi %add3A_1013, %add3A_1015 : vector<16xi32>
        tpu.vector_store_idx %arg11[%shift_right_arithmetic3A_987, %add3A_1016], %gather3A_1012 : memref<4x1024xf32, #tpu.memory_space<vmem>>[vector<16xi32>, vector<16xi32>], vector<16xf32>,
        %add3A_1017 = arith.constant 48 : i32
        %add3A_1018 = vector.broadcast %add3A_1017 : i32 to vector<16xi32>
        %add3A_1019 = arith.addi %iota3A, %add3A_1018 : vector<16xi32>
        %gather3A_1020 = tpu.vector_load_idx %arg9[%add3A_1019, %and3A_985] : memref<128x32xf32, #tpu.memory_space<vmem>>[vector<16xi32>, vector<16xi32>], vector<16xf32>,
        %add3A_1021 = arith.addi %shift_left3A_992, %iota3A : vector<16xi32>
        %add3A_1022 = arith.constant 48 : i32
        %add3A_1023 = vector.broadcast %add3A_1022 : i32 to vector<16xi32>
        %add3A_1024 = arith.addi %add3A_1021, %add3A_1023 : vector<16xi32>
        tpu.vector_store_idx %arg11[%shift_right_arithmetic3A_987, %add3A_1024], %gather3A_1020 : memref<4x1024xf32, #tpu.memory_space<vmem>>[vector<16xi32>, vector<16xi32>], vector<16xf32>,
        %add3A_1025 = arith.constant 64 : i32
        %add3A_1026 = vector.broadcast %add3A_1025 : i32 to vector<16xi32>
        %add3A_1027 = arith.addi %iota3A, %add3A_1026 : vector<16xi32>
        %gather3A_1028 = tpu.vector_load_idx %arg9[%add3A_1027, %and3A_985] : memref<128x32xf32, #tpu.memory_space<vmem>>[vector<16xi32>, vector<16xi32>], vector<16xf32>,
        %add3A_1029 = arith.addi %shift_left3A_992, %iota3A : vector<16xi32>
        %add3A_1030 = arith.constant 64 : i32
        %add3A_1031 = vector.broadcast %add3A_1030 : i32 to vector<16xi32>
        %add3A_1032 = arith.addi %add3A_1029, %add3A_1031 : vector<16xi32>
        tpu.vector_store_idx %arg11[%shift_right_arithmetic3A_987, %add3A_1032], %gather3A_1028 : memref<4x1024xf32, #tpu.memory_space<vmem>>[vector<16xi32>, vector<16xi32>], vector<16xf32>,
        %add3A_1033 = arith.constant 80 : i32
        %add3A_1034 = vector.broadcast %add3A_1033 : i32 to vector<16xi32>
        %add3A_1035 = arith.addi %iota3A, %add3A_1034 : vector<16xi32>
        %gather3A_1036 = tpu.vector_load_idx %arg9[%add3A_1035, %and3A_985] : memref<128x32xf32, #tpu.memory_space<vmem>>[vector<16xi32>, vector<16xi32>], vector<16xf32>,
        %add3A_1037 = arith.addi %shift_left3A_992, %iota3A : vector<16xi32>
        %add3A_1038 = arith.constant 80 : i32
        %add3A_1039 = vector.broadcast %add3A_1038 : i32 to vector<16xi32>
        %add3A_1040 = arith.addi %add3A_1037, %add3A_1039 : vector<16xi32>
        tpu.vector_store_idx %arg11[%shift_right_arithmetic3A_987, %add3A_1040], %gather3A_1036 : memref<4x1024xf32, #tpu.memory_space<vmem>>[vector<16xi32>, vector<16xi32>], vector<16xf32>,
        %add3A_1041 = arith.constant 96 : i32
        %add3A_1042 = vector.broadcast %add3A_1041 : i32 to vector<16xi32>
        %add3A_1043 = arith.addi %iota3A, %add3A_1042 : vector<16xi32>
        %gather3A_1044 = tpu.vector_load_idx %arg9[%add3A_1043, %and3A_985] : memref<128x32xf32, #tpu.memory_space<vmem>>[vector<16xi32>, vector<16xi32>], vector<16xf32>,
        %add3A_1045 = arith.addi %shift_left3A_992, %iota3A : vector<16xi32>
        %add3A_1046 = arith.constant 96 : i32
        %add3A_1047 = vector.broadcast %add3A_1046 : i32 to vector<16xi32>
        %add3A_1048 = arith.addi %add3A_1045, %add3A_1047 : vector<16xi32>
        tpu.vector_store_idx %arg11[%shift_right_arithmetic3A_987, %add3A_1048], %gather3A_1044 : memref<4x1024xf32, #tpu.memory_space<vmem>>[vector<16xi32>, vector<16xi32>], vector<16xf32>,
        %add3A_1049 = arith.constant 112 : i32
        %add3A_1050 = vector.broadcast %add3A_1049 : i32 to vector<16xi32>
        %add3A_1051 = arith.addi %iota3A, %add3A_1050 : vector<16xi32>
        %gather3A_1052 = tpu.vector_load_idx %arg9[%add3A_1051, %and3A_985] : memref<128x32xf32, #tpu.memory_space<vmem>>[vector<16xi32>, vector<16xi32>], vector<16xf32>,
        %add3A_1053 = arith.addi %shift_left3A_992, %iota3A : vector<16xi32>
        %add3A_1054 = arith.constant 112 : i32
        %add3A_1055 = vector.broadcast %add3A_1054 : i32 to vector<16xi32>
        %add3A_1056 = arith.addi %add3A_1053, %add3A_1055 : vector<16xi32>
        tpu.vector_store_idx %arg11[%shift_right_arithmetic3A_987, %add3A_1056], %gather3A_1052 : memref<4x1024xf32, #tpu.memory_space<vmem>>[vector<16xi32>, vector<16xi32>], vector<16xf32>,
      }
      %scan3A_967 = arith.constant 32 : i32
      %dma_start3A_968 = arith.constant 0 : i32
      %dma_start3A_969 = arith.constant 0 : i32
      %dma_start3A_970 = tpu.memref_slice %arg4[%add3A_953, %dma_start3A_968, %add3A_695, %dma_start3A_969] : memref<50x4x128x1024xf32, #tpu.memory_space<hbm>> -> memref<1x4x1x1024xf32, #tpu.memory_space<hbm>>
      %dma_start3A_971 = tpu.memref_squeeze %dma_start3A_970 : memref<1x4x1x1024xf32, #tpu.memory_space<hbm>> -> memref<4x1024xf32, #tpu.memory_space<hbm>>
      %dma_start3A_972 = arith.constant 0 : i32
      %dma_start3A_973 = arith.constant 0 : i32
      %dma_start3A_974 = tpu.memref_slice %arg4[%add3A_953, %dma_start3A_972, %add3A_695, %dma_start3A_973] : memref<50x4x128x1024xf32, #tpu.memory_space<hbm>> -> memref<1x4x1x1024xf32, #tpu.memory_space<hbm>>
      %dma_start3A_975 = tpu.memref_squeeze %dma_start3A_974 : memref<1x4x1x1024xf32, #tpu.memory_space<hbm>> -> memref<4x1024xf32, #tpu.memory_space<hbm>>
      tpu.enqueue_dma source(%arg11 : memref<4x1024xf32, #tpu.memory_space<vmem>>) target(%dma_start3A_975 : memref<4x1024xf32, #tpu.memory_space<hbm>>) target_semaphore(%arg16 : memref<!tpu.dma_semaphore, #tpu.memory_space<semaphore_mem>>)
      %lt3A_976 = arith.constant 24 : i32
      %lt3A_977 = arith.cmpi slt, %scan3A_924, %lt3A_976 : i32
      %convert_element_type3A_978 = arith.extui %lt3A_977 : i1 to i32
      %cond3A_979 = arith.constant 0 : i32
      %cond3A_980 = arith.cmpi ne, %convert_element_type3A_978, %cond3A_979 : i32
      scf.if %cond3A_980 {
        %add3A_981 = arith.constant 2 : i32
        %add3A_982 = arith.addi %add3A_953, %add3A_981 : i32
        %add3A_983 = arith.constant 0 : i32
        %add3A_984 = vector.broadcast %add3A_983 : i32 to vector<16xi32>
        %add3A_985 = arith.addi %iota3A, %add3A_984 : vector<16xi32>
        %mul3A_986 = arith.constant 50 : i32
        %mul3A_987 = vector.broadcast %mul3A_986 : i32 to vector<16xi32>
        %mul3A_988 = arith.muli %add3A_985, %mul3A_987 : vector<16xi32>
        %add3A_989 = vector.broadcast %add3A_982 : i32 to vector<16xi32>
        %add3A_990 = arith.addi %mul3A_988, %add3A_989 : vector<16xi32>
        %gather3A_991 = tpu.vector_load_idx %arg5[%add3A_990] : memref<6400xi32, #tpu.memory_space<vmem>>[vector<16xi32>], vector<16xi32>,
        %swap3A_992 = arith.constant 0 : index
        %swap3A_993 = tpu.vector_load %arg7[%swap3A_992] {strides = array<i32>} : memref<128xi32, #tpu.memory_space<vmem>>, vector<16xi32>,
        tpu.vector_store %arg7[%swap3A_992], %gather3A_991 {strides = array<i32>} : memref<128xi32, #tpu.memory_space<vmem>>, vector<16xi32>,
        %add3A_994 = arith.constant 16 : i32
        %add3A_995 = vector.broadcast %add3A_994 : i32 to vector<16xi32>
        %add3A_996 = arith.addi %iota3A, %add3A_995 : vector<16xi32>
        %mul3A_997 = arith.constant 50 : i32
        %mul3A_998 = vector.broadcast %mul3A_997 : i32 to vector<16xi32>
        %mul3A_999 = arith.muli %add3A_996, %mul3A_998 : vector<16xi32>
        %add3A_1000 = vector.broadcast %add3A_982 : i32 to vector<16xi32>
        %add3A_1001 = arith.addi %mul3A_999, %add3A_1000 : vector<16xi32>
        %gather3A_1002 = tpu.vector_load_idx %arg5[%add3A_1001] : memref<6400xi32, #tpu.memory_space<vmem>>[vector<16xi32>], vector<16xi32>,
        %swap3A_1003 = arith.constant 16 : index
        %swap3A_1004 = tpu.vector_load %arg7[%swap3A_1003] {strides = array<i32>} : memref<128xi32, #tpu.memory_space<vmem>>, vector<16xi32>,
        tpu.vector_store %arg7[%swap3A_1003], %gather3A_1002 {strides = array<i32>} : memref<128xi32, #tpu.memory_space<vmem>>, vector<16xi32>,
        %add3A_1005 = arith.constant 32 : i32
        %add3A_1006 = vector.broadcast %add3A_1005 : i32 to vector<16xi32>
        %add3A_1007 = arith.addi %iota3A, %add3A_1006 : vector<16xi32>
        %mul3A_1008 = arith.constant 50 : i32
        %mul3A_1009 = vector.broadcast %mul3A_1008 : i32 to vector<16xi32>
        %mul3A_1010 = arith.muli %add3A_1007, %mul3A_1009 : vector<16xi32>
        %add3A_1011 = vector.broadcast %add3A_982 : i32 to vector<16xi32>
        %add3A_1012 = arith.addi %mul3A_1010, %add3A_1011 : vector<16xi32>
        %gather3A_1013 = tpu.vector_load_idx %arg5[%add3A_1012] : memref<6400xi32, #tpu.memory_space<vmem>>[vector<16xi32>], vector<16xi32>,
        %swap3A_1014 = arith.constant 32 : index
        %swap3A_1015 = tpu.vector_load %arg7[%swap3A_1014] {strides = array<i32>} : memref<128xi32, #tpu.memory_space<vmem>>, vector<16xi32>,
        tpu.vector_store %arg7[%swap3A_1014], %gather3A_1013 {strides = array<i32>} : memref<128xi32, #tpu.memory_space<vmem>>, vector<16xi32>,
        %add3A_1016 = arith.constant 48 : i32
        %add3A_1017 = vector.broadcast %add3A_1016 : i32 to vector<16xi32>
        %add3A_1018 = arith.addi %iota3A, %add3A_1017 : vector<16xi32>
        %mul3A_1019 = arith.constant 50 : i32
        %mul3A_1020 = vector.broadcast %mul3A_1019 : i32 to vector<16xi32>
        %mul3A_1021 = arith.muli %add3A_1018, %mul3A_1020 : vector<16xi32>
        %add3A_1022 = vector.broadcast %add3A_982 : i32 to vector<16xi32>
        %add3A_1023 = arith.addi %mul3A_1021, %add3A_1022 : vector<16xi32>
        %gather3A_1024 = tpu.vector_load_idx %arg5[%add3A_1023] : memref<6400xi32, #tpu.memory_space<vmem>>[vector<16xi32>], vector<16xi32>,
        %swap3A_1025 = arith.constant 48 : index
        %swap3A_1026 = tpu.vector_load %arg7[%swap3A_1025] {strides = array<i32>} : memref<128xi32, #tpu.memory_space<vmem>>, vector<16xi32>,
        tpu.vector_store %arg7[%swap3A_1025], %gather3A_1024 {strides = array<i32>} : memref<128xi32, #tpu.memory_space<vmem>>, vector<16xi32>,
        %add3A_1027 = arith.constant 64 : i32
        %add3A_1028 = vector.broadcast %add3A_1027 : i32 to vector<16xi32>
        %add3A_1029 = arith.addi %iota3A, %add3A_1028 : vector<16xi32>
        %mul3A_1030 = arith.constant 50 : i32
        %mul3A_1031 = vector.broadcast %mul3A_1030 : i32 to vector<16xi32>
        %mul3A_1032 = arith.muli %add3A_1029, %mul3A_1031 : vector<16xi32>
        %add3A_1033 = vector.broadcast %add3A_982 : i32 to vector<16xi32>
        %add3A_1034 = arith.addi %mul3A_1032, %add3A_1033 : vector<16xi32>
        %gather3A_1035 = tpu.vector_load_idx %arg5[%add3A_1034] : memref<6400xi32, #tpu.memory_space<vmem>>[vector<16xi32>], vector<16xi32>,
        %swap3A_1036 = arith.constant 64 : index
        %swap3A_1037 = tpu.vector_load %arg7[%swap3A_1036] {strides = array<i32>} : memref<128xi32, #tpu.memory_space<vmem>>, vector<16xi32>,
        tpu.vector_store %arg7[%swap3A_1036], %gather3A_1035 {strides = array<i32>} : memref<128xi32, #tpu.memory_space<vmem>>, vector<16xi32>,
        %add3A_1038 = arith.constant 80 : i32
        %add3A_1039 = vector.broadcast %add3A_1038 : i32 to vector<16xi32>
        %add3A_1040 = arith.addi %iota3A, %add3A_1039 : vector<16xi32>
        %mul3A_1041 = arith.constant 50 : i32
        %mul3A_1042 = vector.broadcast %mul3A_1041 : i32 to vector<16xi32>
        %mul3A_1043 = arith.muli %add3A_1040, %mul3A_1042 : vector<16xi32>
        %add3A_1044 = vector.broadcast %add3A_982 : i32 to vector<16xi32>
        %add3A_1045 = arith.addi %mul3A_1043, %add3A_1044 : vector<16xi32>
        %gather3A_1046 = tpu.vector_load_idx %arg5[%add3A_1045] : memref<6400xi32, #tpu.memory_space<vmem>>[vector<16xi32>], vector<16xi32>,
        %swap3A_1047 = arith.constant 80 : index
        %swap3A_1048 = tpu.vector_load %arg7[%swap3A_1047] {strides = array<i32>} : memref<128xi32, #tpu.memory_space<vmem>>, vector<16xi32>,
        tpu.vector_store %arg7[%swap3A_1047], %gather3A_1046 {strides = array<i32>} : memref<128xi32, #tpu.memory_space<vmem>>, vector<16xi32>,
        %add3A_1049 = arith.constant 96 : i32
        %add3A_1050 = vector.broadcast %add3A_1049 : i32 to vector<16xi32>
        %add3A_1051 = arith.addi %iota3A, %add3A_1050 : vector<16xi32>
        %mul3A_1052 = arith.constant 50 : i32
        %mul3A_1053 = vector.broadcast %mul3A_1052 : i32 to vector<16xi32>
        %mul3A_1054 = arith.muli %add3A_1051, %mul3A_1053 : vector<16xi32>
        %add3A_1055 = vector.broadcast %add3A_982 : i32 to vector<16xi32>
        %add3A_1056 = arith.addi %mul3A_1054, %add3A_1055 : vector<16xi32>
        %gather3A_1057 = tpu.vector_load_idx %arg5[%add3A_1056] : memref<6400xi32, #tpu.memory_space<vmem>>[vector<16xi32>], vector<16xi32>,
        %swap3A_1058 = arith.constant 96 : index
        %swap3A_1059 = tpu.vector_load %arg7[%swap3A_1058] {strides = array<i32>} : memref<128xi32, #tpu.memory_space<vmem>>, vector<16xi32>,
        tpu.vector_store %arg7[%swap3A_1058], %gather3A_1057 {strides = array<i32>} : memref<128xi32, #tpu.memory_space<vmem>>, vector<16xi32>,
        %add3A_1060 = arith.constant 112 : i32
        %add3A_1061 = vector.broadcast %add3A_1060 : i32 to vector<16xi32>
        %add3A_1062 = arith.addi %iota3A, %add3A_1061 : vector<16xi32>
        %mul3A_1063 = arith.constant 50 : i32
        %mul3A_1064 = vector.broadcast %mul3A_1063 : i32 to vector<16xi32>
        %mul3A_1065 = arith.muli %add3A_1062, %mul3A_1064 : vector<16xi32>
        %add3A_1066 = vector.broadcast %add3A_982 : i32 to vector<16xi32>
        %add3A_1067 = arith.addi %mul3A_1065, %add3A_1066 : vector<16xi32>
        %gather3A_1068 = tpu.vector_load_idx %arg5[%add3A_1067] : memref<6400xi32, #tpu.memory_space<vmem>>[vector<16xi32>], vector<16xi32>,
        %swap3A_1069 = arith.constant 112 : index
        %swap3A_1070 = tpu.vector_load %arg7[%swap3A_1069] {strides = array<i32>} : memref<128xi32, #tpu.memory_space<vmem>>, vector<16xi32>,
        tpu.vector_store %arg7[%swap3A_1069], %gather3A_1068 {strides = array<i32>} : memref<128xi32, #tpu.memory_space<vmem>>, vector<16xi32>,
        %dma_start3A_1071 = arith.constant 0 : i32
        %dma_start3A_1072 = arith.constant 0 : i32
        %dma_start3A_1073 = tpu.memref_slice %arg3[%dma_start3A_1071, %dma_start3A_1072] : memref<1000000x32xf32, #tpu.memory_space<hbm>> -> memref<1000000x32xf32, #tpu.memory_space<hbm>>
        tpu.enqueue_indirect_dma source(%dma_start3A_1073 : memref<1000000x32xf32, #tpu.memory_space<hbm>>) target(%arg9 : memref<128x32xf32, #tpu.memory_space<vmem>>) offsets(%arg7 : memref<128xi32, #tpu.memory_space<vmem>>) semaphore(%arg14 : memref<!tpu.dma_semaphore, #tpu.memory_space<semaphore_mem>>)
      } else {
      }
    }
    %scan3A_903 = arith.constant 25 : i32
    %dma_wait3A_904 = arith.constant 0 : i32
    %dma_wait3A_905 = arith.constant 0 : i32
    %dma_wait3A_906 = arith.constant 0 : i32
    %dma_wait3A_907 = arith.constant 0 : i32
    %dma_wait3A_908 = tpu.memref_slice %arg4[%dma_wait3A_904, %dma_wait3A_906, %dma_wait3A_905, %dma_wait3A_907] : memref<50x4x128x1024xf32, #tpu.memory_space<hbm>> -> memref<1x4x1x1024xf32, #tpu.memory_space<hbm>>
    %dma_wait3A_909 = tpu.memref_squeeze %dma_wait3A_908 : memref<1x4x1x1024xf32, #tpu.memory_space<hbm>> -> memref<4x1024xf32, #tpu.memory_space<hbm>>
    %dma_wait3A_910 = arith.constant 0 : i32
    %dma_wait3A_911 = arith.constant 0 : i32
    %dma_wait3A_912 = tpu.memref_slice %arg4[%dma_wait3A_904, %dma_wait3A_910, %dma_wait3A_905, %dma_wait3A_911] : memref<50x4x128x1024xf32, #tpu.memory_space<hbm>> -> memref<1x4x1x1024xf32, #tpu.memory_space<hbm>>
    %dma_wait3A_913 = tpu.memref_squeeze %dma_wait3A_912 : memref<1x4x1x1024xf32, #tpu.memory_space<hbm>> -> memref<4x1024xf32, #tpu.memory_space<hbm>>
    tpu.wait_dma2 semaphore(%arg15 : memref<!tpu.dma_semaphore, #tpu.memory_space<semaphore_mem>>) src(%arg10 : memref<4x1024xf32, #tpu.memory_space<vmem>>) dst(%dma_wait3A_913 : memref<4x1024xf32, #tpu.memory_space<hbm>>)
    %dma_wait3A_914 = arith.constant 0 : i32
    %dma_wait3A_915 = arith.constant 0 : i32
    %dma_wait3A_916 = arith.constant 0 : i32
    %dma_wait3A_917 = arith.constant 0 : i32
    %dma_wait3A_918 = tpu.memref_slice %arg4[%dma_wait3A_914, %dma_wait3A_916, %dma_wait3A_915, %dma_wait3A_917] : memref<50x4x128x1024xf32, #tpu.memory_space<hbm>> -> memref<1x4x1x1024xf32, #tpu.memory_space<hbm>>
    %dma_wait3A_919 = tpu.memref_squeeze %dma_wait3A_918 : memref<1x4x1x1024xf32, #tpu.memory_space<hbm>> -> memref<4x1024xf32, #tpu.memory_space<hbm>>
    %dma_wait3A_920 = arith.constant 0 : i32
    %dma_wait3A_921 = arith.constant 0 : i32
    %dma_wait3A_922 = tpu.memref_slice %arg4[%dma_wait3A_914, %dma_wait3A_920, %dma_wait3A_915, %dma_wait3A_921] : memref<50x4x128x1024xf32, #tpu.memory_space<hbm>> -> memref<1x4x1x1024xf32, #tpu.memory_space<hbm>>
    %dma_wait3A_923 = tpu.memref_squeeze %dma_wait3A_922 : memref<1x4x1x1024xf32, #tpu.memory_space<hbm>> -> memref<4x1024xf32, #tpu.memory_space<hbm>>
    tpu.wait_dma2 semaphore(%arg16 : memref<!tpu.dma_semaphore, #tpu.memory_space<semaphore_mem>>) src(%arg11 : memref<4x1024xf32, #tpu.memory_space<vmem>>) dst(%dma_wait3A_923 : memref<4x1024xf32, #tpu.memory_space<hbm>>)
    return
  }
}

</mosaic_0001>

<sc_bundles>
// kernel: kernel.3.cloned.1.call-start
scs
__scs_entry_jumppad:
0x0: {  	(pc) =	sbr.rel $0x88, $3  }
0x1: {  	(tag) =	ssettag $0x0;
	lr =	simm.s32 $0x1  }
0x2: {  	[smem:$0x3F9F] =	sst lr;
	_ =	strace $0xD0000000  }
0x3: {  	_ = 	snop  }
0x4: {  	_ = 	snop  }
0x5: {  	_ = 	snop  }
0x6: {  	_ = 	snop  }
0x7: {  	_ = 	snop  }
__scs_overlays_trampoline_lowered:
0x8: {  	[smem:$0x3FAE] =	sst s0  }
0x9: {  	[smem:$0x3FAF] =	sst s1  }
0xa: {  	[smem:$0x3FB0] =	sst s2  }
0xb: {  	[smem:$0x3FB1] =	sst s3  }
0xc: {  	[smem:$0x3FB2] =	sst s4  }
0xd: {  	[smem:$0x3FB3] =	sst s5  }
0xe: {  	[smem:$0x3FB4] =	sst s6  }
0xf: {  	[smem:$0x3FB5] =	sst s7  }
0x10: {  	[smem:$0x3FB6] =	sst s8  }
0x11: {  	[smem:$0x3FB7] =	sst s9;
	s0 =	simm.s32 @!p0 $0x0  }
0x12: {  	s1 =	sld [smem:$0x3F9D];
	s0 =	simm.s32 @p0 $0x1  }
0x13: {  	[smem:$0x3FB8] =	sst s0;
	s0 =	simm.s32 @!p1 $0x0  }
0x14: {  	s2 =	sld [smem:$0x3F9C];
	s0 =	simm.s32 @p1 $0x1  }
0x15: {  	[smem:$0x3FB9] =	sst s0;
	s0 =	simm.s32 @!p2 $0x0  }
0x16: {  	s3 =	sld [smem:$0x3FDB];
	s0 =	simm.s32 @p2 $0x1  }
0x17: {  	s4 =	simm.s32 $0x1BF5;
	[smem:$0x3FBB] =	sst s0  }
0x18: {  	s0 =	sld [smem:$0x3F9E];
	_ =	swait.ge [sflag:s4], $0x0  }
0x19: {  	s7 =	sld [smem:$0x3F9F]  }
0x1a: {  	s8 =	sadd.s32 $0xFFFFE003, lr  }
0x1b: {  	s9 =	sadd.s32 $0xFFFFFEF7, lr;
	s5 =	simm.s32 $0xFFFFFFFF;
	p2 =	slt.u32 s8, $0xFFFFF086  }
0x1c: {  	p1 =	slt.u32 s9, $0xF7A;
	s5 =	simm.s32 @!p2 $0x0  }
0x1d: {  	s5 =	simm.s32 @p1 $0x1;
	p0 =	seq.s32 s7, s2  }
0x1e: {  	s7 =	smul.u32 @!p0 $0xF7A, s2;
	p2 =	seq.s32 @!p0 s5, $0x0  }
0x1f: {  	s9 =	smul.u32 $0xF7A, s1;
	s8 =	simm.s32 @!p0 $0x1BF5;
	p2 =	por !p2, p0  }
0x20: {  	[sflag:s8] =	ssyncset.s32 @!p0 $0xFFFFF086;
	s6 =	sadd.s32 @!p0 s3, s7;
	s7 =	simm.s32 @!p0 $0x108  }
0x21: {  	s3 =	sadd.s32 s3, s9;
	s6 =	sadd.s32 @!p0 $0x88, s6;
	s7 =	simm.s32 @p2 $0x1082  }
0x22: {  	[simem:s7], [sflag:s8] =	dma.local @!p0 [hbm:s6], $0xF7A  }
0x23: {  	s9 =	sor.u32 $0xD0000000, s2;
	s6 =	simm.s32 $0x108;
	_ =	swait.ge @!p0 [sflag:s8], $0x0  }
0x24: {  	s3 =	sadd.s32 $0x88, s3;
	s6 =	simm.s32 @!p1 $0x1082;
	[sflag:s4] =	ssyncset.s32 $0xFFFFF086  }
0x25: {  	[simem:s6], [sflag:s4] =	dma.local [hbm:s3], $0xF7A  }
0x26: {  	[smem:$0x3F9F] =	sst s1;
	(tag) =	ssettag s2;
	_ =	strace s9  }
0x27: {  	s1 =	sld [smem:$0x3FAF]  }
0x28: {  	s2 =	sld [smem:$0x3FB0]  }
0x29: {  	s4 =	sld [smem:$0x3FB2]  }
0x2a: {  	p0 =	seq.s32 s5, $0x0;
	s5 =	sld [smem:$0x3FB3]  }
0x2b: {  	s6 =	sld [smem:$0x3FB4]  }
0x2c: {  	s7 =	sld [smem:$0x3FB5]  }
0x2d: {  	s3 =	simm.s32 $0x108;
	s8 =	sld [smem:$0x3FB6]  }
0x2e: {  	s3 =	simm.s32 @!p0 $0x1082;
	s9 =	sld [smem:$0x3FB7]  }
0x2f: {  	lr =	sadd.s32 s0, s3;
	s0 =	sld [smem:$0x3FAE]  }
0x30: {  	s3 =	sld [smem:$0x3FB1]  }
0x31: {  	[smem:$0x3FBA] =	sst s10  }
0x32: {  	s10 =	sld [smem:$0x3FB8];
	_ =	sdelay $0x3  }
0x33: {  	p0 =	seq.s32 s10, $0x1;
	s10 =	sld [smem:$0x3FBA];
	_ =	sdelay $0x3  }
0x34: {  	[smem:$0x3FBA] =	sst s10  }
0x35: {  	s10 =	sld [smem:$0x3FB9];
	_ =	sdelay $0x3  }
0x36: {  	p1 =	seq.s32 s10, $0x1;
	s10 =	sld [smem:$0x3FBA];
	_ =	sdelay $0x3  }
0x37: {  	[smem:$0x3FBA] =	sst s10  }
0x38: {  	s10 =	sld [smem:$0x3FBB]  }
0x39: {  	_ = 	snop;
	(pc) =	sbr.ind lr, $3  }
0x3a: {  	_ = 	snop  }
0x3b: {  	_ = 	snop  }
0x3c: {  	p2 =	seq.s32 s10, $0x1;
	s10 =	sld [smem:$0x3FBA]  }
0x3d: {  	_ =	shalt  }
0x3e: {  	_ =	shalt  }
0x3f: {  	_ =	shalt  }
0x40: {  	_ =	shalt  }
0x41: {  	_ =	shalt  }
0x42: {  	_ =	shalt  }
0x43: {  	_ =	shalt  }
0x44: {  	_ =	shalt  }
0x45: {  	_ =	shalt  }
0x46: {  	_ =	shalt  }
0x47: {  	_ =	shalt  }
0x48: {  	_ =	shalt  }
0x49: {  	_ =	shalt  }
0x4a: {  	_ =	shalt  }
0x4b: {  	_ =	shalt  }
0x4c: {  	_ =	shalt  }
0x4d: {  	_ =	shalt  }
0x4e: {  	_ =	shalt  }
0x4f: {  	_ =	shalt  }
0x50: {  	_ =	shalt  }
0x51: {  	_ =	shalt  }
0x52: {  	_ =	shalt  }
0x53: {  	_ =	shalt  }
0x54: {  	_ =	shalt  }
0x55: {  	_ =	shalt  }
0x56: {  	_ =	shalt  }
0x57: {  	_ =	shalt  }
0x58: {  	_ =	shalt  }
0x59: {  	_ =	shalt  }
0x5a: {  	_ =	shalt  }
0x5b: {  	_ =	shalt  }
0x5c: {  	_ =	shalt  }
0x5d: {  	_ =	shalt  }
0x5e: {  	_ =	shalt  }
0x5f: {  	_ =	shalt  }
0x60: {  	_ =	shalt  }
0x61: {  	_ =	shalt  }
0x62: {  	_ =	shalt  }
0x63: {  	_ =	shalt  }
0x64: {  	_ =	shalt  }
0x65: {  	_ =	shalt  }
0x66: {  	_ =	shalt  }
0x67: {  	_ =	shalt  }
0x68: {  	_ =	shalt  }
0x69: {  	_ =	shalt  }
0x6a: {  	_ =	shalt  }
0x6b: {  	_ =	shalt  }
0x6c: {  	_ =	shalt  }
0x6d: {  	_ =	shalt  }
0x6e: {  	_ =	shalt  }
0x6f: {  	_ =	shalt  }
0x70: {  	_ =	shalt  }
0x71: {  	_ =	shalt  }
0x72: {  	_ =	shalt  }
0x73: {  	_ =	shalt  }
0x74: {  	_ =	shalt  }
0x75: {  	_ =	shalt  }
0x76: {  	_ =	shalt  }
0x77: {  	_ =	shalt  }
0x78: {  	_ =	shalt  }
0x79: {  	_ =	shalt  }
0x7a: {  	_ =	shalt  }
0x7b: {  	_ =	shalt  }
0x7c: {  	_ =	shalt  }
0x7d: {  	_ =	shalt  }
0x7e: {  	_ =	shalt  }
0x7f: {  	_ =	shalt  }
0x80: {  	_ =	shalt  }
0x81: {  	_ =	shalt  }
0x82: {  	_ =	shalt  }
0x83: {  	_ =	shalt  }
0x84: {  	_ =	shalt  }
0x85: {  	_ =	shalt  }
0x86: {  	_ =	shalt  }
0x87: {  	_ =	shalt  }
.Lfunc_end0:
.L_simem_size_0:
called_computation_lowered:
.L_overlay_start_0:
0x88: {  	s2 =	sld [smem:$0x3FD9]  }
0x89: {  	s3 =	sld [smem:$0x3FFE];
	_ =	sdelay $0x1  }
0x8a: {  	s1 =	srdreg.scid  }
0x8b: {  	s0 =	sand.u32 $0x1, s1  }
0x8c: {  	s17 =	sshll.u32 s0, $0xA;
	s2 =	sadd.s32 s3, s2  }
0x8d: {  	s2 =	sadd.s32 s2, s17  }
0x8e: {  	[smem:$0x3FC6] =	sst s2  }
0x8f: {  	_ = 	snop  }
0x90: {  	s2 =	sld [smem:$0x3FD0];
	(tm) =	ssettm $0x1  }
0x91: {  	s18 =	sld [smem:$0x3FFB];
	_ =	sdelay $0x3  }
0x92: {  	_ =	strace s18  }
0x93: {  	s3 =	sld [smem:$0x3FFC];
	_ =	sdelay $0x3  }
0x94: {  	_ =	strace s3  }
0x95: {  	s3 =	sld [smem:$0x3FFD];
	_ =	sdelay $0x3  }
0x96: {  	_ =	strace s3  }
0x97: {  	_ =	strace $0x8FFFFFFF  }
0x98: {  	s19 =	sld [smem:$0x3FDB];
	_ =	sdelay $0x1  }
0x99: {  	s4 =	simm.s32 $_scs_section_size  }
0x9a: {  	s5 =	simm.s32 $_size__tile_overlayer_lowered;
	s6 =	simm.s32 $_tile_overlayer_lowered  }
0x9b: {  	s22 =	simm.s32 $0x1BFF;
	s21 =	sshll.u32 s6, $0x1;
	s3 =	sadd.s32 s4, s19  }
0x9c: {  	s7 =	simm.s32 $0x0;
	s20 =	sshll.u32 s5, $0x1;
	s5 =	sadd.s32 s21, s3  }
0x9d: {  	[timem:s7], [sflag:s22] =	dma.local [hbm:s5], s20  }
0x9e: {  	_ =	swait.ge [sflag:s22], s20  }
0x9f: {  	s4 =	ssub.s32 $0x0, s20;
	[sflag:s22] =	ssyncset.done $0x0  }
0xa0: {  	[sflag:s22] =	ssyncadd.s32 s4;
	_ =	sdelay $0x1  }
0xa1: {  	s23 =	simm.s32 $0x1B8B  }
0xa2: {  	_ =	swait.ge [sflag:s23], $0x1  }
0xa3: {  	[sflag:s23] =	ssyncset.done $0x0  }
0xa4: {  	s25 =	simm.s32 $0x1B8E;
	s24 =	sld [smem:$0x3FFE];
	[sflag:s23] =	ssyncadd.s32 $0xFFFFFFFF  }
0xa5: {  	s26 =	simm.s32 $execute0_lowered;
	[smem:$0x3FD2] =	sst s25  }
0xa6: {  	s5 =	sshll.u32 s26, $0x1;
	_ =	strace $0x80000046;
	[dreg:$0x1] =	wrdreg $0xFFFFFFFF  }
0xa7: {  	s28 =	simm.s32 $_size_execute0_lowered;
	s3 =	sadd.s32 s3, s5;
	[dreg:$0x0] =	wrdreg $0x0  }
0xa8: {  	s5 =	sshll.u32 s28, $0x1;
	[dreg:$0x2] =	wrdreg s3  }
0xa9: {  	[dreg:$0x3] =	wrdreg s5  }
0xaa: {  	[dreg:$0x4] =	wrdreg $0xC0  }
0xab: {  	_ =	task [dreg:s7], $0x5FFFF  }
0xac: {  	[dreg:$0x1] =	wrdreg $0xFFFFFFFF  }
0xad: {  	[dreg:$0x0] =	wrdreg $0x60  }
0xae: {  	[dreg:$0x2] =	wrdreg s24  }
0xaf: {  	[dreg:$0x3] =	wrdreg s2  }
0xb0: {  	[dreg:$0x4] =	wrdreg $0x9  }
0xb1: {  	_ =	task.clear_ibuf [dreg:s7], $0x5FFFF;
	_ =	strace $0x90000046  }
0xb2: {  	s29 =	simm.s32 $0x9;
	_ =	strace $0x80000048  }
0xb3: {  	_ =	swait.ge [sflag:s29], $0x1  }
0xb4: {  	[sflag:s29] =	ssyncadd.s32 $0xFFFFFFFF  }
0xb5: {  	_ =	strace $0x90000048  }
0xb6: {  	_ =	sfence  }
0xb7: {  	s30 =	sld [smem:$0x0];
	_ =	sdelay $0x2  }
0xb8: {  	s31 =	sshll.u32 s1, $0xD;
	s1 =	sshrl.u32 s1, $0x2  }
0xb9: {  	s3 =	sand.u32 $0x4000, s31;
	s1 =	sadd.s32 s1, s30  }
0xba: {  	s0 =	sor.u32 s3, s0;
	s1 =	sshll.u32 s1, $0x11  }
0xbb: {  	s0 =	sor.u32 s1, s0  }
0xbc: {  	s0 =	sadd.s32 $0x8F2B, s0  }
0xbd: {  	[sflag:s0] =	ssyncadd.remote.s32 $0x1  }
0xbe: {  	_ =	sfence.sel $0xFFFF  }
0xbf: {  	[dreg:$0x0] =	wrdreg $0xFFFFFFFF;
	(pc) =	sbr.abs _section_cstart, $3  }
0xc0: {  	[dreg:$0x1] =	wrdreg $0xFFFFFFFF  }
0xc1: {  	_ =	task.clear_ibuf [dreg:s7], $0x2FFFF;
	_ =	strace $0x9FFFFFFF  }
0xc2: {  	(tm) =	ssettm $0x7FFFFFFF  }
0xc3: {  	_ =	shalt  }
tec
execute0_lowered:
.L_overlay_start_1:
0x0: {  	(tag) =	ssettag $0x1  }
0x1: {  	s0 =	rddreg [dreg:$0x0]  }
0x2: {  	s1 =	rddreg [dreg:$0x1];
	s3 =	simm.s32 $0x0  }
0x3: {  	s2 =	srdreg.scid;
	s4 =	stileid.u32;
	s15 =	simm.s32 $0x5  }
0x4: {  	s16 =	simm.s32 $0x80;
	s17 =	simm.s32 $0x1900;
	s18 =	simm.s32 $0x1A00  }
0x5: {  	s19 =	simm.s32 $0x1980;
	s20 =	simm.s32 $0x2A00;
	s21 =	simm.s32 $0x1  }
0x6: {  	s22 =	simm.s32 $0x3A00;
	s23 =	simm.s32 $0x400;
	s24 =	simm.s32 $0x20000  }
0x7: {  	v0 =	vlaneseq.u32;
	s28 =	simm.s32 $0x4A00;
	s29 =	simm.s32 $0x3;
	s30 =	simm.s32 $0x0  }
0x8: {  	[smem:$0x7FF] =	sst s3;
	s2 =	sand.u32 $0x1, s2;
	s4 =	sshll.u32 s4, $0x1;
	v1 =	vmul.u32 $0x32, v0;
	v14 =	vmul.u32 $0x20, v0  }
0x9: {  	s5 =	sadd.s32 $0x600, s0;
	v19 =	vor.u32 $0x10, v0;
	v22 =	vor.u32 $0x20, v0;
	v24 =	vor.u32 $0x30, v0;
	s6 =	ssub.s32 $0x2, s2;
	s2 =	sor.u32 s2, s4  }
0xa: {  	v20 =	vand.u32 $0x7, v0;
	v26 =	vor.u32 $0x40, v0;
	v28 =	vor.u32 $0x50, v0;
	_ =	strace $0x80000047;
	s4 =	sadd.s32 $0xF42A00, s0;
	s8 =	sshll.u32 s2, $0x2  }
0xb: {  	v30 =	vor.u32 $0x60, v0;
	v32 =	vor.u32 $0x70, v0;
	s7 =	sshrl.u32 s6, $0x1;
	s9 =	smul.u32 $0xC80, s2;
	v2 =	vadd.s32 $0x320, v1;
	s10 =	sor.u32 $0x1, s8  }
0xc: {  	v3 =	vadd.s32 $0x640, v1;
	v4 =	vadd.s32 $0x960, v1;
	v5 =	vadd.s32 $0xC80, v1;
	s25 =	ssub.s32 s6, s7;
	s8 =	sor.u32 $0x2, s8;
	s31 =	smul.u32 $0x320, s10  }
0xd: {  	v6 =	vadd.s32 $0xFA0, v1;
	v7 =	vadd.s32 $0x12C0, v1;
	v8 =	vadd.s32 $0x15E0, v1;
	s6 =	sshll.u32 s2, $0x9;
	s2 =	sshllo.u32 s2, $0x2;
	s11 =	smul.u32 $0x320, s8  }
.Ltmp0:
0xe: {  	v9 =	vor.u32 $0x1, v1;
	v10 =	vadd.s32 $0x321, v1;
	v11 =	vadd.s32 $0x641, v1;
	s7 =	sadd.s32 $0x10000, s1;
	s26 =	sadd.s32 s5, s9;
	(pc) =	sbr.rel .LBB2_1-.Ltmp0, $4  }
0xf: {  	v12 =	vadd.s32 $0x961, v1;
	v13 =	vadd.s32 $0xC81, v1;
	v15 =	vadd.s32 $0xFA1, v1;
	s12 =	smul.u32 $0x320, s2;
	s13 =	sshll.u32 s2, $0x7;
	s14 =	smax.u32 s25, $0x1  }
0x10: {  	v16 =	vadd.s32 $0x12C1, v1;
	v17 =	vadd.s32 $0x15E1, v1;
	v18 =	vor.u32 $0x200, v14;
	s25 =	simm.s32 $0x2;
	[dreg:$0x3] =	wrdreg s26;
	s9 =	sadd.s32 s5, s31  }
0x11: {  	v21 =	vor.u32 $0x400, v14;
	v23 =	vor.u32 $0x600, v14;
	v25 =	vor.u32 $0x800, v14;
	s26 =	simm.s32 $0x4;
	s12 =	sadd.s32 s5, s12;
	[dreg:$0x4] =	wrdreg s9  }
0x12: {  	v27 =	vor.u32 $0xA00, v14;
	v29 =	vor.u32 $0xC00, v14;
	v31 =	vor.u32 $0xE00, v14;
	s9 =	sshll.u32 s10, $0x7;
	s10 =	sadd.s32 s5, s11;
	s11 =	sshll.u32 s8, $0x7  }
.LBB2_45:
0x13: {  	s30 =	sadd.s32 $0x1, s30  }
0x14: {  	_ =	swait.ge [sflag:s29], $0x1000;
	p0 =	sne.s32 s30, s14  }
.Ltmp1:
0x15: {  	[sflag:s29] =	ssyncset.done $0x0;
	(pc) =	sbr.rel @!p0 .LBB2_46-.Ltmp1, $4  }
0x16: {  	[sflag:s29] =	ssyncadd.s32 $0xFFFFF000  }
0x17: {  	_ =	swait.ge [sflag:s26], $0x1000  }
0x18: {  	[sflag:s26] =	ssyncset.done $0x0  }
0x19: {  	[sflag:s26] =	ssyncadd.s32 $0xFFFFF000  }
.LBB2_1:
0x1a: {  	s0 =	rddreg [dreg:$0x3]  }
0x1b: {  	[tilespmem:s3], [sflag:$0x5] =	stream.linear.gather [hbm4b:s0+s3], $0x1900, $0x38;
	[tilespmem:$0x5A00] =	vst v63  }
0x1c: {  	_ =	swait.ge [sflag:s15], $0x1900  }
0x1d: {  	[sflag:s15] =	ssyncset.done $0x0  }
0x1e: {  	[sflag:s15] =	ssyncadd.s32 $0xFFFFE700  }
0x1f: {  	v33 =	vld.idx.msk [tilespmem:v1+s3+$0x0], $0xffff;
	_ =	sdelay $0x4  }
0x20: {  	[tilespmem:$0x1900] =	vst v33  }
0x21: {  	v33 =	vld.idx.msk [tilespmem:v2+s3+$0x0], $0xffff;
	_ =	sdelay $0x4  }
0x22: {  	[tilespmem:$0x1910] =	vst v33  }
0x23: {  	v33 =	vld.idx.msk [tilespmem:v3+s3+$0x0], $0xffff;
	_ =	sdelay $0x4  }
0x24: {  	[tilespmem:$0x1920] =	vst v33  }
0x25: {  	v33 =	vld.idx.msk [tilespmem:v4+s3+$0x0], $0xffff;
	_ =	sdelay $0x4  }
0x26: {  	[tilespmem:$0x1930] =	vst v33  }
0x27: {  	v33 =	vld.idx.msk [tilespmem:v5+s3+$0x0], $0xffff;
	_ =	sdelay $0x4  }
0x28: {  	[tilespmem:$0x1940] =	vst v33  }
0x29: {  	v33 =	vld.idx.msk [tilespmem:v6+s3+$0x0], $0xffff;
	_ =	sdelay $0x4  }
0x2a: {  	[tilespmem:$0x1950] =	vst v33  }
0x2b: {  	v33 =	vld.idx.msk [tilespmem:v7+s3+$0x0], $0xffff;
	_ =	sdelay $0x4  }
0x2c: {  	[tilespmem:$0x1960] =	vst v33  }
0x2d: {  	v33 =	vld.idx.msk [tilespmem:v8+s3+$0x0], $0xffff;
	_ =	sdelay $0x4  }
0x2e: {  	[tilespmem:$0x1970] =	vst v33  }
0x2f: {  	[tilespmem:s18], [sflag:$0x1] =	stream.indirect.gather [hbm4b:s4+s16], $0x20, s17, s16, $0xb8;
	[tilespmem:$0x5A00] =	vst v63  }
0x30: {  	v33 =	vld.idx.msk [tilespmem:v9+s3+$0x0], $0xffff;
	_ =	sdelay $0x4  }
0x31: {  	[tilespmem:$0x1980] =	vst v33  }
0x32: {  	v33 =	vld.idx.msk [tilespmem:v10+s3+$0x0], $0xffff;
	_ =	sdelay $0x4  }
0x33: {  	[tilespmem:$0x1990] =	vst v33  }
0x34: {  	v33 =	vld.idx.msk [tilespmem:v11+s3+$0x0], $0xffff;
	_ =	sdelay $0x4  }
0x35: {  	[tilespmem:$0x19A0] =	vst v33  }
0x36: {  	v33 =	vld.idx.msk [tilespmem:v12+s3+$0x0], $0xffff;
	_ =	sdelay $0x4  }
0x37: {  	[tilespmem:$0x19B0] =	vst v33  }
0x38: {  	v33 =	vld.idx.msk [tilespmem:v13+s3+$0x0], $0xffff;
	_ =	sdelay $0x4  }
0x39: {  	[tilespmem:$0x19C0] =	vst v33  }
0x3a: {  	v33 =	vld.idx.msk [tilespmem:v15+s3+$0x0], $0xffff;
	_ =	sdelay $0x4  }
0x3b: {  	[tilespmem:$0x19D0] =	vst v33  }
0x3c: {  	v33 =	vld.idx.msk [tilespmem:v16+s3+$0x0], $0xffff;
	_ =	sdelay $0x4  }
0x3d: {  	[tilespmem:$0x19E0] =	vst v33  }
0x3e: {  	v33 =	vld.idx.msk [tilespmem:v17+s3+$0x0], $0xffff;
	_ =	sdelay $0x4  }
0x3f: {  	s31 =	simm.s32 $0x0;
	[tilespmem:$0x19F0] =	vst v33  }
0x40: {  	[tilespmem:s20], [sflag:$0x2] =	stream.indirect.gather [hbm4b:s4+s16], $0x20, s19, s16, $0xb8;
	[tilespmem:$0x5A00] =	vst v63  }
.LBB2_2:
0x41: {  	s0 =	simm.s32 $0x0  }
0x42: {  	v33 =	vadd.s32 s0, v0  }
0x43: {  	_ =	swait.ge [sflag:s21], $0x1000;
	v34 =	vand.u32 $0x1F, v33  }
0x44: {  	p0 =	seq.s32 s31, $0x0;
	[sflag:s21] =	ssyncset.done $0x0;
	v35 =	vor.u32 v14, v34  }
0x45: {  	s0 =	simm.s32 @!p0 $0x3;
	[sflag:s21] =	ssyncadd.s32 $0xFFFFF000  }
0x46: {  	_ =	swait.ge @!p0 [sflag:s0], $0x1000  }
0x47: {  	v36 =	vshll.u32 v33, $0x7;
	[sflag:s0] =	ssyncset.done @!p0 $0x0  }
0x48: {  	v33 =	vand.u32 $0xF80, v36;
	[sflag:s0] =	ssyncadd.s32 @!p0 $0xFFFFF000  }
0x49: {  	v33 =	vor.u32 v0, v33;
	v35 =	vld.idx.msk [tilespmem:v35+s18+$0x0], $0xffff  }
0x4a: {  	v37 =	vor.u32 v18, v34;
	_ =	sdelay $0x2  }
0x4b: {  	v38 =	vand.u32 $0xC00, v36;
	v39 =	vor.u32 v19, v36  }
0x4c: {  	v47 =	vand.u32 $0x398, v39;
	[tilespmem:v33+s22+$0x0] =	vst.idx.msk $0xffff, v35;
	v33 =	vor.u32 v20, v38  }
0x4d: {  	v37 =	vld.idx.msk [tilespmem:v37+s18+$0x0], $0xffff;
	v35 =	vor.u32 v47, v33  }
0x4e: {  	v48 =	vor.u32 v21, v34;
	_ =	sdelay $0x2  }
0x4f: {  	v49 =	vor.u32 v22, v36  }
0x50: {  	v50 =	vand.u32 $0x3A8, v49;
	[tilespmem:v35+s22+$0x0] =	vst.idx.msk $0xffff, v37  }
0x51: {  	v35 =	vor.u32 v50, v33;
	v37 =	vld.idx.msk [tilespmem:v48+s18+$0x0], $0xffff  }
0x52: {  	v51 =	vor.u32 v23, v34;
	_ =	sdelay $0x2  }
0x53: {  	v52 =	vor.u32 v24, v36  }
0x54: {  	v53 =	vand.u32 $0x3B8, v52;
	[tilespmem:v35+s22+$0x0] =	vst.idx.msk $0xffff, v37  }
0x55: {  	v35 =	vor.u32 v53, v33;
	v37 =	vld.idx.msk [tilespmem:v51+s18+$0x0], $0xffff  }
0x56: {  	v54 =	vor.u32 v25, v34;
	_ =	sdelay $0x2  }
0x57: {  	v55 =	vor.u32 v26, v36  }
0x58: {  	v56 =	vand.u32 $0x3C8, v55;
	[tilespmem:v35+s22+$0x0] =	vst.idx.msk $0xffff, v37  }
0x59: {  	v35 =	vor.u32 v56, v33;
	v37 =	vld.idx.msk [tilespmem:v54+s18+$0x0], $0xffff  }
0x5a: {  	v57 =	vor.u32 v27, v34;
	_ =	sdelay $0x2  }
0x5b: {  	v58 =	vor.u32 v28, v36  }
0x5c: {  	v59 =	vand.u32 $0x3D8, v58;
	[tilespmem:v35+s22+$0x0] =	vst.idx.msk $0xffff, v37  }
0x5d: {  	v35 =	vor.u32 v59, v33;
	v37 =	vld.idx.msk [tilespmem:v57+s18+$0x0], $0xffff  }
0x5e: {  	v60 =	vor.u32 v29, v34;
	_ =	sdelay $0x2  }
0x5f: {  	v61 =	vor.u32 v30, v36  }
0x60: {  	v62 =	vand.u32 $0x3E8, v61;
	[tilespmem:v35+s22+$0x0] =	vst.idx.msk $0xffff, v37  }
0x61: {  	v35 =	vor.u32 v62, v33;
	v37 =	vld.idx.msk [tilespmem:v60+s18+$0x0], $0xffff  }
0x62: {  	v63 =	vor.u32 v31, v34;
	_ =	sdelay $0x3  }
0x63: {  	s2 =	simm.s32 $0x1;
	v36 =	vor.u32 v32, v36;
	[tilespmem:v35+s22+$0x0] =	vst.idx.msk $0xffff, v37  }
0x64: {  	v34 =	vadd.s32 s2, v0;
	s2 =	simm.s32 $0x2;
	v36 =	vand.u32 $0x3F8, v36;
	s0 =	sshll.u32 s31, $0x1;
	v35 =	vld.idx.msk [tilespmem:v63+s18+$0x0], $0xffff  }
.LBB2_3:
0x65: {  	p1 =	sne.s32 s2, $0x1F;
	v37 =	vand.u32 $0x1F, v34;
	v33 =	vor.u32 v36, v33  }
0x66: {  	v36 =	vor.u32 v14, v37;
	_ =	sdelay $0x3  }
0x67: {  	v34 =	vshll.u32 v34, $0x7;
	[tilespmem:v33+s22+$0x0] =	vst.idx.msk $0xffff, v35  }
0x68: {  	v35 =	vand.u32 $0xF80, v34;
	v33 =	vld.idx.msk [tilespmem:v36+s18+$0x0], $0xffff  }
0x69: {  	v35 =	vor.u32 v0, v35  }
0x6a: {  	v36 =	vor.u32 v18, v37;
	_ =	sdelay $0x3  }
0x6b: {  	v38 =	vand.u32 $0xC00, v34;
	[tilespmem:v35+s22+$0x0] =	vst.idx.msk $0xffff, v33;
	v33 =	vor.u32 v19, v34  }
0x6c: {  	v35 =	vld.idx.msk [tilespmem:v36+s18+$0x0], $0xffff;
	v36 =	vand.u32 $0x398, v33;
	v33 =	vor.u32 v20, v38  }
0x6d: {  	v36 =	vor.u32 v36, v33  }
0x6e: {  	v38 =	vor.u32 v21, v37;
	_ =	sdelay $0x3  }
0x6f: {  	[tilespmem:v36+s22+$0x0] =	vst.idx.msk $0xffff, v35;
	v35 =	vor.u32 v22, v34  }
0x70: {  	v36 =	vld.idx.msk [tilespmem:v38+s18+$0x0], $0xffff;
	v35 =	vand.u32 $0x3A8, v35  }
0x71: {  	v35 =	vor.u32 v35, v33  }
0x72: {  	v38 =	vor.u32 v23, v37;
	_ =	sdelay $0x3  }
0x73: {  	[tilespmem:v35+s22+$0x0] =	vst.idx.msk $0xffff, v36;
	v35 =	vor.u32 v24, v34  }
0x74: {  	v36 =	vld.idx.msk [tilespmem:v38+s18+$0x0], $0xffff;
	v35 =	vand.u32 $0x3B8, v35  }
0x75: {  	v35 =	vor.u32 v35, v33  }
0x76: {  	v38 =	vor.u32 v25, v37;
	_ =	sdelay $0x3  }
0x77: {  	[tilespmem:v35+s22+$0x0] =	vst.idx.msk $0xffff, v36;
	v35 =	vor.u32 v26, v34  }
0x78: {  	v36 =	vld.idx.msk [tilespmem:v38+s18+$0x0], $0xffff;
	v35 =	vand.u32 $0x3C8, v35  }
0x79: {  	v35 =	vor.u32 v35, v33  }
0x7a: {  	v38 =	vor.u32 v27, v37;
	_ =	sdelay $0x3  }
0x7b: {  	[tilespmem:v35+s22+$0x0] =	vst.idx.msk $0xffff, v36;
	v35 =	vor.u32 v28, v34  }
0x7c: {  	v36 =	vld.idx.msk [tilespmem:v38+s18+$0x0], $0xffff;
	v35 =	vand.u32 $0x3D8, v35  }
0x7d: {  	v35 =	vor.u32 v35, v33  }
0x7e: {  	v38 =	vor.u32 v29, v37;
	_ =	sdelay $0x3  }
0x7f: {  	[tilespmem:v35+s22+$0x0] =	vst.idx.msk $0xffff, v36;
	v35 =	vor.u32 v30, v34  }
0x80: {  	v36 =	vld.idx.msk [tilespmem:v38+s18+$0x0], $0xffff;
	v35 =	vand.u32 $0x3E8, v35  }
0x81: {  	v35 =	vor.u32 v35, v33  }
0x82: {  	v37 =	vor.u32 v31, v37  }
.Ltmp2:
0x83: {  	(pc) =	sbr.rel @p1 .LBB2_3-.Ltmp2, $3  }
0x84: {  	_ =	sdelay $0x1  }
0x85: {  	[tilespmem:v35+s22+$0x0] =	vst.idx.msk $0xffff, v36;
	v36 =	vor.u32 v32, v34  }
0x86: {  	v34 =	vadd.s32 s2, v0;
	s2 =	sadd.s32 $0x1, s2;
	v35 =	vld.idx.msk [tilespmem:v37+s18+$0x0], $0xffff;
	v36 =	vand.u32 $0x3F8, v36  }
0x87: {  	v37 =	vand.u32 $0x1F, v34;
	v33 =	vor.u32 v36, v33  }
0x88: {  	v41 =	vor.u32 v14, v37;
	_ =	sdelay $0x2  }
0x89: {  	v42 =	vshll.u32 v34, $0x7  }
0x8a: {  	v43 =	vand.u32 $0xF80, v42;
	[tilespmem:v33+s22+$0x0] =	vst.idx.msk $0xffff, v35  }
0x8b: {  	v33 =	vor.u32 v0, v43;
	v35 =	vld.idx.msk [tilespmem:v41+s18+$0x0], $0xffff  }
0x8c: {  	v44 =	vor.u32 v18, v37;
	_ =	sdelay $0x2  }
0x8d: {  	v38 =	vand.u32 $0xC00, v42;
	v39 =	vor.u32 v19, v42  }
0x8e: {  	v45 =	vand.u32 $0x398, v39;
	v46 =	vor.u32 v20, v38;
	[tilespmem:v33+s22+$0x0] =	vst.idx.msk $0xffff, v35  }
0x8f: {  	v33 =	vor.u32 v45, v46;
	v36 =	vld.idx.msk [tilespmem:v44+s18+$0x0], $0xffff  }
0x90: {  	v47 =	vor.u32 v21, v37;
	_ =	sdelay $0x2  }
0x91: {  	v48 =	vor.u32 v22, v42  }
0x92: {  	v49 =	vand.u32 $0x3A8, v48;
	[tilespmem:v33+s22+$0x0] =	vst.idx.msk $0xffff, v36  }
0x93: {  	v33 =	vor.u32 v49, v46;
	v36 =	vld.idx.msk [tilespmem:v47+s18+$0x0], $0xffff  }
0x94: {  	v50 =	vor.u32 v23, v37;
	_ =	sdelay $0x2  }
0x95: {  	v51 =	vor.u32 v24, v42  }
0x96: {  	v52 =	vand.u32 $0x3B8, v51;
	[tilespmem:v33+s22+$0x0] =	vst.idx.msk $0xffff, v36  }
0x97: {  	v33 =	vor.u32 v52, v46;
	v36 =	vld.idx.msk [tilespmem:v50+s18+$0x0], $0xffff  }
0x98: {  	v53 =	vor.u32 v25, v37;
	_ =	sdelay $0x2  }
0x99: {  	v54 =	vor.u32 v26, v42  }
0x9a: {  	v55 =	vand.u32 $0x3C8, v54;
	[tilespmem:v33+s22+$0x0] =	vst.idx.msk $0xffff, v36  }
0x9b: {  	v33 =	vor.u32 v55, v46;
	v36 =	vld.idx.msk [tilespmem:v53+s18+$0x0], $0xffff  }
0x9c: {  	v56 =	vor.u32 v27, v37;
	_ =	sdelay $0x2  }
0x9d: {  	v57 =	vor.u32 v28, v42  }
0x9e: {  	v58 =	vand.u32 $0x3D8, v57;
	[tilespmem:v33+s22+$0x0] =	vst.idx.msk $0xffff, v36  }
0x9f: {  	v33 =	vor.u32 v58, v46;
	v36 =	vld.idx.msk [tilespmem:v56+s18+$0x0], $0xffff  }
0xa0: {  	v59 =	vor.u32 v29, v37;
	_ =	sdelay $0x2  }
0xa1: {  	v60 =	vor.u32 v30, v42  }
0xa2: {  	v61 =	vand.u32 $0x3E8, v60;
	[tilespmem:v33+s22+$0x0] =	vst.idx.msk $0xffff, v36  }
0xa3: {  	v33 =	vor.u32 v61, v46;
	v36 =	vld.idx.msk [tilespmem:v59+s18+$0x0], $0xffff  }
0xa4: {  	v37 =	vor.u32 v31, v37;
	_ =	sdelay $0x2  }
0xa5: {  	v34 =	vor.u32 v32, v42  }
0xa6: {  	v62 =	vand.u32 $0x3F8, v34;
	[tilespmem:v33+s22+$0x0] =	vst.idx.msk $0xffff, v36  }
0xa7: {  	v33 =	vor.u32 v62, v46;
	v63 =	vld.idx.msk [tilespmem:v37+s18+$0x0], $0xffff  }
0xa8: {  	p1 =	sne.s32 s31, $0x18  }
.Ltmp3:
0xa9: {  	_ = 	snop;
	(pc) =	sbr.rel @p1 .LBB2_6-.Ltmp3, $4  }
0xaa: {  	s2 =	sshll.u32 s31, $0x11  }
0xab: {  	s2 =	sor.u32 s6, s2  }
0xac: {  	s5 =	sadd.s32 s1, s2;
	[tilespmem:v33+s22+$0x0] =	vst.idx.msk $0xffff, v63  }
0xad: {  	[hbm4b:s5+s23] =	stream.strided.scatter [tilespmem:s22], [sflag:$0x3], $0x1000, s24, s23, $0x38;
	[tilespmem:$0x5A00] =	vst v63  }
.Ltmp4:
0xae: {  	(pc) =	sbr.rel .LBB2_7-.Ltmp4, $4  }
0xaf: {  	_ = 	snop  }
0xb0: {  	_ =	swait.ge [sflag:s25], $0x1000  }
0xb1: {  	[sflag:s25] =	ssyncset.done $0x0  }
0xb2: {  	[sflag:s25] =	ssyncadd.s32 $0xFFFFF000  }
.LBB2_6:
0xb3: {  	s5 =	sadd.s32 $0x2, s0  }
0xb4: {  	v33 =	vadd.s32 s5, v1;
	_ =	sdelay $0x4  }
0xb5: {  	v33 =	vld.idx.msk [tilespmem:v33+s3+$0x0], $0xffff  }
0xb6: {  	v34 =	vadd.s32 s5, v2;
	_ =	sdelay $0x3  }
0xb7: {  	[tilespmem:$0x1900] =	vst v33  }
0xb8: {  	v33 =	vld.idx.msk [tilespmem:v34+s3+$0x0], $0xffff  }
0xb9: {  	v58 =	vadd.s32 s5, v3;
	_ =	sdelay $0x3  }
0xba: {  	[tilespmem:$0x1910] =	vst v33  }
0xbb: {  	v33 =	vld.idx.msk [tilespmem:v58+s3+$0x0], $0xffff  }
0xbc: {  	v59 =	vadd.s32 s5, v4;
	_ =	sdelay $0x3  }
0xbd: {  	[tilespmem:$0x1920] =	vst v33  }
0xbe: {  	v33 =	vld.idx.msk [tilespmem:v59+s3+$0x0], $0xffff  }
0xbf: {  	v60 =	vadd.s32 s5, v5;
	_ =	sdelay $0x3  }
0xc0: {  	[tilespmem:$0x1930] =	vst v33  }
0xc1: {  	v33 =	vld.idx.msk [tilespmem:v60+s3+$0x0], $0xffff  }
0xc2: {  	v61 =	vadd.s32 s5, v6;
	_ =	sdelay $0x3  }
0xc3: {  	[tilespmem:$0x1940] =	vst v33  }
0xc4: {  	v33 =	vld.idx.msk [tilespmem:v61+s3+$0x0], $0xffff  }
0xc5: {  	v62 =	vadd.s32 s5, v7;
	_ =	sdelay $0x3  }
0xc6: {  	[tilespmem:$0x1950] =	vst v33  }
0xc7: {  	v33 =	vld.idx.msk [tilespmem:v62+s3+$0x0], $0xffff  }
0xc8: {  	v63 =	vadd.s32 s5, v8;
	_ =	sdelay $0x3  }
0xc9: {  	[tilespmem:$0x1960] =	vst v33  }
0xca: {  	v33 =	vld.idx.msk [tilespmem:v63+s3+$0x0], $0xffff;
	_ =	sdelay $0x4  }
.Ltmp5:
0xcb: {  	[tilespmem:$0x1970] =	vst v33;
	(pc) =	sbr.rel @p0 .LBB2_8-.Ltmp5, $4  }
0xcc: {  	[tilespmem:s18], [sflag:$0x1] =	stream.indirect.gather [hbm4b:s4+s16], $0x20, s17, s16, $0xb8;
	[tilespmem:$0x5A00] =	vst v63  }
0xcd: {  	_ =	swait.ge [sflag:s25], $0x1000  }
0xce: {  	[sflag:s25] =	ssyncset.done $0x0  }
0xcf: {  	[sflag:s25] =	ssyncadd.s32 $0xFFFFF000  }
.LBB2_7:
0xd0: {  	_ =	swait.ge [sflag:s26], $0x1000  }
0xd1: {  	[sflag:s26] =	ssyncset.done $0x0  }
0xd2: {  	[sflag:s26] =	ssyncadd.s32 $0xFFFFF000  }
.LBB2_8:
0xd3: {  	s5 =	simm.s32 $0x0  }
0xd4: {  	v33 =	vadd.s32 s5, v0  }
0xd5: {  	v34 =	vand.u32 $0x1F, v33  }
0xd6: {  	v35 =	vor.u32 v14, v34;
	_ =	sdelay $0x2  }
0xd7: {  	v36 =	vshll.u32 v33, $0x7  }
0xd8: {  	v33 =	vand.u32 $0xF80, v36  }
0xd9: {  	v33 =	vor.u32 v0, v33;
	v35 =	vld.idx.msk [tilespmem:v35+s20+$0x0], $0xffff  }
0xda: {  	v37 =	vor.u32 v18, v34;
	_ =	sdelay $0x2  }
0xdb: {  	v38 =	vand.u32 $0xC00, v36;
	v39 =	vor.u32 v19, v36  }
0xdc: {  	v47 =	vand.u32 $0x398, v39;
	[tilespmem:v33+s28+$0x0] =	vst.idx.msk $0xffff, v35;
	v33 =	vor.u32 v20, v38  }
0xdd: {  	v37 =	vld.idx.msk [tilespmem:v37+s20+$0x0], $0xffff;
	v35 =	vor.u32 v47, v33  }
0xde: {  	v48 =	vor.u32 v21, v34;
	_ =	sdelay $0x2  }
0xdf: {  	v49 =	vor.u32 v22, v36  }
0xe0: {  	v50 =	vand.u32 $0x3A8, v49;
	[tilespmem:v35+s28+$0x0] =	vst.idx.msk $0xffff, v37  }
0xe1: {  	v35 =	vor.u32 v50, v33;
	v37 =	vld.idx.msk [tilespmem:v48+s20+$0x0], $0xffff  }
0xe2: {  	v51 =	vor.u32 v23, v34;
	_ =	sdelay $0x2  }
0xe3: {  	v52 =	vor.u32 v24, v36  }
0xe4: {  	v53 =	vand.u32 $0x3B8, v52;
	[tilespmem:v35+s28+$0x0] =	vst.idx.msk $0xffff, v37  }
0xe5: {  	v35 =	vor.u32 v53, v33;
	v37 =	vld.idx.msk [tilespmem:v51+s20+$0x0], $0xffff  }
0xe6: {  	v54 =	vor.u32 v25, v34;
	_ =	sdelay $0x2  }
0xe7: {  	v55 =	vor.u32 v26, v36  }
0xe8: {  	v56 =	vand.u32 $0x3C8, v55;
	[tilespmem:v35+s28+$0x0] =	vst.idx.msk $0xffff, v37  }
0xe9: {  	v35 =	vor.u32 v56, v33;
	v37 =	vld.idx.msk [tilespmem:v54+s20+$0x0], $0xffff  }
0xea: {  	v57 =	vor.u32 v27, v34;
	_ =	sdelay $0x2  }
0xeb: {  	v58 =	vor.u32 v28, v36  }
0xec: {  	v59 =	vand.u32 $0x3D8, v58;
	[tilespmem:v35+s28+$0x0] =	vst.idx.msk $0xffff, v37  }
0xed: {  	v35 =	vor.u32 v59, v33;
	v37 =	vld.idx.msk [tilespmem:v57+s20+$0x0], $0xffff  }
0xee: {  	v60 =	vor.u32 v29, v34;
	_ =	sdelay $0x2  }
0xef: {  	v61 =	vor.u32 v30, v36  }
0xf0: {  	v62 =	vand.u32 $0x3E8, v61;
	[tilespmem:v35+s28+$0x0] =	vst.idx.msk $0xffff, v37  }
0xf1: {  	v35 =	vor.u32 v62, v33;
	v37 =	vld.idx.msk [tilespmem:v60+s20+$0x0], $0xffff  }
0xf2: {  	v63 =	vor.u32 v31, v34;
	_ =	sdelay $0x3  }
0xf3: {  	s8 =	simm.s32 $0x1;
	v36 =	vor.u32 v32, v36;
	[tilespmem:v35+s28+$0x0] =	vst.idx.msk $0xffff, v37  }
0xf4: {  	s5 =	simm.s32 $0x2;
	v34 =	vadd.s32 s8, v0;
	v36 =	vand.u32 $0x3F8, v36;
	v35 =	vld.idx.msk [tilespmem:v63+s20+$0x0], $0xffff  }
.LBB2_9:
0xf5: {  	p0 =	sne.s32 s5, $0x1F;
	v37 =	vand.u32 $0x1F, v34;
	v33 =	vor.u32 v36, v33  }
0xf6: {  	v36 =	vor.u32 v14, v37;
	_ =	sdelay $0x3  }
0xf7: {  	v34 =	vshll.u32 v34, $0x7;
	[tilespmem:v33+s28+$0x0] =	vst.idx.msk $0xffff, v35  }
0xf8: {  	v35 =	vand.u32 $0xF80, v34;
	v33 =	vld.idx.msk [tilespmem:v36+s20+$0x0], $0xffff  }
0xf9: {  	v35 =	vor.u32 v0, v35  }
0xfa: {  	v36 =	vor.u32 v18, v37;
	_ =	sdelay $0x3  }
0xfb: {  	v38 =	vand.u32 $0xC00, v34;
	[tilespmem:v35+s28+$0x0] =	vst.idx.msk $0xffff, v33;
	v33 =	vor.u32 v19, v34  }
0xfc: {  	v35 =	vld.idx.msk [tilespmem:v36+s20+$0x0], $0xffff;
	v36 =	vand.u32 $0x398, v33;
	v33 =	vor.u32 v20, v38  }
0xfd: {  	v36 =	vor.u32 v36, v33  }
0xfe: {  	v38 =	vor.u32 v21, v37;
	_ =	sdelay $0x3  }
0xff: {  	[tilespmem:v36+s28+$0x0] =	vst.idx.msk $0xffff, v35;
	v35 =	vor.u32 v22, v34  }
0x100: {  	v36 =	vld.idx.msk [tilespmem:v38+s20+$0x0], $0xffff;
	v35 =	vand.u32 $0x3A8, v35  }
0x101: {  	v35 =	vor.u32 v35, v33  }
0x102: {  	v38 =	vor.u32 v23, v37;
	_ =	sdelay $0x3  }
0x103: {  	[tilespmem:v35+s28+$0x0] =	vst.idx.msk $0xffff, v36;
	v35 =	vor.u32 v24, v34  }
0x104: {  	v36 =	vld.idx.msk [tilespmem:v38+s20+$0x0], $0xffff;
	v35 =	vand.u32 $0x3B8, v35  }
0x105: {  	v35 =	vor.u32 v35, v33  }
0x106: {  	v38 =	vor.u32 v25, v37;
	_ =	sdelay $0x3  }
0x107: {  	[tilespmem:v35+s28+$0x0] =	vst.idx.msk $0xffff, v36;
	v35 =	vor.u32 v26, v34  }
0x108: {  	v36 =	vld.idx.msk [tilespmem:v38+s20+$0x0], $0xffff;
	v35 =	vand.u32 $0x3C8, v35  }
0x109: {  	v35 =	vor.u32 v35, v33  }
0x10a: {  	v38 =	vor.u32 v27, v37;
	_ =	sdelay $0x3  }
0x10b: {  	[tilespmem:v35+s28+$0x0] =	vst.idx.msk $0xffff, v36;
	v35 =	vor.u32 v28, v34  }
0x10c: {  	v36 =	vld.idx.msk [tilespmem:v38+s20+$0x0], $0xffff;
	v35 =	vand.u32 $0x3D8, v35  }
0x10d: {  	v35 =	vor.u32 v35, v33  }
0x10e: {  	v38 =	vor.u32 v29, v37;
	_ =	sdelay $0x3  }
0x10f: {  	[tilespmem:v35+s28+$0x0] =	vst.idx.msk $0xffff, v36;
	v35 =	vor.u32 v30, v34  }
0x110: {  	v36 =	vld.idx.msk [tilespmem:v38+s20+$0x0], $0xffff;
	v35 =	vand.u32 $0x3E8, v35  }
0x111: {  	v35 =	vor.u32 v35, v33  }
0x112: {  	v37 =	vor.u32 v31, v37  }
.Ltmp6:
0x113: {  	(pc) =	sbr.rel @p0 .LBB2_9-.Ltmp6, $3  }
0x114: {  	_ =	sdelay $0x1  }
0x115: {  	[tilespmem:v35+s28+$0x0] =	vst.idx.msk $0xffff, v36;
	v36 =	vor.u32 v32, v34  }
0x116: {  	v34 =	vadd.s32 s5, v0;
	s5 =	sadd.s32 $0x1, s5;
	v35 =	vld.idx.msk [tilespmem:v37+s20+$0x0], $0xffff;
	v36 =	vand.u32 $0x3F8, v36  }
0x117: {  	v37 =	vand.u32 $0x1F, v34;
	v33 =	vor.u32 v36, v33  }
0x118: {  	v41 =	vor.u32 v14, v37;
	_ =	sdelay $0x2  }
0x119: {  	v42 =	vshll.u32 v34, $0x7  }
0x11a: {  	v43 =	vand.u32 $0xF80, v42;
	[tilespmem:v33+s28+$0x0] =	vst.idx.msk $0xffff, v35  }
0x11b: {  	v33 =	vor.u32 v0, v43;
	v35 =	vld.idx.msk [tilespmem:v41+s20+$0x0], $0xffff  }
0x11c: {  	v44 =	vor.u32 v18, v37;
	_ =	sdelay $0x2  }
0x11d: {  	v38 =	vand.u32 $0xC00, v42;
	v39 =	vor.u32 v19, v42  }
0x11e: {  	v45 =	vand.u32 $0x398, v39;
	v46 =	vor.u32 v20, v38;
	[tilespmem:v33+s28+$0x0] =	vst.idx.msk $0xffff, v35  }
0x11f: {  	v33 =	vor.u32 v45, v46;
	v36 =	vld.idx.msk [tilespmem:v44+s20+$0x0], $0xffff  }
0x120: {  	v47 =	vor.u32 v21, v37;
	_ =	sdelay $0x2  }
0x121: {  	v48 =	vor.u32 v22, v42  }
0x122: {  	v49 =	vand.u32 $0x3A8, v48;
	[tilespmem:v33+s28+$0x0] =	vst.idx.msk $0xffff, v36  }
0x123: {  	v33 =	vor.u32 v49, v46;
	v36 =	vld.idx.msk [tilespmem:v47+s20+$0x0], $0xffff  }
0x124: {  	v50 =	vor.u32 v23, v37;
	_ =	sdelay $0x2  }
0x125: {  	v51 =	vor.u32 v24, v42  }
0x126: {  	v52 =	vand.u32 $0x3B8, v51;
	[tilespmem:v33+s28+$0x0] =	vst.idx.msk $0xffff, v36  }
0x127: {  	v33 =	vor.u32 v52, v46;
	v36 =	vld.idx.msk [tilespmem:v50+s20+$0x0], $0xffff  }
0x128: {  	v53 =	vor.u32 v25, v37;
	_ =	sdelay $0x2  }
0x129: {  	v54 =	vor.u32 v26, v42  }
0x12a: {  	v55 =	vand.u32 $0x3C8, v54;
	[tilespmem:v33+s28+$0x0] =	vst.idx.msk $0xffff, v36  }
0x12b: {  	v33 =	vor.u32 v55, v46;
	v36 =	vld.idx.msk [tilespmem:v53+s20+$0x0], $0xffff  }
0x12c: {  	v56 =	vor.u32 v27, v37;
	_ =	sdelay $0x2  }
0x12d: {  	v57 =	vor.u32 v28, v42  }
0x12e: {  	v58 =	vand.u32 $0x3D8, v57;
	[tilespmem:v33+s28+$0x0] =	vst.idx.msk $0xffff, v36  }
0x12f: {  	v33 =	vor.u32 v58, v46;
	v36 =	vld.idx.msk [tilespmem:v56+s20+$0x0], $0xffff  }
0x130: {  	v59 =	vor.u32 v29, v37;
	_ =	sdelay $0x2  }
0x131: {  	v60 =	vor.u32 v30, v42  }
0x132: {  	v61 =	vand.u32 $0x3E8, v60;
	[tilespmem:v33+s28+$0x0] =	vst.idx.msk $0xffff, v36  }
0x133: {  	v33 =	vor.u32 v61, v46;
	v36 =	vld.idx.msk [tilespmem:v59+s20+$0x0], $0xffff  }
0x134: {  	v37 =	vor.u32 v31, v37;
	_ =	sdelay $0x2  }
0x135: {  	v34 =	vor.u32 v32, v42  }
0x136: {  	v62 =	vand.u32 $0x3F8, v34;
	[tilespmem:v33+s28+$0x0] =	vst.idx.msk $0xffff, v36  }
0x137: {  	v33 =	vor.u32 v62, v46;
	v63 =	vld.idx.msk [tilespmem:v37+s20+$0x0], $0xffff  }
0x138: {  	p0 =	seq.s32 s31, $0x18  }
.Ltmp7:
0x139: {  	_ = 	snop;
	(pc) =	sbr.rel @p0 .LBB2_12-.Ltmp7, $3  }
0x13a: {  	_ =	sdelay $0x1  }
0x13b: {  	s2 =	sadd.s32 s2, s7;
	[tilespmem:v33+s28+$0x0] =	vst.idx.msk $0xffff, v63  }
0x13c: {  	[hbm4b:s2+s23] =	stream.strided.scatter [tilespmem:s28], [sflag:$0x4], $0x1000, s24, s23, $0x38;
	[tilespmem:$0x5A00] =	vst v63  }
0x13d: {  	s0 =	sadd.s32 $0x3, s0  }
0x13e: {  	v33 =	vadd.s32 s0, v1;
	_ =	sdelay $0x4  }
0x13f: {  	v33 =	vld.idx.msk [tilespmem:v33+s3+$0x0], $0xffff  }
0x140: {  	v34 =	vadd.s32 s0, v2;
	_ =	sdelay $0x3  }
0x141: {  	[tilespmem:$0x1980] =	vst v33  }
0x142: {  	v33 =	vld.idx.msk [tilespmem:v34+s3+$0x0], $0xffff  }
0x143: {  	v58 =	vadd.s32 s0, v3;
	_ =	sdelay $0x3  }
0x144: {  	[tilespmem:$0x1990] =	vst v33  }
0x145: {  	v33 =	vld.idx.msk [tilespmem:v58+s3+$0x0], $0xffff  }
0x146: {  	v59 =	vadd.s32 s0, v4;
	_ =	sdelay $0x3  }
0x147: {  	[tilespmem:$0x19A0] =	vst v33  }
0x148: {  	v33 =	vld.idx.msk [tilespmem:v59+s3+$0x0], $0xffff  }
0x149: {  	v60 =	vadd.s32 s0, v5;
	_ =	sdelay $0x3  }
0x14a: {  	[tilespmem:$0x19B0] =	vst v33  }
0x14b: {  	v33 =	vld.idx.msk [tilespmem:v60+s3+$0x0], $0xffff  }
0x14c: {  	v61 =	vadd.s32 s0, v6;
	_ =	sdelay $0x3  }
0x14d: {  	[tilespmem:$0x19C0] =	vst v33  }
0x14e: {  	v33 =	vld.idx.msk [tilespmem:v61+s3+$0x0], $0xffff  }
0x14f: {  	v62 =	vadd.s32 s0, v7;
	_ =	sdelay $0x3  }
0x150: {  	[tilespmem:$0x19D0] =	vst v33  }
0x151: {  	v33 =	vld.idx.msk [tilespmem:v62+s3+$0x0], $0xffff  }
0x152: {  	v63 =	vadd.s32 s0, v8;
	_ =	sdelay $0x3  }
0x153: {  	[tilespmem:$0x19E0] =	vst v33  }
0x154: {  	v33 =	vld.idx.msk [tilespmem:v63+s3+$0x0], $0xffff;
	_ =	sdelay $0x1  }
.Ltmp8:
0x155: {  	_ = 	snop;
	(pc) =	sbr.rel .LBB2_2-.Ltmp8, $3  }
0x156: {  	_ =	sdelay $0x1  }
0x157: {  	s31 =	sadd.s32 $0x1, s31;
	[tilespmem:$0x19F0] =	vst v33  }
0x158: {  	[tilespmem:s20], [sflag:$0x2] =	stream.indirect.gather [hbm4b:s4+s16], $0x20, s19, s16, $0xb8;
	[tilespmem:$0x5A00] =	vst v63  }
.LBB2_12:
0x159: {  	_ =	swait.ge [sflag:s29], $0x1000  }
0x15a: {  	[sflag:s29] =	ssyncset.done $0x0  }
0x15b: {  	[sflag:s29] =	ssyncadd.s32 $0xFFFFF000  }
0x15c: {  	_ =	swait.ge [sflag:s26], $0x1000  }
0x15d: {  	[sflag:s26] =	ssyncset.done $0x0  }
0x15e: {  	s31 =	simm.s32 $0x0;
	s0 =	rddreg [dreg:$0x4];
	[sflag:s26] =	ssyncadd.s32 $0xFFFFF000  }
0x15f: {  	[tilespmem:s31], [sflag:$0x5] =	stream.linear.gather [hbm4b:s0+s31], $0x1900, $0x38;
	[tilespmem:$0x5A00] =	vst v63  }
0x160: {  	_ =	swait.ge [sflag:s15], $0x1900  }
0x161: {  	[sflag:s15] =	ssyncset.done $0x0  }
0x162: {  	[sflag:s15] =	ssyncadd.s32 $0xFFFFE700  }
0x163: {  	v33 =	vld.idx.msk [tilespmem:v1+s31+$0x0], $0xffff;
	_ =	sdelay $0x4  }
0x164: {  	[tilespmem:$0x1900] =	vst v33  }
0x165: {  	v33 =	vld.idx.msk [tilespmem:v2+s31+$0x0], $0xffff;
	_ =	sdelay $0x4  }
0x166: {  	[tilespmem:$0x1910] =	vst v33  }
0x167: {  	v33 =	vld.idx.msk [tilespmem:v3+s31+$0x0], $0xffff;
	_ =	sdelay $0x4  }
0x168: {  	[tilespmem:$0x1920] =	vst v33  }
0x169: {  	v33 =	vld.idx.msk [tilespmem:v4+s31+$0x0], $0xffff;
	_ =	sdelay $0x4  }
0x16a: {  	[tilespmem:$0x1930] =	vst v33  }
0x16b: {  	v33 =	vld.idx.msk [tilespmem:v5+s31+$0x0], $0xffff;
	_ =	sdelay $0x4  }
0x16c: {  	[tilespmem:$0x1940] =	vst v33  }
0x16d: {  	v33 =	vld.idx.msk [tilespmem:v6+s31+$0x0], $0xffff;
	_ =	sdelay $0x4  }
0x16e: {  	[tilespmem:$0x1950] =	vst v33  }
0x16f: {  	v33 =	vld.idx.msk [tilespmem:v7+s31+$0x0], $0xffff;
	_ =	sdelay $0x4  }
0x170: {  	[tilespmem:$0x1960] =	vst v33  }
0x171: {  	v33 =	vld.idx.msk [tilespmem:v8+s31+$0x0], $0xffff;
	_ =	sdelay $0x4  }
0x172: {  	[tilespmem:$0x1970] =	vst v33  }
0x173: {  	[tilespmem:s18], [sflag:$0x1] =	stream.indirect.gather [hbm4b:s4+s16], $0x20, s17, s16, $0xb8;
	[tilespmem:$0x5A00] =	vst v63  }
0x174: {  	v33 =	vld.idx.msk [tilespmem:v9+s31+$0x0], $0xffff;
	_ =	sdelay $0x4  }
0x175: {  	[tilespmem:$0x1980] =	vst v33  }
0x176: {  	v33 =	vld.idx.msk [tilespmem:v10+s31+$0x0], $0xffff;
	_ =	sdelay $0x4  }
0x177: {  	[tilespmem:$0x1990] =	vst v33  }
0x178: {  	v33 =	vld.idx.msk [tilespmem:v11+s31+$0x0], $0xffff;
	_ =	sdelay $0x4  }
0x179: {  	[tilespmem:$0x19A0] =	vst v33  }
0x17a: {  	v33 =	vld.idx.msk [tilespmem:v12+s31+$0x0], $0xffff;
	_ =	sdelay $0x4  }
0x17b: {  	[tilespmem:$0x19B0] =	vst v33  }
0x17c: {  	v33 =	vld.idx.msk [tilespmem:v13+s31+$0x0], $0xffff;
	_ =	sdelay $0x4  }
0x17d: {  	[tilespmem:$0x19C0] =	vst v33  }
0x17e: {  	v33 =	vld.idx.msk [tilespmem:v15+s31+$0x0], $0xffff;
	_ =	sdelay $0x4  }
0x17f: {  	[tilespmem:$0x19D0] =	vst v33  }
0x180: {  	v33 =	vld.idx.msk [tilespmem:v16+s31+$0x0], $0xffff;
	_ =	sdelay $0x4  }
0x181: {  	[tilespmem:$0x19E0] =	vst v33  }
0x182: {  	v33 =	vld.idx.msk [tilespmem:v17+s31+$0x0], $0xffff;
	_ =	sdelay $0x4  }
0x183: {  	s0 =	simm.s32 $0x0;
	[tilespmem:$0x19F0] =	vst v33  }
0x184: {  	[tilespmem:s20], [sflag:$0x2] =	stream.indirect.gather [hbm4b:s4+s16], $0x20, s19, s16, $0xb8;
	[tilespmem:$0x5A00] =	vst v63  }
.LBB2_13:
0x185: {  	v33 =	vadd.s32 s31, v0  }
0x186: {  	_ =	swait.ge [sflag:s21], $0x1000;
	v34 =	vand.u32 $0x1F, v33  }
0x187: {  	p0 =	seq.s32 s0, $0x0;
	[sflag:s21] =	ssyncset.done $0x0;
	v35 =	vor.u32 v14, v34  }
0x188: {  	s2 =	simm.s32 @!p0 $0x3;
	[sflag:s21] =	ssyncadd.s32 $0xFFFFF000  }
0x189: {  	_ =	swait.ge @!p0 [sflag:s2], $0x1000  }
0x18a: {  	v36 =	vshll.u32 v33, $0x7;
	[sflag:s2] =	ssyncset.done @!p0 $0x0  }
0x18b: {  	v33 =	vand.u32 $0xF80, v36;
	[sflag:s2] =	ssyncadd.s32 @!p0 $0xFFFFF000  }
0x18c: {  	v33 =	vor.u32 v0, v33;
	v35 =	vld.idx.msk [tilespmem:v35+s18+$0x0], $0xffff  }
0x18d: {  	v37 =	vor.u32 v18, v34;
	_ =	sdelay $0x2  }
0x18e: {  	v38 =	vand.u32 $0xC00, v36;
	v39 =	vor.u32 v19, v36  }
0x18f: {  	v47 =	vand.u32 $0x398, v39;
	[tilespmem:v33+s22+$0x0] =	vst.idx.msk $0xffff, v35;
	v33 =	vor.u32 v20, v38  }
0x190: {  	v37 =	vld.idx.msk [tilespmem:v37+s18+$0x0], $0xffff;
	v35 =	vor.u32 v47, v33  }
0x191: {  	v48 =	vor.u32 v21, v34;
	_ =	sdelay $0x2  }
0x192: {  	v49 =	vor.u32 v22, v36  }
0x193: {  	v50 =	vand.u32 $0x3A8, v49;
	[tilespmem:v35+s22+$0x0] =	vst.idx.msk $0xffff, v37  }
0x194: {  	v35 =	vor.u32 v50, v33;
	v37 =	vld.idx.msk [tilespmem:v48+s18+$0x0], $0xffff  }
0x195: {  	v51 =	vor.u32 v23, v34;
	_ =	sdelay $0x2  }
0x196: {  	v52 =	vor.u32 v24, v36  }
0x197: {  	v53 =	vand.u32 $0x3B8, v52;
	[tilespmem:v35+s22+$0x0] =	vst.idx.msk $0xffff, v37  }
0x198: {  	v35 =	vor.u32 v53, v33;
	v37 =	vld.idx.msk [tilespmem:v51+s18+$0x0], $0xffff  }
0x199: {  	v54 =	vor.u32 v25, v34;
	_ =	sdelay $0x2  }
0x19a: {  	v55 =	vor.u32 v26, v36  }
0x19b: {  	v56 =	vand.u32 $0x3C8, v55;
	[tilespmem:v35+s22+$0x0] =	vst.idx.msk $0xffff, v37  }
0x19c: {  	v35 =	vor.u32 v56, v33;
	v37 =	vld.idx.msk [tilespmem:v54+s18+$0x0], $0xffff  }
0x19d: {  	v57 =	vor.u32 v27, v34;
	_ =	sdelay $0x2  }
0x19e: {  	v58 =	vor.u32 v28, v36  }
0x19f: {  	v59 =	vand.u32 $0x3D8, v58;
	[tilespmem:v35+s22+$0x0] =	vst.idx.msk $0xffff, v37  }
0x1a0: {  	v35 =	vor.u32 v59, v33;
	v37 =	vld.idx.msk [tilespmem:v57+s18+$0x0], $0xffff  }
0x1a1: {  	v60 =	vor.u32 v29, v34;
	_ =	sdelay $0x2  }
0x1a2: {  	v61 =	vor.u32 v30, v36  }
0x1a3: {  	v62 =	vand.u32 $0x3E8, v61;
	[tilespmem:v35+s22+$0x0] =	vst.idx.msk $0xffff, v37  }
0x1a4: {  	v35 =	vor.u32 v62, v33;
	v37 =	vld.idx.msk [tilespmem:v60+s18+$0x0], $0xffff  }
0x1a5: {  	v63 =	vor.u32 v31, v34;
	_ =	sdelay $0x3  }
0x1a6: {  	s5 =	simm.s32 $0x1;
	v36 =	vor.u32 v32, v36;
	[tilespmem:v35+s22+$0x0] =	vst.idx.msk $0xffff, v37  }
0x1a7: {  	v34 =	vadd.s32 s5, v0;
	s5 =	simm.s32 $0x2;
	v36 =	vand.u32 $0x3F8, v36;
	s2 =	sshll.u32 s0, $0x1;
	v35 =	vld.idx.msk [tilespmem:v63+s18+$0x0], $0xffff  }
.LBB2_14:
0x1a8: {  	p1 =	sne.s32 s5, $0x1F;
	v37 =	vand.u32 $0x1F, v34;
	v33 =	vor.u32 v36, v33  }
0x1a9: {  	v36 =	vor.u32 v14, v37;
	_ =	sdelay $0x3  }
0x1aa: {  	v34 =	vshll.u32 v34, $0x7;
	[tilespmem:v33+s22+$0x0] =	vst.idx.msk $0xffff, v35  }
0x1ab: {  	v35 =	vand.u32 $0xF80, v34;
	v33 =	vld.idx.msk [tilespmem:v36+s18+$0x0], $0xffff  }
0x1ac: {  	v35 =	vor.u32 v0, v35  }
0x1ad: {  	v36 =	vor.u32 v18, v37;
	_ =	sdelay $0x3  }
0x1ae: {  	v38 =	vand.u32 $0xC00, v34;
	[tilespmem:v35+s22+$0x0] =	vst.idx.msk $0xffff, v33;
	v33 =	vor.u32 v19, v34  }
0x1af: {  	v35 =	vld.idx.msk [tilespmem:v36+s18+$0x0], $0xffff;
	v36 =	vand.u32 $0x398, v33;
	v33 =	vor.u32 v20, v38  }
0x1b0: {  	v36 =	vor.u32 v36, v33  }
0x1b1: {  	v38 =	vor.u32 v21, v37;
	_ =	sdelay $0x3  }
0x1b2: {  	[tilespmem:v36+s22+$0x0] =	vst.idx.msk $0xffff, v35;
	v35 =	vor.u32 v22, v34  }
0x1b3: {  	v36 =	vld.idx.msk [tilespmem:v38+s18+$0x0], $0xffff;
	v35 =	vand.u32 $0x3A8, v35  }
0x1b4: {  	v35 =	vor.u32 v35, v33  }
0x1b5: {  	v38 =	vor.u32 v23, v37;
	_ =	sdelay $0x3  }
0x1b6: {  	[tilespmem:v35+s22+$0x0] =	vst.idx.msk $0xffff, v36;
	v35 =	vor.u32 v24, v34  }
0x1b7: {  	v36 =	vld.idx.msk [tilespmem:v38+s18+$0x0], $0xffff;
	v35 =	vand.u32 $0x3B8, v35  }
0x1b8: {  	v35 =	vor.u32 v35, v33  }
0x1b9: {  	v38 =	vor.u32 v25, v37;
	_ =	sdelay $0x3  }
0x1ba: {  	[tilespmem:v35+s22+$0x0] =	vst.idx.msk $0xffff, v36;
	v35 =	vor.u32 v26, v34  }
0x1bb: {  	v36 =	vld.idx.msk [tilespmem:v38+s18+$0x0], $0xffff;
	v35 =	vand.u32 $0x3C8, v35  }
0x1bc: {  	v35 =	vor.u32 v35, v33  }
0x1bd: {  	v38 =	vor.u32 v27, v37;
	_ =	sdelay $0x3  }
0x1be: {  	[tilespmem:v35+s22+$0x0] =	vst.idx.msk $0xffff, v36;
	v35 =	vor.u32 v28, v34  }
0x1bf: {  	v36 =	vld.idx.msk [tilespmem:v38+s18+$0x0], $0xffff;
	v35 =	vand.u32 $0x3D8, v35  }
0x1c0: {  	v35 =	vor.u32 v35, v33  }
0x1c1: {  	v38 =	vor.u32 v29, v37;
	_ =	sdelay $0x3  }
0x1c2: {  	[tilespmem:v35+s22+$0x0] =	vst.idx.msk $0xffff, v36;
	v35 =	vor.u32 v30, v34  }
0x1c3: {  	v36 =	vld.idx.msk [tilespmem:v38+s18+$0x0], $0xffff;
	v35 =	vand.u32 $0x3E8, v35  }
0x1c4: {  	v35 =	vor.u32 v35, v33  }
0x1c5: {  	v37 =	vor.u32 v31, v37  }
.Ltmp9:
0x1c6: {  	(pc) =	sbr.rel @p1 .LBB2_14-.Ltmp9, $3  }
0x1c7: {  	_ =	sdelay $0x1  }
0x1c8: {  	[tilespmem:v35+s22+$0x0] =	vst.idx.msk $0xffff, v36;
	v36 =	vor.u32 v32, v34  }
0x1c9: {  	v34 =	vadd.s32 s5, v0;
	s5 =	sadd.s32 $0x1, s5;
	v35 =	vld.idx.msk [tilespmem:v37+s18+$0x0], $0xffff;
	v36 =	vand.u32 $0x3F8, v36  }
0x1ca: {  	v37 =	vand.u32 $0x1F, v34;
	v33 =	vor.u32 v36, v33  }
0x1cb: {  	v41 =	vor.u32 v14, v37;
	_ =	sdelay $0x2  }
0x1cc: {  	v42 =	vshll.u32 v34, $0x7  }
0x1cd: {  	v43 =	vand.u32 $0xF80, v42;
	[tilespmem:v33+s22+$0x0] =	vst.idx.msk $0xffff, v35  }
0x1ce: {  	v33 =	vor.u32 v0, v43;
	v35 =	vld.idx.msk [tilespmem:v41+s18+$0x0], $0xffff  }
0x1cf: {  	v44 =	vor.u32 v18, v37;
	_ =	sdelay $0x2  }
0x1d0: {  	v38 =	vand.u32 $0xC00, v42;
	v39 =	vor.u32 v19, v42  }
0x1d1: {  	v45 =	vand.u32 $0x398, v39;
	v46 =	vor.u32 v20, v38;
	[tilespmem:v33+s22+$0x0] =	vst.idx.msk $0xffff, v35  }
0x1d2: {  	v33 =	vor.u32 v45, v46;
	v36 =	vld.idx.msk [tilespmem:v44+s18+$0x0], $0xffff  }
0x1d3: {  	v47 =	vor.u32 v21, v37;
	_ =	sdelay $0x2  }
0x1d4: {  	v48 =	vor.u32 v22, v42  }
0x1d5: {  	v49 =	vand.u32 $0x3A8, v48;
	[tilespmem:v33+s22+$0x0] =	vst.idx.msk $0xffff, v36  }
0x1d6: {  	v33 =	vor.u32 v49, v46;
	v36 =	vld.idx.msk [tilespmem:v47+s18+$0x0], $0xffff  }
0x1d7: {  	v50 =	vor.u32 v23, v37;
	_ =	sdelay $0x2  }
0x1d8: {  	v51 =	vor.u32 v24, v42  }
0x1d9: {  	v52 =	vand.u32 $0x3B8, v51;
	[tilespmem:v33+s22+$0x0] =	vst.idx.msk $0xffff, v36  }
0x1da: {  	v33 =	vor.u32 v52, v46;
	v36 =	vld.idx.msk [tilespmem:v50+s18+$0x0], $0xffff  }
0x1db: {  	v53 =	vor.u32 v25, v37;
	_ =	sdelay $0x2  }
0x1dc: {  	v54 =	vor.u32 v26, v42  }
0x1dd: {  	v55 =	vand.u32 $0x3C8, v54;
	[tilespmem:v33+s22+$0x0] =	vst.idx.msk $0xffff, v36  }
0x1de: {  	v33 =	vor.u32 v55, v46;
	v36 =	vld.idx.msk [tilespmem:v53+s18+$0x0], $0xffff  }
0x1df: {  	v56 =	vor.u32 v27, v37;
	_ =	sdelay $0x2  }
0x1e0: {  	v57 =	vor.u32 v28, v42  }
0x1e1: {  	v58 =	vand.u32 $0x3D8, v57;
	[tilespmem:v33+s22+$0x0] =	vst.idx.msk $0xffff, v36  }
0x1e2: {  	v33 =	vor.u32 v58, v46;
	v36 =	vld.idx.msk [tilespmem:v56+s18+$0x0], $0xffff  }
0x1e3: {  	v59 =	vor.u32 v29, v37;
	_ =	sdelay $0x2  }
0x1e4: {  	v60 =	vor.u32 v30, v42  }
0x1e5: {  	v61 =	vand.u32 $0x3E8, v60;
	[tilespmem:v33+s22+$0x0] =	vst.idx.msk $0xffff, v36  }
0x1e6: {  	v33 =	vor.u32 v61, v46;
	v36 =	vld.idx.msk [tilespmem:v59+s18+$0x0], $0xffff  }
0x1e7: {  	v37 =	vor.u32 v31, v37;
	_ =	sdelay $0x2  }
0x1e8: {  	v34 =	vor.u32 v32, v42  }
0x1e9: {  	v62 =	vand.u32 $0x3F8, v34;
	[tilespmem:v33+s22+$0x0] =	vst.idx.msk $0xffff, v36  }
0x1ea: {  	v33 =	vor.u32 v62, v46;
	v63 =	vld.idx.msk [tilespmem:v37+s18+$0x0], $0xffff  }
0x1eb: {  	p1 =	sne.s32 s0, $0x18  }
.Ltmp10:
0x1ec: {  	_ = 	snop;
	(pc) =	sbr.rel @p1 .LBB2_17-.Ltmp10, $4  }
0x1ed: {  	s5 =	sshll.u32 s0, $0x11  }
0x1ee: {  	s5 =	sor.u32 s9, s5  }
0x1ef: {  	s8 =	sadd.s32 s1, s5;
	[tilespmem:v33+s22+$0x0] =	vst.idx.msk $0xffff, v63  }
0x1f0: {  	[hbm4b:s8+s23] =	stream.strided.scatter [tilespmem:s22], [sflag:$0x3], $0x1000, s24, s23, $0x38;
	[tilespmem:$0x5A00] =	vst v63  }
.Ltmp11:
0x1f1: {  	(pc) =	sbr.rel .LBB2_18-.Ltmp11, $4  }
0x1f2: {  	_ = 	snop  }
0x1f3: {  	_ =	swait.ge [sflag:s25], $0x1000  }
0x1f4: {  	[sflag:s25] =	ssyncset.done $0x0  }
0x1f5: {  	[sflag:s25] =	ssyncadd.s32 $0xFFFFF000  }
.LBB2_17:
0x1f6: {  	s8 =	sadd.s32 $0x2, s2  }
0x1f7: {  	v33 =	vadd.s32 s8, v1;
	_ =	sdelay $0x4  }
0x1f8: {  	v33 =	vld.idx.msk [tilespmem:v33+s3+$0x0], $0xffff  }
0x1f9: {  	v34 =	vadd.s32 s8, v2;
	_ =	sdelay $0x3  }
0x1fa: {  	[tilespmem:$0x1900] =	vst v33  }
0x1fb: {  	v33 =	vld.idx.msk [tilespmem:v34+s3+$0x0], $0xffff  }
0x1fc: {  	v58 =	vadd.s32 s8, v3;
	_ =	sdelay $0x3  }
0x1fd: {  	[tilespmem:$0x1910] =	vst v33  }
0x1fe: {  	v33 =	vld.idx.msk [tilespmem:v58+s3+$0x0], $0xffff  }
0x1ff: {  	v59 =	vadd.s32 s8, v4;
	_ =	sdelay $0x3  }
0x200: {  	[tilespmem:$0x1920] =	vst v33  }
0x201: {  	v33 =	vld.idx.msk [tilespmem:v59+s3+$0x0], $0xffff  }
0x202: {  	v60 =	vadd.s32 s8, v5;
	_ =	sdelay $0x3  }
0x203: {  	[tilespmem:$0x1930] =	vst v33  }
0x204: {  	v33 =	vld.idx.msk [tilespmem:v60+s3+$0x0], $0xffff  }
0x205: {  	v61 =	vadd.s32 s8, v6;
	_ =	sdelay $0x3  }
0x206: {  	[tilespmem:$0x1940] =	vst v33  }
0x207: {  	v33 =	vld.idx.msk [tilespmem:v61+s3+$0x0], $0xffff  }
0x208: {  	v62 =	vadd.s32 s8, v7;
	_ =	sdelay $0x3  }
0x209: {  	[tilespmem:$0x1950] =	vst v33  }
0x20a: {  	v33 =	vld.idx.msk [tilespmem:v62+s3+$0x0], $0xffff  }
0x20b: {  	v63 =	vadd.s32 s8, v8;
	_ =	sdelay $0x3  }
0x20c: {  	[tilespmem:$0x1960] =	vst v33  }
0x20d: {  	v33 =	vld.idx.msk [tilespmem:v63+s3+$0x0], $0xffff;
	_ =	sdelay $0x4  }
.Ltmp12:
0x20e: {  	[tilespmem:$0x1970] =	vst v33;
	(pc) =	sbr.rel @p0 .LBB2_19-.Ltmp12, $4  }
0x20f: {  	[tilespmem:s18], [sflag:$0x1] =	stream.indirect.gather [hbm4b:s4+s16], $0x20, s17, s16, $0xb8;
	[tilespmem:$0x5A00] =	vst v63  }
0x210: {  	_ =	swait.ge [sflag:s25], $0x1000  }
0x211: {  	[sflag:s25] =	ssyncset.done $0x0  }
0x212: {  	[sflag:s25] =	ssyncadd.s32 $0xFFFFF000  }
.LBB2_18:
0x213: {  	_ =	swait.ge [sflag:s26], $0x1000  }
0x214: {  	[sflag:s26] =	ssyncset.done $0x0  }
0x215: {  	[sflag:s26] =	ssyncadd.s32 $0xFFFFF000  }
.LBB2_19:
0x216: {  	s8 =	simm.s32 $0x0  }
0x217: {  	v33 =	vadd.s32 s8, v0  }
0x218: {  	v34 =	vand.u32 $0x1F, v33  }
0x219: {  	v35 =	vor.u32 v14, v34;
	_ =	sdelay $0x2  }
0x21a: {  	v36 =	vshll.u32 v33, $0x7  }
0x21b: {  	v33 =	vand.u32 $0xF80, v36  }
0x21c: {  	v33 =	vor.u32 v0, v33;
	v35 =	vld.idx.msk [tilespmem:v35+s20+$0x0], $0xffff  }
0x21d: {  	v37 =	vor.u32 v18, v34;
	_ =	sdelay $0x2  }
0x21e: {  	v38 =	vand.u32 $0xC00, v36;
	v39 =	vor.u32 v19, v36  }
0x21f: {  	v47 =	vand.u32 $0x398, v39;
	[tilespmem:v33+s28+$0x0] =	vst.idx.msk $0xffff, v35;
	v33 =	vor.u32 v20, v38  }
0x220: {  	v37 =	vld.idx.msk [tilespmem:v37+s20+$0x0], $0xffff;
	v35 =	vor.u32 v47, v33  }
0x221: {  	v48 =	vor.u32 v21, v34;
	_ =	sdelay $0x2  }
0x222: {  	v49 =	vor.u32 v22, v36  }
0x223: {  	v50 =	vand.u32 $0x3A8, v49;
	[tilespmem:v35+s28+$0x0] =	vst.idx.msk $0xffff, v37  }
0x224: {  	v35 =	vor.u32 v50, v33;
	v37 =	vld.idx.msk [tilespmem:v48+s20+$0x0], $0xffff  }
0x225: {  	v51 =	vor.u32 v23, v34;
	_ =	sdelay $0x2  }
0x226: {  	v52 =	vor.u32 v24, v36  }
0x227: {  	v53 =	vand.u32 $0x3B8, v52;
	[tilespmem:v35+s28+$0x0] =	vst.idx.msk $0xffff, v37  }
0x228: {  	v35 =	vor.u32 v53, v33;
	v37 =	vld.idx.msk [tilespmem:v51+s20+$0x0], $0xffff  }
0x229: {  	v54 =	vor.u32 v25, v34;
	_ =	sdelay $0x2  }
0x22a: {  	v55 =	vor.u32 v26, v36  }
0x22b: {  	v56 =	vand.u32 $0x3C8, v55;
	[tilespmem:v35+s28+$0x0] =	vst.idx.msk $0xffff, v37  }
0x22c: {  	v35 =	vor.u32 v56, v33;
	v37 =	vld.idx.msk [tilespmem:v54+s20+$0x0], $0xffff  }
0x22d: {  	v57 =	vor.u32 v27, v34;
	_ =	sdelay $0x2  }
0x22e: {  	v58 =	vor.u32 v28, v36  }
0x22f: {  	v59 =	vand.u32 $0x3D8, v58;
	[tilespmem:v35+s28+$0x0] =	vst.idx.msk $0xffff, v37  }
0x230: {  	v35 =	vor.u32 v59, v33;
	v37 =	vld.idx.msk [tilespmem:v57+s20+$0x0], $0xffff  }
0x231: {  	v60 =	vor.u32 v29, v34;
	_ =	sdelay $0x2  }
0x232: {  	v61 =	vor.u32 v30, v36  }
0x233: {  	v62 =	vand.u32 $0x3E8, v61;
	[tilespmem:v35+s28+$0x0] =	vst.idx.msk $0xffff, v37  }
0x234: {  	v35 =	vor.u32 v62, v33;
	v37 =	vld.idx.msk [tilespmem:v60+s20+$0x0], $0xffff  }
0x235: {  	v63 =	vor.u32 v31, v34;
	_ =	sdelay $0x3  }
0x236: {  	s8 =	simm.s32 $0x1;
	v36 =	vor.u32 v32, v36;
	[tilespmem:v35+s28+$0x0] =	vst.idx.msk $0xffff, v37  }
0x237: {  	v34 =	vadd.s32 s8, v0;
	s8 =	simm.s32 $0x2;
	v36 =	vand.u32 $0x3F8, v36;
	v35 =	vld.idx.msk [tilespmem:v63+s20+$0x0], $0xffff  }
.LBB2_20:
0x238: {  	p0 =	sne.s32 s8, $0x1F;
	v37 =	vand.u32 $0x1F, v34;
	v33 =	vor.u32 v36, v33  }
0x239: {  	v36 =	vor.u32 v14, v37;
	_ =	sdelay $0x3  }
0x23a: {  	v34 =	vshll.u32 v34, $0x7;
	[tilespmem:v33+s28+$0x0] =	vst.idx.msk $0xffff, v35  }
0x23b: {  	v35 =	vand.u32 $0xF80, v34;
	v33 =	vld.idx.msk [tilespmem:v36+s20+$0x0], $0xffff  }
0x23c: {  	v35 =	vor.u32 v0, v35  }
0x23d: {  	v36 =	vor.u32 v18, v37;
	_ =	sdelay $0x3  }
0x23e: {  	v38 =	vand.u32 $0xC00, v34;
	[tilespmem:v35+s28+$0x0] =	vst.idx.msk $0xffff, v33;
	v33 =	vor.u32 v19, v34  }
0x23f: {  	v35 =	vld.idx.msk [tilespmem:v36+s20+$0x0], $0xffff;
	v36 =	vand.u32 $0x398, v33;
	v33 =	vor.u32 v20, v38  }
0x240: {  	v36 =	vor.u32 v36, v33  }
0x241: {  	v38 =	vor.u32 v21, v37;
	_ =	sdelay $0x3  }
0x242: {  	[tilespmem:v36+s28+$0x0] =	vst.idx.msk $0xffff, v35;
	v35 =	vor.u32 v22, v34  }
0x243: {  	v36 =	vld.idx.msk [tilespmem:v38+s20+$0x0], $0xffff;
	v35 =	vand.u32 $0x3A8, v35  }
0x244: {  	v35 =	vor.u32 v35, v33  }
0x245: {  	v38 =	vor.u32 v23, v37;
	_ =	sdelay $0x3  }
0x246: {  	[tilespmem:v35+s28+$0x0] =	vst.idx.msk $0xffff, v36;
	v35 =	vor.u32 v24, v34  }
0x247: {  	v36 =	vld.idx.msk [tilespmem:v38+s20+$0x0], $0xffff;
	v35 =	vand.u32 $0x3B8, v35  }
0x248: {  	v35 =	vor.u32 v35, v33  }
0x249: {  	v38 =	vor.u32 v25, v37;
	_ =	sdelay $0x3  }
0x24a: {  	[tilespmem:v35+s28+$0x0] =	vst.idx.msk $0xffff, v36;
	v35 =	vor.u32 v26, v34  }
0x24b: {  	v36 =	vld.idx.msk [tilespmem:v38+s20+$0x0], $0xffff;
	v35 =	vand.u32 $0x3C8, v35  }
0x24c: {  	v35 =	vor.u32 v35, v33  }
0x24d: {  	v38 =	vor.u32 v27, v37;
	_ =	sdelay $0x3  }
0x24e: {  	[tilespmem:v35+s28+$0x0] =	vst.idx.msk $0xffff, v36;
	v35 =	vor.u32 v28, v34  }
0x24f: {  	v36 =	vld.idx.msk [tilespmem:v38+s20+$0x0], $0xffff;
	v35 =	vand.u32 $0x3D8, v35  }
0x250: {  	v35 =	vor.u32 v35, v33  }
0x251: {  	v38 =	vor.u32 v29, v37;
	_ =	sdelay $0x3  }
0x252: {  	[tilespmem:v35+s28+$0x0] =	vst.idx.msk $0xffff, v36;
	v35 =	vor.u32 v30, v34  }
0x253: {  	v36 =	vld.idx.msk [tilespmem:v38+s20+$0x0], $0xffff;
	v35 =	vand.u32 $0x3E8, v35  }
0x254: {  	v35 =	vor.u32 v35, v33  }
0x255: {  	v37 =	vor.u32 v31, v37  }
.Ltmp13:
0x256: {  	(pc) =	sbr.rel @p0 .LBB2_20-.Ltmp13, $3  }
0x257: {  	_ =	sdelay $0x1  }
0x258: {  	[tilespmem:v35+s28+$0x0] =	vst.idx.msk $0xffff, v36;
	v36 =	vor.u32 v32, v34  }
0x259: {  	v34 =	vadd.s32 s8, v0;
	s8 =	sadd.s32 $0x1, s8;
	v35 =	vld.idx.msk [tilespmem:v37+s20+$0x0], $0xffff;
	v36 =	vand.u32 $0x3F8, v36  }
0x25a: {  	v37 =	vand.u32 $0x1F, v34;
	v33 =	vor.u32 v36, v33  }
0x25b: {  	v41 =	vor.u32 v14, v37;
	_ =	sdelay $0x2  }
0x25c: {  	v42 =	vshll.u32 v34, $0x7  }
0x25d: {  	v43 =	vand.u32 $0xF80, v42;
	[tilespmem:v33+s28+$0x0] =	vst.idx.msk $0xffff, v35  }
0x25e: {  	v33 =	vor.u32 v0, v43;
	v35 =	vld.idx.msk [tilespmem:v41+s20+$0x0], $0xffff  }
0x25f: {  	v44 =	vor.u32 v18, v37;
	_ =	sdelay $0x2  }
0x260: {  	v38 =	vand.u32 $0xC00, v42;
	v39 =	vor.u32 v19, v42  }
0x261: {  	v45 =	vand.u32 $0x398, v39;
	v46 =	vor.u32 v20, v38;
	[tilespmem:v33+s28+$0x0] =	vst.idx.msk $0xffff, v35  }
0x262: {  	v33 =	vor.u32 v45, v46;
	v36 =	vld.idx.msk [tilespmem:v44+s20+$0x0], $0xffff  }
0x263: {  	v47 =	vor.u32 v21, v37;
	_ =	sdelay $0x2  }
0x264: {  	v48 =	vor.u32 v22, v42  }
0x265: {  	v49 =	vand.u32 $0x3A8, v48;
	[tilespmem:v33+s28+$0x0] =	vst.idx.msk $0xffff, v36  }
0x266: {  	v33 =	vor.u32 v49, v46;
	v36 =	vld.idx.msk [tilespmem:v47+s20+$0x0], $0xffff  }
0x267: {  	v50 =	vor.u32 v23, v37;
	_ =	sdelay $0x2  }
0x268: {  	v51 =	vor.u32 v24, v42  }
0x269: {  	v52 =	vand.u32 $0x3B8, v51;
	[tilespmem:v33+s28+$0x0] =	vst.idx.msk $0xffff, v36  }
0x26a: {  	v33 =	vor.u32 v52, v46;
	v36 =	vld.idx.msk [tilespmem:v50+s20+$0x0], $0xffff  }
0x26b: {  	v53 =	vor.u32 v25, v37;
	_ =	sdelay $0x2  }
0x26c: {  	v54 =	vor.u32 v26, v42  }
0x26d: {  	v55 =	vand.u32 $0x3C8, v54;
	[tilespmem:v33+s28+$0x0] =	vst.idx.msk $0xffff, v36  }
0x26e: {  	v33 =	vor.u32 v55, v46;
	v36 =	vld.idx.msk [tilespmem:v53+s20+$0x0], $0xffff  }
0x26f: {  	v56 =	vor.u32 v27, v37;
	_ =	sdelay $0x2  }
0x270: {  	v57 =	vor.u32 v28, v42  }
0x271: {  	v58 =	vand.u32 $0x3D8, v57;
	[tilespmem:v33+s28+$0x0] =	vst.idx.msk $0xffff, v36  }
0x272: {  	v33 =	vor.u32 v58, v46;
	v36 =	vld.idx.msk [tilespmem:v56+s20+$0x0], $0xffff  }
0x273: {  	v59 =	vor.u32 v29, v37;
	_ =	sdelay $0x2  }
0x274: {  	v60 =	vor.u32 v30, v42  }
0x275: {  	v61 =	vand.u32 $0x3E8, v60;
	[tilespmem:v33+s28+$0x0] =	vst.idx.msk $0xffff, v36  }
0x276: {  	v33 =	vor.u32 v61, v46;
	v36 =	vld.idx.msk [tilespmem:v59+s20+$0x0], $0xffff  }
0x277: {  	v37 =	vor.u32 v31, v37;
	_ =	sdelay $0x2  }
0x278: {  	v34 =	vor.u32 v32, v42  }
0x279: {  	v62 =	vand.u32 $0x3F8, v34;
	[tilespmem:v33+s28+$0x0] =	vst.idx.msk $0xffff, v36  }
0x27a: {  	v33 =	vor.u32 v62, v46;
	v63 =	vld.idx.msk [tilespmem:v37+s20+$0x0], $0xffff  }
0x27b: {  	p0 =	seq.s32 s0, $0x18  }
.Ltmp14:
0x27c: {  	_ = 	snop;
	(pc) =	sbr.rel @p0 .LBB2_23-.Ltmp14, $4  }
0x27d: {  	_ = 	snop  }
0x27e: {  	s5 =	sor.u32 $0x10000, s5  }
0x27f: {  	s5 =	sadd.s32 s1, s5;
	[tilespmem:v33+s28+$0x0] =	vst.idx.msk $0xffff, v63  }
0x280: {  	[hbm4b:s5+s23] =	stream.strided.scatter [tilespmem:s28], [sflag:$0x4], $0x1000, s24, s23, $0x38;
	[tilespmem:$0x5A00] =	vst v63  }
0x281: {  	s2 =	sadd.s32 $0x3, s2  }
0x282: {  	v33 =	vadd.s32 s2, v1;
	_ =	sdelay $0x4  }
0x283: {  	v33 =	vld.idx.msk [tilespmem:v33+s3+$0x0], $0xffff  }
0x284: {  	v34 =	vadd.s32 s2, v2;
	_ =	sdelay $0x3  }
0x285: {  	[tilespmem:$0x1980] =	vst v33  }
0x286: {  	v33 =	vld.idx.msk [tilespmem:v34+s3+$0x0], $0xffff  }
0x287: {  	v58 =	vadd.s32 s2, v3;
	_ =	sdelay $0x3  }
0x288: {  	[tilespmem:$0x1990] =	vst v33  }
0x289: {  	v33 =	vld.idx.msk [tilespmem:v58+s3+$0x0], $0xffff  }
0x28a: {  	v59 =	vadd.s32 s2, v4;
	_ =	sdelay $0x3  }
0x28b: {  	[tilespmem:$0x19A0] =	vst v33  }
0x28c: {  	v33 =	vld.idx.msk [tilespmem:v59+s3+$0x0], $0xffff  }
0x28d: {  	v60 =	vadd.s32 s2, v5;
	_ =	sdelay $0x3  }
0x28e: {  	[tilespmem:$0x19B0] =	vst v33  }
0x28f: {  	v33 =	vld.idx.msk [tilespmem:v60+s3+$0x0], $0xffff  }
0x290: {  	v61 =	vadd.s32 s2, v6;
	_ =	sdelay $0x3  }
0x291: {  	[tilespmem:$0x19C0] =	vst v33  }
0x292: {  	v33 =	vld.idx.msk [tilespmem:v61+s3+$0x0], $0xffff  }
0x293: {  	v62 =	vadd.s32 s2, v7;
	_ =	sdelay $0x3  }
0x294: {  	[tilespmem:$0x19D0] =	vst v33  }
0x295: {  	v33 =	vld.idx.msk [tilespmem:v62+s3+$0x0], $0xffff  }
0x296: {  	v63 =	vadd.s32 s2, v8;
	_ =	sdelay $0x3  }
0x297: {  	[tilespmem:$0x19E0] =	vst v33  }
0x298: {  	v33 =	vld.idx.msk [tilespmem:v63+s3+$0x0], $0xffff;
	_ =	sdelay $0x1  }
.Ltmp15:
0x299: {  	_ = 	snop;
	(pc) =	sbr.rel .LBB2_13-.Ltmp15, $3  }
0x29a: {  	_ =	sdelay $0x1  }
0x29b: {  	s0 =	sadd.s32 $0x1, s0;
	[tilespmem:$0x19F0] =	vst v33  }
0x29c: {  	[tilespmem:s20], [sflag:$0x2] =	stream.indirect.gather [hbm4b:s4+s16], $0x20, s19, s16, $0xb8;
	[tilespmem:$0x5A00] =	vst v63  }
.LBB2_23:
0x29d: {  	_ =	swait.ge [sflag:s29], $0x1000  }
0x29e: {  	[sflag:s29] =	ssyncset.done $0x0  }
0x29f: {  	[sflag:s29] =	ssyncadd.s32 $0xFFFFF000  }
0x2a0: {  	_ =	swait.ge [sflag:s26], $0x1000  }
0x2a1: {  	[sflag:s26] =	ssyncset.done $0x0  }
0x2a2: {  	s31 =	simm.s32 $0x0;
	[sflag:s26] =	ssyncadd.s32 $0xFFFFF000  }
0x2a3: {  	[tilespmem:s31], [sflag:$0x5] =	stream.linear.gather [hbm4b:s10+s31], $0x1900, $0x38;
	[tilespmem:$0x5A00] =	vst v63  }
0x2a4: {  	_ =	swait.ge [sflag:s15], $0x1900  }
0x2a5: {  	[sflag:s15] =	ssyncset.done $0x0  }
0x2a6: {  	[sflag:s15] =	ssyncadd.s32 $0xFFFFE700  }
0x2a7: {  	v33 =	vld.idx.msk [tilespmem:v1+s31+$0x0], $0xffff;
	_ =	sdelay $0x4  }
0x2a8: {  	[tilespmem:$0x1900] =	vst v33  }
0x2a9: {  	v33 =	vld.idx.msk [tilespmem:v2+s31+$0x0], $0xffff;
	_ =	sdelay $0x4  }
0x2aa: {  	[tilespmem:$0x1910] =	vst v33  }
0x2ab: {  	v33 =	vld.idx.msk [tilespmem:v3+s31+$0x0], $0xffff;
	_ =	sdelay $0x4  }
0x2ac: {  	[tilespmem:$0x1920] =	vst v33  }
0x2ad: {  	v33 =	vld.idx.msk [tilespmem:v4+s31+$0x0], $0xffff;
	_ =	sdelay $0x4  }
0x2ae: {  	[tilespmem:$0x1930] =	vst v33  }
0x2af: {  	v33 =	vld.idx.msk [tilespmem:v5+s31+$0x0], $0xffff;
	_ =	sdelay $0x4  }
0x2b0: {  	[tilespmem:$0x1940] =	vst v33  }
0x2b1: {  	v33 =	vld.idx.msk [tilespmem:v6+s31+$0x0], $0xffff;
	_ =	sdelay $0x4  }
0x2b2: {  	[tilespmem:$0x1950] =	vst v33  }
0x2b3: {  	v33 =	vld.idx.msk [tilespmem:v7+s31+$0x0], $0xffff;
	_ =	sdelay $0x4  }
0x2b4: {  	[tilespmem:$0x1960] =	vst v33  }
0x2b5: {  	v33 =	vld.idx.msk [tilespmem:v8+s31+$0x0], $0xffff;
	_ =	sdelay $0x4  }
0x2b6: {  	[tilespmem:$0x1970] =	vst v33  }
0x2b7: {  	[tilespmem:s18], [sflag:$0x1] =	stream.indirect.gather [hbm4b:s4+s16], $0x20, s17, s16, $0xb8;
	[tilespmem:$0x5A00] =	vst v63  }
0x2b8: {  	v33 =	vld.idx.msk [tilespmem:v9+s31+$0x0], $0xffff;
	_ =	sdelay $0x4  }
0x2b9: {  	[tilespmem:$0x1980] =	vst v33  }
0x2ba: {  	v33 =	vld.idx.msk [tilespmem:v10+s31+$0x0], $0xffff;
	_ =	sdelay $0x4  }
0x2bb: {  	[tilespmem:$0x1990] =	vst v33  }
0x2bc: {  	v33 =	vld.idx.msk [tilespmem:v11+s31+$0x0], $0xffff;
	_ =	sdelay $0x4  }
0x2bd: {  	[tilespmem:$0x19A0] =	vst v33  }
0x2be: {  	v33 =	vld.idx.msk [tilespmem:v12+s31+$0x0], $0xffff;
	_ =	sdelay $0x4  }
0x2bf: {  	[tilespmem:$0x19B0] =	vst v33  }
0x2c0: {  	v33 =	vld.idx.msk [tilespmem:v13+s31+$0x0], $0xffff;
	_ =	sdelay $0x4  }
0x2c1: {  	[tilespmem:$0x19C0] =	vst v33  }
0x2c2: {  	v33 =	vld.idx.msk [tilespmem:v15+s31+$0x0], $0xffff;
	_ =	sdelay $0x4  }
0x2c3: {  	[tilespmem:$0x19D0] =	vst v33  }
0x2c4: {  	v33 =	vld.idx.msk [tilespmem:v16+s31+$0x0], $0xffff;
	_ =	sdelay $0x4  }
0x2c5: {  	[tilespmem:$0x19E0] =	vst v33  }
0x2c6: {  	v33 =	vld.idx.msk [tilespmem:v17+s31+$0x0], $0xffff;
	_ =	sdelay $0x4  }
0x2c7: {  	s0 =	simm.s32 $0x0;
	[tilespmem:$0x19F0] =	vst v33  }
0x2c8: {  	[tilespmem:s20], [sflag:$0x2] =	stream.indirect.gather [hbm4b:s4+s16], $0x20, s19, s16, $0xb8;
	[tilespmem:$0x5A00] =	vst v63  }
.LBB2_24:
0x2c9: {  	v33 =	vadd.s32 s31, v0  }
0x2ca: {  	_ =	swait.ge [sflag:s21], $0x1000;
	v34 =	vand.u32 $0x1F, v33  }
0x2cb: {  	p0 =	seq.s32 s0, $0x0;
	[sflag:s21] =	ssyncset.done $0x0;
	v35 =	vor.u32 v14, v34  }
0x2cc: {  	s2 =	simm.s32 @!p0 $0x3;
	[sflag:s21] =	ssyncadd.s32 $0xFFFFF000  }
0x2cd: {  	_ =	swait.ge @!p0 [sflag:s2], $0x1000  }
0x2ce: {  	v36 =	vshll.u32 v33, $0x7;
	[sflag:s2] =	ssyncset.done @!p0 $0x0  }
0x2cf: {  	v33 =	vand.u32 $0xF80, v36;
	[sflag:s2] =	ssyncadd.s32 @!p0 $0xFFFFF000  }
0x2d0: {  	v33 =	vor.u32 v0, v33;
	v35 =	vld.idx.msk [tilespmem:v35+s18+$0x0], $0xffff  }
0x2d1: {  	v37 =	vor.u32 v18, v34;
	_ =	sdelay $0x2  }
0x2d2: {  	v38 =	vand.u32 $0xC00, v36;
	v39 =	vor.u32 v19, v36  }
0x2d3: {  	v47 =	vand.u32 $0x398, v39;
	[tilespmem:v33+s22+$0x0] =	vst.idx.msk $0xffff, v35;
	v33 =	vor.u32 v20, v38  }
0x2d4: {  	v37 =	vld.idx.msk [tilespmem:v37+s18+$0x0], $0xffff;
	v35 =	vor.u32 v47, v33  }
0x2d5: {  	v48 =	vor.u32 v21, v34;
	_ =	sdelay $0x2  }
0x2d6: {  	v49 =	vor.u32 v22, v36  }
0x2d7: {  	v50 =	vand.u32 $0x3A8, v49;
	[tilespmem:v35+s22+$0x0] =	vst.idx.msk $0xffff, v37  }
0x2d8: {  	v35 =	vor.u32 v50, v33;
	v37 =	vld.idx.msk [tilespmem:v48+s18+$0x0], $0xffff  }
0x2d9: {  	v51 =	vor.u32 v23, v34;
	_ =	sdelay $0x2  }
0x2da: {  	v52 =	vor.u32 v24, v36  }
0x2db: {  	v53 =	vand.u32 $0x3B8, v52;
	[tilespmem:v35+s22+$0x0] =	vst.idx.msk $0xffff, v37  }
0x2dc: {  	v35 =	vor.u32 v53, v33;
	v37 =	vld.idx.msk [tilespmem:v51+s18+$0x0], $0xffff  }
0x2dd: {  	v54 =	vor.u32 v25, v34;
	_ =	sdelay $0x2  }
0x2de: {  	v55 =	vor.u32 v26, v36  }
0x2df: {  	v56 =	vand.u32 $0x3C8, v55;
	[tilespmem:v35+s22+$0x0] =	vst.idx.msk $0xffff, v37  }
0x2e0: {  	v35 =	vor.u32 v56, v33;
	v37 =	vld.idx.msk [tilespmem:v54+s18+$0x0], $0xffff  }
0x2e1: {  	v57 =	vor.u32 v27, v34;
	_ =	sdelay $0x2  }
0x2e2: {  	v58 =	vor.u32 v28, v36  }
0x2e3: {  	v59 =	vand.u32 $0x3D8, v58;
	[tilespmem:v35+s22+$0x0] =	vst.idx.msk $0xffff, v37  }
0x2e4: {  	v35 =	vor.u32 v59, v33;
	v37 =	vld.idx.msk [tilespmem:v57+s18+$0x0], $0xffff  }
0x2e5: {  	v60 =	vor.u32 v29, v34;
	_ =	sdelay $0x2  }
0x2e6: {  	v61 =	vor.u32 v30, v36  }
0x2e7: {  	v62 =	vand.u32 $0x3E8, v61;
	[tilespmem:v35+s22+$0x0] =	vst.idx.msk $0xffff, v37  }
0x2e8: {  	v35 =	vor.u32 v62, v33;
	v37 =	vld.idx.msk [tilespmem:v60+s18+$0x0], $0xffff  }
0x2e9: {  	v63 =	vor.u32 v31, v34;
	_ =	sdelay $0x3  }
0x2ea: {  	s5 =	simm.s32 $0x1;
	v36 =	vor.u32 v32, v36;
	[tilespmem:v35+s22+$0x0] =	vst.idx.msk $0xffff, v37  }
0x2eb: {  	v34 =	vadd.s32 s5, v0;
	s5 =	simm.s32 $0x2;
	v36 =	vand.u32 $0x3F8, v36;
	s2 =	sshll.u32 s0, $0x1;
	v35 =	vld.idx.msk [tilespmem:v63+s18+$0x0], $0xffff  }
.LBB2_25:
0x2ec: {  	p1 =	sne.s32 s5, $0x1F;
	v37 =	vand.u32 $0x1F, v34;
	v33 =	vor.u32 v36, v33  }
0x2ed: {  	v36 =	vor.u32 v14, v37;
	_ =	sdelay $0x3  }
0x2ee: {  	v34 =	vshll.u32 v34, $0x7;
	[tilespmem:v33+s22+$0x0] =	vst.idx.msk $0xffff, v35  }
0x2ef: {  	v35 =	vand.u32 $0xF80, v34;
	v33 =	vld.idx.msk [tilespmem:v36+s18+$0x0], $0xffff  }
0x2f0: {  	v35 =	vor.u32 v0, v35  }
0x2f1: {  	v36 =	vor.u32 v18, v37;
	_ =	sdelay $0x3  }
0x2f2: {  	v38 =	vand.u32 $0xC00, v34;
	[tilespmem:v35+s22+$0x0] =	vst.idx.msk $0xffff, v33;
	v33 =	vor.u32 v19, v34  }
0x2f3: {  	v35 =	vld.idx.msk [tilespmem:v36+s18+$0x0], $0xffff;
	v36 =	vand.u32 $0x398, v33;
	v33 =	vor.u32 v20, v38  }
0x2f4: {  	v36 =	vor.u32 v36, v33  }
0x2f5: {  	v38 =	vor.u32 v21, v37;
	_ =	sdelay $0x3  }
0x2f6: {  	[tilespmem:v36+s22+$0x0] =	vst.idx.msk $0xffff, v35;
	v35 =	vor.u32 v22, v34  }
0x2f7: {  	v36 =	vld.idx.msk [tilespmem:v38+s18+$0x0], $0xffff;
	v35 =	vand.u32 $0x3A8, v35  }
0x2f8: {  	v35 =	vor.u32 v35, v33  }
0x2f9: {  	v38 =	vor.u32 v23, v37;
	_ =	sdelay $0x3  }
0x2fa: {  	[tilespmem:v35+s22+$0x0] =	vst.idx.msk $0xffff, v36;
	v35 =	vor.u32 v24, v34  }
0x2fb: {  	v36 =	vld.idx.msk [tilespmem:v38+s18+$0x0], $0xffff;
	v35 =	vand.u32 $0x3B8, v35  }
0x2fc: {  	v35 =	vor.u32 v35, v33  }
0x2fd: {  	v38 =	vor.u32 v25, v37;
	_ =	sdelay $0x3  }
0x2fe: {  	[tilespmem:v35+s22+$0x0] =	vst.idx.msk $0xffff, v36;
	v35 =	vor.u32 v26, v34  }
0x2ff: {  	v36 =	vld.idx.msk [tilespmem:v38+s18+$0x0], $0xffff;
	v35 =	vand.u32 $0x3C8, v35  }
0x300: {  	v35 =	vor.u32 v35, v33  }
0x301: {  	v38 =	vor.u32 v27, v37;
	_ =	sdelay $0x3  }
0x302: {  	[tilespmem:v35+s22+$0x0] =	vst.idx.msk $0xffff, v36;
	v35 =	vor.u32 v28, v34  }
0x303: {  	v36 =	vld.idx.msk [tilespmem:v38+s18+$0x0], $0xffff;
	v35 =	vand.u32 $0x3D8, v35  }
0x304: {  	v35 =	vor.u32 v35, v33  }
0x305: {  	v38 =	vor.u32 v29, v37;
	_ =	sdelay $0x3  }
0x306: {  	[tilespmem:v35+s22+$0x0] =	vst.idx.msk $0xffff, v36;
	v35 =	vor.u32 v30, v34  }
0x307: {  	v36 =	vld.idx.msk [tilespmem:v38+s18+$0x0], $0xffff;
	v35 =	vand.u32 $0x3E8, v35  }
0x308: {  	v35 =	vor.u32 v35, v33  }
0x309: {  	v37 =	vor.u32 v31, v37  }
.Ltmp16:
0x30a: {  	(pc) =	sbr.rel @p1 .LBB2_25-.Ltmp16, $3  }
0x30b: {  	_ =	sdelay $0x1  }
0x30c: {  	[tilespmem:v35+s22+$0x0] =	vst.idx.msk $0xffff, v36;
	v36 =	vor.u32 v32, v34  }
0x30d: {  	v34 =	vadd.s32 s5, v0;
	s5 =	sadd.s32 $0x1, s5;
	v35 =	vld.idx.msk [tilespmem:v37+s18+$0x0], $0xffff;
	v36 =	vand.u32 $0x3F8, v36  }
0x30e: {  	v37 =	vand.u32 $0x1F, v34;
	v33 =	vor.u32 v36, v33  }
0x30f: {  	v41 =	vor.u32 v14, v37;
	_ =	sdelay $0x2  }
0x310: {  	v42 =	vshll.u32 v34, $0x7  }
0x311: {  	v43 =	vand.u32 $0xF80, v42;
	[tilespmem:v33+s22+$0x0] =	vst.idx.msk $0xffff, v35  }
0x312: {  	v33 =	vor.u32 v0, v43;
	v35 =	vld.idx.msk [tilespmem:v41+s18+$0x0], $0xffff  }
0x313: {  	v44 =	vor.u32 v18, v37;
	_ =	sdelay $0x2  }
0x314: {  	v38 =	vand.u32 $0xC00, v42;
	v39 =	vor.u32 v19, v42  }
0x315: {  	v45 =	vand.u32 $0x398, v39;
	v46 =	vor.u32 v20, v38;
	[tilespmem:v33+s22+$0x0] =	vst.idx.msk $0xffff, v35  }
0x316: {  	v33 =	vor.u32 v45, v46;
	v36 =	vld.idx.msk [tilespmem:v44+s18+$0x0], $0xffff  }
0x317: {  	v47 =	vor.u32 v21, v37;
	_ =	sdelay $0x2  }
0x318: {  	v48 =	vor.u32 v22, v42  }
0x319: {  	v49 =	vand.u32 $0x3A8, v48;
	[tilespmem:v33+s22+$0x0] =	vst.idx.msk $0xffff, v36  }
0x31a: {  	v33 =	vor.u32 v49, v46;
	v36 =	vld.idx.msk [tilespmem:v47+s18+$0x0], $0xffff  }
0x31b: {  	v50 =	vor.u32 v23, v37;
	_ =	sdelay $0x2  }
0x31c: {  	v51 =	vor.u32 v24, v42  }
0x31d: {  	v52 =	vand.u32 $0x3B8, v51;
	[tilespmem:v33+s22+$0x0] =	vst.idx.msk $0xffff, v36  }
0x31e: {  	v33 =	vor.u32 v52, v46;
	v36 =	vld.idx.msk [tilespmem:v50+s18+$0x0], $0xffff  }
0x31f: {  	v53 =	vor.u32 v25, v37;
	_ =	sdelay $0x2  }
0x320: {  	v54 =	vor.u32 v26, v42  }
0x321: {  	v55 =	vand.u32 $0x3C8, v54;
	[tilespmem:v33+s22+$0x0] =	vst.idx.msk $0xffff, v36  }
0x322: {  	v33 =	vor.u32 v55, v46;
	v36 =	vld.idx.msk [tilespmem:v53+s18+$0x0], $0xffff  }
0x323: {  	v56 =	vor.u32 v27, v37;
	_ =	sdelay $0x2  }
0x324: {  	v57 =	vor.u32 v28, v42  }
0x325: {  	v58 =	vand.u32 $0x3D8, v57;
	[tilespmem:v33+s22+$0x0] =	vst.idx.msk $0xffff, v36  }
0x326: {  	v33 =	vor.u32 v58, v46;
	v36 =	vld.idx.msk [tilespmem:v56+s18+$0x0], $0xffff  }
0x327: {  	v59 =	vor.u32 v29, v37;
	_ =	sdelay $0x2  }
0x328: {  	v60 =	vor.u32 v30, v42  }
0x329: {  	v61 =	vand.u32 $0x3E8, v60;
	[tilespmem:v33+s22+$0x0] =	vst.idx.msk $0xffff, v36  }
0x32a: {  	v33 =	vor.u32 v61, v46;
	v36 =	vld.idx.msk [tilespmem:v59+s18+$0x0], $0xffff  }
0x32b: {  	v37 =	vor.u32 v31, v37;
	_ =	sdelay $0x2  }
0x32c: {  	v34 =	vor.u32 v32, v42  }
0x32d: {  	v62 =	vand.u32 $0x3F8, v34;
	[tilespmem:v33+s22+$0x0] =	vst.idx.msk $0xffff, v36  }
0x32e: {  	v33 =	vor.u32 v62, v46;
	v63 =	vld.idx.msk [tilespmem:v37+s18+$0x0], $0xffff  }
0x32f: {  	p1 =	sne.s32 s0, $0x18  }
.Ltmp17:
0x330: {  	_ = 	snop;
	(pc) =	sbr.rel @p1 .LBB2_28-.Ltmp17, $4  }
0x331: {  	s5 =	sshll.u32 s0, $0x11  }
0x332: {  	s5 =	sor.u32 s11, s5  }
0x333: {  	s8 =	sadd.s32 s1, s5;
	[tilespmem:v33+s22+$0x0] =	vst.idx.msk $0xffff, v63  }
0x334: {  	[hbm4b:s8+s23] =	stream.strided.scatter [tilespmem:s22], [sflag:$0x3], $0x1000, s24, s23, $0x38;
	[tilespmem:$0x5A00] =	vst v63  }
.Ltmp18:
0x335: {  	(pc) =	sbr.rel .LBB2_29-.Ltmp18, $4  }
0x336: {  	_ = 	snop  }
0x337: {  	_ =	swait.ge [sflag:s25], $0x1000  }
0x338: {  	[sflag:s25] =	ssyncset.done $0x0  }
0x339: {  	[sflag:s25] =	ssyncadd.s32 $0xFFFFF000  }
.LBB2_28:
0x33a: {  	s8 =	sadd.s32 $0x2, s2  }
0x33b: {  	v33 =	vadd.s32 s8, v1;
	_ =	sdelay $0x4  }
0x33c: {  	v33 =	vld.idx.msk [tilespmem:v33+s3+$0x0], $0xffff  }
0x33d: {  	v34 =	vadd.s32 s8, v2;
	_ =	sdelay $0x3  }
0x33e: {  	[tilespmem:$0x1900] =	vst v33  }
0x33f: {  	v33 =	vld.idx.msk [tilespmem:v34+s3+$0x0], $0xffff  }
0x340: {  	v58 =	vadd.s32 s8, v3;
	_ =	sdelay $0x3  }
0x341: {  	[tilespmem:$0x1910] =	vst v33  }
0x342: {  	v33 =	vld.idx.msk [tilespmem:v58+s3+$0x0], $0xffff  }
0x343: {  	v59 =	vadd.s32 s8, v4;
	_ =	sdelay $0x3  }
0x344: {  	[tilespmem:$0x1920] =	vst v33  }
0x345: {  	v33 =	vld.idx.msk [tilespmem:v59+s3+$0x0], $0xffff  }
0x346: {  	v60 =	vadd.s32 s8, v5;
	_ =	sdelay $0x3  }
0x347: {  	[tilespmem:$0x1930] =	vst v33  }
0x348: {  	v33 =	vld.idx.msk [tilespmem:v60+s3+$0x0], $0xffff  }
0x349: {  	v61 =	vadd.s32 s8, v6;
	_ =	sdelay $0x3  }
0x34a: {  	[tilespmem:$0x1940] =	vst v33  }
0x34b: {  	v33 =	vld.idx.msk [tilespmem:v61+s3+$0x0], $0xffff  }
0x34c: {  	v62 =	vadd.s32 s8, v7;
	_ =	sdelay $0x3  }
0x34d: {  	[tilespmem:$0x1950] =	vst v33  }
0x34e: {  	v33 =	vld.idx.msk [tilespmem:v62+s3+$0x0], $0xffff  }
0x34f: {  	v63 =	vadd.s32 s8, v8;
	_ =	sdelay $0x3  }
0x350: {  	[tilespmem:$0x1960] =	vst v33  }
0x351: {  	v33 =	vld.idx.msk [tilespmem:v63+s3+$0x0], $0xffff;
	_ =	sdelay $0x4  }
.Ltmp19:
0x352: {  	[tilespmem:$0x1970] =	vst v33;
	(pc) =	sbr.rel @p0 .LBB2_30-.Ltmp19, $4  }
0x353: {  	[tilespmem:s18], [sflag:$0x1] =	stream.indirect.gather [hbm4b:s4+s16], $0x20, s17, s16, $0xb8;
	[tilespmem:$0x5A00] =	vst v63  }
0x354: {  	_ =	swait.ge [sflag:s25], $0x1000  }
0x355: {  	[sflag:s25] =	ssyncset.done $0x0  }
0x356: {  	[sflag:s25] =	ssyncadd.s32 $0xFFFFF000  }
.LBB2_29:
0x357: {  	_ =	swait.ge [sflag:s26], $0x1000  }
0x358: {  	[sflag:s26] =	ssyncset.done $0x0  }
0x359: {  	[sflag:s26] =	ssyncadd.s32 $0xFFFFF000  }
.LBB2_30:
0x35a: {  	s8 =	simm.s32 $0x0  }
0x35b: {  	v33 =	vadd.s32 s8, v0  }
0x35c: {  	v34 =	vand.u32 $0x1F, v33  }
0x35d: {  	v35 =	vor.u32 v14, v34;
	_ =	sdelay $0x2  }
0x35e: {  	v36 =	vshll.u32 v33, $0x7  }
0x35f: {  	v33 =	vand.u32 $0xF80, v36  }
0x360: {  	v33 =	vor.u32 v0, v33;
	v35 =	vld.idx.msk [tilespmem:v35+s20+$0x0], $0xffff  }
0x361: {  	v37 =	vor.u32 v18, v34;
	_ =	sdelay $0x2  }
0x362: {  	v38 =	vand.u32 $0xC00, v36;
	v39 =	vor.u32 v19, v36  }
0x363: {  	v47 =	vand.u32 $0x398, v39;
	[tilespmem:v33+s28+$0x0] =	vst.idx.msk $0xffff, v35;
	v33 =	vor.u32 v20, v38  }
0x364: {  	v37 =	vld.idx.msk [tilespmem:v37+s20+$0x0], $0xffff;
	v35 =	vor.u32 v47, v33  }
0x365: {  	v48 =	vor.u32 v21, v34;
	_ =	sdelay $0x2  }
0x366: {  	v49 =	vor.u32 v22, v36  }
0x367: {  	v50 =	vand.u32 $0x3A8, v49;
	[tilespmem:v35+s28+$0x0] =	vst.idx.msk $0xffff, v37  }
0x368: {  	v35 =	vor.u32 v50, v33;
	v37 =	vld.idx.msk [tilespmem:v48+s20+$0x0], $0xffff  }
0x369: {  	v51 =	vor.u32 v23, v34;
	_ =	sdelay $0x2  }
0x36a: {  	v52 =	vor.u32 v24, v36  }
0x36b: {  	v53 =	vand.u32 $0x3B8, v52;
	[tilespmem:v35+s28+$0x0] =	vst.idx.msk $0xffff, v37  }
0x36c: {  	v35 =	vor.u32 v53, v33;
	v37 =	vld.idx.msk [tilespmem:v51+s20+$0x0], $0xffff  }
0x36d: {  	v54 =	vor.u32 v25, v34;
	_ =	sdelay $0x2  }
0x36e: {  	v55 =	vor.u32 v26, v36  }
0x36f: {  	v56 =	vand.u32 $0x3C8, v55;
	[tilespmem:v35+s28+$0x0] =	vst.idx.msk $0xffff, v37  }
0x370: {  	v35 =	vor.u32 v56, v33;
	v37 =	vld.idx.msk [tilespmem:v54+s20+$0x0], $0xffff  }
0x371: {  	v57 =	vor.u32 v27, v34;
	_ =	sdelay $0x2  }
0x372: {  	v58 =	vor.u32 v28, v36  }
0x373: {  	v59 =	vand.u32 $0x3D8, v58;
	[tilespmem:v35+s28+$0x0] =	vst.idx.msk $0xffff, v37  }
0x374: {  	v35 =	vor.u32 v59, v33;
	v37 =	vld.idx.msk [tilespmem:v57+s20+$0x0], $0xffff  }
0x375: {  	v60 =	vor.u32 v29, v34;
	_ =	sdelay $0x2  }
0x376: {  	v61 =	vor.u32 v30, v36  }
0x377: {  	v62 =	vand.u32 $0x3E8, v61;
	[tilespmem:v35+s28+$0x0] =	vst.idx.msk $0xffff, v37  }
0x378: {  	v35 =	vor.u32 v62, v33;
	v37 =	vld.idx.msk [tilespmem:v60+s20+$0x0], $0xffff  }
0x379: {  	v63 =	vor.u32 v31, v34;
	_ =	sdelay $0x3  }
0x37a: {  	s8 =	simm.s32 $0x1;
	v36 =	vor.u32 v32, v36;
	[tilespmem:v35+s28+$0x0] =	vst.idx.msk $0xffff, v37  }
0x37b: {  	v34 =	vadd.s32 s8, v0;
	s8 =	simm.s32 $0x2;
	v36 =	vand.u32 $0x3F8, v36;
	v35 =	vld.idx.msk [tilespmem:v63+s20+$0x0], $0xffff  }
.LBB2_31:
0x37c: {  	p0 =	sne.s32 s8, $0x1F;
	v37 =	vand.u32 $0x1F, v34;
	v33 =	vor.u32 v36, v33  }
0x37d: {  	v36 =	vor.u32 v14, v37;
	_ =	sdelay $0x3  }
0x37e: {  	v34 =	vshll.u32 v34, $0x7;
	[tilespmem:v33+s28+$0x0] =	vst.idx.msk $0xffff, v35  }
0x37f: {  	v35 =	vand.u32 $0xF80, v34;
	v33 =	vld.idx.msk [tilespmem:v36+s20+$0x0], $0xffff  }
0x380: {  	v35 =	vor.u32 v0, v35  }
0x381: {  	v36 =	vor.u32 v18, v37;
	_ =	sdelay $0x3  }
0x382: {  	v38 =	vand.u32 $0xC00, v34;
	[tilespmem:v35+s28+$0x0] =	vst.idx.msk $0xffff, v33;
	v33 =	vor.u32 v19, v34  }
0x383: {  	v35 =	vld.idx.msk [tilespmem:v36+s20+$0x0], $0xffff;
	v36 =	vand.u32 $0x398, v33;
	v33 =	vor.u32 v20, v38  }
0x384: {  	v36 =	vor.u32 v36, v33  }
0x385: {  	v38 =	vor.u32 v21, v37;
	_ =	sdelay $0x3  }
0x386: {  	[tilespmem:v36+s28+$0x0] =	vst.idx.msk $0xffff, v35;
	v35 =	vor.u32 v22, v34  }
0x387: {  	v36 =	vld.idx.msk [tilespmem:v38+s20+$0x0], $0xffff;
	v35 =	vand.u32 $0x3A8, v35  }
0x388: {  	v35 =	vor.u32 v35, v33  }
0x389: {  	v38 =	vor.u32 v23, v37;
	_ =	sdelay $0x3  }
0x38a: {  	[tilespmem:v35+s28+$0x0] =	vst.idx.msk $0xffff, v36;
	v35 =	vor.u32 v24, v34  }
0x38b: {  	v36 =	vld.idx.msk [tilespmem:v38+s20+$0x0], $0xffff;
	v35 =	vand.u32 $0x3B8, v35  }
0x38c: {  	v35 =	vor.u32 v35, v33  }
0x38d: {  	v38 =	vor.u32 v25, v37;
	_ =	sdelay $0x3  }
0x38e: {  	[tilespmem:v35+s28+$0x0] =	vst.idx.msk $0xffff, v36;
	v35 =	vor.u32 v26, v34  }
0x38f: {  	v36 =	vld.idx.msk [tilespmem:v38+s20+$0x0], $0xffff;
	v35 =	vand.u32 $0x3C8, v35  }
0x390: {  	v35 =	vor.u32 v35, v33  }
0x391: {  	v38 =	vor.u32 v27, v37;
	_ =	sdelay $0x3  }
0x392: {  	[tilespmem:v35+s28+$0x0] =	vst.idx.msk $0xffff, v36;
	v35 =	vor.u32 v28, v34  }
0x393: {  	v36 =	vld.idx.msk [tilespmem:v38+s20+$0x0], $0xffff;
	v35 =	vand.u32 $0x3D8, v35  }
0x394: {  	v35 =	vor.u32 v35, v33  }
0x395: {  	v38 =	vor.u32 v29, v37;
	_ =	sdelay $0x3  }
0x396: {  	[tilespmem:v35+s28+$0x0] =	vst.idx.msk $0xffff, v36;
	v35 =	vor.u32 v30, v34  }
0x397: {  	v36 =	vld.idx.msk [tilespmem:v38+s20+$0x0], $0xffff;
	v35 =	vand.u32 $0x3E8, v35  }
0x398: {  	v35 =	vor.u32 v35, v33  }
0x399: {  	v37 =	vor.u32 v31, v37  }
.Ltmp20:
0x39a: {  	(pc) =	sbr.rel @p0 .LBB2_31-.Ltmp20, $3  }
0x39b: {  	_ =	sdelay $0x1  }
0x39c: {  	[tilespmem:v35+s28+$0x0] =	vst.idx.msk $0xffff, v36;
	v36 =	vor.u32 v32, v34  }
0x39d: {  	v34 =	vadd.s32 s8, v0;
	s8 =	sadd.s32 $0x1, s8;
	v35 =	vld.idx.msk [tilespmem:v37+s20+$0x0], $0xffff;
	v36 =	vand.u32 $0x3F8, v36  }
0x39e: {  	v37 =	vand.u32 $0x1F, v34;
	v33 =	vor.u32 v36, v33  }
0x39f: {  	v41 =	vor.u32 v14, v37;
	_ =	sdelay $0x2  }
0x3a0: {  	v42 =	vshll.u32 v34, $0x7  }
0x3a1: {  	v43 =	vand.u32 $0xF80, v42;
	[tilespmem:v33+s28+$0x0] =	vst.idx.msk $0xffff, v35  }
0x3a2: {  	v33 =	vor.u32 v0, v43;
	v35 =	vld.idx.msk [tilespmem:v41+s20+$0x0], $0xffff  }
0x3a3: {  	v44 =	vor.u32 v18, v37;
	_ =	sdelay $0x2  }
0x3a4: {  	v38 =	vand.u32 $0xC00, v42;
	v39 =	vor.u32 v19, v42  }
0x3a5: {  	v45 =	vand.u32 $0x398, v39;
	v46 =	vor.u32 v20, v38;
	[tilespmem:v33+s28+$0x0] =	vst.idx.msk $0xffff, v35  }
0x3a6: {  	v33 =	vor.u32 v45, v46;
	v36 =	vld.idx.msk [tilespmem:v44+s20+$0x0], $0xffff  }
0x3a7: {  	v47 =	vor.u32 v21, v37;
	_ =	sdelay $0x2  }
0x3a8: {  	v48 =	vor.u32 v22, v42  }
0x3a9: {  	v49 =	vand.u32 $0x3A8, v48;
	[tilespmem:v33+s28+$0x0] =	vst.idx.msk $0xffff, v36  }
0x3aa: {  	v33 =	vor.u32 v49, v46;
	v36 =	vld.idx.msk [tilespmem:v47+s20+$0x0], $0xffff  }
0x3ab: {  	v50 =	vor.u32 v23, v37;
	_ =	sdelay $0x2  }
0x3ac: {  	v51 =	vor.u32 v24, v42  }
0x3ad: {  	v52 =	vand.u32 $0x3B8, v51;
	[tilespmem:v33+s28+$0x0] =	vst.idx.msk $0xffff, v36  }
0x3ae: {  	v33 =	vor.u32 v52, v46;
	v36 =	vld.idx.msk [tilespmem:v50+s20+$0x0], $0xffff  }
0x3af: {  	v53 =	vor.u32 v25, v37;
	_ =	sdelay $0x2  }
0x3b0: {  	v54 =	vor.u32 v26, v42  }
0x3b1: {  	v55 =	vand.u32 $0x3C8, v54;
	[tilespmem:v33+s28+$0x0] =	vst.idx.msk $0xffff, v36  }
0x3b2: {  	v33 =	vor.u32 v55, v46;
	v36 =	vld.idx.msk [tilespmem:v53+s20+$0x0], $0xffff  }
0x3b3: {  	v56 =	vor.u32 v27, v37;
	_ =	sdelay $0x2  }
0x3b4: {  	v57 =	vor.u32 v28, v42  }
0x3b5: {  	v58 =	vand.u32 $0x3D8, v57;
	[tilespmem:v33+s28+$0x0] =	vst.idx.msk $0xffff, v36  }
0x3b6: {  	v33 =	vor.u32 v58, v46;
	v36 =	vld.idx.msk [tilespmem:v56+s20+$0x0], $0xffff  }
0x3b7: {  	v59 =	vor.u32 v29, v37;
	_ =	sdelay $0x2  }
0x3b8: {  	v60 =	vor.u32 v30, v42  }
0x3b9: {  	v61 =	vand.u32 $0x3E8, v60;
	[tilespmem:v33+s28+$0x0] =	vst.idx.msk $0xffff, v36  }
0x3ba: {  	v33 =	vor.u32 v61, v46;
	v36 =	vld.idx.msk [tilespmem:v59+s20+$0x0], $0xffff  }
0x3bb: {  	v37 =	vor.u32 v31, v37;
	_ =	sdelay $0x2  }
0x3bc: {  	v34 =	vor.u32 v32, v42  }
0x3bd: {  	v62 =	vand.u32 $0x3F8, v34;
	[tilespmem:v33+s28+$0x0] =	vst.idx.msk $0xffff, v36  }
0x3be: {  	v33 =	vor.u32 v62, v46;
	v63 =	vld.idx.msk [tilespmem:v37+s20+$0x0], $0xffff  }
0x3bf: {  	p0 =	seq.s32 s0, $0x18  }
.Ltmp21:
0x3c0: {  	_ = 	snop;
	(pc) =	sbr.rel @p0 .LBB2_34-.Ltmp21, $4  }
0x3c1: {  	_ = 	snop  }
0x3c2: {  	s5 =	sor.u32 $0x10000, s5  }
0x3c3: {  	s5 =	sadd.s32 s1, s5;
	[tilespmem:v33+s28+$0x0] =	vst.idx.msk $0xffff, v63  }
0x3c4: {  	[hbm4b:s5+s23] =	stream.strided.scatter [tilespmem:s28], [sflag:$0x4], $0x1000, s24, s23, $0x38;
	[tilespmem:$0x5A00] =	vst v63  }
0x3c5: {  	s2 =	sadd.s32 $0x3, s2  }
0x3c6: {  	v33 =	vadd.s32 s2, v1;
	_ =	sdelay $0x4  }
0x3c7: {  	v33 =	vld.idx.msk [tilespmem:v33+s3+$0x0], $0xffff  }
0x3c8: {  	v34 =	vadd.s32 s2, v2;
	_ =	sdelay $0x3  }
0x3c9: {  	[tilespmem:$0x1980] =	vst v33  }
0x3ca: {  	v33 =	vld.idx.msk [tilespmem:v34+s3+$0x0], $0xffff  }
0x3cb: {  	v58 =	vadd.s32 s2, v3;
	_ =	sdelay $0x3  }
0x3cc: {  	[tilespmem:$0x1990] =	vst v33  }
0x3cd: {  	v33 =	vld.idx.msk [tilespmem:v58+s3+$0x0], $0xffff  }
0x3ce: {  	v59 =	vadd.s32 s2, v4;
	_ =	sdelay $0x3  }
0x3cf: {  	[tilespmem:$0x19A0] =	vst v33  }
0x3d0: {  	v33 =	vld.idx.msk [tilespmem:v59+s3+$0x0], $0xffff  }
0x3d1: {  	v60 =	vadd.s32 s2, v5;
	_ =	sdelay $0x3  }
0x3d2: {  	[tilespmem:$0x19B0] =	vst v33  }
0x3d3: {  	v33 =	vld.idx.msk [tilespmem:v60+s3+$0x0], $0xffff  }
0x3d4: {  	v61 =	vadd.s32 s2, v6;
	_ =	sdelay $0x3  }
0x3d5: {  	[tilespmem:$0x19C0] =	vst v33  }
0x3d6: {  	v33 =	vld.idx.msk [tilespmem:v61+s3+$0x0], $0xffff  }
0x3d7: {  	v62 =	vadd.s32 s2, v7;
	_ =	sdelay $0x3  }
0x3d8: {  	[tilespmem:$0x19D0] =	vst v33  }
0x3d9: {  	v33 =	vld.idx.msk [tilespmem:v62+s3+$0x0], $0xffff  }
0x3da: {  	v63 =	vadd.s32 s2, v8;
	_ =	sdelay $0x3  }
0x3db: {  	[tilespmem:$0x19E0] =	vst v33  }
0x3dc: {  	v33 =	vld.idx.msk [tilespmem:v63+s3+$0x0], $0xffff;
	_ =	sdelay $0x1  }
.Ltmp22:
0x3dd: {  	_ = 	snop;
	(pc) =	sbr.rel .LBB2_24-.Ltmp22, $3  }
0x3de: {  	_ =	sdelay $0x1  }
0x3df: {  	s0 =	sadd.s32 $0x1, s0;
	[tilespmem:$0x19F0] =	vst v33  }
0x3e0: {  	[tilespmem:s20], [sflag:$0x2] =	stream.indirect.gather [hbm4b:s4+s16], $0x20, s19, s16, $0xb8;
	[tilespmem:$0x5A00] =	vst v63  }
.LBB2_34:
0x3e1: {  	_ =	swait.ge [sflag:s29], $0x1000  }
0x3e2: {  	[sflag:s29] =	ssyncset.done $0x0  }
0x3e3: {  	[sflag:s29] =	ssyncadd.s32 $0xFFFFF000  }
0x3e4: {  	_ =	swait.ge [sflag:s26], $0x1000  }
0x3e5: {  	[sflag:s26] =	ssyncset.done $0x0  }
0x3e6: {  	s31 =	simm.s32 $0x0;
	[sflag:s26] =	ssyncadd.s32 $0xFFFFF000  }
0x3e7: {  	[tilespmem:s31], [sflag:$0x5] =	stream.linear.gather [hbm4b:s12+s31], $0x1900, $0x38;
	[tilespmem:$0x5A00] =	vst v63  }
0x3e8: {  	_ =	swait.ge [sflag:s15], $0x1900  }
0x3e9: {  	[sflag:s15] =	ssyncset.done $0x0  }
0x3ea: {  	[sflag:s15] =	ssyncadd.s32 $0xFFFFE700  }
0x3eb: {  	v33 =	vld.idx.msk [tilespmem:v1+s31+$0x0], $0xffff;
	_ =	sdelay $0x4  }
0x3ec: {  	[tilespmem:$0x1900] =	vst v33  }
0x3ed: {  	v33 =	vld.idx.msk [tilespmem:v2+s31+$0x0], $0xffff;
	_ =	sdelay $0x4  }
0x3ee: {  	[tilespmem:$0x1910] =	vst v33  }
0x3ef: {  	v33 =	vld.idx.msk [tilespmem:v3+s31+$0x0], $0xffff;
	_ =	sdelay $0x4  }
0x3f0: {  	[tilespmem:$0x1920] =	vst v33  }
0x3f1: {  	v33 =	vld.idx.msk [tilespmem:v4+s31+$0x0], $0xffff;
	_ =	sdelay $0x4  }
0x3f2: {  	[tilespmem:$0x1930] =	vst v33  }
0x3f3: {  	v33 =	vld.idx.msk [tilespmem:v5+s31+$0x0], $0xffff;
	_ =	sdelay $0x4  }
0x3f4: {  	[tilespmem:$0x1940] =	vst v33  }
0x3f5: {  	v33 =	vld.idx.msk [tilespmem:v6+s31+$0x0], $0xffff;
	_ =	sdelay $0x4  }
0x3f6: {  	[tilespmem:$0x1950] =	vst v33  }
0x3f7: {  	v33 =	vld.idx.msk [tilespmem:v7+s31+$0x0], $0xffff;
	_ =	sdelay $0x4  }
0x3f8: {  	[tilespmem:$0x1960] =	vst v33  }
0x3f9: {  	v33 =	vld.idx.msk [tilespmem:v8+s31+$0x0], $0xffff;
	_ =	sdelay $0x4  }
0x3fa: {  	[tilespmem:$0x1970] =	vst v33  }
0x3fb: {  	[tilespmem:s18], [sflag:$0x1] =	stream.indirect.gather [hbm4b:s4+s16], $0x20, s17, s16, $0xb8;
	[tilespmem:$0x5A00] =	vst v63  }
0x3fc: {  	v33 =	vld.idx.msk [tilespmem:v9+s31+$0x0], $0xffff;
	_ =	sdelay $0x4  }
0x3fd: {  	[tilespmem:$0x1980] =	vst v33  }
0x3fe: {  	v33 =	vld.idx.msk [tilespmem:v10+s31+$0x0], $0xffff;
	_ =	sdelay $0x4  }
0x3ff: {  	[tilespmem:$0x1990] =	vst v33  }
0x400: {  	v33 =	vld.idx.msk [tilespmem:v11+s31+$0x0], $0xffff;
	_ =	sdelay $0x4  }
0x401: {  	[tilespmem:$0x19A0] =	vst v33  }
0x402: {  	v33 =	vld.idx.msk [tilespmem:v12+s31+$0x0], $0xffff;
	_ =	sdelay $0x4  }
0x403: {  	[tilespmem:$0x19B0] =	vst v33  }
0x404: {  	v33 =	vld.idx.msk [tilespmem:v13+s31+$0x0], $0xffff;
	_ =	sdelay $0x4  }
0x405: {  	[tilespmem:$0x19C0] =	vst v33  }
0x406: {  	v33 =	vld.idx.msk [tilespmem:v15+s31+$0x0], $0xffff;
	_ =	sdelay $0x4  }
0x407: {  	[tilespmem:$0x19D0] =	vst v33  }
0x408: {  	v33 =	vld.idx.msk [tilespmem:v16+s31+$0x0], $0xffff;
	_ =	sdelay $0x4  }
0x409: {  	[tilespmem:$0x19E0] =	vst v33  }
0x40a: {  	v33 =	vld.idx.msk [tilespmem:v17+s31+$0x0], $0xffff;
	_ =	sdelay $0x4  }
0x40b: {  	s0 =	simm.s32 $0x0;
	[tilespmem:$0x19F0] =	vst v33  }
0x40c: {  	[tilespmem:s20], [sflag:$0x2] =	stream.indirect.gather [hbm4b:s4+s16], $0x20, s19, s16, $0xb8;
	[tilespmem:$0x5A00] =	vst v63  }
.LBB2_35:
0x40d: {  	v33 =	vadd.s32 s31, v0  }
0x40e: {  	_ =	swait.ge [sflag:s21], $0x1000;
	v34 =	vand.u32 $0x1F, v33  }
0x40f: {  	p0 =	seq.s32 s0, $0x0;
	[sflag:s21] =	ssyncset.done $0x0;
	v35 =	vor.u32 v14, v34  }
0x410: {  	s2 =	simm.s32 @!p0 $0x3;
	[sflag:s21] =	ssyncadd.s32 $0xFFFFF000  }
0x411: {  	_ =	swait.ge @!p0 [sflag:s2], $0x1000  }
0x412: {  	v36 =	vshll.u32 v33, $0x7;
	[sflag:s2] =	ssyncset.done @!p0 $0x0  }
0x413: {  	v33 =	vand.u32 $0xF80, v36;
	[sflag:s2] =	ssyncadd.s32 @!p0 $0xFFFFF000  }
0x414: {  	v33 =	vor.u32 v0, v33;
	v35 =	vld.idx.msk [tilespmem:v35+s18+$0x0], $0xffff  }
0x415: {  	v37 =	vor.u32 v18, v34;
	_ =	sdelay $0x2  }
0x416: {  	v38 =	vand.u32 $0xC00, v36;
	v39 =	vor.u32 v19, v36  }
0x417: {  	v47 =	vand.u32 $0x398, v39;
	[tilespmem:v33+s22+$0x0] =	vst.idx.msk $0xffff, v35;
	v33 =	vor.u32 v20, v38  }
0x418: {  	v37 =	vld.idx.msk [tilespmem:v37+s18+$0x0], $0xffff;
	v35 =	vor.u32 v47, v33  }
0x419: {  	v48 =	vor.u32 v21, v34;
	_ =	sdelay $0x2  }
0x41a: {  	v49 =	vor.u32 v22, v36  }
0x41b: {  	v50 =	vand.u32 $0x3A8, v49;
	[tilespmem:v35+s22+$0x0] =	vst.idx.msk $0xffff, v37  }
0x41c: {  	v35 =	vor.u32 v50, v33;
	v37 =	vld.idx.msk [tilespmem:v48+s18+$0x0], $0xffff  }
0x41d: {  	v51 =	vor.u32 v23, v34;
	_ =	sdelay $0x2  }
0x41e: {  	v52 =	vor.u32 v24, v36  }
0x41f: {  	v53 =	vand.u32 $0x3B8, v52;
	[tilespmem:v35+s22+$0x0] =	vst.idx.msk $0xffff, v37  }
0x420: {  	v35 =	vor.u32 v53, v33;
	v37 =	vld.idx.msk [tilespmem:v51+s18+$0x0], $0xffff  }
0x421: {  	v54 =	vor.u32 v25, v34;
	_ =	sdelay $0x2  }
0x422: {  	v55 =	vor.u32 v26, v36  }
0x423: {  	v56 =	vand.u32 $0x3C8, v55;
	[tilespmem:v35+s22+$0x0] =	vst.idx.msk $0xffff, v37  }
0x424: {  	v35 =	vor.u32 v56, v33;
	v37 =	vld.idx.msk [tilespmem:v54+s18+$0x0], $0xffff  }
0x425: {  	v57 =	vor.u32 v27, v34;
	_ =	sdelay $0x2  }
0x426: {  	v58 =	vor.u32 v28, v36  }
0x427: {  	v59 =	vand.u32 $0x3D8, v58;
	[tilespmem:v35+s22+$0x0] =	vst.idx.msk $0xffff, v37  }
0x428: {  	v35 =	vor.u32 v59, v33;
	v37 =	vld.idx.msk [tilespmem:v57+s18+$0x0], $0xffff  }
0x429: {  	v60 =	vor.u32 v29, v34;
	_ =	sdelay $0x2  }
0x42a: {  	v61 =	vor.u32 v30, v36  }
0x42b: {  	v62 =	vand.u32 $0x3E8, v61;
	[tilespmem:v35+s22+$0x0] =	vst.idx.msk $0xffff, v37  }
0x42c: {  	v35 =	vor.u32 v62, v33;
	v37 =	vld.idx.msk [tilespmem:v60+s18+$0x0], $0xffff  }
0x42d: {  	v63 =	vor.u32 v31, v34;
	_ =	sdelay $0x3  }
0x42e: {  	s5 =	simm.s32 $0x1;
	v36 =	vor.u32 v32, v36;
	[tilespmem:v35+s22+$0x0] =	vst.idx.msk $0xffff, v37  }
0x42f: {  	v34 =	vadd.s32 s5, v0;
	s5 =	simm.s32 $0x2;
	v36 =	vand.u32 $0x3F8, v36;
	s2 =	sshll.u32 s0, $0x1;
	v35 =	vld.idx.msk [tilespmem:v63+s18+$0x0], $0xffff  }
.LBB2_36:
0x430: {  	p1 =	sne.s32 s5, $0x1F;
	v37 =	vand.u32 $0x1F, v34;
	v33 =	vor.u32 v36, v33  }
0x431: {  	v36 =	vor.u32 v14, v37;
	_ =	sdelay $0x3  }
0x432: {  	v34 =	vshll.u32 v34, $0x7;
	[tilespmem:v33+s22+$0x0] =	vst.idx.msk $0xffff, v35  }
0x433: {  	v35 =	vand.u32 $0xF80, v34;
	v33 =	vld.idx.msk [tilespmem:v36+s18+$0x0], $0xffff  }
0x434: {  	v35 =	vor.u32 v0, v35  }
0x435: {  	v36 =	vor.u32 v18, v37;
	_ =	sdelay $0x3  }
0x436: {  	v38 =	vand.u32 $0xC00, v34;
	[tilespmem:v35+s22+$0x0] =	vst.idx.msk $0xffff, v33;
	v33 =	vor.u32 v19, v34  }
0x437: {  	v35 =	vld.idx.msk [tilespmem:v36+s18+$0x0], $0xffff;
	v36 =	vand.u32 $0x398, v33;
	v33 =	vor.u32 v20, v38  }
0x438: {  	v36 =	vor.u32 v36, v33  }
0x439: {  	v38 =	vor.u32 v21, v37;
	_ =	sdelay $0x3  }
0x43a: {  	[tilespmem:v36+s22+$0x0] =	vst.idx.msk $0xffff, v35;
	v35 =	vor.u32 v22, v34  }
0x43b: {  	v36 =	vld.idx.msk [tilespmem:v38+s18+$0x0], $0xffff;
	v35 =	vand.u32 $0x3A8, v35  }
0x43c: {  	v35 =	vor.u32 v35, v33  }
0x43d: {  	v38 =	vor.u32 v23, v37;
	_ =	sdelay $0x3  }
0x43e: {  	[tilespmem:v35+s22+$0x0] =	vst.idx.msk $0xffff, v36;
	v35 =	vor.u32 v24, v34  }
0x43f: {  	v36 =	vld.idx.msk [tilespmem:v38+s18+$0x0], $0xffff;
	v35 =	vand.u32 $0x3B8, v35  }
0x440: {  	v35 =	vor.u32 v35, v33  }
0x441: {  	v38 =	vor.u32 v25, v37;
	_ =	sdelay $0x3  }
0x442: {  	[tilespmem:v35+s22+$0x0] =	vst.idx.msk $0xffff, v36;
	v35 =	vor.u32 v26, v34  }
0x443: {  	v36 =	vld.idx.msk [tilespmem:v38+s18+$0x0], $0xffff;
	v35 =	vand.u32 $0x3C8, v35  }
0x444: {  	v35 =	vor.u32 v35, v33  }
0x445: {  	v38 =	vor.u32 v27, v37;
	_ =	sdelay $0x3  }
0x446: {  	[tilespmem:v35+s22+$0x0] =	vst.idx.msk $0xffff, v36;
	v35 =	vor.u32 v28, v34  }
0x447: {  	v36 =	vld.idx.msk [tilespmem:v38+s18+$0x0], $0xffff;
	v35 =	vand.u32 $0x3D8, v35  }
0x448: {  	v35 =	vor.u32 v35, v33  }
0x449: {  	v38 =	vor.u32 v29, v37;
	_ =	sdelay $0x3  }
0x44a: {  	[tilespmem:v35+s22+$0x0] =	vst.idx.msk $0xffff, v36;
	v35 =	vor.u32 v30, v34  }
0x44b: {  	v36 =	vld.idx.msk [tilespmem:v38+s18+$0x0], $0xffff;
	v35 =	vand.u32 $0x3E8, v35  }
0x44c: {  	v35 =	vor.u32 v35, v33  }
0x44d: {  	v37 =	vor.u32 v31, v37  }
.Ltmp23:
0x44e: {  	(pc) =	sbr.rel @p1 .LBB2_36-.Ltmp23, $3  }
0x44f: {  	_ =	sdelay $0x1  }
0x450: {  	[tilespmem:v35+s22+$0x0] =	vst.idx.msk $0xffff, v36;
	v36 =	vor.u32 v32, v34  }
0x451: {  	v34 =	vadd.s32 s5, v0;
	s5 =	sadd.s32 $0x1, s5;
	v35 =	vld.idx.msk [tilespmem:v37+s18+$0x0], $0xffff;
	v36 =	vand.u32 $0x3F8, v36  }
0x452: {  	v37 =	vand.u32 $0x1F, v34;
	v33 =	vor.u32 v36, v33  }
0x453: {  	v41 =	vor.u32 v14, v37;
	_ =	sdelay $0x2  }
0x454: {  	v42 =	vshll.u32 v34, $0x7  }
0x455: {  	v43 =	vand.u32 $0xF80, v42;
	[tilespmem:v33+s22+$0x0] =	vst.idx.msk $0xffff, v35  }
0x456: {  	v33 =	vor.u32 v0, v43;
	v35 =	vld.idx.msk [tilespmem:v41+s18+$0x0], $0xffff  }
0x457: {  	v44 =	vor.u32 v18, v37;
	_ =	sdelay $0x2  }
0x458: {  	v38 =	vand.u32 $0xC00, v42;
	v39 =	vor.u32 v19, v42  }
0x459: {  	v45 =	vand.u32 $0x398, v39;
	v46 =	vor.u32 v20, v38;
	[tilespmem:v33+s22+$0x0] =	vst.idx.msk $0xffff, v35  }
0x45a: {  	v33 =	vor.u32 v45, v46;
	v36 =	vld.idx.msk [tilespmem:v44+s18+$0x0], $0xffff  }
0x45b: {  	v47 =	vor.u32 v21, v37;
	_ =	sdelay $0x2  }
0x45c: {  	v48 =	vor.u32 v22, v42  }
0x45d: {  	v49 =	vand.u32 $0x3A8, v48;
	[tilespmem:v33+s22+$0x0] =	vst.idx.msk $0xffff, v36  }
0x45e: {  	v33 =	vor.u32 v49, v46;
	v36 =	vld.idx.msk [tilespmem:v47+s18+$0x0], $0xffff  }
0x45f: {  	v50 =	vor.u32 v23, v37;
	_ =	sdelay $0x2  }
0x460: {  	v51 =	vor.u32 v24, v42  }
0x461: {  	v52 =	vand.u32 $0x3B8, v51;
	[tilespmem:v33+s22+$0x0] =	vst.idx.msk $0xffff, v36  }
0x462: {  	v33 =	vor.u32 v52, v46;
	v36 =	vld.idx.msk [tilespmem:v50+s18+$0x0], $0xffff  }
0x463: {  	v53 =	vor.u32 v25, v37;
	_ =	sdelay $0x2  }
0x464: {  	v54 =	vor.u32 v26, v42  }
0x465: {  	v55 =	vand.u32 $0x3C8, v54;
	[tilespmem:v33+s22+$0x0] =	vst.idx.msk $0xffff, v36  }
0x466: {  	v33 =	vor.u32 v55, v46;
	v36 =	vld.idx.msk [tilespmem:v53+s18+$0x0], $0xffff  }
0x467: {  	v56 =	vor.u32 v27, v37;
	_ =	sdelay $0x2  }
0x468: {  	v57 =	vor.u32 v28, v42  }
0x469: {  	v58 =	vand.u32 $0x3D8, v57;
	[tilespmem:v33+s22+$0x0] =	vst.idx.msk $0xffff, v36  }
0x46a: {  	v33 =	vor.u32 v58, v46;
	v36 =	vld.idx.msk [tilespmem:v56+s18+$0x0], $0xffff  }
0x46b: {  	v59 =	vor.u32 v29, v37;
	_ =	sdelay $0x2  }
0x46c: {  	v60 =	vor.u32 v30, v42  }
0x46d: {  	v61 =	vand.u32 $0x3E8, v60;
	[tilespmem:v33+s22+$0x0] =	vst.idx.msk $0xffff, v36  }
0x46e: {  	v33 =	vor.u32 v61, v46;
	v36 =	vld.idx.msk [tilespmem:v59+s18+$0x0], $0xffff  }
0x46f: {  	v37 =	vor.u32 v31, v37;
	_ =	sdelay $0x2  }
0x470: {  	v34 =	vor.u32 v32, v42  }
0x471: {  	v62 =	vand.u32 $0x3F8, v34;
	[tilespmem:v33+s22+$0x0] =	vst.idx.msk $0xffff, v36  }
0x472: {  	v33 =	vor.u32 v62, v46;
	v63 =	vld.idx.msk [tilespmem:v37+s18+$0x0], $0xffff  }
0x473: {  	p1 =	sne.s32 s0, $0x18  }
.Ltmp24:
0x474: {  	_ = 	snop;
	(pc) =	sbr.rel @p1 .LBB2_39-.Ltmp24, $4  }
0x475: {  	s5 =	sshll.u32 s0, $0x11  }
0x476: {  	s5 =	sor.u32 s13, s5  }
0x477: {  	s8 =	sadd.s32 s1, s5;
	[tilespmem:v33+s22+$0x0] =	vst.idx.msk $0xffff, v63  }
0x478: {  	[hbm4b:s8+s23] =	stream.strided.scatter [tilespmem:s22], [sflag:$0x3], $0x1000, s24, s23, $0x38;
	[tilespmem:$0x5A00] =	vst v63  }
.Ltmp25:
0x479: {  	(pc) =	sbr.rel .LBB2_40-.Ltmp25, $4  }
0x47a: {  	_ = 	snop  }
0x47b: {  	_ =	swait.ge [sflag:s25], $0x1000  }
0x47c: {  	[sflag:s25] =	ssyncset.done $0x0  }
0x47d: {  	[sflag:s25] =	ssyncadd.s32 $0xFFFFF000  }
.LBB2_39:
0x47e: {  	s8 =	sadd.s32 $0x2, s2  }
0x47f: {  	v33 =	vadd.s32 s8, v1;
	_ =	sdelay $0x4  }
0x480: {  	v33 =	vld.idx.msk [tilespmem:v33+s3+$0x0], $0xffff  }
0x481: {  	v34 =	vadd.s32 s8, v2;
	_ =	sdelay $0x3  }
0x482: {  	[tilespmem:$0x1900] =	vst v33  }
0x483: {  	v33 =	vld.idx.msk [tilespmem:v34+s3+$0x0], $0xffff  }
0x484: {  	v58 =	vadd.s32 s8, v3;
	_ =	sdelay $0x3  }
0x485: {  	[tilespmem:$0x1910] =	vst v33  }
0x486: {  	v33 =	vld.idx.msk [tilespmem:v58+s3+$0x0], $0xffff  }
0x487: {  	v59 =	vadd.s32 s8, v4;
	_ =	sdelay $0x3  }
0x488: {  	[tilespmem:$0x1920] =	vst v33  }
0x489: {  	v33 =	vld.idx.msk [tilespmem:v59+s3+$0x0], $0xffff  }
0x48a: {  	v60 =	vadd.s32 s8, v5;
	_ =	sdelay $0x3  }
0x48b: {  	[tilespmem:$0x1930] =	vst v33  }
0x48c: {  	v33 =	vld.idx.msk [tilespmem:v60+s3+$0x0], $0xffff  }
0x48d: {  	v61 =	vadd.s32 s8, v6;
	_ =	sdelay $0x3  }
0x48e: {  	[tilespmem:$0x1940] =	vst v33  }
0x48f: {  	v33 =	vld.idx.msk [tilespmem:v61+s3+$0x0], $0xffff  }
0x490: {  	v62 =	vadd.s32 s8, v7;
	_ =	sdelay $0x3  }
0x491: {  	[tilespmem:$0x1950] =	vst v33  }
0x492: {  	v33 =	vld.idx.msk [tilespmem:v62+s3+$0x0], $0xffff  }
0x493: {  	v63 =	vadd.s32 s8, v8;
	_ =	sdelay $0x3  }
0x494: {  	[tilespmem:$0x1960] =	vst v33  }
0x495: {  	v33 =	vld.idx.msk [tilespmem:v63+s3+$0x0], $0xffff;
	_ =	sdelay $0x4  }
.Ltmp26:
0x496: {  	[tilespmem:$0x1970] =	vst v33;
	(pc) =	sbr.rel @p0 .LBB2_41-.Ltmp26, $4  }
0x497: {  	[tilespmem:s18], [sflag:$0x1] =	stream.indirect.gather [hbm4b:s4+s16], $0x20, s17, s16, $0xb8;
	[tilespmem:$0x5A00] =	vst v63  }
0x498: {  	_ =	swait.ge [sflag:s25], $0x1000  }
0x499: {  	[sflag:s25] =	ssyncset.done $0x0  }
0x49a: {  	[sflag:s25] =	ssyncadd.s32 $0xFFFFF000  }
.LBB2_40:
0x49b: {  	_ =	swait.ge [sflag:s26], $0x1000  }
0x49c: {  	[sflag:s26] =	ssyncset.done $0x0  }
0x49d: {  	[sflag:s26] =	ssyncadd.s32 $0xFFFFF000  }
.LBB2_41:
0x49e: {  	s8 =	simm.s32 $0x0  }
0x49f: {  	v33 =	vadd.s32 s8, v0  }
0x4a0: {  	v34 =	vand.u32 $0x1F, v33  }
0x4a1: {  	v35 =	vor.u32 v14, v34;
	_ =	sdelay $0x2  }
0x4a2: {  	v36 =	vshll.u32 v33, $0x7  }
0x4a3: {  	v33 =	vand.u32 $0xF80, v36  }
0x4a4: {  	v33 =	vor.u32 v0, v33;
	v35 =	vld.idx.msk [tilespmem:v35+s20+$0x0], $0xffff  }
0x4a5: {  	v37 =	vor.u32 v18, v34;
	_ =	sdelay $0x2  }
0x4a6: {  	v38 =	vand.u32 $0xC00, v36;
	v39 =	vor.u32 v19, v36  }
0x4a7: {  	v47 =	vand.u32 $0x398, v39;
	[tilespmem:v33+s28+$0x0] =	vst.idx.msk $0xffff, v35;
	v33 =	vor.u32 v20, v38  }
0x4a8: {  	v37 =	vld.idx.msk [tilespmem:v37+s20+$0x0], $0xffff;
	v35 =	vor.u32 v47, v33  }
0x4a9: {  	v48 =	vor.u32 v21, v34;
	_ =	sdelay $0x2  }
0x4aa: {  	v49 =	vor.u32 v22, v36  }
0x4ab: {  	v50 =	vand.u32 $0x3A8, v49;
	[tilespmem:v35+s28+$0x0] =	vst.idx.msk $0xffff, v37  }
0x4ac: {  	v35 =	vor.u32 v50, v33;
	v37 =	vld.idx.msk [tilespmem:v48+s20+$0x0], $0xffff  }
0x4ad: {  	v51 =	vor.u32 v23, v34;
	_ =	sdelay $0x2  }
0x4ae: {  	v52 =	vor.u32 v24, v36  }
0x4af: {  	v53 =	vand.u32 $0x3B8, v52;
	[tilespmem:v35+s28+$0x0] =	vst.idx.msk $0xffff, v37  }
0x4b0: {  	v35 =	vor.u32 v53, v33;
	v37 =	vld.idx.msk [tilespmem:v51+s20+$0x0], $0xffff  }
0x4b1: {  	v54 =	vor.u32 v25, v34;
	_ =	sdelay $0x2  }
0x4b2: {  	v55 =	vor.u32 v26, v36  }
0x4b3: {  	v56 =	vand.u32 $0x3C8, v55;
	[tilespmem:v35+s28+$0x0] =	vst.idx.msk $0xffff, v37  }
0x4b4: {  	v35 =	vor.u32 v56, v33;
	v37 =	vld.idx.msk [tilespmem:v54+s20+$0x0], $0xffff  }
0x4b5: {  	v57 =	vor.u32 v27, v34;
	_ =	sdelay $0x2  }
0x4b6: {  	v58 =	vor.u32 v28, v36  }
0x4b7: {  	v59 =	vand.u32 $0x3D8, v58;
	[tilespmem:v35+s28+$0x0] =	vst.idx.msk $0xffff, v37  }
0x4b8: {  	v35 =	vor.u32 v59, v33;
	v37 =	vld.idx.msk [tilespmem:v57+s20+$0x0], $0xffff  }
0x4b9: {  	v60 =	vor.u32 v29, v34;
	_ =	sdelay $0x2  }
0x4ba: {  	v61 =	vor.u32 v30, v36  }
0x4bb: {  	v62 =	vand.u32 $0x3E8, v61;
	[tilespmem:v35+s28+$0x0] =	vst.idx.msk $0xffff, v37  }
0x4bc: {  	v35 =	vor.u32 v62, v33;
	v37 =	vld.idx.msk [tilespmem:v60+s20+$0x0], $0xffff  }
0x4bd: {  	v63 =	vor.u32 v31, v34;
	_ =	sdelay $0x3  }
0x4be: {  	s8 =	simm.s32 $0x1;
	v36 =	vor.u32 v32, v36;
	[tilespmem:v35+s28+$0x0] =	vst.idx.msk $0xffff, v37  }
0x4bf: {  	v34 =	vadd.s32 s8, v0;
	s8 =	simm.s32 $0x2;
	v36 =	vand.u32 $0x3F8, v36;
	v35 =	vld.idx.msk [tilespmem:v63+s20+$0x0], $0xffff  }
.LBB2_42:
0x4c0: {  	p0 =	sne.s32 s8, $0x1F;
	v37 =	vand.u32 $0x1F, v34;
	v33 =	vor.u32 v36, v33  }
0x4c1: {  	v36 =	vor.u32 v14, v37;
	_ =	sdelay $0x3  }
0x4c2: {  	v34 =	vshll.u32 v34, $0x7;
	[tilespmem:v33+s28+$0x0] =	vst.idx.msk $0xffff, v35  }
0x4c3: {  	v35 =	vand.u32 $0xF80, v34;
	v33 =	vld.idx.msk [tilespmem:v36+s20+$0x0], $0xffff  }
0x4c4: {  	v35 =	vor.u32 v0, v35  }
0x4c5: {  	v36 =	vor.u32 v18, v37;
	_ =	sdelay $0x3  }
0x4c6: {  	v38 =	vand.u32 $0xC00, v34;
	[tilespmem:v35+s28+$0x0] =	vst.idx.msk $0xffff, v33;
	v33 =	vor.u32 v19, v34  }
0x4c7: {  	v35 =	vld.idx.msk [tilespmem:v36+s20+$0x0], $0xffff;
	v36 =	vand.u32 $0x398, v33;
	v33 =	vor.u32 v20, v38  }
0x4c8: {  	v36 =	vor.u32 v36, v33  }
0x4c9: {  	v38 =	vor.u32 v21, v37;
	_ =	sdelay $0x3  }
0x4ca: {  	[tilespmem:v36+s28+$0x0] =	vst.idx.msk $0xffff, v35;
	v35 =	vor.u32 v22, v34  }
0x4cb: {  	v36 =	vld.idx.msk [tilespmem:v38+s20+$0x0], $0xffff;
	v35 =	vand.u32 $0x3A8, v35  }
0x4cc: {  	v35 =	vor.u32 v35, v33  }
0x4cd: {  	v38 =	vor.u32 v23, v37;
	_ =	sdelay $0x3  }
0x4ce: {  	[tilespmem:v35+s28+$0x0] =	vst.idx.msk $0xffff, v36;
	v35 =	vor.u32 v24, v34  }
0x4cf: {  	v36 =	vld.idx.msk [tilespmem:v38+s20+$0x0], $0xffff;
	v35 =	vand.u32 $0x3B8, v35  }
0x4d0: {  	v35 =	vor.u32 v35, v33  }
0x4d1: {  	v38 =	vor.u32 v25, v37;
	_ =	sdelay $0x3  }
0x4d2: {  	[tilespmem:v35+s28+$0x0] =	vst.idx.msk $0xffff, v36;
	v35 =	vor.u32 v26, v34  }
0x4d3: {  	v36 =	vld.idx.msk [tilespmem:v38+s20+$0x0], $0xffff;
	v35 =	vand.u32 $0x3C8, v35  }
0x4d4: {  	v35 =	vor.u32 v35, v33  }
0x4d5: {  	v38 =	vor.u32 v27, v37;
	_ =	sdelay $0x3  }
0x4d6: {  	[tilespmem:v35+s28+$0x0] =	vst.idx.msk $0xffff, v36;
	v35 =	vor.u32 v28, v34  }
0x4d7: {  	v36 =	vld.idx.msk [tilespmem:v38+s20+$0x0], $0xffff;
	v35 =	vand.u32 $0x3D8, v35  }
0x4d8: {  	v35 =	vor.u32 v35, v33  }
0x4d9: {  	v38 =	vor.u32 v29, v37;
	_ =	sdelay $0x3  }
0x4da: {  	[tilespmem:v35+s28+$0x0] =	vst.idx.msk $0xffff, v36;
	v35 =	vor.u32 v30, v34  }
0x4db: {  	v36 =	vld.idx.msk [tilespmem:v38+s20+$0x0], $0xffff;
	v35 =	vand.u32 $0x3E8, v35  }
0x4dc: {  	v35 =	vor.u32 v35, v33  }
0x4dd: {  	v37 =	vor.u32 v31, v37  }
.Ltmp27:
0x4de: {  	(pc) =	sbr.rel @p0 .LBB2_42-.Ltmp27, $3  }
0x4df: {  	_ =	sdelay $0x1  }
0x4e0: {  	[tilespmem:v35+s28+$0x0] =	vst.idx.msk $0xffff, v36;
	v36 =	vor.u32 v32, v34  }
0x4e1: {  	v34 =	vadd.s32 s8, v0;
	s8 =	sadd.s32 $0x1, s8;
	v35 =	vld.idx.msk [tilespmem:v37+s20+$0x0], $0xffff;
	v36 =	vand.u32 $0x3F8, v36  }
0x4e2: {  	v37 =	vand.u32 $0x1F, v34;
	v33 =	vor.u32 v36, v33  }
0x4e3: {  	v41 =	vor.u32 v14, v37;
	_ =	sdelay $0x2  }
0x4e4: {  	v42 =	vshll.u32 v34, $0x7  }
0x4e5: {  	v43 =	vand.u32 $0xF80, v42;
	[tilespmem:v33+s28+$0x0] =	vst.idx.msk $0xffff, v35  }
0x4e6: {  	v33 =	vor.u32 v0, v43;
	v35 =	vld.idx.msk [tilespmem:v41+s20+$0x0], $0xffff  }
0x4e7: {  	v44 =	vor.u32 v18, v37;
	_ =	sdelay $0x2  }
0x4e8: {  	v38 =	vand.u32 $0xC00, v42;
	v39 =	vor.u32 v19, v42  }
0x4e9: {  	v45 =	vand.u32 $0x398, v39;
	v46 =	vor.u32 v20, v38;
	[tilespmem:v33+s28+$0x0] =	vst.idx.msk $0xffff, v35  }
0x4ea: {  	v33 =	vor.u32 v45, v46;
	v36 =	vld.idx.msk [tilespmem:v44+s20+$0x0], $0xffff  }
0x4eb: {  	v47 =	vor.u32 v21, v37;
	_ =	sdelay $0x2  }
0x4ec: {  	v48 =	vor.u32 v22, v42  }
0x4ed: {  	v49 =	vand.u32 $0x3A8, v48;
	[tilespmem:v33+s28+$0x0] =	vst.idx.msk $0xffff, v36  }
0x4ee: {  	v33 =	vor.u32 v49, v46;
	v36 =	vld.idx.msk [tilespmem:v47+s20+$0x0], $0xffff  }
0x4ef: {  	v50 =	vor.u32 v23, v37;
	_ =	sdelay $0x2  }
0x4f0: {  	v51 =	vor.u32 v24, v42  }
0x4f1: {  	v52 =	vand.u32 $0x3B8, v51;
	[tilespmem:v33+s28+$0x0] =	vst.idx.msk $0xffff, v36  }
0x4f2: {  	v33 =	vor.u32 v52, v46;
	v36 =	vld.idx.msk [tilespmem:v50+s20+$0x0], $0xffff  }
0x4f3: {  	v53 =	vor.u32 v25, v37;
	_ =	sdelay $0x2  }
0x4f4: {  	v54 =	vor.u32 v26, v42  }
0x4f5: {  	v55 =	vand.u32 $0x3C8, v54;
	[tilespmem:v33+s28+$0x0] =	vst.idx.msk $0xffff, v36  }
0x4f6: {  	v33 =	vor.u32 v55, v46;
	v36 =	vld.idx.msk [tilespmem:v53+s20+$0x0], $0xffff  }
0x4f7: {  	v56 =	vor.u32 v27, v37;
	_ =	sdelay $0x2  }
0x4f8: {  	v57 =	vor.u32 v28, v42  }
0x4f9: {  	v58 =	vand.u32 $0x3D8, v57;
	[tilespmem:v33+s28+$0x0] =	vst.idx.msk $0xffff, v36  }
0x4fa: {  	v33 =	vor.u32 v58, v46;
	v36 =	vld.idx.msk [tilespmem:v56+s20+$0x0], $0xffff  }
0x4fb: {  	v59 =	vor.u32 v29, v37;
	_ =	sdelay $0x2  }
0x4fc: {  	v60 =	vor.u32 v30, v42  }
0x4fd: {  	v61 =	vand.u32 $0x3E8, v60;
	[tilespmem:v33+s28+$0x0] =	vst.idx.msk $0xffff, v36  }
0x4fe: {  	v33 =	vor.u32 v61, v46;
	v36 =	vld.idx.msk [tilespmem:v59+s20+$0x0], $0xffff  }
0x4ff: {  	v37 =	vor.u32 v31, v37;
	_ =	sdelay $0x2  }
0x500: {  	v34 =	vor.u32 v32, v42  }
0x501: {  	v62 =	vand.u32 $0x3F8, v34;
	[tilespmem:v33+s28+$0x0] =	vst.idx.msk $0xffff, v36  }
0x502: {  	v33 =	vor.u32 v62, v46;
	v63 =	vld.idx.msk [tilespmem:v37+s20+$0x0], $0xffff  }
0x503: {  	p0 =	seq.s32 s0, $0x18  }
.Ltmp28:
0x504: {  	_ = 	snop;
	(pc) =	sbr.rel @p0 .LBB2_45-.Ltmp28, $4  }
0x505: {  	_ = 	snop  }
0x506: {  	s5 =	sor.u32 $0x10000, s5  }
0x507: {  	s5 =	sadd.s32 s1, s5;
	[tilespmem:v33+s28+$0x0] =	vst.idx.msk $0xffff, v63  }
0x508: {  	[hbm4b:s5+s23] =	stream.strided.scatter [tilespmem:s28], [sflag:$0x4], $0x1000, s24, s23, $0x38;
	[tilespmem:$0x5A00] =	vst v63  }
0x509: {  	s2 =	sadd.s32 $0x3, s2  }
0x50a: {  	v33 =	vadd.s32 s2, v1;
	_ =	sdelay $0x4  }
0x50b: {  	v33 =	vld.idx.msk [tilespmem:v33+s3+$0x0], $0xffff  }
0x50c: {  	v34 =	vadd.s32 s2, v2;
	_ =	sdelay $0x3  }
0x50d: {  	[tilespmem:$0x1980] =	vst v33  }
0x50e: {  	v33 =	vld.idx.msk [tilespmem:v34+s3+$0x0], $0xffff  }
0x50f: {  	v58 =	vadd.s32 s2, v3;
	_ =	sdelay $0x3  }
0x510: {  	[tilespmem:$0x1990] =	vst v33  }
0x511: {  	v33 =	vld.idx.msk [tilespmem:v58+s3+$0x0], $0xffff  }
0x512: {  	v59 =	vadd.s32 s2, v4;
	_ =	sdelay $0x3  }
0x513: {  	[tilespmem:$0x19A0] =	vst v33  }
0x514: {  	v33 =	vld.idx.msk [tilespmem:v59+s3+$0x0], $0xffff  }
0x515: {  	v60 =	vadd.s32 s2, v5;
	_ =	sdelay $0x3  }
0x516: {  	[tilespmem:$0x19B0] =	vst v33  }
0x517: {  	v33 =	vld.idx.msk [tilespmem:v60+s3+$0x0], $0xffff  }
0x518: {  	v61 =	vadd.s32 s2, v6;
	_ =	sdelay $0x3  }
0x519: {  	[tilespmem:$0x19C0] =	vst v33  }
0x51a: {  	v33 =	vld.idx.msk [tilespmem:v61+s3+$0x0], $0xffff  }
0x51b: {  	v62 =	vadd.s32 s2, v7;
	_ =	sdelay $0x3  }
0x51c: {  	[tilespmem:$0x19D0] =	vst v33  }
0x51d: {  	v33 =	vld.idx.msk [tilespmem:v62+s3+$0x0], $0xffff  }
0x51e: {  	v63 =	vadd.s32 s2, v8;
	_ =	sdelay $0x3  }
0x51f: {  	[tilespmem:$0x19E0] =	vst v33  }
0x520: {  	v33 =	vld.idx.msk [tilespmem:v63+s3+$0x0], $0xffff;
	_ =	sdelay $0x1  }
.Ltmp29:
0x521: {  	_ = 	snop;
	(pc) =	sbr.rel .LBB2_35-.Ltmp29, $3  }
0x522: {  	_ =	sdelay $0x1  }
0x523: {  	s0 =	sadd.s32 $0x1, s0;
	[tilespmem:$0x19F0] =	vst v33  }
0x524: {  	[tilespmem:s20], [sflag:$0x2] =	stream.indirect.gather [hbm4b:s4+s16], $0x20, s19, s16, $0xb8;
	[tilespmem:$0x5A00] =	vst v63  }
.LBB2_46:
0x525: {  	_ =	sfence.sel $0x180000  }
0x526: {  	[bflag:$0x0] =	sbarrier.arrive $0xFFFF  }
0x527: {  	_ =	strace $0x90000047  }
0x528: {  	s0 =	stileid.u32;
	[bflag:$0x2] =	sbarrier.arrive $0xFFFF  }
0x529: {  	p0 =	sne.s32 s0, $0x0;
	s0 =	rddreg [dreg:$0x2]  }
0x52a: {  	s0 =	sadd.s32 @!p0 $0x100000, s0  }
0x52b: {  	[sflag:s0] =	ssyncadd.tile.s32 @!p0 $0x1;
	_ =	shalt  }
.Lfunc_end2:
_tile_overlayer_lowered:
.L_overlay_start_2:
0x52c: {  	(tag) =	ssettag $0x2  }
0x52d: {  	s0 =	rddreg [dreg:$0x0];
	s2 =	stileid.u32  }
0x52e: {  	s1 =	rddreg [dreg:$0x1];
	p0 =	sne.s32 s2, $0x0  }
0x52f: {  	s3 =	rddreg [dreg:$0x2];
	[bflag:$0x3] =	sbarrier.arrive $0xFFFF;
	s2 =	simm.s32 @!p0 $0x1C05  }
0x530: {  	[timem:s3], [sflag:s2] =	dma.local @!p0 [hbm:s0], s1  }
0x531: {  	s0 =	simm.s32 @!p0 $0x5  }
0x532: {  	_ =	swait.ge @!p0 [sflag:s0], s1  }
0x533: {  	s1 =	ssub.s32 @!p0 $0x0, s1;
	[sflag:s0] =	ssyncset.done @!p0 $0x0  }
0x534: {  	[sflag:s0] =	ssyncadd.s32 @!p0 s1  }
0x535: {  	[bflag:$0x3] =	sbarrier.arrive $0xFFFF  }
0x536: {  	_ =	shalt  }

</sc_bundles>
